<compile_context>
chip_gen: v7x
topology: tpu7x:2x2x1
jax: 0.10.2.dev20260603
libtpu: 0.0.44.dev20260713+nightly
codegen_flags: <defaults>
</compile_context>

<pallas_src>
import dataclasses
import functools

import numpy as np
import jax
import jax.numpy as jnp
from jax import lax
from jax.experimental import pallas as pl
from jax.experimental.pallas import tpu as pltpu
from jax.experimental.pallas import tpu_sc as plsc

H, W = 512, 512
OUT0, OUT1 = 512, 512
LOG_POLAR_DISTANCE = 700.0

NIMG = 96
GCOLS = 256
NC, NS = 2, 16
NW = NC * NS
WROWS = OUT0 // NW
NSAMP = WROWS * GCOLS
LANES = 16
NGRAN = H * W // LANES


def _build_tables():
    max_r = np.log(
        np.sqrt(np.float32(H) ** 2 + np.float32(W) ** 2) / 2.0
        * np.float32(LOG_POLAR_DISTANCE)
    ).astype(np.float32)
    theta, r = np.meshgrid(
        np.arange(OUT0, dtype=np.float32),
        np.arange(OUT1, dtype=np.float32),
        indexing="ij",
    )
    rad = np.exp(r * max_r / OUT1)
    X = np.float32(W / 2.0) + rad * np.cos(theta * 2.0 * np.pi / OUT0)
    Y = np.float32(H / 2.0) - rad * np.sin(theta * 2.0 * np.pi / OUT0)
    mask = (0.0 <= X) & (X < H) & (0.0 <= Y) & (Y < W)
    Yl = np.clip(Y.astype(np.int32), 0, H - 1)
    Xl = np.clip(X.astype(np.int32), 0, W - 1)
    idx = (Yl * W + Xl).astype(np.int32)[:, :GCOLS]
    m = mask[:, :GCOLS]

    glists, lflats = [], []
    gmax = 0
    for w in range(NW):
        sw = idx[w * WROWS:(w + 1) * WROWS]
        mw = m[w * WROWS:(w + 1) * WROWS]
        gran = np.unique(sw[mw] >> 4)
        gmax = max(gmax, len(gran))
        pos = np.zeros(NGRAN, np.int32)
        pos[gran] = np.arange(len(gran), dtype=np.int32)
        lflats.append((mw, pos[sw >> 4] * LANES + (sw & (LANES - 1))))
        glists.append(gran)
    glens = [-(-len(g) // 32) * 32 for g in glists]
    gmax = max(glens)
    glist = np.zeros((NW, gmax), np.int32)
    lflat = np.zeros((NW, NSAMP), np.int32)
    for w in range(NW):
        glist[w, : len(glists[w])] = glists[w]
        mw, lf = lflats[w]
        lflat[w] = np.where(mw, lf, gmax * LANES).reshape(-1)
    return glist, lflat, gmax, glens


_GLIST_NP, _LFLAT_NP, GMAX, _GLENS = _build_tables()
_CLASS_LENS = sorted(set(_GLENS))

_mesh = plsc.VectorSubcoreMesh(core_axis_name="c", subcore_axis_name="s")

_cp = pltpu.CompilerParams()
if "needs_layout_passes" in pltpu.CompilerParams.__dataclass_fields__:
    _cp = dataclasses.replace(_cp, needs_layout_passes=False)
if "use_tc_tiling_on_sc" in pltpu.CompilerParams.__dataclass_fields__:
    _cp = dataclasses.replace(_cp, use_tc_tiling_on_sc=False)


@functools.partial(
    pl.kernel,
    mesh=_mesh,
    compiler_params=_cp,
    out_type=jax.ShapeDtypeStruct((NIMG, OUT0, OUT1), jnp.float32),
    scratch_types=[
        *[pltpu.VMEM((L,), jnp.int32) for L in _CLASS_LENS],
        pltpu.VMEM((NSAMP,), jnp.int32),
        pltpu.VMEM((GMAX + 1, LANES), jnp.float32),
        pltpu.VMEM((GMAX + 1, LANES), jnp.float32),
        pltpu.VMEM((GMAX + 1, LANES), jnp.float32),
        pltpu.VMEM((GMAX + 1, LANES), jnp.float32),
        pltpu.VMEM((WROWS, OUT1), jnp.float32),
        pltpu.VMEM((WROWS, OUT1), jnp.float32),
        pltpu.VMEM((WROWS, OUT1), jnp.float32),
        pltpu.VMEM((WROWS, OUT1), jnp.float32),
        pltpu.SemaphoreType.DMA,
        pltpu.SemaphoreType.DMA,
        pltpu.SemaphoreType.DMA,
        pltpu.SemaphoreType.DMA,
        pltpu.SemaphoreType.DMA,
        pltpu.SemaphoreType.DMA,
        pltpu.SemaphoreType.DMA,
        pltpu.SemaphoreType.DMA,
    ],
)
def _lp_kernel(data_hbm, glist_hbm, lflat_hbm, out_hbm,
               *refs):
    ncls = len(_CLASS_LENS)
    glist_cls = refs[:ncls]
    (lflat_v, gran0_v, gran1_v, gran2_v, gran3_v,
     rows0_v, rows1_v, rows2_v, rows3_v,
     gsem0, gsem1, gsem2, gsem3, osem0, osem1, osem2, osem3) = refs[ncls:]
    wid = lax.axis_index("s") * NC + lax.axis_index("c")
    row0 = wid * WROWS

    class_preds = []
    for ci, length in enumerate(_CLASS_LENS):
        members = [w for w in range(NW) if _GLENS[w] == length]
        pred = functools.reduce(jnp.logical_or, [wid == w for w in members])
        class_preds.append((length, pred, glist_cls[ci]))

    for length, pred, gl_v in class_preds:
        @pl.when(pred)
        def _(length=length, gl_v=gl_v):
            pltpu.sync_copy(glist_hbm.at[wid, pl.ds(0, length)], gl_v)
    pltpu.sync_copy(lflat_hbm.at[wid], lflat_v)

    zeros = jnp.zeros((LANES,), jnp.float32)
    for gran_v in (gran0_v, gran1_v, gran2_v, gran3_v):
        gran_v[GMAX, pl.ds(0, LANES)] = zeros
    for rows_v in (rows0_v, rows1_v, rows2_v, rows3_v):
        @pl.loop(0, WROWS)
        def _zero_rows(rr, rows_v=rows_v):
            @pl.loop(0, OUT1, step=LANES)
            def _zero_cols(cc):
                rows_v[rr, pl.ds(cc, LANES)] = zeros

    def expand(gran_v, rows_v):
        @plsc.parallel_loop(0, NSAMP, step=LANES, unroll=8)
        def _smp(s0):
            lf = lflat_v[pl.ds(s0, LANES)]
            val = plsc.load_gather(
                gran_v,
                [lax.shift_right_logical(lf, 4),
                 lax.bitwise_and(lf, LANES - 1)],
            )
            rows_v[lax.shift_right_logical(s0, 8),
                   pl.ds(lax.rem(s0, GCOLS), LANES)] = val

    def gather(img, gran_v, gsem):
        for length, pred, gl_v in class_preds:
            @pl.when(pred)
            def _(length=length, gl_v=gl_v):
                pltpu.async_copy(
                    data_hbm.at[img].at[gl_v],
                    gran_v.at[pl.ds(0, length)], gsem)

    def wgather(img, gran_v, gsem):
        for length, pred, gl_v in class_preds:
            @pl.when(pred)
            def _(length=length, gl_v=gl_v):
                pltpu.make_async_copy(
                    data_hbm.at[img].at[gl_v],
                    gran_v.at[pl.ds(0, length)], gsem).wait()

    def put(img, rows_v, osem):
        pltpu.async_copy(rows_v, out_hbm.at[img, pl.ds(row0, WROWS), :], osem)

    def wput(img, rows_v, osem):
        pltpu.make_async_copy(
            rows_v, out_hbm.at[img, pl.ds(row0, WROWS), :], osem).wait()

    grans = (gran0_v, gran1_v, gran2_v, gran3_v)
    rows = (rows0_v, rows1_v, rows2_v, rows3_v)
    gsems = (gsem0, gsem1, gsem2, gsem3)
    osems = (osem0, osem1, osem2, osem3)
    NB = 4

    for k in range(NB):
        gather(k, grans[k], gsems[k])

    @pl.loop(0, NIMG, step=NB)
    def _image(img):
        for k in range(NB):
            i = img + k
            wgather(i, grans[k], gsems[k])

            @pl.when(img > 0)
            def _(i=i, k=k): wput(i - NB, rows[k], osems[k])
            expand(grans[k], rows[k])

            @pl.when(i + NB < NIMG)
            def _(i=i, k=k): gather(i + NB, grans[k], gsems[k])
            put(i, rows[k], osems[k])

    for k in range(NB):
        wput(NIMG - NB + k, rows[k], osems[k])


def kernel(data):
    data3d = data.reshape(NIMG, NGRAN, LANES)
    out = _lp_kernel(data3d, jnp.asarray(_GLIST_NP), jnp.asarray(_LFLAT_NP))
    return out.reshape(data.shape[0], data.shape[1], OUT0, OUT1)

# --- scband reference (transcript-rebuilt; emitter-appended) ---
"""Pipeline reference for scband-log-polar-47038481826470 (READ-ONLY COPY).

The authoritative reference and input builder live on the scoring server;
editing this copy changes nothing except your own understanding.
"""

import jax, jax.numpy as jnp
import numpy as np

H, W = 512, 512
OUT0, OUT1 = 512, 512
LOG_POLAR_DISTANCE = 700.0


def setup_inputs(seed: int = 0) -> dict:
    key = jax.random.key(seed)
    data = jax.random.normal(key, (32, 3, H, W), dtype=jnp.float32)
    return {"data": data}


def reference(data):
    # compute_map with (H, W) of the incoming data, position='circumscribed'
    max_r = jnp.log(jnp.sqrt(jnp.asarray(float(H)) ** 2 + jnp.asarray(float(W)) ** 2) / 2.0 * LOG_POLAR_DISTANCE)
    theta, r = jnp.meshgrid(
        jnp.arange(OUT0, dtype=jnp.float32),
        jnp.arange(OUT1, dtype=jnp.float32),
        indexing="ij",
    )
    Xm = jnp.exp(r * max_r / OUT1) * jnp.cos(theta * 2.0 * jnp.pi / OUT0)
    Ym = jnp.exp(r * max_r / OUT1) * jnp.sin(theta * 2.0 * jnp.pi / OUT0)
    # default center (no saliency, random_center=False)
    center_y, center_x = H / 2.0, W / 2.0
    X = center_x + Xm
    Y = center_y - Ym
    # compute_mask(X, Y, (H, W)): X compared against H, Y against W (faithful to source)
    mask = ((0.0 <= X) & (X < H) & (0.0 <= Y) & (Y < W)).astype(data.dtype)
    # smoothing is None branch: nearest-neighbor gather with clamp
    Yl = jnp.clip(Y.astype(jnp.int32), 0, H - 1)
    Xl = jnp.clip(X.astype(jnp.int32), 0, W - 1)
    gathered = data[..., Yl, Xl]
    return mask * gathered

if __name__ == "__main__":
    import jax
    _d = setup_inputs()
    print(jax.jit(kernel)(*tuple(_d.values())))

</pallas_src>

<mosaic_0001>
#map = affine_map<(d0, d1) -> (0, 0, 0)>
#map1 = affine_map<(d0, d1) -> (0, 0)>
module attributes {stable_mosaic.version = 14 : i64} {
  func.func @_lp_kernel(%arg0: i32, %arg1: i32, %arg2: memref<96x16384x16xf32, #tpu.memory_space<hbm>>, %arg3: memref<32x640xi32, #tpu.memory_space<hbm>>, %arg4: memref<32x4096xi32, #tpu.memory_space<hbm>>, %arg5: memref<96x512x512xf32, #tpu.memory_space<hbm>>, %arg6: memref<320xi32, #tpu.memory_space<vmem>>, %arg7: memref<384xi32, #tpu.memory_space<vmem>>, %arg8: memref<416xi32, #tpu.memory_space<vmem>>, %arg9: memref<448xi32, #tpu.memory_space<vmem>>, %arg10: memref<544xi32, #tpu.memory_space<vmem>>, %arg11: memref<608xi32, #tpu.memory_space<vmem>>, %arg12: memref<640xi32, #tpu.memory_space<vmem>>, %arg13: memref<4096xi32, #tpu.memory_space<vmem>>, %arg14: memref<641x16xf32, #tpu.memory_space<vmem>>, %arg15: memref<641x16xf32, #tpu.memory_space<vmem>>, %arg16: memref<641x16xf32, #tpu.memory_space<vmem>>, %arg17: memref<641x16xf32, #tpu.memory_space<vmem>>, %arg18: memref<16x512xf32, #tpu.memory_space<vmem>>, %arg19: memref<16x512xf32, #tpu.memory_space<vmem>>, %arg20: memref<16x512xf32, #tpu.memory_space<vmem>>, %arg21: memref<16x512xf32, #tpu.memory_space<vmem>>, %arg22: memref<!tpu.dma_semaphore, #tpu.memory_space<semaphore_mem>>, %arg23: memref<!tpu.dma_semaphore, #tpu.memory_space<semaphore_mem>>, %arg24: memref<!tpu.dma_semaphore, #tpu.memory_space<semaphore_mem>>, %arg25: memref<!tpu.dma_semaphore, #tpu.memory_space<semaphore_mem>>, %arg26: memref<!tpu.dma_semaphore, #tpu.memory_space<semaphore_mem>>, %arg27: memref<!tpu.dma_semaphore, #tpu.memory_space<semaphore_mem>>, %arg28: memref<!tpu.dma_semaphore, #tpu.memory_space<semaphore_mem>>, %arg29: memref<!tpu.dma_semaphore, #tpu.memory_space<semaphore_mem>>) attributes {dimension_semantics = [#tpu.dimension_semantics<core_parallel>, #tpu.dimension_semantics<subcore_parallel>], iteration_bounds = array<i64: 2, 16>, scalar_prefetch = 0 : i64, scratch_operands = 24 : i64, tpu.core_type = #tpu.core_type<sc_vector_subcore>, window_params = [{transform_indices = #map}, {transform_indices = #map1}, {transform_indices = #map1}, {transform_indices = #map}]} {
    %mul3A = arith.constant 2 : i32
    %mul3A_0 = arith.muli %arg1, %mul3A : i32
    %add3A = arith.addi %mul3A_0, %arg0 : i32
    %mul3A_1 = arith.constant 16 : i32
    %mul3A_2 = arith.muli %add3A, %mul3A_1 : i32
    %eq3A = arith.constant 7 : i32
    %eq3A_3 = arith.cmpi eq, %add3A, %eq3A : i32
    %eq3A_4 = arith.constant 23 : i32
    %eq3A_5 = arith.cmpi eq, %add3A, %eq3A_4 : i32
    %eq3A_6 = arith.constant 24 : i32
    %eq3A_7 = arith.cmpi eq, %add3A, %eq3A_6 : i32
    %or3A = arith.ori %eq3A_3, %eq3A_5 : i1
    %or3A_8 = arith.ori %or3A, %eq3A_7 : i1
    %eq3A_9 = arith.constant 0 : i32
    %eq3A_10 = arith.cmpi eq, %add3A, %eq3A_9 : i32
    %eq3A_11 = arith.constant 15 : i32
    %eq3A_12 = arith.cmpi eq, %add3A, %eq3A_11 : i32
    %eq3A_13 = arith.constant 16 : i32
    %eq3A_14 = arith.cmpi eq, %add3A, %eq3A_13 : i32
    %eq3A_15 = arith.constant 31 : i32
    %eq3A_16 = arith.cmpi eq, %add3A, %eq3A_15 : i32
    %or3A_17 = arith.ori %eq3A_10, %eq3A_12 : i1
    %or3A_18 = arith.ori %or3A_17, %eq3A_14 : i1
    %or3A_19 = arith.ori %or3A_18, %eq3A_16 : i1
    %eq3A_20 = arith.constant 8 : i32
    %eq3A_21 = arith.cmpi eq, %add3A, %eq3A_20 : i32
    %eq3A_22 = arith.constant 1 : i32
    %eq3A_23 = arith.cmpi eq, %add3A, %eq3A_22 : i32
    %eq3A_24 = arith.constant 2 : i32
    %eq3A_25 = arith.cmpi eq, %add3A, %eq3A_24 : i32
    %eq3A_26 = arith.constant 13 : i32
    %eq3A_27 = arith.cmpi eq, %add3A, %eq3A_26 : i32
    %eq3A_28 = arith.constant 14 : i32
    %eq3A_29 = arith.cmpi eq, %add3A, %eq3A_28 : i32
    %eq3A_30 = arith.constant 17 : i32
    %eq3A_31 = arith.cmpi eq, %add3A, %eq3A_30 : i32
    %eq3A_32 = arith.constant 18 : i32
    %eq3A_33 = arith.cmpi eq, %add3A, %eq3A_32 : i32
    %eq3A_34 = arith.constant 29 : i32
    %eq3A_35 = arith.cmpi eq, %add3A, %eq3A_34 : i32
    %eq3A_36 = arith.constant 30 : i32
    %eq3A_37 = arith.cmpi eq, %add3A, %eq3A_36 : i32
    %or3A_38 = arith.ori %eq3A_23, %eq3A_25 : i1
    %or3A_39 = arith.ori %or3A_38, %eq3A_27 : i1
    %or3A_40 = arith.ori %or3A_39, %eq3A_29 : i1
    %or3A_41 = arith.ori %or3A_40, %eq3A_31 : i1
    %or3A_42 = arith.ori %or3A_41, %eq3A_33 : i1
    %or3A_43 = arith.ori %or3A_42, %eq3A_35 : i1
    %or3A_44 = arith.ori %or3A_43, %eq3A_37 : i1
    %eq3A_45 = arith.constant 6 : i32
    %eq3A_46 = arith.cmpi eq, %add3A, %eq3A_45 : i32
    %eq3A_47 = arith.constant 9 : i32
    %eq3A_48 = arith.cmpi eq, %add3A, %eq3A_47 : i32
    %eq3A_49 = arith.constant 22 : i32
    %eq3A_50 = arith.cmpi eq, %add3A, %eq3A_49 : i32
    %eq3A_51 = arith.constant 25 : i32
    %eq3A_52 = arith.cmpi eq, %add3A, %eq3A_51 : i32
    %or3A_53 = arith.ori %eq3A_46, %eq3A_48 : i1
    %or3A_54 = arith.ori %or3A_53, %eq3A_50 : i1
    %or3A_55 = arith.ori %or3A_54, %eq3A_52 : i1
    %eq3A_56 = arith.constant 5 : i32
    %eq3A_57 = arith.cmpi eq, %add3A, %eq3A_56 : i32
    %eq3A_58 = arith.constant 10 : i32
    %eq3A_59 = arith.cmpi eq, %add3A, %eq3A_58 : i32
    %eq3A_60 = arith.constant 21 : i32
    %eq3A_61 = arith.cmpi eq, %add3A, %eq3A_60 : i32
    %eq3A_62 = arith.constant 26 : i32
    %eq3A_63 = arith.cmpi eq, %add3A, %eq3A_62 : i32
    %or3A_64 = arith.ori %eq3A_57, %eq3A_59 : i1
    %or3A_65 = arith.ori %or3A_64, %eq3A_61 : i1
    %or3A_66 = arith.ori %or3A_65, %eq3A_63 : i1
    %eq3A_67 = arith.constant 3 : i32
    %eq3A_68 = arith.cmpi eq, %add3A, %eq3A_67 : i32
    %eq3A_69 = arith.constant 4 : i32
    %eq3A_70 = arith.cmpi eq, %add3A, %eq3A_69 : i32
    %eq3A_71 = arith.constant 11 : i32
    %eq3A_72 = arith.cmpi eq, %add3A, %eq3A_71 : i32
    %eq3A_73 = arith.constant 12 : i32
    %eq3A_74 = arith.cmpi eq, %add3A, %eq3A_73 : i32
    %eq3A_75 = arith.constant 19 : i32
    %eq3A_76 = arith.cmpi eq, %add3A, %eq3A_75 : i32
    %eq3A_77 = arith.constant 20 : i32
    %eq3A_78 = arith.cmpi eq, %add3A, %eq3A_77 : i32
    %eq3A_79 = arith.constant 27 : i32
    %eq3A_80 = arith.cmpi eq, %add3A, %eq3A_79 : i32
    %eq3A_81 = arith.constant 28 : i32
    %eq3A_82 = arith.cmpi eq, %add3A, %eq3A_81 : i32
    %or3A_83 = arith.ori %eq3A_68, %eq3A_70 : i1
    %or3A_84 = arith.ori %or3A_83, %eq3A_72 : i1
    %or3A_85 = arith.ori %or3A_84, %eq3A_74 : i1
    %or3A_86 = arith.ori %or3A_85, %eq3A_76 : i1
    %or3A_87 = arith.ori %or3A_86, %eq3A_78 : i1
    %or3A_88 = arith.ori %or3A_87, %eq3A_80 : i1
    %or3A_89 = arith.ori %or3A_88, %eq3A_82 : i1
    %convert_element_type3A = arith.extui %or3A_8 : i1 to i32
    %cond3A = arith.constant 0 : i32
    %cond3A_90 = arith.cmpi ne, %convert_element_type3A, %cond3A : i32
    scf.if %cond3A_90 {
      "tpu.region"() ({
        %run_scoped3A = tpu.sem_alloc : memref<!tpu.dma_semaphore, #tpu.memory_space<semaphore_mem>>
        %dma_start3A = arith.constant 0 : i32
        %dma_start3A_260 = tpu.memref_slice %arg3[%add3A, %dma_start3A] : memref<32x640xi32, #tpu.memory_space<hbm>> -> memref<1x320xi32, #tpu.memory_space<hbm>>
        %dma_start3A_261 = tpu.memref_squeeze %dma_start3A_260 : memref<1x320xi32, #tpu.memory_space<hbm>> -> memref<320xi32, #tpu.memory_space<hbm>>
        %dma_start3A_262 = arith.constant 0 : i32
        %dma_start3A_263 = tpu.memref_slice %arg3[%add3A, %dma_start3A_262] : memref<32x640xi32, #tpu.memory_space<hbm>> -> memref<1x320xi32, #tpu.memory_space<hbm>>
        %dma_start3A_264 = tpu.memref_squeeze %dma_start3A_263 : memref<1x320xi32, #tpu.memory_space<hbm>> -> memref<320xi32, #tpu.memory_space<hbm>>
        tpu.enqueue_dma source(%dma_start3A_264 : memref<320xi32, #tpu.memory_space<hbm>>) target(%arg6 : memref<320xi32, #tpu.memory_space<vmem>>) target_semaphore(%run_scoped3A : memref<!tpu.dma_semaphore, #tpu.memory_space<semaphore_mem>>)
        %dma_wait3A_265 = arith.constant 0 : i32
        %dma_wait3A_266 = tpu.memref_slice %arg3[%add3A, %dma_wait3A_265] : memref<32x640xi32, #tpu.memory_space<hbm>> -> memref<1x320xi32, #tpu.memory_space<hbm>>
        %dma_wait3A_267 = tpu.memref_squeeze %dma_wait3A_266 : memref<1x320xi32, #tpu.memory_space<hbm>> -> memref<320xi32, #tpu.memory_space<hbm>>
        %dma_wait3A_268 = arith.constant 0 : i32
        %dma_wait3A_269 = tpu.memref_slice %arg3[%add3A, %dma_wait3A_268] : memref<32x640xi32, #tpu.memory_space<hbm>> -> memref<1x320xi32, #tpu.memory_space<hbm>>
        %dma_wait3A_270 = tpu.memref_squeeze %dma_wait3A_269 : memref<1x320xi32, #tpu.memory_space<hbm>> -> memref<320xi32, #tpu.memory_space<hbm>>
        tpu.wait_dma2 semaphore(%run_scoped3A : memref<!tpu.dma_semaphore, #tpu.memory_space<semaphore_mem>>) src(%dma_wait3A_270 : memref<320xi32, #tpu.memory_space<hbm>>) dst(%arg6 : memref<320xi32, #tpu.memory_space<vmem>>)
        tpu.yield
      }) : () -> ()
    } else {
    }
    %convert_element_type3A_91 = arith.extui %or3A_19 : i1 to i32
    %cond3A_92 = arith.constant 0 : i32
    %cond3A_93 = arith.cmpi ne, %convert_element_type3A_91, %cond3A_92 : i32
    scf.if %cond3A_93 {
      "tpu.region"() ({
        %run_scoped3A = tpu.sem_alloc : memref<!tpu.dma_semaphore, #tpu.memory_space<semaphore_mem>>
        %dma_start3A = arith.constant 0 : i32
        %dma_start3A_260 = tpu.memref_slice %arg3[%add3A, %dma_start3A] : memref<32x640xi32, #tpu.memory_space<hbm>> -> memref<1x384xi32, #tpu.memory_space<hbm>>
        %dma_start3A_261 = tpu.memref_squeeze %dma_start3A_260 : memref<1x384xi32, #tpu.memory_space<hbm>> -> memref<384xi32, #tpu.memory_space<hbm>>
        %dma_start3A_262 = arith.constant 0 : i32
        %dma_start3A_263 = tpu.memref_slice %arg3[%add3A, %dma_start3A_262] : memref<32x640xi32, #tpu.memory_space<hbm>> -> memref<1x384xi32, #tpu.memory_space<hbm>>
        %dma_start3A_264 = tpu.memref_squeeze %dma_start3A_263 : memref<1x384xi32, #tpu.memory_space<hbm>> -> memref<384xi32, #tpu.memory_space<hbm>>
        tpu.enqueue_dma source(%dma_start3A_264 : memref<384xi32, #tpu.memory_space<hbm>>) target(%arg7 : memref<384xi32, #tpu.memory_space<vmem>>) target_semaphore(%run_scoped3A : memref<!tpu.dma_semaphore, #tpu.memory_space<semaphore_mem>>)
        %dma_wait3A_265 = arith.constant 0 : i32
        %dma_wait3A_266 = tpu.memref_slice %arg3[%add3A, %dma_wait3A_265] : memref<32x640xi32, #tpu.memory_space<hbm>> -> memref<1x384xi32, #tpu.memory_space<hbm>>
        %dma_wait3A_267 = tpu.memref_squeeze %dma_wait3A_266 : memref<1x384xi32, #tpu.memory_space<hbm>> -> memref<384xi32, #tpu.memory_space<hbm>>
        %dma_wait3A_268 = arith.constant 0 : i32
        %dma_wait3A_269 = tpu.memref_slice %arg3[%add3A, %dma_wait3A_268] : memref<32x640xi32, #tpu.memory_space<hbm>> -> memref<1x384xi32, #tpu.memory_space<hbm>>
        %dma_wait3A_270 = tpu.memref_squeeze %dma_wait3A_269 : memref<1x384xi32, #tpu.memory_space<hbm>> -> memref<384xi32, #tpu.memory_space<hbm>>
        tpu.wait_dma2 semaphore(%run_scoped3A : memref<!tpu.dma_semaphore, #tpu.memory_space<semaphore_mem>>) src(%dma_wait3A_270 : memref<384xi32, #tpu.memory_space<hbm>>) dst(%arg7 : memref<384xi32, #tpu.memory_space<vmem>>)
        tpu.yield
      }) : () -> ()
    } else {
    }
    %convert_element_type3A_94 = arith.extui %eq3A_21 : i1 to i32
    %cond3A_95 = arith.constant 0 : i32
    %cond3A_96 = arith.cmpi ne, %convert_element_type3A_94, %cond3A_95 : i32
    scf.if %cond3A_96 {
      "tpu.region"() ({
        %run_scoped3A = tpu.sem_alloc : memref<!tpu.dma_semaphore, #tpu.memory_space<semaphore_mem>>
        %dma_start3A = arith.constant 0 : i32
        %dma_start3A_260 = tpu.memref_slice %arg3[%add3A, %dma_start3A] : memref<32x640xi32, #tpu.memory_space<hbm>> -> memref<1x416xi32, #tpu.memory_space<hbm>>
        %dma_start3A_261 = tpu.memref_squeeze %dma_start3A_260 : memref<1x416xi32, #tpu.memory_space<hbm>> -> memref<416xi32, #tpu.memory_space<hbm>>
        %dma_start3A_262 = arith.constant 0 : i32
        %dma_start3A_263 = tpu.memref_slice %arg3[%add3A, %dma_start3A_262] : memref<32x640xi32, #tpu.memory_space<hbm>> -> memref<1x416xi32, #tpu.memory_space<hbm>>
        %dma_start3A_264 = tpu.memref_squeeze %dma_start3A_263 : memref<1x416xi32, #tpu.memory_space<hbm>> -> memref<416xi32, #tpu.memory_space<hbm>>
        tpu.enqueue_dma source(%dma_start3A_264 : memref<416xi32, #tpu.memory_space<hbm>>) target(%arg8 : memref<416xi32, #tpu.memory_space<vmem>>) target_semaphore(%run_scoped3A : memref<!tpu.dma_semaphore, #tpu.memory_space<semaphore_mem>>)
        %dma_wait3A_265 = arith.constant 0 : i32
        %dma_wait3A_266 = tpu.memref_slice %arg3[%add3A, %dma_wait3A_265] : memref<32x640xi32, #tpu.memory_space<hbm>> -> memref<1x416xi32, #tpu.memory_space<hbm>>
        %dma_wait3A_267 = tpu.memref_squeeze %dma_wait3A_266 : memref<1x416xi32, #tpu.memory_space<hbm>> -> memref<416xi32, #tpu.memory_space<hbm>>
        %dma_wait3A_268 = arith.constant 0 : i32
        %dma_wait3A_269 = tpu.memref_slice %arg3[%add3A, %dma_wait3A_268] : memref<32x640xi32, #tpu.memory_space<hbm>> -> memref<1x416xi32, #tpu.memory_space<hbm>>
        %dma_wait3A_270 = tpu.memref_squeeze %dma_wait3A_269 : memref<1x416xi32, #tpu.memory_space<hbm>> -> memref<416xi32, #tpu.memory_space<hbm>>
        tpu.wait_dma2 semaphore(%run_scoped3A : memref<!tpu.dma_semaphore, #tpu.memory_space<semaphore_mem>>) src(%dma_wait3A_270 : memref<416xi32, #tpu.memory_space<hbm>>) dst(%arg8 : memref<416xi32, #tpu.memory_space<vmem>>)
        tpu.yield
      }) : () -> ()
    } else {
    }
    %convert_element_type3A_97 = arith.extui %or3A_44 : i1 to i32
    %cond3A_98 = arith.constant 0 : i32
    %cond3A_99 = arith.cmpi ne, %convert_element_type3A_97, %cond3A_98 : i32
    scf.if %cond3A_99 {
      "tpu.region"() ({
        %run_scoped3A = tpu.sem_alloc : memref<!tpu.dma_semaphore, #tpu.memory_space<semaphore_mem>>
        %dma_start3A = arith.constant 0 : i32
        %dma_start3A_260 = tpu.memref_slice %arg3[%add3A, %dma_start3A] : memref<32x640xi32, #tpu.memory_space<hbm>> -> memref<1x448xi32, #tpu.memory_space<hbm>>
        %dma_start3A_261 = tpu.memref_squeeze %dma_start3A_260 : memref<1x448xi32, #tpu.memory_space<hbm>> -> memref<448xi32, #tpu.memory_space<hbm>>
        %dma_start3A_262 = arith.constant 0 : i32
        %dma_start3A_263 = tpu.memref_slice %arg3[%add3A, %dma_start3A_262] : memref<32x640xi32, #tpu.memory_space<hbm>> -> memref<1x448xi32, #tpu.memory_space<hbm>>
        %dma_start3A_264 = tpu.memref_squeeze %dma_start3A_263 : memref<1x448xi32, #tpu.memory_space<hbm>> -> memref<448xi32, #tpu.memory_space<hbm>>
        tpu.enqueue_dma source(%dma_start3A_264 : memref<448xi32, #tpu.memory_space<hbm>>) target(%arg9 : memref<448xi32, #tpu.memory_space<vmem>>) target_semaphore(%run_scoped3A : memref<!tpu.dma_semaphore, #tpu.memory_space<semaphore_mem>>)
        %dma_wait3A_265 = arith.constant 0 : i32
        %dma_wait3A_266 = tpu.memref_slice %arg3[%add3A, %dma_wait3A_265] : memref<32x640xi32, #tpu.memory_space<hbm>> -> memref<1x448xi32, #tpu.memory_space<hbm>>
        %dma_wait3A_267 = tpu.memref_squeeze %dma_wait3A_266 : memref<1x448xi32, #tpu.memory_space<hbm>> -> memref<448xi32, #tpu.memory_space<hbm>>
        %dma_wait3A_268 = arith.constant 0 : i32
        %dma_wait3A_269 = tpu.memref_slice %arg3[%add3A, %dma_wait3A_268] : memref<32x640xi32, #tpu.memory_space<hbm>> -> memref<1x448xi32, #tpu.memory_space<hbm>>
        %dma_wait3A_270 = tpu.memref_squeeze %dma_wait3A_269 : memref<1x448xi32, #tpu.memory_space<hbm>> -> memref<448xi32, #tpu.memory_space<hbm>>
        tpu.wait_dma2 semaphore(%run_scoped3A : memref<!tpu.dma_semaphore, #tpu.memory_space<semaphore_mem>>) src(%dma_wait3A_270 : memref<448xi32, #tpu.memory_space<hbm>>) dst(%arg9 : memref<448xi32, #tpu.memory_space<vmem>>)
        tpu.yield
      }) : () -> ()
    } else {
    }
    %convert_element_type3A_100 = arith.extui %or3A_55 : i1 to i32
    %cond3A_101 = arith.constant 0 : i32
    %cond3A_102 = arith.cmpi ne, %convert_element_type3A_100, %cond3A_101 : i32
    scf.if %cond3A_102 {
      "tpu.region"() ({
        %run_scoped3A = tpu.sem_alloc : memref<!tpu.dma_semaphore, #tpu.memory_space<semaphore_mem>>
        %dma_start3A = arith.constant 0 : i32
        %dma_start3A_260 = tpu.memref_slice %arg3[%add3A, %dma_start3A] : memref<32x640xi32, #tpu.memory_space<hbm>> -> memref<1x544xi32, #tpu.memory_space<hbm>>
        %dma_start3A_261 = tpu.memref_squeeze %dma_start3A_260 : memref<1x544xi32, #tpu.memory_space<hbm>> -> memref<544xi32, #tpu.memory_space<hbm>>
        %dma_start3A_262 = arith.constant 0 : i32
        %dma_start3A_263 = tpu.memref_slice %arg3[%add3A, %dma_start3A_262] : memref<32x640xi32, #tpu.memory_space<hbm>> -> memref<1x544xi32, #tpu.memory_space<hbm>>
        %dma_start3A_264 = tpu.memref_squeeze %dma_start3A_263 : memref<1x544xi32, #tpu.memory_space<hbm>> -> memref<544xi32, #tpu.memory_space<hbm>>
        tpu.enqueue_dma source(%dma_start3A_264 : memref<544xi32, #tpu.memory_space<hbm>>) target(%arg10 : memref<544xi32, #tpu.memory_space<vmem>>) target_semaphore(%run_scoped3A : memref<!tpu.dma_semaphore, #tpu.memory_space<semaphore_mem>>)
        %dma_wait3A_265 = arith.constant 0 : i32
        %dma_wait3A_266 = tpu.memref_slice %arg3[%add3A, %dma_wait3A_265] : memref<32x640xi32, #tpu.memory_space<hbm>> -> memref<1x544xi32, #tpu.memory_space<hbm>>
        %dma_wait3A_267 = tpu.memref_squeeze %dma_wait3A_266 : memref<1x544xi32, #tpu.memory_space<hbm>> -> memref<544xi32, #tpu.memory_space<hbm>>
        %dma_wait3A_268 = arith.constant 0 : i32
        %dma_wait3A_269 = tpu.memref_slice %arg3[%add3A, %dma_wait3A_268] : memref<32x640xi32, #tpu.memory_space<hbm>> -> memref<1x544xi32, #tpu.memory_space<hbm>>
        %dma_wait3A_270 = tpu.memref_squeeze %dma_wait3A_269 : memref<1x544xi32, #tpu.memory_space<hbm>> -> memref<544xi32, #tpu.memory_space<hbm>>
        tpu.wait_dma2 semaphore(%run_scoped3A : memref<!tpu.dma_semaphore, #tpu.memory_space<semaphore_mem>>) src(%dma_wait3A_270 : memref<544xi32, #tpu.memory_space<hbm>>) dst(%arg10 : memref<544xi32, #tpu.memory_space<vmem>>)
        tpu.yield
      }) : () -> ()
    } else {
    }
    %convert_element_type3A_103 = arith.extui %or3A_66 : i1 to i32
    %cond3A_104 = arith.constant 0 : i32
    %cond3A_105 = arith.cmpi ne, %convert_element_type3A_103, %cond3A_104 : i32
    scf.if %cond3A_105 {
      "tpu.region"() ({
        %run_scoped3A = tpu.sem_alloc : memref<!tpu.dma_semaphore, #tpu.memory_space<semaphore_mem>>
        %dma_start3A = arith.constant 0 : i32
        %dma_start3A_260 = tpu.memref_slice %arg3[%add3A, %dma_start3A] : memref<32x640xi32, #tpu.memory_space<hbm>> -> memref<1x608xi32, #tpu.memory_space<hbm>>
        %dma_start3A_261 = tpu.memref_squeeze %dma_start3A_260 : memref<1x608xi32, #tpu.memory_space<hbm>> -> memref<608xi32, #tpu.memory_space<hbm>>
        %dma_start3A_262 = arith.constant 0 : i32
        %dma_start3A_263 = tpu.memref_slice %arg3[%add3A, %dma_start3A_262] : memref<32x640xi32, #tpu.memory_space<hbm>> -> memref<1x608xi32, #tpu.memory_space<hbm>>
        %dma_start3A_264 = tpu.memref_squeeze %dma_start3A_263 : memref<1x608xi32, #tpu.memory_space<hbm>> -> memref<608xi32, #tpu.memory_space<hbm>>
        tpu.enqueue_dma source(%dma_start3A_264 : memref<608xi32, #tpu.memory_space<hbm>>) target(%arg11 : memref<608xi32, #tpu.memory_space<vmem>>) target_semaphore(%run_scoped3A : memref<!tpu.dma_semaphore, #tpu.memory_space<semaphore_mem>>)
        %dma_wait3A_265 = arith.constant 0 : i32
        %dma_wait3A_266 = tpu.memref_slice %arg3[%add3A, %dma_wait3A_265] : memref<32x640xi32, #tpu.memory_space<hbm>> -> memref<1x608xi32, #tpu.memory_space<hbm>>
        %dma_wait3A_267 = tpu.memref_squeeze %dma_wait3A_266 : memref<1x608xi32, #tpu.memory_space<hbm>> -> memref<608xi32, #tpu.memory_space<hbm>>
        %dma_wait3A_268 = arith.constant 0 : i32
        %dma_wait3A_269 = tpu.memref_slice %arg3[%add3A, %dma_wait3A_268] : memref<32x640xi32, #tpu.memory_space<hbm>> -> memref<1x608xi32, #tpu.memory_space<hbm>>
        %dma_wait3A_270 = tpu.memref_squeeze %dma_wait3A_269 : memref<1x608xi32, #tpu.memory_space<hbm>> -> memref<608xi32, #tpu.memory_space<hbm>>
        tpu.wait_dma2 semaphore(%run_scoped3A : memref<!tpu.dma_semaphore, #tpu.memory_space<semaphore_mem>>) src(%dma_wait3A_270 : memref<608xi32, #tpu.memory_space<hbm>>) dst(%arg11 : memref<608xi32, #tpu.memory_space<vmem>>)
        tpu.yield
      }) : () -> ()
    } else {
    }
    %convert_element_type3A_106 = arith.extui %or3A_89 : i1 to i32
    %cond3A_107 = arith.constant 0 : i32
    %cond3A_108 = arith.cmpi ne, %convert_element_type3A_106, %cond3A_107 : i32
    scf.if %cond3A_108 {
      "tpu.region"() ({
        %run_scoped3A = tpu.sem_alloc : memref<!tpu.dma_semaphore, #tpu.memory_space<semaphore_mem>>
        %dma_start3A = arith.constant 0 : i32
        %dma_start3A_260 = tpu.memref_slice %arg3[%add3A, %dma_start3A] : memref<32x640xi32, #tpu.memory_space<hbm>> -> memref<1x640xi32, #tpu.memory_space<hbm>>
        %dma_start3A_261 = tpu.memref_squeeze %dma_start3A_260 : memref<1x640xi32, #tpu.memory_space<hbm>> -> memref<640xi32, #tpu.memory_space<hbm>>
        %dma_start3A_262 = arith.constant 0 : i32
        %dma_start3A_263 = tpu.memref_slice %arg3[%add3A, %dma_start3A_262] : memref<32x640xi32, #tpu.memory_space<hbm>> -> memref<1x640xi32, #tpu.memory_space<hbm>>
        %dma_start3A_264 = tpu.memref_squeeze %dma_start3A_263 : memref<1x640xi32, #tpu.memory_space<hbm>> -> memref<640xi32, #tpu.memory_space<hbm>>
        tpu.enqueue_dma source(%dma_start3A_264 : memref<640xi32, #tpu.memory_space<hbm>>) target(%arg12 : memref<640xi32, #tpu.memory_space<vmem>>) target_semaphore(%run_scoped3A : memref<!tpu.dma_semaphore, #tpu.memory_space<semaphore_mem>>)
        %dma_wait3A_265 = arith.constant 0 : i32
        %dma_wait3A_266 = tpu.memref_slice %arg3[%add3A, %dma_wait3A_265] : memref<32x640xi32, #tpu.memory_space<hbm>> -> memref<1x640xi32, #tpu.memory_space<hbm>>
        %dma_wait3A_267 = tpu.memref_squeeze %dma_wait3A_266 : memref<1x640xi32, #tpu.memory_space<hbm>> -> memref<640xi32, #tpu.memory_space<hbm>>
        %dma_wait3A_268 = arith.constant 0 : i32
        %dma_wait3A_269 = tpu.memref_slice %arg3[%add3A, %dma_wait3A_268] : memref<32x640xi32, #tpu.memory_space<hbm>> -> memref<1x640xi32, #tpu.memory_space<hbm>>
        %dma_wait3A_270 = tpu.memref_squeeze %dma_wait3A_269 : memref<1x640xi32, #tpu.memory_space<hbm>> -> memref<640xi32, #tpu.memory_space<hbm>>
        tpu.wait_dma2 semaphore(%run_scoped3A : memref<!tpu.dma_semaphore, #tpu.memory_space<semaphore_mem>>) src(%dma_wait3A_270 : memref<640xi32, #tpu.memory_space<hbm>>) dst(%arg12 : memref<640xi32, #tpu.memory_space<vmem>>)
        tpu.yield
      }) : () -> ()
    } else {
    }
    "tpu.region"() ({
      %run_scoped3A = tpu.sem_alloc : memref<!tpu.dma_semaphore, #tpu.memory_space<semaphore_mem>>
      %dma_start3A = arith.constant 0 : i32
      %dma_start3A_260 = tpu.memref_slice %arg4[%add3A, %dma_start3A] : memref<32x4096xi32, #tpu.memory_space<hbm>> -> memref<1x4096xi32, #tpu.memory_space<hbm>>
      %dma_start3A_261 = tpu.memref_squeeze %dma_start3A_260 : memref<1x4096xi32, #tpu.memory_space<hbm>> -> memref<4096xi32, #tpu.memory_space<hbm>>
      %dma_start3A_262 = arith.constant 0 : i32
      %dma_start3A_263 = tpu.memref_slice %arg4[%add3A, %dma_start3A_262] : memref<32x4096xi32, #tpu.memory_space<hbm>> -> memref<1x4096xi32, #tpu.memory_space<hbm>>
      %dma_start3A_264 = tpu.memref_squeeze %dma_start3A_263 : memref<1x4096xi32, #tpu.memory_space<hbm>> -> memref<4096xi32, #tpu.memory_space<hbm>>
      tpu.enqueue_dma source(%dma_start3A_264 : memref<4096xi32, #tpu.memory_space<hbm>>) target(%arg13 : memref<4096xi32, #tpu.memory_space<vmem>>) target_semaphore(%run_scoped3A : memref<!tpu.dma_semaphore, #tpu.memory_space<semaphore_mem>>)
      %dma_wait3A_265 = arith.constant 0 : i32
      %dma_wait3A_266 = tpu.memref_slice %arg4[%add3A, %dma_wait3A_265] : memref<32x4096xi32, #tpu.memory_space<hbm>> -> memref<1x4096xi32, #tpu.memory_space<hbm>>
      %dma_wait3A_267 = tpu.memref_squeeze %dma_wait3A_266 : memref<1x4096xi32, #tpu.memory_space<hbm>> -> memref<4096xi32, #tpu.memory_space<hbm>>
      %dma_wait3A_268 = arith.constant 0 : i32
      %dma_wait3A_269 = tpu.memref_slice %arg4[%add3A, %dma_wait3A_268] : memref<32x4096xi32, #tpu.memory_space<hbm>> -> memref<1x4096xi32, #tpu.memory_space<hbm>>
      %dma_wait3A_270 = tpu.memref_squeeze %dma_wait3A_269 : memref<1x4096xi32, #tpu.memory_space<hbm>> -> memref<4096xi32, #tpu.memory_space<hbm>>
      tpu.wait_dma2 semaphore(%run_scoped3A : memref<!tpu.dma_semaphore, #tpu.memory_space<semaphore_mem>>) src(%dma_wait3A_270 : memref<4096xi32, #tpu.memory_space<hbm>>) dst(%arg13 : memref<4096xi32, #tpu.memory_space<vmem>>)
      tpu.yield
    }) : () -> ()
    %broadcast_in_dim3A = arith.constant 0.000000e+00 : f32
    %broadcast_in_dim3A_109 = vector.broadcast %broadcast_in_dim3A : f32 to vector<16xf32>
    %swap3A = arith.constant 640 : i32
    %swap3A_110 = arith.index_cast %swap3A : i32 to index
    %swap3A_111 = arith.constant 0 : index
    %swap3A_112 = tpu.vector_load %arg14[%swap3A_110, %swap3A_111] {strides = array<i32>} : memref<641x16xf32, #tpu.memory_space<vmem>>, vector<16xf32>,
    tpu.vector_store %arg14[%swap3A_110, %swap3A_111], %broadcast_in_dim3A_109 {strides = array<i32>} : memref<641x16xf32, #tpu.memory_space<vmem>>, vector<16xf32>,
    %swap3A_113 = arith.constant 640 : i32
    %swap3A_114 = arith.index_cast %swap3A_113 : i32 to index
    %swap3A_115 = arith.constant 0 : index
    %swap3A_116 = tpu.vector_load %arg15[%swap3A_114, %swap3A_115] {strides = array<i32>} : memref<641x16xf32, #tpu.memory_space<vmem>>, vector<16xf32>,
    tpu.vector_store %arg15[%swap3A_114, %swap3A_115], %broadcast_in_dim3A_109 {strides = array<i32>} : memref<641x16xf32, #tpu.memory_space<vmem>>, vector<16xf32>,
    %swap3A_117 = arith.constant 640 : i32
    %swap3A_118 = arith.index_cast %swap3A_117 : i32 to index
    %swap3A_119 = arith.constant 0 : index
    %swap3A_120 = tpu.vector_load %arg16[%swap3A_118, %swap3A_119] {strides = array<i32>} : memref<641x16xf32, #tpu.memory_space<vmem>>, vector<16xf32>,
    tpu.vector_store %arg16[%swap3A_118, %swap3A_119], %broadcast_in_dim3A_109 {strides = array<i32>} : memref<641x16xf32, #tpu.memory_space<vmem>>, vector<16xf32>,
    %swap3A_121 = arith.constant 640 : i32
    %swap3A_122 = arith.index_cast %swap3A_121 : i32 to index
    %swap3A_123 = arith.constant 0 : index
    %swap3A_124 = tpu.vector_load %arg17[%swap3A_122, %swap3A_123] {strides = array<i32>} : memref<641x16xf32, #tpu.memory_space<vmem>>, vector<16xf32>,
    tpu.vector_store %arg17[%swap3A_122, %swap3A_123], %broadcast_in_dim3A_109 {strides = array<i32>} : memref<641x16xf32, #tpu.memory_space<vmem>>, vector<16xf32>,
    %scan3A = arith.constant 0 : i32
    %scan3A_125 = arith.constant 16 : i32
    %scan3A_126 = arith.addi %scan3A, %scan3A_125 : i32
    %scan3A_127 = arith.constant 1 : i32
    scf.for %scan3A_260 = %scan3A to %scan3A_126 step %scan3A_127  : i32 {
      %mul3A_261 = arith.constant 1 : i32
      %mul3A_262 = arith.muli %scan3A_260, %mul3A_261 : i32
      %add3A_263 = arith.constant 0 : i32
      %add3A_264 = arith.addi %add3A_263, %mul3A_262 : i32
      %scan3A_265 = arith.constant 0 : i32
      %scan3A_266 = arith.constant 32 : i32
      %scan3A_267 = arith.addi %scan3A_265, %scan3A_266 : i32
      %scan3A_268 = arith.constant 1 : i32
      scf.for %scan3A_270 = %scan3A_265 to %scan3A_267 step %scan3A_268  : i32 {
        %mul3A_271 = arith.constant 16 : i32
        %mul3A_272 = arith.muli %scan3A_270, %mul3A_271 : i32
        %add3A_273 = arith.constant 0 : i32
        %add3A_274 = arith.addi %add3A_273, %mul3A_272 : i32
        %swap3A_275 = arith.index_cast %add3A_264 : i32 to index
        %swap3A_276 = arith.index_cast %add3A_274 : i32 to index
        %swap3A_277 = tpu.vector_load %arg18[%swap3A_275, %swap3A_276] {strides = array<i32>} : memref<16x512xf32, #tpu.memory_space<vmem>>, vector<16xf32>,
        tpu.vector_store %arg18[%swap3A_275, %swap3A_276], %broadcast_in_dim3A_109 {strides = array<i32>} : memref<16x512xf32, #tpu.memory_space<vmem>>, vector<16xf32>,
      }
      %scan3A_269 = arith.constant 32 : i32
    }
    %scan3A_128 = arith.constant 16 : i32
    %scan3A_129 = arith.constant 0 : i32
    %scan3A_130 = arith.constant 16 : i32
    %scan3A_131 = arith.addi %scan3A_129, %scan3A_130 : i32
    %scan3A_132 = arith.constant 1 : i32
    scf.for %scan3A_260 = %scan3A_129 to %scan3A_131 step %scan3A_132  : i32 {
      %mul3A_261 = arith.constant 1 : i32
      %mul3A_262 = arith.muli %scan3A_260, %mul3A_261 : i32
      %add3A_263 = arith.constant 0 : i32
      %add3A_264 = arith.addi %add3A_263, %mul3A_262 : i32
      %scan3A_265 = arith.constant 0 : i32
      %scan3A_266 = arith.constant 32 : i32
      %scan3A_267 = arith.addi %scan3A_265, %scan3A_266 : i32
      %scan3A_268 = arith.constant 1 : i32
      scf.for %scan3A_270 = %scan3A_265 to %scan3A_267 step %scan3A_268  : i32 {
        %mul3A_271 = arith.constant 16 : i32
        %mul3A_272 = arith.muli %scan3A_270, %mul3A_271 : i32
        %add3A_273 = arith.constant 0 : i32
        %add3A_274 = arith.addi %add3A_273, %mul3A_272 : i32
        %swap3A_275 = arith.index_cast %add3A_264 : i32 to index
        %swap3A_276 = arith.index_cast %add3A_274 : i32 to index
        %swap3A_277 = tpu.vector_load %arg19[%swap3A_275, %swap3A_276] {strides = array<i32>} : memref<16x512xf32, #tpu.memory_space<vmem>>, vector<16xf32>,
        tpu.vector_store %arg19[%swap3A_275, %swap3A_276], %broadcast_in_dim3A_109 {strides = array<i32>} : memref<16x512xf32, #tpu.memory_space<vmem>>, vector<16xf32>,
      }
      %scan3A_269 = arith.constant 32 : i32
    }
    %scan3A_133 = arith.constant 16 : i32
    %scan3A_134 = arith.constant 0 : i32
    %scan3A_135 = arith.constant 16 : i32
    %scan3A_136 = arith.addi %scan3A_134, %scan3A_135 : i32
    %scan3A_137 = arith.constant 1 : i32
    scf.for %scan3A_260 = %scan3A_134 to %scan3A_136 step %scan3A_137  : i32 {
      %mul3A_261 = arith.constant 1 : i32
      %mul3A_262 = arith.muli %scan3A_260, %mul3A_261 : i32
      %add3A_263 = arith.constant 0 : i32
      %add3A_264 = arith.addi %add3A_263, %mul3A_262 : i32
      %scan3A_265 = arith.constant 0 : i32
      %scan3A_266 = arith.constant 32 : i32
      %scan3A_267 = arith.addi %scan3A_265, %scan3A_266 : i32
      %scan3A_268 = arith.constant 1 : i32
      scf.for %scan3A_270 = %scan3A_265 to %scan3A_267 step %scan3A_268  : i32 {
        %mul3A_271 = arith.constant 16 : i32
        %mul3A_272 = arith.muli %scan3A_270, %mul3A_271 : i32
        %add3A_273 = arith.constant 0 : i32
        %add3A_274 = arith.addi %add3A_273, %mul3A_272 : i32
        %swap3A_275 = arith.index_cast %add3A_264 : i32 to index
        %swap3A_276 = arith.index_cast %add3A_274 : i32 to index
        %swap3A_277 = tpu.vector_load %arg20[%swap3A_275, %swap3A_276] {strides = array<i32>} : memref<16x512xf32, #tpu.memory_space<vmem>>, vector<16xf32>,
        tpu.vector_store %arg20[%swap3A_275, %swap3A_276], %broadcast_in_dim3A_109 {strides = array<i32>} : memref<16x512xf32, #tpu.memory_space<vmem>>, vector<16xf32>,
      }
      %scan3A_269 = arith.constant 32 : i32
    }
    %scan3A_138 = arith.constant 16 : i32
    %scan3A_139 = arith.constant 0 : i32
    %scan3A_140 = arith.constant 16 : i32
    %scan3A_141 = arith.addi %scan3A_139, %scan3A_140 : i32
    %scan3A_142 = arith.constant 1 : i32
    scf.for %scan3A_260 = %scan3A_139 to %scan3A_141 step %scan3A_142  : i32 {
      %mul3A_261 = arith.constant 1 : i32
      %mul3A_262 = arith.muli %scan3A_260, %mul3A_261 : i32
      %add3A_263 = arith.constant 0 : i32
      %add3A_264 = arith.addi %add3A_263, %mul3A_262 : i32
      %scan3A_265 = arith.constant 0 : i32
      %scan3A_266 = arith.constant 32 : i32
      %scan3A_267 = arith.addi %scan3A_265, %scan3A_266 : i32
      %scan3A_268 = arith.constant 1 : i32
      scf.for %scan3A_270 = %scan3A_265 to %scan3A_267 step %scan3A_268  : i32 {
        %mul3A_271 = arith.constant 16 : i32
        %mul3A_272 = arith.muli %scan3A_270, %mul3A_271 : i32
        %add3A_273 = arith.constant 0 : i32
        %add3A_274 = arith.addi %add3A_273, %mul3A_272 : i32
        %swap3A_275 = arith.index_cast %add3A_264 : i32 to index
        %swap3A_276 = arith.index_cast %add3A_274 : i32 to index
        %swap3A_277 = tpu.vector_load %arg21[%swap3A_275, %swap3A_276] {strides = array<i32>} : memref<16x512xf32, #tpu.memory_space<vmem>>, vector<16xf32>,
        tpu.vector_store %arg21[%swap3A_275, %swap3A_276], %broadcast_in_dim3A_109 {strides = array<i32>} : memref<16x512xf32, #tpu.memory_space<vmem>>, vector<16xf32>,
      }
      %scan3A_269 = arith.constant 32 : i32
    }
    %scan3A_143 = arith.constant 16 : i32
    %convert_element_type3A_144 = arith.extui %or3A_8 : i1 to i32
    %cond3A_145 = arith.constant 0 : i32
    %cond3A_146 = arith.cmpi ne, %convert_element_type3A_144, %cond3A_145 : i32
    scf.if %cond3A_146 {
      %dma_start3A = arith.constant 0 : i32
      %dma_start3A_260 = arith.constant 0 : i32
      %dma_start3A_261 = arith.constant 0 : i32
      %dma_start3A_262 = tpu.memref_slice %arg14[%dma_start3A_260, %dma_start3A_261] : memref<641x16xf32, #tpu.memory_space<vmem>> -> memref<320x16xf32, #tpu.memory_space<vmem>>
      %dma_start3A_263 = arith.constant 0 : i32
      %dma_start3A_264 = arith.constant 0 : i32
      %dma_start3A_265 = tpu.memref_slice %arg2[%dma_start3A, %dma_start3A_263, %dma_start3A_264] : memref<96x16384x16xf32, #tpu.memory_space<hbm>> -> memref<1x16384x16xf32, #tpu.memory_space<hbm>>
      %dma_start3A_266 = tpu.memref_squeeze %dma_start3A_265 : memref<1x16384x16xf32, #tpu.memory_space<hbm>> -> memref<16384x16xf32, #tpu.memory_space<hbm>>
      %dma_start3A_267 = arith.constant 0 : i32
      %dma_start3A_268 = arith.constant 0 : i32
      %dma_start3A_269 = tpu.memref_slice %dma_start3A_266[%dma_start3A_267, %dma_start3A_268] : memref<16384x16xf32, #tpu.memory_space<hbm>> -> memref<16384x16xf32, #tpu.memory_space<hbm>>
      tpu.enqueue_indirect_dma source(%dma_start3A_269 : memref<16384x16xf32, #tpu.memory_space<hbm>>) target(%dma_start3A_262 : memref<320x16xf32, #tpu.memory_space<vmem>>) offsets(%arg6 : memref<320xi32, #tpu.memory_space<vmem>>) semaphore(%arg22 : memref<!tpu.dma_semaphore, #tpu.memory_space<semaphore_mem>>)
    } else {
    }
    %convert_element_type3A_147 = arith.extui %or3A_19 : i1 to i32
    %cond3A_148 = arith.constant 0 : i32
    %cond3A_149 = arith.cmpi ne, %convert_element_type3A_147, %cond3A_148 : i32
    scf.if %cond3A_149 {
      %dma_start3A = arith.constant 0 : i32
      %dma_start3A_260 = arith.constant 0 : i32
      %dma_start3A_261 = arith.constant 0 : i32
      %dma_start3A_262 = tpu.memref_slice %arg14[%dma_start3A_260, %dma_start3A_261] : memref<641x16xf32, #tpu.memory_space<vmem>> -> memref<384x16xf32, #tpu.memory_space<vmem>>
      %dma_start3A_263 = arith.constant 0 : i32
      %dma_start3A_264 = arith.constant 0 : i32
      %dma_start3A_265 = tpu.memref_slice %arg2[%dma_start3A, %dma_start3A_263, %dma_start3A_264] : memref<96x16384x16xf32, #tpu.memory_space<hbm>> -> memref<1x16384x16xf32, #tpu.memory_space<hbm>>
      %dma_start3A_266 = tpu.memref_squeeze %dma_start3A_265 : memref<1x16384x16xf32, #tpu.memory_space<hbm>> -> memref<16384x16xf32, #tpu.memory_space<hbm>>
      %dma_start3A_267 = arith.constant 0 : i32
      %dma_start3A_268 = arith.constant 0 : i32
      %dma_start3A_269 = tpu.memref_slice %dma_start3A_266[%dma_start3A_267, %dma_start3A_268] : memref<16384x16xf32, #tpu.memory_space<hbm>> -> memref<16384x16xf32, #tpu.memory_space<hbm>>
      tpu.enqueue_indirect_dma source(%dma_start3A_269 : memref<16384x16xf32, #tpu.memory_space<hbm>>) target(%dma_start3A_262 : memref<384x16xf32, #tpu.memory_space<vmem>>) offsets(%arg7 : memref<384xi32, #tpu.memory_space<vmem>>) semaphore(%arg22 : memref<!tpu.dma_semaphore, #tpu.memory_space<semaphore_mem>>)
    } else {
    }
    %convert_element_type3A_150 = arith.extui %eq3A_21 : i1 to i32
    %cond3A_151 = arith.constant 0 : i32
    %cond3A_152 = arith.cmpi ne, %convert_element_type3A_150, %cond3A_151 : i32
    scf.if %cond3A_152 {
      %dma_start3A = arith.constant 0 : i32
      %dma_start3A_260 = arith.constant 0 : i32
      %dma_start3A_261 = arith.constant 0 : i32
      %dma_start3A_262 = tpu.memref_slice %arg14[%dma_start3A_260, %dma_start3A_261] : memref<641x16xf32, #tpu.memory_space<vmem>> -> memref<416x16xf32, #tpu.memory_space<vmem>>
      %dma_start3A_263 = arith.constant 0 : i32
      %dma_start3A_264 = arith.constant 0 : i32
      %dma_start3A_265 = tpu.memref_slice %arg2[%dma_start3A, %dma_start3A_263, %dma_start3A_264] : memref<96x16384x16xf32, #tpu.memory_space<hbm>> -> memref<1x16384x16xf32, #tpu.memory_space<hbm>>
      %dma_start3A_266 = tpu.memref_squeeze %dma_start3A_265 : memref<1x16384x16xf32, #tpu.memory_space<hbm>> -> memref<16384x16xf32, #tpu.memory_space<hbm>>
      %dma_start3A_267 = arith.constant 0 : i32
      %dma_start3A_268 = arith.constant 0 : i32
      %dma_start3A_269 = tpu.memref_slice %dma_start3A_266[%dma_start3A_267, %dma_start3A_268] : memref<16384x16xf32, #tpu.memory_space<hbm>> -> memref<16384x16xf32, #tpu.memory_space<hbm>>
      tpu.enqueue_indirect_dma source(%dma_start3A_269 : memref<16384x16xf32, #tpu.memory_space<hbm>>) target(%dma_start3A_262 : memref<416x16xf32, #tpu.memory_space<vmem>>) offsets(%arg8 : memref<416xi32, #tpu.memory_space<vmem>>) semaphore(%arg22 : memref<!tpu.dma_semaphore, #tpu.memory_space<semaphore_mem>>)
    } else {
    }
    %convert_element_type3A_153 = arith.extui %or3A_44 : i1 to i32
    %cond3A_154 = arith.constant 0 : i32
    %cond3A_155 = arith.cmpi ne, %convert_element_type3A_153, %cond3A_154 : i32
    scf.if %cond3A_155 {
      %dma_start3A = arith.constant 0 : i32
      %dma_start3A_260 = arith.constant 0 : i32
      %dma_start3A_261 = arith.constant 0 : i32
      %dma_start3A_262 = tpu.memref_slice %arg14[%dma_start3A_260, %dma_start3A_261] : memref<641x16xf32, #tpu.memory_space<vmem>> -> memref<448x16xf32, #tpu.memory_space<vmem>>
      %dma_start3A_263 = arith.constant 0 : i32
      %dma_start3A_264 = arith.constant 0 : i32
      %dma_start3A_265 = tpu.memref_slice %arg2[%dma_start3A, %dma_start3A_263, %dma_start3A_264] : memref<96x16384x16xf32, #tpu.memory_space<hbm>> -> memref<1x16384x16xf32, #tpu.memory_space<hbm>>
      %dma_start3A_266 = tpu.memref_squeeze %dma_start3A_265 : memref<1x16384x16xf32, #tpu.memory_space<hbm>> -> memref<16384x16xf32, #tpu.memory_space<hbm>>
      %dma_start3A_267 = arith.constant 0 : i32
      %dma_start3A_268 = arith.constant 0 : i32
      %dma_start3A_269 = tpu.memref_slice %dma_start3A_266[%dma_start3A_267, %dma_start3A_268] : memref<16384x16xf32, #tpu.memory_space<hbm>> -> memref<16384x16xf32, #tpu.memory_space<hbm>>
      tpu.enqueue_indirect_dma source(%dma_start3A_269 : memref<16384x16xf32, #tpu.memory_space<hbm>>) target(%dma_start3A_262 : memref<448x16xf32, #tpu.memory_space<vmem>>) offsets(%arg9 : memref<448xi32, #tpu.memory_space<vmem>>) semaphore(%arg22 : memref<!tpu.dma_semaphore, #tpu.memory_space<semaphore_mem>>)
    } else {
    }
    %convert_element_type3A_156 = arith.extui %or3A_55 : i1 to i32
    %cond3A_157 = arith.constant 0 : i32
    %cond3A_158 = arith.cmpi ne, %convert_element_type3A_156, %cond3A_157 : i32
    scf.if %cond3A_158 {
      %dma_start3A = arith.constant 0 : i32
      %dma_start3A_260 = arith.constant 0 : i32
      %dma_start3A_261 = arith.constant 0 : i32
      %dma_start3A_262 = tpu.memref_slice %arg14[%dma_start3A_260, %dma_start3A_261] : memref<641x16xf32, #tpu.memory_space<vmem>> -> memref<544x16xf32, #tpu.memory_space<vmem>>
      %dma_start3A_263 = arith.constant 0 : i32
      %dma_start3A_264 = arith.constant 0 : i32
      %dma_start3A_265 = tpu.memref_slice %arg2[%dma_start3A, %dma_start3A_263, %dma_start3A_264] : memref<96x16384x16xf32, #tpu.memory_space<hbm>> -> memref<1x16384x16xf32, #tpu.memory_space<hbm>>
      %dma_start3A_266 = tpu.memref_squeeze %dma_start3A_265 : memref<1x16384x16xf32, #tpu.memory_space<hbm>> -> memref<16384x16xf32, #tpu.memory_space<hbm>>
      %dma_start3A_267 = arith.constant 0 : i32
      %dma_start3A_268 = arith.constant 0 : i32
      %dma_start3A_269 = tpu.memref_slice %dma_start3A_266[%dma_start3A_267, %dma_start3A_268] : memref<16384x16xf32, #tpu.memory_space<hbm>> -> memref<16384x16xf32, #tpu.memory_space<hbm>>
      tpu.enqueue_indirect_dma source(%dma_start3A_269 : memref<16384x16xf32, #tpu.memory_space<hbm>>) target(%dma_start3A_262 : memref<544x16xf32, #tpu.memory_space<vmem>>) offsets(%arg10 : memref<544xi32, #tpu.memory_space<vmem>>) semaphore(%arg22 : memref<!tpu.dma_semaphore, #tpu.memory_space<semaphore_mem>>)
    } else {
    }
    %convert_element_type3A_159 = arith.extui %or3A_66 : i1 to i32
    %cond3A_160 = arith.constant 0 : i32
    %cond3A_161 = arith.cmpi ne, %convert_element_type3A_159, %cond3A_160 : i32
    scf.if %cond3A_161 {
      %dma_start3A = arith.constant 0 : i32
      %dma_start3A_260 = arith.constant 0 : i32
      %dma_start3A_261 = arith.constant 0 : i32
      %dma_start3A_262 = tpu.memref_slice %arg14[%dma_start3A_260, %dma_start3A_261] : memref<641x16xf32, #tpu.memory_space<vmem>> -> memref<608x16xf32, #tpu.memory_space<vmem>>
      %dma_start3A_263 = arith.constant 0 : i32
      %dma_start3A_264 = arith.constant 0 : i32
      %dma_start3A_265 = tpu.memref_slice %arg2[%dma_start3A, %dma_start3A_263, %dma_start3A_264] : memref<96x16384x16xf32, #tpu.memory_space<hbm>> -> memref<1x16384x16xf32, #tpu.memory_space<hbm>>
      %dma_start3A_266 = tpu.memref_squeeze %dma_start3A_265 : memref<1x16384x16xf32, #tpu.memory_space<hbm>> -> memref<16384x16xf32, #tpu.memory_space<hbm>>
      %dma_start3A_267 = arith.constant 0 : i32
      %dma_start3A_268 = arith.constant 0 : i32
      %dma_start3A_269 = tpu.memref_slice %dma_start3A_266[%dma_start3A_267, %dma_start3A_268] : memref<16384x16xf32, #tpu.memory_space<hbm>> -> memref<16384x16xf32, #tpu.memory_space<hbm>>
      tpu.enqueue_indirect_dma source(%dma_start3A_269 : memref<16384x16xf32, #tpu.memory_space<hbm>>) target(%dma_start3A_262 : memref<608x16xf32, #tpu.memory_space<vmem>>) offsets(%arg11 : memref<608xi32, #tpu.memory_space<vmem>>) semaphore(%arg22 : memref<!tpu.dma_semaphore, #tpu.memory_space<semaphore_mem>>)
    } else {
    }
    %convert_element_type3A_162 = arith.extui %or3A_89 : i1 to i32
    %cond3A_163 = arith.constant 0 : i32
    %cond3A_164 = arith.cmpi ne, %convert_element_type3A_162, %cond3A_163 : i32
    scf.if %cond3A_164 {
      %dma_start3A = arith.constant 0 : i32
      %dma_start3A_260 = arith.constant 0 : i32
      %dma_start3A_261 = arith.constant 0 : i32
      %dma_start3A_262 = tpu.memref_slice %arg14[%dma_start3A_260, %dma_start3A_261] : memref<641x16xf32, #tpu.memory_space<vmem>> -> memref<640x16xf32, #tpu.memory_space<vmem>>
      %dma_start3A_263 = arith.constant 0 : i32
      %dma_start3A_264 = arith.constant 0 : i32
      %dma_start3A_265 = tpu.memref_slice %arg2[%dma_start3A, %dma_start3A_263, %dma_start3A_264] : memref<96x16384x16xf32, #tpu.memory_space<hbm>> -> memref<1x16384x16xf32, #tpu.memory_space<hbm>>
      %dma_start3A_266 = tpu.memref_squeeze %dma_start3A_265 : memref<1x16384x16xf32, #tpu.memory_space<hbm>> -> memref<16384x16xf32, #tpu.memory_space<hbm>>
      %dma_start3A_267 = arith.constant 0 : i32
      %dma_start3A_268 = arith.constant 0 : i32
      %dma_start3A_269 = tpu.memref_slice %dma_start3A_266[%dma_start3A_267, %dma_start3A_268] : memref<16384x16xf32, #tpu.memory_space<hbm>> -> memref<16384x16xf32, #tpu.memory_space<hbm>>
      tpu.enqueue_indirect_dma source(%dma_start3A_269 : memref<16384x16xf32, #tpu.memory_space<hbm>>) target(%dma_start3A_262 : memref<640x16xf32, #tpu.memory_space<vmem>>) offsets(%arg12 : memref<640xi32, #tpu.memory_space<vmem>>) semaphore(%arg22 : memref<!tpu.dma_semaphore, #tpu.memory_space<semaphore_mem>>)
    } else {
    }
    %convert_element_type3A_165 = arith.extui %or3A_8 : i1 to i32
    %cond3A_166 = arith.constant 0 : i32
    %cond3A_167 = arith.cmpi ne, %convert_element_type3A_165, %cond3A_166 : i32
    scf.if %cond3A_167 {
      %dma_start3A = arith.constant 1 : i32
      %dma_start3A_260 = arith.constant 0 : i32
      %dma_start3A_261 = arith.constant 0 : i32
      %dma_start3A_262 = tpu.memref_slice %arg15[%dma_start3A_260, %dma_start3A_261] : memref<641x16xf32, #tpu.memory_space<vmem>> -> memref<320x16xf32, #tpu.memory_space<vmem>>
      %dma_start3A_263 = arith.constant 0 : i32
      %dma_start3A_264 = arith.constant 0 : i32
      %dma_start3A_265 = tpu.memref_slice %arg2[%dma_start3A, %dma_start3A_263, %dma_start3A_264] : memref<96x16384x16xf32, #tpu.memory_space<hbm>> -> memref<1x16384x16xf32, #tpu.memory_space<hbm>>
      %dma_start3A_266 = tpu.memref_squeeze %dma_start3A_265 : memref<1x16384x16xf32, #tpu.memory_space<hbm>> -> memref<16384x16xf32, #tpu.memory_space<hbm>>
      %dma_start3A_267 = arith.constant 0 : i32
      %dma_start3A_268 = arith.constant 0 : i32
      %dma_start3A_269 = tpu.memref_slice %dma_start3A_266[%dma_start3A_267, %dma_start3A_268] : memref<16384x16xf32, #tpu.memory_space<hbm>> -> memref<16384x16xf32, #tpu.memory_space<hbm>>
      tpu.enqueue_indirect_dma source(%dma_start3A_269 : memref<16384x16xf32, #tpu.memory_space<hbm>>) target(%dma_start3A_262 : memref<320x16xf32, #tpu.memory_space<vmem>>) offsets(%arg6 : memref<320xi32, #tpu.memory_space<vmem>>) semaphore(%arg23 : memref<!tpu.dma_semaphore, #tpu.memory_space<semaphore_mem>>)
    } else {
    }
    %convert_element_type3A_168 = arith.extui %or3A_19 : i1 to i32
    %cond3A_169 = arith.constant 0 : i32
    %cond3A_170 = arith.cmpi ne, %convert_element_type3A_168, %cond3A_169 : i32
    scf.if %cond3A_170 {
      %dma_start3A = arith.constant 1 : i32
      %dma_start3A_260 = arith.constant 0 : i32
      %dma_start3A_261 = arith.constant 0 : i32
      %dma_start3A_262 = tpu.memref_slice %arg15[%dma_start3A_260, %dma_start3A_261] : memref<641x16xf32, #tpu.memory_space<vmem>> -> memref<384x16xf32, #tpu.memory_space<vmem>>
      %dma_start3A_263 = arith.constant 0 : i32
      %dma_start3A_264 = arith.constant 0 : i32
      %dma_start3A_265 = tpu.memref_slice %arg2[%dma_start3A, %dma_start3A_263, %dma_start3A_264] : memref<96x16384x16xf32, #tpu.memory_space<hbm>> -> memref<1x16384x16xf32, #tpu.memory_space<hbm>>
      %dma_start3A_266 = tpu.memref_squeeze %dma_start3A_265 : memref<1x16384x16xf32, #tpu.memory_space<hbm>> -> memref<16384x16xf32, #tpu.memory_space<hbm>>
      %dma_start3A_267 = arith.constant 0 : i32
      %dma_start3A_268 = arith.constant 0 : i32
      %dma_start3A_269 = tpu.memref_slice %dma_start3A_266[%dma_start3A_267, %dma_start3A_268] : memref<16384x16xf32, #tpu.memory_space<hbm>> -> memref<16384x16xf32, #tpu.memory_space<hbm>>
      tpu.enqueue_indirect_dma source(%dma_start3A_269 : memref<16384x16xf32, #tpu.memory_space<hbm>>) target(%dma_start3A_262 : memref<384x16xf32, #tpu.memory_space<vmem>>) offsets(%arg7 : memref<384xi32, #tpu.memory_space<vmem>>) semaphore(%arg23 : memref<!tpu.dma_semaphore, #tpu.memory_space<semaphore_mem>>)
    } else {
    }
    %convert_element_type3A_171 = arith.extui %eq3A_21 : i1 to i32
    %cond3A_172 = arith.constant 0 : i32
    %cond3A_173 = arith.cmpi ne, %convert_element_type3A_171, %cond3A_172 : i32
    scf.if %cond3A_173 {
      %dma_start3A = arith.constant 1 : i32
      %dma_start3A_260 = arith.constant 0 : i32
      %dma_start3A_261 = arith.constant 0 : i32
      %dma_start3A_262 = tpu.memref_slice %arg15[%dma_start3A_260, %dma_start3A_261] : memref<641x16xf32, #tpu.memory_space<vmem>> -> memref<416x16xf32, #tpu.memory_space<vmem>>
      %dma_start3A_263 = arith.constant 0 : i32
      %dma_start3A_264 = arith.constant 0 : i32
      %dma_start3A_265 = tpu.memref_slice %arg2[%dma_start3A, %dma_start3A_263, %dma_start3A_264] : memref<96x16384x16xf32, #tpu.memory_space<hbm>> -> memref<1x16384x16xf32, #tpu.memory_space<hbm>>
      %dma_start3A_266 = tpu.memref_squeeze %dma_start3A_265 : memref<1x16384x16xf32, #tpu.memory_space<hbm>> -> memref<16384x16xf32, #tpu.memory_space<hbm>>
      %dma_start3A_267 = arith.constant 0 : i32
      %dma_start3A_268 = arith.constant 0 : i32
      %dma_start3A_269 = tpu.memref_slice %dma_start3A_266[%dma_start3A_267, %dma_start3A_268] : memref<16384x16xf32, #tpu.memory_space<hbm>> -> memref<16384x16xf32, #tpu.memory_space<hbm>>
      tpu.enqueue_indirect_dma source(%dma_start3A_269 : memref<16384x16xf32, #tpu.memory_space<hbm>>) target(%dma_start3A_262 : memref<416x16xf32, #tpu.memory_space<vmem>>) offsets(%arg8 : memref<416xi32, #tpu.memory_space<vmem>>) semaphore(%arg23 : memref<!tpu.dma_semaphore, #tpu.memory_space<semaphore_mem>>)
    } else {
    }
    %convert_element_type3A_174 = arith.extui %or3A_44 : i1 to i32
    %cond3A_175 = arith.constant 0 : i32
    %cond3A_176 = arith.cmpi ne, %convert_element_type3A_174, %cond3A_175 : i32
    scf.if %cond3A_176 {
      %dma_start3A = arith.constant 1 : i32
      %dma_start3A_260 = arith.constant 0 : i32
      %dma_start3A_261 = arith.constant 0 : i32
      %dma_start3A_262 = tpu.memref_slice %arg15[%dma_start3A_260, %dma_start3A_261] : memref<641x16xf32, #tpu.memory_space<vmem>> -> memref<448x16xf32, #tpu.memory_space<vmem>>
      %dma_start3A_263 = arith.constant 0 : i32
      %dma_start3A_264 = arith.constant 0 : i32
      %dma_start3A_265 = tpu.memref_slice %arg2[%dma_start3A, %dma_start3A_263, %dma_start3A_264] : memref<96x16384x16xf32, #tpu.memory_space<hbm>> -> memref<1x16384x16xf32, #tpu.memory_space<hbm>>
      %dma_start3A_266 = tpu.memref_squeeze %dma_start3A_265 : memref<1x16384x16xf32, #tpu.memory_space<hbm>> -> memref<16384x16xf32, #tpu.memory_space<hbm>>
      %dma_start3A_267 = arith.constant 0 : i32
      %dma_start3A_268 = arith.constant 0 : i32
      %dma_start3A_269 = tpu.memref_slice %dma_start3A_266[%dma_start3A_267, %dma_start3A_268] : memref<16384x16xf32, #tpu.memory_space<hbm>> -> memref<16384x16xf32, #tpu.memory_space<hbm>>
      tpu.enqueue_indirect_dma source(%dma_start3A_269 : memref<16384x16xf32, #tpu.memory_space<hbm>>) target(%dma_start3A_262 : memref<448x16xf32, #tpu.memory_space<vmem>>) offsets(%arg9 : memref<448xi32, #tpu.memory_space<vmem>>) semaphore(%arg23 : memref<!tpu.dma_semaphore, #tpu.memory_space<semaphore_mem>>)
    } else {
    }
    %convert_element_type3A_177 = arith.extui %or3A_55 : i1 to i32
    %cond3A_178 = arith.constant 0 : i32
    %cond3A_179 = arith.cmpi ne, %convert_element_type3A_177, %cond3A_178 : i32
    scf.if %cond3A_179 {
      %dma_start3A = arith.constant 1 : i32
      %dma_start3A_260 = arith.constant 0 : i32
      %dma_start3A_261 = arith.constant 0 : i32
      %dma_start3A_262 = tpu.memref_slice %arg15[%dma_start3A_260, %dma_start3A_261] : memref<641x16xf32, #tpu.memory_space<vmem>> -> memref<544x16xf32, #tpu.memory_space<vmem>>
      %dma_start3A_263 = arith.constant 0 : i32
      %dma_start3A_264 = arith.constant 0 : i32
      %dma_start3A_265 = tpu.memref_slice %arg2[%dma_start3A, %dma_start3A_263, %dma_start3A_264] : memref<96x16384x16xf32, #tpu.memory_space<hbm>> -> memref<1x16384x16xf32, #tpu.memory_space<hbm>>
      %dma_start3A_266 = tpu.memref_squeeze %dma_start3A_265 : memref<1x16384x16xf32, #tpu.memory_space<hbm>> -> memref<16384x16xf32, #tpu.memory_space<hbm>>
      %dma_start3A_267 = arith.constant 0 : i32
      %dma_start3A_268 = arith.constant 0 : i32
      %dma_start3A_269 = tpu.memref_slice %dma_start3A_266[%dma_start3A_267, %dma_start3A_268] : memref<16384x16xf32, #tpu.memory_space<hbm>> -> memref<16384x16xf32, #tpu.memory_space<hbm>>
      tpu.enqueue_indirect_dma source(%dma_start3A_269 : memref<16384x16xf32, #tpu.memory_space<hbm>>) target(%dma_start3A_262 : memref<544x16xf32, #tpu.memory_space<vmem>>) offsets(%arg10 : memref<544xi32, #tpu.memory_space<vmem>>) semaphore(%arg23 : memref<!tpu.dma_semaphore, #tpu.memory_space<semaphore_mem>>)
    } else {
    }
    %convert_element_type3A_180 = arith.extui %or3A_66 : i1 to i32
    %cond3A_181 = arith.constant 0 : i32
    %cond3A_182 = arith.cmpi ne, %convert_element_type3A_180, %cond3A_181 : i32
    scf.if %cond3A_182 {
      %dma_start3A = arith.constant 1 : i32
      %dma_start3A_260 = arith.constant 0 : i32
      %dma_start3A_261 = arith.constant 0 : i32
      %dma_start3A_262 = tpu.memref_slice %arg15[%dma_start3A_260, %dma_start3A_261] : memref<641x16xf32, #tpu.memory_space<vmem>> -> memref<608x16xf32, #tpu.memory_space<vmem>>
      %dma_start3A_263 = arith.constant 0 : i32
      %dma_start3A_264 = arith.constant 0 : i32
      %dma_start3A_265 = tpu.memref_slice %arg2[%dma_start3A, %dma_start3A_263, %dma_start3A_264] : memref<96x16384x16xf32, #tpu.memory_space<hbm>> -> memref<1x16384x16xf32, #tpu.memory_space<hbm>>
      %dma_start3A_266 = tpu.memref_squeeze %dma_start3A_265 : memref<1x16384x16xf32, #tpu.memory_space<hbm>> -> memref<16384x16xf32, #tpu.memory_space<hbm>>
      %dma_start3A_267 = arith.constant 0 : i32
      %dma_start3A_268 = arith.constant 0 : i32
      %dma_start3A_269 = tpu.memref_slice %dma_start3A_266[%dma_start3A_267, %dma_start3A_268] : memref<16384x16xf32, #tpu.memory_space<hbm>> -> memref<16384x16xf32, #tpu.memory_space<hbm>>
      tpu.enqueue_indirect_dma source(%dma_start3A_269 : memref<16384x16xf32, #tpu.memory_space<hbm>>) target(%dma_start3A_262 : memref<608x16xf32, #tpu.memory_space<vmem>>) offsets(%arg11 : memref<608xi32, #tpu.memory_space<vmem>>) semaphore(%arg23 : memref<!tpu.dma_semaphore, #tpu.memory_space<semaphore_mem>>)
    } else {
    }
    %convert_element_type3A_183 = arith.extui %or3A_89 : i1 to i32
    %cond3A_184 = arith.constant 0 : i32
    %cond3A_185 = arith.cmpi ne, %convert_element_type3A_183, %cond3A_184 : i32
    scf.if %cond3A_185 {
      %dma_start3A = arith.constant 1 : i32
      %dma_start3A_260 = arith.constant 0 : i32
      %dma_start3A_261 = arith.constant 0 : i32
      %dma_start3A_262 = tpu.memref_slice %arg15[%dma_start3A_260, %dma_start3A_261] : memref<641x16xf32, #tpu.memory_space<vmem>> -> memref<640x16xf32, #tpu.memory_space<vmem>>
      %dma_start3A_263 = arith.constant 0 : i32
      %dma_start3A_264 = arith.constant 0 : i32
      %dma_start3A_265 = tpu.memref_slice %arg2[%dma_start3A, %dma_start3A_263, %dma_start3A_264] : memref<96x16384x16xf32, #tpu.memory_space<hbm>> -> memref<1x16384x16xf32, #tpu.memory_space<hbm>>
      %dma_start3A_266 = tpu.memref_squeeze %dma_start3A_265 : memref<1x16384x16xf32, #tpu.memory_space<hbm>> -> memref<16384x16xf32, #tpu.memory_space<hbm>>
      %dma_start3A_267 = arith.constant 0 : i32
      %dma_start3A_268 = arith.constant 0 : i32
      %dma_start3A_269 = tpu.memref_slice %dma_start3A_266[%dma_start3A_267, %dma_start3A_268] : memref<16384x16xf32, #tpu.memory_space<hbm>> -> memref<16384x16xf32, #tpu.memory_space<hbm>>
      tpu.enqueue_indirect_dma source(%dma_start3A_269 : memref<16384x16xf32, #tpu.memory_space<hbm>>) target(%dma_start3A_262 : memref<640x16xf32, #tpu.memory_space<vmem>>) offsets(%arg12 : memref<640xi32, #tpu.memory_space<vmem>>) semaphore(%arg23 : memref<!tpu.dma_semaphore, #tpu.memory_space<semaphore_mem>>)
    } else {
    }
    %convert_element_type3A_186 = arith.extui %or3A_8 : i1 to i32
    %cond3A_187 = arith.constant 0 : i32
    %cond3A_188 = arith.cmpi ne, %convert_element_type3A_186, %cond3A_187 : i32
    scf.if %cond3A_188 {
      %dma_start3A = arith.constant 2 : i32
      %dma_start3A_260 = arith.constant 0 : i32
      %dma_start3A_261 = arith.constant 0 : i32
      %dma_start3A_262 = tpu.memref_slice %arg16[%dma_start3A_260, %dma_start3A_261] : memref<641x16xf32, #tpu.memory_space<vmem>> -> memref<320x16xf32, #tpu.memory_space<vmem>>
      %dma_start3A_263 = arith.constant 0 : i32
      %dma_start3A_264 = arith.constant 0 : i32
      %dma_start3A_265 = tpu.memref_slice %arg2[%dma_start3A, %dma_start3A_263, %dma_start3A_264] : memref<96x16384x16xf32, #tpu.memory_space<hbm>> -> memref<1x16384x16xf32, #tpu.memory_space<hbm>>
      %dma_start3A_266 = tpu.memref_squeeze %dma_start3A_265 : memref<1x16384x16xf32, #tpu.memory_space<hbm>> -> memref<16384x16xf32, #tpu.memory_space<hbm>>
      %dma_start3A_267 = arith.constant 0 : i32
      %dma_start3A_268 = arith.constant 0 : i32
      %dma_start3A_269 = tpu.memref_slice %dma_start3A_266[%dma_start3A_267, %dma_start3A_268] : memref<16384x16xf32, #tpu.memory_space<hbm>> -> memref<16384x16xf32, #tpu.memory_space<hbm>>
      tpu.enqueue_indirect_dma source(%dma_start3A_269 : memref<16384x16xf32, #tpu.memory_space<hbm>>) target(%dma_start3A_262 : memref<320x16xf32, #tpu.memory_space<vmem>>) offsets(%arg6 : memref<320xi32, #tpu.memory_space<vmem>>) semaphore(%arg24 : memref<!tpu.dma_semaphore, #tpu.memory_space<semaphore_mem>>)
    } else {
    }
    %convert_element_type3A_189 = arith.extui %or3A_19 : i1 to i32
    %cond3A_190 = arith.constant 0 : i32
    %cond3A_191 = arith.cmpi ne, %convert_element_type3A_189, %cond3A_190 : i32
    scf.if %cond3A_191 {
      %dma_start3A = arith.constant 2 : i32
      %dma_start3A_260 = arith.constant 0 : i32
      %dma_start3A_261 = arith.constant 0 : i32
      %dma_start3A_262 = tpu.memref_slice %arg16[%dma_start3A_260, %dma_start3A_261] : memref<641x16xf32, #tpu.memory_space<vmem>> -> memref<384x16xf32, #tpu.memory_space<vmem>>
      %dma_start3A_263 = arith.constant 0 : i32
      %dma_start3A_264 = arith.constant 0 : i32
      %dma_start3A_265 = tpu.memref_slice %arg2[%dma_start3A, %dma_start3A_263, %dma_start3A_264] : memref<96x16384x16xf32, #tpu.memory_space<hbm>> -> memref<1x16384x16xf32, #tpu.memory_space<hbm>>
      %dma_start3A_266 = tpu.memref_squeeze %dma_start3A_265 : memref<1x16384x16xf32, #tpu.memory_space<hbm>> -> memref<16384x16xf32, #tpu.memory_space<hbm>>
      %dma_start3A_267 = arith.constant 0 : i32
      %dma_start3A_268 = arith.constant 0 : i32
      %dma_start3A_269 = tpu.memref_slice %dma_start3A_266[%dma_start3A_267, %dma_start3A_268] : memref<16384x16xf32, #tpu.memory_space<hbm>> -> memref<16384x16xf32, #tpu.memory_space<hbm>>
      tpu.enqueue_indirect_dma source(%dma_start3A_269 : memref<16384x16xf32, #tpu.memory_space<hbm>>) target(%dma_start3A_262 : memref<384x16xf32, #tpu.memory_space<vmem>>) offsets(%arg7 : memref<384xi32, #tpu.memory_space<vmem>>) semaphore(%arg24 : memref<!tpu.dma_semaphore, #tpu.memory_space<semaphore_mem>>)
    } else {
    }
    %convert_element_type3A_192 = arith.extui %eq3A_21 : i1 to i32
    %cond3A_193 = arith.constant 0 : i32
    %cond3A_194 = arith.cmpi ne, %convert_element_type3A_192, %cond3A_193 : i32
    scf.if %cond3A_194 {
      %dma_start3A = arith.constant 2 : i32
      %dma_start3A_260 = arith.constant 0 : i32
      %dma_start3A_261 = arith.constant 0 : i32
      %dma_start3A_262 = tpu.memref_slice %arg16[%dma_start3A_260, %dma_start3A_261] : memref<641x16xf32, #tpu.memory_space<vmem>> -> memref<416x16xf32, #tpu.memory_space<vmem>>
      %dma_start3A_263 = arith.constant 0 : i32
      %dma_start3A_264 = arith.constant 0 : i32
      %dma_start3A_265 = tpu.memref_slice %arg2[%dma_start3A, %dma_start3A_263, %dma_start3A_264] : memref<96x16384x16xf32, #tpu.memory_space<hbm>> -> memref<1x16384x16xf32, #tpu.memory_space<hbm>>
      %dma_start3A_266 = tpu.memref_squeeze %dma_start3A_265 : memref<1x16384x16xf32, #tpu.memory_space<hbm>> -> memref<16384x16xf32, #tpu.memory_space<hbm>>
      %dma_start3A_267 = arith.constant 0 : i32
      %dma_start3A_268 = arith.constant 0 : i32
      %dma_start3A_269 = tpu.memref_slice %dma_start3A_266[%dma_start3A_267, %dma_start3A_268] : memref<16384x16xf32, #tpu.memory_space<hbm>> -> memref<16384x16xf32, #tpu.memory_space<hbm>>
      tpu.enqueue_indirect_dma source(%dma_start3A_269 : memref<16384x16xf32, #tpu.memory_space<hbm>>) target(%dma_start3A_262 : memref<416x16xf32, #tpu.memory_space<vmem>>) offsets(%arg8 : memref<416xi32, #tpu.memory_space<vmem>>) semaphore(%arg24 : memref<!tpu.dma_semaphore, #tpu.memory_space<semaphore_mem>>)
    } else {
    }
    %convert_element_type3A_195 = arith.extui %or3A_44 : i1 to i32
    %cond3A_196 = arith.constant 0 : i32
    %cond3A_197 = arith.cmpi ne, %convert_element_type3A_195, %cond3A_196 : i32
    scf.if %cond3A_197 {
      %dma_start3A = arith.constant 2 : i32
      %dma_start3A_260 = arith.constant 0 : i32
      %dma_start3A_261 = arith.constant 0 : i32
      %dma_start3A_262 = tpu.memref_slice %arg16[%dma_start3A_260, %dma_start3A_261] : memref<641x16xf32, #tpu.memory_space<vmem>> -> memref<448x16xf32, #tpu.memory_space<vmem>>
      %dma_start3A_263 = arith.constant 0 : i32
      %dma_start3A_264 = arith.constant 0 : i32
      %dma_start3A_265 = tpu.memref_slice %arg2[%dma_start3A, %dma_start3A_263, %dma_start3A_264] : memref<96x16384x16xf32, #tpu.memory_space<hbm>> -> memref<1x16384x16xf32, #tpu.memory_space<hbm>>
      %dma_start3A_266 = tpu.memref_squeeze %dma_start3A_265 : memref<1x16384x16xf32, #tpu.memory_space<hbm>> -> memref<16384x16xf32, #tpu.memory_space<hbm>>
      %dma_start3A_267 = arith.constant 0 : i32
      %dma_start3A_268 = arith.constant 0 : i32
      %dma_start3A_269 = tpu.memref_slice %dma_start3A_266[%dma_start3A_267, %dma_start3A_268] : memref<16384x16xf32, #tpu.memory_space<hbm>> -> memref<16384x16xf32, #tpu.memory_space<hbm>>
      tpu.enqueue_indirect_dma source(%dma_start3A_269 : memref<16384x16xf32, #tpu.memory_space<hbm>>) target(%dma_start3A_262 : memref<448x16xf32, #tpu.memory_space<vmem>>) offsets(%arg9 : memref<448xi32, #tpu.memory_space<vmem>>) semaphore(%arg24 : memref<!tpu.dma_semaphore, #tpu.memory_space<semaphore_mem>>)
    } else {
    }
    %convert_element_type3A_198 = arith.extui %or3A_55 : i1 to i32
    %cond3A_199 = arith.constant 0 : i32
    %cond3A_200 = arith.cmpi ne, %convert_element_type3A_198, %cond3A_199 : i32
    scf.if %cond3A_200 {
      %dma_start3A = arith.constant 2 : i32
      %dma_start3A_260 = arith.constant 0 : i32
      %dma_start3A_261 = arith.constant 0 : i32
      %dma_start3A_262 = tpu.memref_slice %arg16[%dma_start3A_260, %dma_start3A_261] : memref<641x16xf32, #tpu.memory_space<vmem>> -> memref<544x16xf32, #tpu.memory_space<vmem>>
      %dma_start3A_263 = arith.constant 0 : i32
      %dma_start3A_264 = arith.constant 0 : i32
      %dma_start3A_265 = tpu.memref_slice %arg2[%dma_start3A, %dma_start3A_263, %dma_start3A_264] : memref<96x16384x16xf32, #tpu.memory_space<hbm>> -> memref<1x16384x16xf32, #tpu.memory_space<hbm>>
      %dma_start3A_266 = tpu.memref_squeeze %dma_start3A_265 : memref<1x16384x16xf32, #tpu.memory_space<hbm>> -> memref<16384x16xf32, #tpu.memory_space<hbm>>
      %dma_start3A_267 = arith.constant 0 : i32
      %dma_start3A_268 = arith.constant 0 : i32
      %dma_start3A_269 = tpu.memref_slice %dma_start3A_266[%dma_start3A_267, %dma_start3A_268] : memref<16384x16xf32, #tpu.memory_space<hbm>> -> memref<16384x16xf32, #tpu.memory_space<hbm>>
      tpu.enqueue_indirect_dma source(%dma_start3A_269 : memref<16384x16xf32, #tpu.memory_space<hbm>>) target(%dma_start3A_262 : memref<544x16xf32, #tpu.memory_space<vmem>>) offsets(%arg10 : memref<544xi32, #tpu.memory_space<vmem>>) semaphore(%arg24 : memref<!tpu.dma_semaphore, #tpu.memory_space<semaphore_mem>>)
    } else {
    }
    %convert_element_type3A_201 = arith.extui %or3A_66 : i1 to i32
    %cond3A_202 = arith.constant 0 : i32
    %cond3A_203 = arith.cmpi ne, %convert_element_type3A_201, %cond3A_202 : i32
    scf.if %cond3A_203 {
      %dma_start3A = arith.constant 2 : i32
      %dma_start3A_260 = arith.constant 0 : i32
      %dma_start3A_261 = arith.constant 0 : i32
      %dma_start3A_262 = tpu.memref_slice %arg16[%dma_start3A_260, %dma_start3A_261] : memref<641x16xf32, #tpu.memory_space<vmem>> -> memref<608x16xf32, #tpu.memory_space<vmem>>
      %dma_start3A_263 = arith.constant 0 : i32
      %dma_start3A_264 = arith.constant 0 : i32
      %dma_start3A_265 = tpu.memref_slice %arg2[%dma_start3A, %dma_start3A_263, %dma_start3A_264] : memref<96x16384x16xf32, #tpu.memory_space<hbm>> -> memref<1x16384x16xf32, #tpu.memory_space<hbm>>
      %dma_start3A_266 = tpu.memref_squeeze %dma_start3A_265 : memref<1x16384x16xf32, #tpu.memory_space<hbm>> -> memref<16384x16xf32, #tpu.memory_space<hbm>>
      %dma_start3A_267 = arith.constant 0 : i32
      %dma_start3A_268 = arith.constant 0 : i32
      %dma_start3A_269 = tpu.memref_slice %dma_start3A_266[%dma_start3A_267, %dma_start3A_268] : memref<16384x16xf32, #tpu.memory_space<hbm>> -> memref<16384x16xf32, #tpu.memory_space<hbm>>
      tpu.enqueue_indirect_dma source(%dma_start3A_269 : memref<16384x16xf32, #tpu.memory_space<hbm>>) target(%dma_start3A_262 : memref<608x16xf32, #tpu.memory_space<vmem>>) offsets(%arg11 : memref<608xi32, #tpu.memory_space<vmem>>) semaphore(%arg24 : memref<!tpu.dma_semaphore, #tpu.memory_space<semaphore_mem>>)
    } else {
    }
    %convert_element_type3A_204 = arith.extui %or3A_89 : i1 to i32
    %cond3A_205 = arith.constant 0 : i32
    %cond3A_206 = arith.cmpi ne, %convert_element_type3A_204, %cond3A_205 : i32
    scf.if %cond3A_206 {
      %dma_start3A = arith.constant 2 : i32
      %dma_start3A_260 = arith.constant 0 : i32
      %dma_start3A_261 = arith.constant 0 : i32
      %dma_start3A_262 = tpu.memref_slice %arg16[%dma_start3A_260, %dma_start3A_261] : memref<641x16xf32, #tpu.memory_space<vmem>> -> memref<640x16xf32, #tpu.memory_space<vmem>>
      %dma_start3A_263 = arith.constant 0 : i32
      %dma_start3A_264 = arith.constant 0 : i32
      %dma_start3A_265 = tpu.memref_slice %arg2[%dma_start3A, %dma_start3A_263, %dma_start3A_264] : memref<96x16384x16xf32, #tpu.memory_space<hbm>> -> memref<1x16384x16xf32, #tpu.memory_space<hbm>>
      %dma_start3A_266 = tpu.memref_squeeze %dma_start3A_265 : memref<1x16384x16xf32, #tpu.memory_space<hbm>> -> memref<16384x16xf32, #tpu.memory_space<hbm>>
      %dma_start3A_267 = arith.constant 0 : i32
      %dma_start3A_268 = arith.constant 0 : i32
      %dma_start3A_269 = tpu.memref_slice %dma_start3A_266[%dma_start3A_267, %dma_start3A_268] : memref<16384x16xf32, #tpu.memory_space<hbm>> -> memref<16384x16xf32, #tpu.memory_space<hbm>>
      tpu.enqueue_indirect_dma source(%dma_start3A_269 : memref<16384x16xf32, #tpu.memory_space<hbm>>) target(%dma_start3A_262 : memref<640x16xf32, #tpu.memory_space<vmem>>) offsets(%arg12 : memref<640xi32, #tpu.memory_space<vmem>>) semaphore(%arg24 : memref<!tpu.dma_semaphore, #tpu.memory_space<semaphore_mem>>)
    } else {
    }
    %convert_element_type3A_207 = arith.extui %or3A_8 : i1 to i32
    %cond3A_208 = arith.constant 0 : i32
    %cond3A_209 = arith.cmpi ne, %convert_element_type3A_207, %cond3A_208 : i32
    scf.if %cond3A_209 {
      %dma_start3A = arith.constant 3 : i32
      %dma_start3A_260 = arith.constant 0 : i32
      %dma_start3A_261 = arith.constant 0 : i32
      %dma_start3A_262 = tpu.memref_slice %arg17[%dma_start3A_260, %dma_start3A_261] : memref<641x16xf32, #tpu.memory_space<vmem>> -> memref<320x16xf32, #tpu.memory_space<vmem>>
      %dma_start3A_263 = arith.constant 0 : i32
      %dma_start3A_264 = arith.constant 0 : i32
      %dma_start3A_265 = tpu.memref_slice %arg2[%dma_start3A, %dma_start3A_263, %dma_start3A_264] : memref<96x16384x16xf32, #tpu.memory_space<hbm>> -> memref<1x16384x16xf32, #tpu.memory_space<hbm>>
      %dma_start3A_266 = tpu.memref_squeeze %dma_start3A_265 : memref<1x16384x16xf32, #tpu.memory_space<hbm>> -> memref<16384x16xf32, #tpu.memory_space<hbm>>
      %dma_start3A_267 = arith.constant 0 : i32
      %dma_start3A_268 = arith.constant 0 : i32
      %dma_start3A_269 = tpu.memref_slice %dma_start3A_266[%dma_start3A_267, %dma_start3A_268] : memref<16384x16xf32, #tpu.memory_space<hbm>> -> memref<16384x16xf32, #tpu.memory_space<hbm>>
      tpu.enqueue_indirect_dma source(%dma_start3A_269 : memref<16384x16xf32, #tpu.memory_space<hbm>>) target(%dma_start3A_262 : memref<320x16xf32, #tpu.memory_space<vmem>>) offsets(%arg6 : memref<320xi32, #tpu.memory_space<vmem>>) semaphore(%arg25 : memref<!tpu.dma_semaphore, #tpu.memory_space<semaphore_mem>>)
    } else {
    }
    %convert_element_type3A_210 = arith.extui %or3A_19 : i1 to i32
    %cond3A_211 = arith.constant 0 : i32
    %cond3A_212 = arith.cmpi ne, %convert_element_type3A_210, %cond3A_211 : i32
    scf.if %cond3A_212 {
      %dma_start3A = arith.constant 3 : i32
      %dma_start3A_260 = arith.constant 0 : i32
      %dma_start3A_261 = arith.constant 0 : i32
      %dma_start3A_262 = tpu.memref_slice %arg17[%dma_start3A_260, %dma_start3A_261] : memref<641x16xf32, #tpu.memory_space<vmem>> -> memref<384x16xf32, #tpu.memory_space<vmem>>
      %dma_start3A_263 = arith.constant 0 : i32
      %dma_start3A_264 = arith.constant 0 : i32
      %dma_start3A_265 = tpu.memref_slice %arg2[%dma_start3A, %dma_start3A_263, %dma_start3A_264] : memref<96x16384x16xf32, #tpu.memory_space<hbm>> -> memref<1x16384x16xf32, #tpu.memory_space<hbm>>
      %dma_start3A_266 = tpu.memref_squeeze %dma_start3A_265 : memref<1x16384x16xf32, #tpu.memory_space<hbm>> -> memref<16384x16xf32, #tpu.memory_space<hbm>>
      %dma_start3A_267 = arith.constant 0 : i32
      %dma_start3A_268 = arith.constant 0 : i32
      %dma_start3A_269 = tpu.memref_slice %dma_start3A_266[%dma_start3A_267, %dma_start3A_268] : memref<16384x16xf32, #tpu.memory_space<hbm>> -> memref<16384x16xf32, #tpu.memory_space<hbm>>
      tpu.enqueue_indirect_dma source(%dma_start3A_269 : memref<16384x16xf32, #tpu.memory_space<hbm>>) target(%dma_start3A_262 : memref<384x16xf32, #tpu.memory_space<vmem>>) offsets(%arg7 : memref<384xi32, #tpu.memory_space<vmem>>) semaphore(%arg25 : memref<!tpu.dma_semaphore, #tpu.memory_space<semaphore_mem>>)
    } else {
    }
    %convert_element_type3A_213 = arith.extui %eq3A_21 : i1 to i32
    %cond3A_214 = arith.constant 0 : i32
    %cond3A_215 = arith.cmpi ne, %convert_element_type3A_213, %cond3A_214 : i32
    scf.if %cond3A_215 {
      %dma_start3A = arith.constant 3 : i32
      %dma_start3A_260 = arith.constant 0 : i32
      %dma_start3A_261 = arith.constant 0 : i32
      %dma_start3A_262 = tpu.memref_slice %arg17[%dma_start3A_260, %dma_start3A_261] : memref<641x16xf32, #tpu.memory_space<vmem>> -> memref<416x16xf32, #tpu.memory_space<vmem>>
      %dma_start3A_263 = arith.constant 0 : i32
      %dma_start3A_264 = arith.constant 0 : i32
      %dma_start3A_265 = tpu.memref_slice %arg2[%dma_start3A, %dma_start3A_263, %dma_start3A_264] : memref<96x16384x16xf32, #tpu.memory_space<hbm>> -> memref<1x16384x16xf32, #tpu.memory_space<hbm>>
      %dma_start3A_266 = tpu.memref_squeeze %dma_start3A_265 : memref<1x16384x16xf32, #tpu.memory_space<hbm>> -> memref<16384x16xf32, #tpu.memory_space<hbm>>
      %dma_start3A_267 = arith.constant 0 : i32
      %dma_start3A_268 = arith.constant 0 : i32
      %dma_start3A_269 = tpu.memref_slice %dma_start3A_266[%dma_start3A_267, %dma_start3A_268] : memref<16384x16xf32, #tpu.memory_space<hbm>> -> memref<16384x16xf32, #tpu.memory_space<hbm>>
      tpu.enqueue_indirect_dma source(%dma_start3A_269 : memref<16384x16xf32, #tpu.memory_space<hbm>>) target(%dma_start3A_262 : memref<416x16xf32, #tpu.memory_space<vmem>>) offsets(%arg8 : memref<416xi32, #tpu.memory_space<vmem>>) semaphore(%arg25 : memref<!tpu.dma_semaphore, #tpu.memory_space<semaphore_mem>>)
    } else {
    }
    %convert_element_type3A_216 = arith.extui %or3A_44 : i1 to i32
    %cond3A_217 = arith.constant 0 : i32
    %cond3A_218 = arith.cmpi ne, %convert_element_type3A_216, %cond3A_217 : i32
    scf.if %cond3A_218 {
      %dma_start3A = arith.constant 3 : i32
      %dma_start3A_260 = arith.constant 0 : i32
      %dma_start3A_261 = arith.constant 0 : i32
      %dma_start3A_262 = tpu.memref_slice %arg17[%dma_start3A_260, %dma_start3A_261] : memref<641x16xf32, #tpu.memory_space<vmem>> -> memref<448x16xf32, #tpu.memory_space<vmem>>
      %dma_start3A_263 = arith.constant 0 : i32
      %dma_start3A_264 = arith.constant 0 : i32
      %dma_start3A_265 = tpu.memref_slice %arg2[%dma_start3A, %dma_start3A_263, %dma_start3A_264] : memref<96x16384x16xf32, #tpu.memory_space<hbm>> -> memref<1x16384x16xf32, #tpu.memory_space<hbm>>
      %dma_start3A_266 = tpu.memref_squeeze %dma_start3A_265 : memref<1x16384x16xf32, #tpu.memory_space<hbm>> -> memref<16384x16xf32, #tpu.memory_space<hbm>>
      %dma_start3A_267 = arith.constant 0 : i32
      %dma_start3A_268 = arith.constant 0 : i32
      %dma_start3A_269 = tpu.memref_slice %dma_start3A_266[%dma_start3A_267, %dma_start3A_268] : memref<16384x16xf32, #tpu.memory_space<hbm>> -> memref<16384x16xf32, #tpu.memory_space<hbm>>
      tpu.enqueue_indirect_dma source(%dma_start3A_269 : memref<16384x16xf32, #tpu.memory_space<hbm>>) target(%dma_start3A_262 : memref<448x16xf32, #tpu.memory_space<vmem>>) offsets(%arg9 : memref<448xi32, #tpu.memory_space<vmem>>) semaphore(%arg25 : memref<!tpu.dma_semaphore, #tpu.memory_space<semaphore_mem>>)
    } else {
    }
    %convert_element_type3A_219 = arith.extui %or3A_55 : i1 to i32
    %cond3A_220 = arith.constant 0 : i32
    %cond3A_221 = arith.cmpi ne, %convert_element_type3A_219, %cond3A_220 : i32
    scf.if %cond3A_221 {
      %dma_start3A = arith.constant 3 : i32
      %dma_start3A_260 = arith.constant 0 : i32
      %dma_start3A_261 = arith.constant 0 : i32
      %dma_start3A_262 = tpu.memref_slice %arg17[%dma_start3A_260, %dma_start3A_261] : memref<641x16xf32, #tpu.memory_space<vmem>> -> memref<544x16xf32, #tpu.memory_space<vmem>>
      %dma_start3A_263 = arith.constant 0 : i32
      %dma_start3A_264 = arith.constant 0 : i32
      %dma_start3A_265 = tpu.memref_slice %arg2[%dma_start3A, %dma_start3A_263, %dma_start3A_264] : memref<96x16384x16xf32, #tpu.memory_space<hbm>> -> memref<1x16384x16xf32, #tpu.memory_space<hbm>>
      %dma_start3A_266 = tpu.memref_squeeze %dma_start3A_265 : memref<1x16384x16xf32, #tpu.memory_space<hbm>> -> memref<16384x16xf32, #tpu.memory_space<hbm>>
      %dma_start3A_267 = arith.constant 0 : i32
      %dma_start3A_268 = arith.constant 0 : i32
      %dma_start3A_269 = tpu.memref_slice %dma_start3A_266[%dma_start3A_267, %dma_start3A_268] : memref<16384x16xf32, #tpu.memory_space<hbm>> -> memref<16384x16xf32, #tpu.memory_space<hbm>>
      tpu.enqueue_indirect_dma source(%dma_start3A_269 : memref<16384x16xf32, #tpu.memory_space<hbm>>) target(%dma_start3A_262 : memref<544x16xf32, #tpu.memory_space<vmem>>) offsets(%arg10 : memref<544xi32, #tpu.memory_space<vmem>>) semaphore(%arg25 : memref<!tpu.dma_semaphore, #tpu.memory_space<semaphore_mem>>)
    } else {
    }
    %convert_element_type3A_222 = arith.extui %or3A_66 : i1 to i32
    %cond3A_223 = arith.constant 0 : i32
    %cond3A_224 = arith.cmpi ne, %convert_element_type3A_222, %cond3A_223 : i32
    scf.if %cond3A_224 {
      %dma_start3A = arith.constant 3 : i32
      %dma_start3A_260 = arith.constant 0 : i32
      %dma_start3A_261 = arith.constant 0 : i32
      %dma_start3A_262 = tpu.memref_slice %arg17[%dma_start3A_260, %dma_start3A_261] : memref<641x16xf32, #tpu.memory_space<vmem>> -> memref<608x16xf32, #tpu.memory_space<vmem>>
      %dma_start3A_263 = arith.constant 0 : i32
      %dma_start3A_264 = arith.constant 0 : i32
      %dma_start3A_265 = tpu.memref_slice %arg2[%dma_start3A, %dma_start3A_263, %dma_start3A_264] : memref<96x16384x16xf32, #tpu.memory_space<hbm>> -> memref<1x16384x16xf32, #tpu.memory_space<hbm>>
      %dma_start3A_266 = tpu.memref_squeeze %dma_start3A_265 : memref<1x16384x16xf32, #tpu.memory_space<hbm>> -> memref<16384x16xf32, #tpu.memory_space<hbm>>
      %dma_start3A_267 = arith.constant 0 : i32
      %dma_start3A_268 = arith.constant 0 : i32
      %dma_start3A_269 = tpu.memref_slice %dma_start3A_266[%dma_start3A_267, %dma_start3A_268] : memref<16384x16xf32, #tpu.memory_space<hbm>> -> memref<16384x16xf32, #tpu.memory_space<hbm>>
      tpu.enqueue_indirect_dma source(%dma_start3A_269 : memref<16384x16xf32, #tpu.memory_space<hbm>>) target(%dma_start3A_262 : memref<608x16xf32, #tpu.memory_space<vmem>>) offsets(%arg11 : memref<608xi32, #tpu.memory_space<vmem>>) semaphore(%arg25 : memref<!tpu.dma_semaphore, #tpu.memory_space<semaphore_mem>>)
    } else {
    }
    %convert_element_type3A_225 = arith.extui %or3A_89 : i1 to i32
    %cond3A_226 = arith.constant 0 : i32
    %cond3A_227 = arith.cmpi ne, %convert_element_type3A_225, %cond3A_226 : i32
    scf.if %cond3A_227 {
      %dma_start3A = arith.constant 3 : i32
      %dma_start3A_260 = arith.constant 0 : i32
      %dma_start3A_261 = arith.constant 0 : i32
      %dma_start3A_262 = tpu.memref_slice %arg17[%dma_start3A_260, %dma_start3A_261] : memref<641x16xf32, #tpu.memory_space<vmem>> -> memref<640x16xf32, #tpu.memory_space<vmem>>
      %dma_start3A_263 = arith.constant 0 : i32
      %dma_start3A_264 = arith.constant 0 : i32
      %dma_start3A_265 = tpu.memref_slice %arg2[%dma_start3A, %dma_start3A_263, %dma_start3A_264] : memref<96x16384x16xf32, #tpu.memory_space<hbm>> -> memref<1x16384x16xf32, #tpu.memory_space<hbm>>
      %dma_start3A_266 = tpu.memref_squeeze %dma_start3A_265 : memref<1x16384x16xf32, #tpu.memory_space<hbm>> -> memref<16384x16xf32, #tpu.memory_space<hbm>>
      %dma_start3A_267 = arith.constant 0 : i32
      %dma_start3A_268 = arith.constant 0 : i32
      %dma_start3A_269 = tpu.memref_slice %dma_start3A_266[%dma_start3A_267, %dma_start3A_268] : memref<16384x16xf32, #tpu.memory_space<hbm>> -> memref<16384x16xf32, #tpu.memory_space<hbm>>
      tpu.enqueue_indirect_dma source(%dma_start3A_269 : memref<16384x16xf32, #tpu.memory_space<hbm>>) target(%dma_start3A_262 : memref<640x16xf32, #tpu.memory_space<vmem>>) offsets(%arg12 : memref<640xi32, #tpu.memory_space<vmem>>) semaphore(%arg25 : memref<!tpu.dma_semaphore, #tpu.memory_space<semaphore_mem>>)
    } else {
    }
    %scan3A_228 = arith.constant 0 : i32
    %scan3A_229 = arith.constant 24 : i32
    %scan3A_230 = arith.addi %scan3A_228, %scan3A_229 : i32
    %scan3A_231 = arith.constant 1 : i32
    scf.for %scan3A_260 = %scan3A_228 to %scan3A_230 step %scan3A_231  : i32 {
      %mul3A_261 = arith.constant 4 : i32
      %mul3A_262 = arith.muli %scan3A_260, %mul3A_261 : i32
      %add3A_263 = arith.constant 0 : i32
      %add3A_264 = arith.addi %add3A_263, %mul3A_262 : i32
      %add3A_265 = arith.constant 0 : i32
      %add3A_266 = arith.addi %add3A_264, %add3A_265 : i32
      %convert_element_type3A_267 = arith.extui %or3A_8 : i1 to i32
      %cond3A_268 = arith.constant 0 : i32
      %cond3A_269 = arith.cmpi ne, %convert_element_type3A_267, %cond3A_268 : i32
      scf.if %cond3A_269 {
        %dma_wait3A_437 = arith.constant 0 : i32
        %dma_wait3A_438 = arith.constant 0 : i32
        %dma_wait3A_439 = tpu.memref_slice %arg14[%dma_wait3A_437, %dma_wait3A_438] : memref<641x16xf32, #tpu.memory_space<vmem>> -> memref<320x16xf32, #tpu.memory_space<vmem>>
        %dma_wait3A_440 = arith.constant 0 : i32
        %dma_wait3A_441 = arith.constant 0 : i32
        %dma_wait3A_442 = tpu.memref_slice %arg2[%add3A_266, %dma_wait3A_440, %dma_wait3A_441] : memref<96x16384x16xf32, #tpu.memory_space<hbm>> -> memref<1x16384x16xf32, #tpu.memory_space<hbm>>
        %dma_wait3A_443 = tpu.memref_squeeze %dma_wait3A_442 : memref<1x16384x16xf32, #tpu.memory_space<hbm>> -> memref<16384x16xf32, #tpu.memory_space<hbm>>
        %dma_wait3A_444 = arith.constant 0 : i32
        %dma_wait3A_445 = arith.constant 0 : i32
        %dma_wait3A_446 = tpu.memref_slice %dma_wait3A_443[%dma_wait3A_444, %dma_wait3A_445] : memref<16384x16xf32, #tpu.memory_space<hbm>> -> memref<16384x16xf32, #tpu.memory_space<hbm>>
        tpu.wait_indirect_dma semaphore(%arg22 : memref<!tpu.dma_semaphore, #tpu.memory_space<semaphore_mem>>) src(%dma_wait3A_446 : memref<16384x16xf32, #tpu.memory_space<hbm>>) dst(%dma_wait3A_439 : memref<320x16xf32, #tpu.memory_space<vmem>>)
      } else {
      }
      %convert_element_type3A_270 = arith.extui %or3A_19 : i1 to i32
      %cond3A_271 = arith.constant 0 : i32
      %cond3A_272 = arith.cmpi ne, %convert_element_type3A_270, %cond3A_271 : i32
      scf.if %cond3A_272 {
        %dma_wait3A_437 = arith.constant 0 : i32
        %dma_wait3A_438 = arith.constant 0 : i32
        %dma_wait3A_439 = tpu.memref_slice %arg14[%dma_wait3A_437, %dma_wait3A_438] : memref<641x16xf32, #tpu.memory_space<vmem>> -> memref<384x16xf32, #tpu.memory_space<vmem>>
        %dma_wait3A_440 = arith.constant 0 : i32
        %dma_wait3A_441 = arith.constant 0 : i32
        %dma_wait3A_442 = tpu.memref_slice %arg2[%add3A_266, %dma_wait3A_440, %dma_wait3A_441] : memref<96x16384x16xf32, #tpu.memory_space<hbm>> -> memref<1x16384x16xf32, #tpu.memory_space<hbm>>
        %dma_wait3A_443 = tpu.memref_squeeze %dma_wait3A_442 : memref<1x16384x16xf32, #tpu.memory_space<hbm>> -> memref<16384x16xf32, #tpu.memory_space<hbm>>
        %dma_wait3A_444 = arith.constant 0 : i32
        %dma_wait3A_445 = arith.constant 0 : i32
        %dma_wait3A_446 = tpu.memref_slice %dma_wait3A_443[%dma_wait3A_444, %dma_wait3A_445] : memref<16384x16xf32, #tpu.memory_space<hbm>> -> memref<16384x16xf32, #tpu.memory_space<hbm>>
        tpu.wait_indirect_dma semaphore(%arg22 : memref<!tpu.dma_semaphore, #tpu.memory_space<semaphore_mem>>) src(%dma_wait3A_446 : memref<16384x16xf32, #tpu.memory_space<hbm>>) dst(%dma_wait3A_439 : memref<384x16xf32, #tpu.memory_space<vmem>>)
      } else {
      }
      %convert_element_type3A_273 = arith.extui %eq3A_21 : i1 to i32
      %cond3A_274 = arith.constant 0 : i32
      %cond3A_275 = arith.cmpi ne, %convert_element_type3A_273, %cond3A_274 : i32
      scf.if %cond3A_275 {
        %dma_wait3A_437 = arith.constant 0 : i32
        %dma_wait3A_438 = arith.constant 0 : i32
        %dma_wait3A_439 = tpu.memref_slice %arg14[%dma_wait3A_437, %dma_wait3A_438] : memref<641x16xf32, #tpu.memory_space<vmem>> -> memref<416x16xf32, #tpu.memory_space<vmem>>
        %dma_wait3A_440 = arith.constant 0 : i32
        %dma_wait3A_441 = arith.constant 0 : i32
        %dma_wait3A_442 = tpu.memref_slice %arg2[%add3A_266, %dma_wait3A_440, %dma_wait3A_441] : memref<96x16384x16xf32, #tpu.memory_space<hbm>> -> memref<1x16384x16xf32, #tpu.memory_space<hbm>>
        %dma_wait3A_443 = tpu.memref_squeeze %dma_wait3A_442 : memref<1x16384x16xf32, #tpu.memory_space<hbm>> -> memref<16384x16xf32, #tpu.memory_space<hbm>>
        %dma_wait3A_444 = arith.constant 0 : i32
        %dma_wait3A_445 = arith.constant 0 : i32
        %dma_wait3A_446 = tpu.memref_slice %dma_wait3A_443[%dma_wait3A_444, %dma_wait3A_445] : memref<16384x16xf32, #tpu.memory_space<hbm>> -> memref<16384x16xf32, #tpu.memory_space<hbm>>
        tpu.wait_indirect_dma semaphore(%arg22 : memref<!tpu.dma_semaphore, #tpu.memory_space<semaphore_mem>>) src(%dma_wait3A_446 : memref<16384x16xf32, #tpu.memory_space<hbm>>) dst(%dma_wait3A_439 : memref<416x16xf32, #tpu.memory_space<vmem>>)
      } else {
      }
      %convert_element_type3A_276 = arith.extui %or3A_44 : i1 to i32
      %cond3A_277 = arith.constant 0 : i32
      %cond3A_278 = arith.cmpi ne, %convert_element_type3A_276, %cond3A_277 : i32
      scf.if %cond3A_278 {
        %dma_wait3A_437 = arith.constant 0 : i32
        %dma_wait3A_438 = arith.constant 0 : i32
        %dma_wait3A_439 = tpu.memref_slice %arg14[%dma_wait3A_437, %dma_wait3A_438] : memref<641x16xf32, #tpu.memory_space<vmem>> -> memref<448x16xf32, #tpu.memory_space<vmem>>
        %dma_wait3A_440 = arith.constant 0 : i32
        %dma_wait3A_441 = arith.constant 0 : i32
        %dma_wait3A_442 = tpu.memref_slice %arg2[%add3A_266, %dma_wait3A_440, %dma_wait3A_441] : memref<96x16384x16xf32, #tpu.memory_space<hbm>> -> memref<1x16384x16xf32, #tpu.memory_space<hbm>>
        %dma_wait3A_443 = tpu.memref_squeeze %dma_wait3A_442 : memref<1x16384x16xf32, #tpu.memory_space<hbm>> -> memref<16384x16xf32, #tpu.memory_space<hbm>>
        %dma_wait3A_444 = arith.constant 0 : i32
        %dma_wait3A_445 = arith.constant 0 : i32
        %dma_wait3A_446 = tpu.memref_slice %dma_wait3A_443[%dma_wait3A_444, %dma_wait3A_445] : memref<16384x16xf32, #tpu.memory_space<hbm>> -> memref<16384x16xf32, #tpu.memory_space<hbm>>
        tpu.wait_indirect_dma semaphore(%arg22 : memref<!tpu.dma_semaphore, #tpu.memory_space<semaphore_mem>>) src(%dma_wait3A_446 : memref<16384x16xf32, #tpu.memory_space<hbm>>) dst(%dma_wait3A_439 : memref<448x16xf32, #tpu.memory_space<vmem>>)
      } else {
      }
      %convert_element_type3A_279 = arith.extui %or3A_55 : i1 to i32
      %cond3A_280 = arith.constant 0 : i32
      %cond3A_281 = arith.cmpi ne, %convert_element_type3A_279, %cond3A_280 : i32
      scf.if %cond3A_281 {
        %dma_wait3A_437 = arith.constant 0 : i32
        %dma_wait3A_438 = arith.constant 0 : i32
        %dma_wait3A_439 = tpu.memref_slice %arg14[%dma_wait3A_437, %dma_wait3A_438] : memref<641x16xf32, #tpu.memory_space<vmem>> -> memref<544x16xf32, #tpu.memory_space<vmem>>
        %dma_wait3A_440 = arith.constant 0 : i32
        %dma_wait3A_441 = arith.constant 0 : i32
        %dma_wait3A_442 = tpu.memref_slice %arg2[%add3A_266, %dma_wait3A_440, %dma_wait3A_441] : memref<96x16384x16xf32, #tpu.memory_space<hbm>> -> memref<1x16384x16xf32, #tpu.memory_space<hbm>>
        %dma_wait3A_443 = tpu.memref_squeeze %dma_wait3A_442 : memref<1x16384x16xf32, #tpu.memory_space<hbm>> -> memref<16384x16xf32, #tpu.memory_space<hbm>>
        %dma_wait3A_444 = arith.constant 0 : i32
        %dma_wait3A_445 = arith.constant 0 : i32
        %dma_wait3A_446 = tpu.memref_slice %dma_wait3A_443[%dma_wait3A_444, %dma_wait3A_445] : memref<16384x16xf32, #tpu.memory_space<hbm>> -> memref<16384x16xf32, #tpu.memory_space<hbm>>
        tpu.wait_indirect_dma semaphore(%arg22 : memref<!tpu.dma_semaphore, #tpu.memory_space<semaphore_mem>>) src(%dma_wait3A_446 : memref<16384x16xf32, #tpu.memory_space<hbm>>) dst(%dma_wait3A_439 : memref<544x16xf32, #tpu.memory_space<vmem>>)
      } else {
      }
      %convert_element_type3A_282 = arith.extui %or3A_66 : i1 to i32
      %cond3A_283 = arith.constant 0 : i32
      %cond3A_284 = arith.cmpi ne, %convert_element_type3A_282, %cond3A_283 : i32
      scf.if %cond3A_284 {
        %dma_wait3A_437 = arith.constant 0 : i32
        %dma_wait3A_438 = arith.constant 0 : i32
        %dma_wait3A_439 = tpu.memref_slice %arg14[%dma_wait3A_437, %dma_wait3A_438] : memref<641x16xf32, #tpu.memory_space<vmem>> -> memref<608x16xf32, #tpu.memory_space<vmem>>
        %dma_wait3A_440 = arith.constant 0 : i32
        %dma_wait3A_441 = arith.constant 0 : i32
        %dma_wait3A_442 = tpu.memref_slice %arg2[%add3A_266, %dma_wait3A_440, %dma_wait3A_441] : memref<96x16384x16xf32, #tpu.memory_space<hbm>> -> memref<1x16384x16xf32, #tpu.memory_space<hbm>>
        %dma_wait3A_443 = tpu.memref_squeeze %dma_wait3A_442 : memref<1x16384x16xf32, #tpu.memory_space<hbm>> -> memref<16384x16xf32, #tpu.memory_space<hbm>>
        %dma_wait3A_444 = arith.constant 0 : i32
        %dma_wait3A_445 = arith.constant 0 : i32
        %dma_wait3A_446 = tpu.memref_slice %dma_wait3A_443[%dma_wait3A_444, %dma_wait3A_445] : memref<16384x16xf32, #tpu.memory_space<hbm>> -> memref<16384x16xf32, #tpu.memory_space<hbm>>
        tpu.wait_indirect_dma semaphore(%arg22 : memref<!tpu.dma_semaphore, #tpu.memory_space<semaphore_mem>>) src(%dma_wait3A_446 : memref<16384x16xf32, #tpu.memory_space<hbm>>) dst(%dma_wait3A_439 : memref<608x16xf32, #tpu.memory_space<vmem>>)
      } else {
      }
      %convert_element_type3A_285 = arith.extui %or3A_89 : i1 to i32
      %cond3A_286 = arith.constant 0 : i32
      %cond3A_287 = arith.cmpi ne, %convert_element_type3A_285, %cond3A_286 : i32
      scf.if %cond3A_287 {
        %dma_wait3A_437 = arith.constant 0 : i32
        %dma_wait3A_438 = arith.constant 0 : i32
        %dma_wait3A_439 = tpu.memref_slice %arg14[%dma_wait3A_437, %dma_wait3A_438] : memref<641x16xf32, #tpu.memory_space<vmem>> -> memref<640x16xf32, #tpu.memory_space<vmem>>
        %dma_wait3A_440 = arith.constant 0 : i32
        %dma_wait3A_441 = arith.constant 0 : i32
        %dma_wait3A_442 = tpu.memref_slice %arg2[%add3A_266, %dma_wait3A_440, %dma_wait3A_441] : memref<96x16384x16xf32, #tpu.memory_space<hbm>> -> memref<1x16384x16xf32, #tpu.memory_space<hbm>>
        %dma_wait3A_443 = tpu.memref_squeeze %dma_wait3A_442 : memref<1x16384x16xf32, #tpu.memory_space<hbm>> -> memref<16384x16xf32, #tpu.memory_space<hbm>>
        %dma_wait3A_444 = arith.constant 0 : i32
        %dma_wait3A_445 = arith.constant 0 : i32
        %dma_wait3A_446 = tpu.memref_slice %dma_wait3A_443[%dma_wait3A_444, %dma_wait3A_445] : memref<16384x16xf32, #tpu.memory_space<hbm>> -> memref<16384x16xf32, #tpu.memory_space<hbm>>
        tpu.wait_indirect_dma semaphore(%arg22 : memref<!tpu.dma_semaphore, #tpu.memory_space<semaphore_mem>>) src(%dma_wait3A_446 : memref<16384x16xf32, #tpu.memory_space<hbm>>) dst(%dma_wait3A_439 : memref<640x16xf32, #tpu.memory_space<vmem>>)
      } else {
      }
      %gt3A = arith.constant 0 : i32
      %gt3A_288 = arith.cmpi sgt, %add3A_264, %gt3A : i32
      %convert_element_type3A_289 = arith.extui %gt3A_288 : i1 to i32
      %cond3A_290 = arith.constant 0 : i32
      %cond3A_291 = arith.cmpi ne, %convert_element_type3A_289, %cond3A_290 : i32
      scf.if %cond3A_291 {
        %sub3A = arith.constant 4 : i32
        %sub3A_437 = arith.subi %add3A_266, %sub3A : i32
        %dma_wait3A_438 = arith.constant 0 : i32
        %dma_wait3A_439 = tpu.memref_slice %arg5[%sub3A_437, %mul3A_2, %dma_wait3A_438] : memref<96x512x512xf32, #tpu.memory_space<hbm>> -> memref<1x16x512xf32, #tpu.memory_space<hbm>>
        %dma_wait3A_440 = tpu.memref_squeeze %dma_wait3A_439 : memref<1x16x512xf32, #tpu.memory_space<hbm>> -> memref<16x512xf32, #tpu.memory_space<hbm>>
        %dma_wait3A_441 = arith.constant 0 : i32
        %dma_wait3A_442 = tpu.memref_slice %arg5[%sub3A_437, %mul3A_2, %dma_wait3A_441] : memref<96x512x512xf32, #tpu.memory_space<hbm>> -> memref<1x16x512xf32, #tpu.memory_space<hbm>>
        %dma_wait3A_443 = tpu.memref_squeeze %dma_wait3A_442 : memref<1x16x512xf32, #tpu.memory_space<hbm>> -> memref<16x512xf32, #tpu.memory_space<hbm>>
        tpu.wait_dma2 semaphore(%arg26 : memref<!tpu.dma_semaphore, #tpu.memory_space<semaphore_mem>>) src(%arg18 : memref<16x512xf32, #tpu.memory_space<vmem>>) dst(%dma_wait3A_443 : memref<16x512xf32, #tpu.memory_space<hbm>>)
      } else {
      }
      %parallel_loop3A = arith.constant 0 : i32
      %parallel_loop3A_292 = arith.constant 4096 : i32
      %parallel_loop3A_293 = arith.constant 16 : i32
      scf.for %parallel_loop3A_437 = %parallel_loop3A to %parallel_loop3A_292 step %parallel_loop3A_293  : i32 {
        %parallel_loop3A_438 = arith.index_cast %parallel_loop3A_437 : i32 to index
        %parallel_loop3A_439 = tpu.vector_load %arg13[%parallel_loop3A_438] {strides = array<i32>} : memref<4096xi32, #tpu.memory_space<vmem>>, vector<16xi32>,
        %parallel_loop3A_440 = arith.constant 4 : i32
        %parallel_loop3A_441 = vector.broadcast %parallel_loop3A_440 : i32 to vector<16xi32>
        %parallel_loop3A_442 = arith.shrui %parallel_loop3A_439, %parallel_loop3A_441 : vector<16xi32>
        %parallel_loop3A_443 = arith.constant 15 : i32
        %parallel_loop3A_444 = vector.broadcast %parallel_loop3A_443 : i32 to vector<16xi32>
        %parallel_loop3A_445 = arith.andi %parallel_loop3A_439, %parallel_loop3A_444 : vector<16xi32>
        %parallel_loop3A_446 = tpu.vector_load_idx %arg14[%parallel_loop3A_442, %parallel_loop3A_445] : memref<641x16xf32, #tpu.memory_space<vmem>>[vector<16xi32>, vector<16xi32>], vector<16xf32>,
        %parallel_loop3A_447 = arith.constant 8 : i32
        %parallel_loop3A_448 = arith.shrui %parallel_loop3A_437, %parallel_loop3A_447 : i32
        %parallel_loop3A_449 = arith.constant 256 : i32
        %parallel_loop3A_450 = arith.remsi %parallel_loop3A_437, %parallel_loop3A_449 : i32
        %parallel_loop3A_451 = arith.index_cast %parallel_loop3A_448 : i32 to index
        %parallel_loop3A_452 = arith.index_cast %parallel_loop3A_450 : i32 to index
        %parallel_loop3A_453 = tpu.vector_load %arg18[%parallel_loop3A_451, %parallel_loop3A_452] {strides = array<i32>} : memref<16x512xf32, #tpu.memory_space<vmem>>, vector<16xf32>,
        tpu.vector_store %arg18[%parallel_loop3A_451, %parallel_loop3A_452], %parallel_loop3A_446 {strides = array<i32>} : memref<16x512xf32, #tpu.memory_space<vmem>>, vector<16xf32>,
      } {sc.loop_unroll_factor = 8 : i64, sc.parallel_access}
      %add3A_294 = arith.constant 4 : i32
      %add3A_295 = arith.addi %add3A_266, %add3A_294 : i32
      %lt3A = arith.constant 96 : i32
      %lt3A_296 = arith.cmpi slt, %add3A_295, %lt3A : i32
      %convert_element_type3A_297 = arith.extui %lt3A_296 : i1 to i32
      %cond3A_298 = arith.constant 0 : i32
      %cond3A_299 = arith.cmpi ne, %convert_element_type3A_297, %cond3A_298 : i32
      scf.if %cond3A_299 {
        %add3A_437 = arith.constant 4 : i32
        %add3A_438 = arith.addi %add3A_266, %add3A_437 : i32
        %convert_element_type3A_439 = arith.extui %or3A_8 : i1 to i32
        %cond3A_440 = arith.constant 0 : i32
        %cond3A_441 = arith.cmpi ne, %convert_element_type3A_439, %cond3A_440 : i32
        scf.if %cond3A_441 {
          %dma_start3A_460 = arith.constant 0 : i32
          %dma_start3A_461 = arith.constant 0 : i32
          %dma_start3A_462 = tpu.memref_slice %arg14[%dma_start3A_460, %dma_start3A_461] : memref<641x16xf32, #tpu.memory_space<vmem>> -> memref<320x16xf32, #tpu.memory_space<vmem>>
          %dma_start3A_463 = arith.constant 0 : i32
          %dma_start3A_464 = arith.constant 0 : i32
          %dma_start3A_465 = tpu.memref_slice %arg2[%add3A_438, %dma_start3A_463, %dma_start3A_464] : memref<96x16384x16xf32, #tpu.memory_space<hbm>> -> memref<1x16384x16xf32, #tpu.memory_space<hbm>>
          %dma_start3A_466 = tpu.memref_squeeze %dma_start3A_465 : memref<1x16384x16xf32, #tpu.memory_space<hbm>> -> memref<16384x16xf32, #tpu.memory_space<hbm>>
          %dma_start3A_467 = arith.constant 0 : i32
          %dma_start3A_468 = arith.constant 0 : i32
          %dma_start3A_469 = tpu.memref_slice %dma_start3A_466[%dma_start3A_467, %dma_start3A_468] : memref<16384x16xf32, #tpu.memory_space<hbm>> -> memref<16384x16xf32, #tpu.memory_space<hbm>>
          tpu.enqueue_indirect_dma source(%dma_start3A_469 : memref<16384x16xf32, #tpu.memory_space<hbm>>) target(%dma_start3A_462 : memref<320x16xf32, #tpu.memory_space<vmem>>) offsets(%arg6 : memref<320xi32, #tpu.memory_space<vmem>>) semaphore(%arg22 : memref<!tpu.dma_semaphore, #tpu.memory_space<semaphore_mem>>)
        } else {
        }
        %convert_element_type3A_442 = arith.extui %or3A_19 : i1 to i32
        %cond3A_443 = arith.constant 0 : i32
        %cond3A_444 = arith.cmpi ne, %convert_element_type3A_442, %cond3A_443 : i32
        scf.if %cond3A_444 {
          %dma_start3A_460 = arith.constant 0 : i32
          %dma_start3A_461 = arith.constant 0 : i32
          %dma_start3A_462 = tpu.memref_slice %arg14[%dma_start3A_460, %dma_start3A_461] : memref<641x16xf32, #tpu.memory_space<vmem>> -> memref<384x16xf32, #tpu.memory_space<vmem>>
          %dma_start3A_463 = arith.constant 0 : i32
          %dma_start3A_464 = arith.constant 0 : i32
          %dma_start3A_465 = tpu.memref_slice %arg2[%add3A_438, %dma_start3A_463, %dma_start3A_464] : memref<96x16384x16xf32, #tpu.memory_space<hbm>> -> memref<1x16384x16xf32, #tpu.memory_space<hbm>>
          %dma_start3A_466 = tpu.memref_squeeze %dma_start3A_465 : memref<1x16384x16xf32, #tpu.memory_space<hbm>> -> memref<16384x16xf32, #tpu.memory_space<hbm>>
          %dma_start3A_467 = arith.constant 0 : i32
          %dma_start3A_468 = arith.constant 0 : i32
          %dma_start3A_469 = tpu.memref_slice %dma_start3A_466[%dma_start3A_467, %dma_start3A_468] : memref<16384x16xf32, #tpu.memory_space<hbm>> -> memref<16384x16xf32, #tpu.memory_space<hbm>>
          tpu.enqueue_indirect_dma source(%dma_start3A_469 : memref<16384x16xf32, #tpu.memory_space<hbm>>) target(%dma_start3A_462 : memref<384x16xf32, #tpu.memory_space<vmem>>) offsets(%arg7 : memref<384xi32, #tpu.memory_space<vmem>>) semaphore(%arg22 : memref<!tpu.dma_semaphore, #tpu.memory_space<semaphore_mem>>)
        } else {
        }
        %convert_element_type3A_445 = arith.extui %eq3A_21 : i1 to i32
        %cond3A_446 = arith.constant 0 : i32
        %cond3A_447 = arith.cmpi ne, %convert_element_type3A_445, %cond3A_446 : i32
        scf.if %cond3A_447 {
          %dma_start3A_460 = arith.constant 0 : i32
          %dma_start3A_461 = arith.constant 0 : i32
          %dma_start3A_462 = tpu.memref_slice %arg14[%dma_start3A_460, %dma_start3A_461] : memref<641x16xf32, #tpu.memory_space<vmem>> -> memref<416x16xf32, #tpu.memory_space<vmem>>
          %dma_start3A_463 = arith.constant 0 : i32
          %dma_start3A_464 = arith.constant 0 : i32
          %dma_start3A_465 = tpu.memref_slice %arg2[%add3A_438, %dma_start3A_463, %dma_start3A_464] : memref<96x16384x16xf32, #tpu.memory_space<hbm>> -> memref<1x16384x16xf32, #tpu.memory_space<hbm>>
          %dma_start3A_466 = tpu.memref_squeeze %dma_start3A_465 : memref<1x16384x16xf32, #tpu.memory_space<hbm>> -> memref<16384x16xf32, #tpu.memory_space<hbm>>
          %dma_start3A_467 = arith.constant 0 : i32
          %dma_start3A_468 = arith.constant 0 : i32
          %dma_start3A_469 = tpu.memref_slice %dma_start3A_466[%dma_start3A_467, %dma_start3A_468] : memref<16384x16xf32, #tpu.memory_space<hbm>> -> memref<16384x16xf32, #tpu.memory_space<hbm>>
          tpu.enqueue_indirect_dma source(%dma_start3A_469 : memref<16384x16xf32, #tpu.memory_space<hbm>>) target(%dma_start3A_462 : memref<416x16xf32, #tpu.memory_space<vmem>>) offsets(%arg8 : memref<416xi32, #tpu.memory_space<vmem>>) semaphore(%arg22 : memref<!tpu.dma_semaphore, #tpu.memory_space<semaphore_mem>>)
        } else {
        }
        %convert_element_type3A_448 = arith.extui %or3A_44 : i1 to i32
        %cond3A_449 = arith.constant 0 : i32
        %cond3A_450 = arith.cmpi ne, %convert_element_type3A_448, %cond3A_449 : i32
        scf.if %cond3A_450 {
          %dma_start3A_460 = arith.constant 0 : i32
          %dma_start3A_461 = arith.constant 0 : i32
          %dma_start3A_462 = tpu.memref_slice %arg14[%dma_start3A_460, %dma_start3A_461] : memref<641x16xf32, #tpu.memory_space<vmem>> -> memref<448x16xf32, #tpu.memory_space<vmem>>
          %dma_start3A_463 = arith.constant 0 : i32
          %dma_start3A_464 = arith.constant 0 : i32
          %dma_start3A_465 = tpu.memref_slice %arg2[%add3A_438, %dma_start3A_463, %dma_start3A_464] : memref<96x16384x16xf32, #tpu.memory_space<hbm>> -> memref<1x16384x16xf32, #tpu.memory_space<hbm>>
          %dma_start3A_466 = tpu.memref_squeeze %dma_start3A_465 : memref<1x16384x16xf32, #tpu.memory_space<hbm>> -> memref<16384x16xf32, #tpu.memory_space<hbm>>
          %dma_start3A_467 = arith.constant 0 : i32
          %dma_start3A_468 = arith.constant 0 : i32
          %dma_start3A_469 = tpu.memref_slice %dma_start3A_466[%dma_start3A_467, %dma_start3A_468] : memref<16384x16xf32, #tpu.memory_space<hbm>> -> memref<16384x16xf32, #tpu.memory_space<hbm>>
          tpu.enqueue_indirect_dma source(%dma_start3A_469 : memref<16384x16xf32, #tpu.memory_space<hbm>>) target(%dma_start3A_462 : memref<448x16xf32, #tpu.memory_space<vmem>>) offsets(%arg9 : memref<448xi32, #tpu.memory_space<vmem>>) semaphore(%arg22 : memref<!tpu.dma_semaphore, #tpu.memory_space<semaphore_mem>>)
        } else {
        }
        %convert_element_type3A_451 = arith.extui %or3A_55 : i1 to i32
        %cond3A_452 = arith.constant 0 : i32
        %cond3A_453 = arith.cmpi ne, %convert_element_type3A_451, %cond3A_452 : i32
        scf.if %cond3A_453 {
          %dma_start3A_460 = arith.constant 0 : i32
          %dma_start3A_461 = arith.constant 0 : i32
          %dma_start3A_462 = tpu.memref_slice %arg14[%dma_start3A_460, %dma_start3A_461] : memref<641x16xf32, #tpu.memory_space<vmem>> -> memref<544x16xf32, #tpu.memory_space<vmem>>
          %dma_start3A_463 = arith.constant 0 : i32
          %dma_start3A_464 = arith.constant 0 : i32
          %dma_start3A_465 = tpu.memref_slice %arg2[%add3A_438, %dma_start3A_463, %dma_start3A_464] : memref<96x16384x16xf32, #tpu.memory_space<hbm>> -> memref<1x16384x16xf32, #tpu.memory_space<hbm>>
          %dma_start3A_466 = tpu.memref_squeeze %dma_start3A_465 : memref<1x16384x16xf32, #tpu.memory_space<hbm>> -> memref<16384x16xf32, #tpu.memory_space<hbm>>
          %dma_start3A_467 = arith.constant 0 : i32
          %dma_start3A_468 = arith.constant 0 : i32
          %dma_start3A_469 = tpu.memref_slice %dma_start3A_466[%dma_start3A_467, %dma_start3A_468] : memref<16384x16xf32, #tpu.memory_space<hbm>> -> memref<16384x16xf32, #tpu.memory_space<hbm>>
          tpu.enqueue_indirect_dma source(%dma_start3A_469 : memref<16384x16xf32, #tpu.memory_space<hbm>>) target(%dma_start3A_462 : memref<544x16xf32, #tpu.memory_space<vmem>>) offsets(%arg10 : memref<544xi32, #tpu.memory_space<vmem>>) semaphore(%arg22 : memref<!tpu.dma_semaphore, #tpu.memory_space<semaphore_mem>>)
        } else {
        }
        %convert_element_type3A_454 = arith.extui %or3A_66 : i1 to i32
        %cond3A_455 = arith.constant 0 : i32
        %cond3A_456 = arith.cmpi ne, %convert_element_type3A_454, %cond3A_455 : i32
        scf.if %cond3A_456 {
          %dma_start3A_460 = arith.constant 0 : i32
          %dma_start3A_461 = arith.constant 0 : i32
          %dma_start3A_462 = tpu.memref_slice %arg14[%dma_start3A_460, %dma_start3A_461] : memref<641x16xf32, #tpu.memory_space<vmem>> -> memref<608x16xf32, #tpu.memory_space<vmem>>
          %dma_start3A_463 = arith.constant 0 : i32
          %dma_start3A_464 = arith.constant 0 : i32
          %dma_start3A_465 = tpu.memref_slice %arg2[%add3A_438, %dma_start3A_463, %dma_start3A_464] : memref<96x16384x16xf32, #tpu.memory_space<hbm>> -> memref<1x16384x16xf32, #tpu.memory_space<hbm>>
          %dma_start3A_466 = tpu.memref_squeeze %dma_start3A_465 : memref<1x16384x16xf32, #tpu.memory_space<hbm>> -> memref<16384x16xf32, #tpu.memory_space<hbm>>
          %dma_start3A_467 = arith.constant 0 : i32
          %dma_start3A_468 = arith.constant 0 : i32
          %dma_start3A_469 = tpu.memref_slice %dma_start3A_466[%dma_start3A_467, %dma_start3A_468] : memref<16384x16xf32, #tpu.memory_space<hbm>> -> memref<16384x16xf32, #tpu.memory_space<hbm>>
          tpu.enqueue_indirect_dma source(%dma_start3A_469 : memref<16384x16xf32, #tpu.memory_space<hbm>>) target(%dma_start3A_462 : memref<608x16xf32, #tpu.memory_space<vmem>>) offsets(%arg11 : memref<608xi32, #tpu.memory_space<vmem>>) semaphore(%arg22 : memref<!tpu.dma_semaphore, #tpu.memory_space<semaphore_mem>>)
        } else {
        }
        %convert_element_type3A_457 = arith.extui %or3A_89 : i1 to i32
        %cond3A_458 = arith.constant 0 : i32
        %cond3A_459 = arith.cmpi ne, %convert_element_type3A_457, %cond3A_458 : i32
        scf.if %cond3A_459 {
          %dma_start3A_460 = arith.constant 0 : i32
          %dma_start3A_461 = arith.constant 0 : i32
          %dma_start3A_462 = tpu.memref_slice %arg14[%dma_start3A_460, %dma_start3A_461] : memref<641x16xf32, #tpu.memory_space<vmem>> -> memref<640x16xf32, #tpu.memory_space<vmem>>
          %dma_start3A_463 = arith.constant 0 : i32
          %dma_start3A_464 = arith.constant 0 : i32
          %dma_start3A_465 = tpu.memref_slice %arg2[%add3A_438, %dma_start3A_463, %dma_start3A_464] : memref<96x16384x16xf32, #tpu.memory_space<hbm>> -> memref<1x16384x16xf32, #tpu.memory_space<hbm>>
          %dma_start3A_466 = tpu.memref_squeeze %dma_start3A_465 : memref<1x16384x16xf32, #tpu.memory_space<hbm>> -> memref<16384x16xf32, #tpu.memory_space<hbm>>
          %dma_start3A_467 = arith.constant 0 : i32
          %dma_start3A_468 = arith.constant 0 : i32
          %dma_start3A_469 = tpu.memref_slice %dma_start3A_466[%dma_start3A_467, %dma_start3A_468] : memref<16384x16xf32, #tpu.memory_space<hbm>> -> memref<16384x16xf32, #tpu.memory_space<hbm>>
          tpu.enqueue_indirect_dma source(%dma_start3A_469 : memref<16384x16xf32, #tpu.memory_space<hbm>>) target(%dma_start3A_462 : memref<640x16xf32, #tpu.memory_space<vmem>>) offsets(%arg12 : memref<640xi32, #tpu.memory_space<vmem>>) semaphore(%arg22 : memref<!tpu.dma_semaphore, #tpu.memory_space<semaphore_mem>>)
        } else {
        }
      } else {
      }
      %dma_start3A = arith.constant 0 : i32
      %dma_start3A_300 = tpu.memref_slice %arg5[%add3A_266, %mul3A_2, %dma_start3A] : memref<96x512x512xf32, #tpu.memory_space<hbm>> -> memref<1x16x512xf32, #tpu.memory_space<hbm>>
      %dma_start3A_301 = tpu.memref_squeeze %dma_start3A_300 : memref<1x16x512xf32, #tpu.memory_space<hbm>> -> memref<16x512xf32, #tpu.memory_space<hbm>>
      %dma_start3A_302 = arith.constant 0 : i32
      %dma_start3A_303 = tpu.memref_slice %arg5[%add3A_266, %mul3A_2, %dma_start3A_302] : memref<96x512x512xf32, #tpu.memory_space<hbm>> -> memref<1x16x512xf32, #tpu.memory_space<hbm>>
      %dma_start3A_304 = tpu.memref_squeeze %dma_start3A_303 : memref<1x16x512xf32, #tpu.memory_space<hbm>> -> memref<16x512xf32, #tpu.memory_space<hbm>>
      tpu.enqueue_dma source(%arg18 : memref<16x512xf32, #tpu.memory_space<vmem>>) target(%dma_start3A_304 : memref<16x512xf32, #tpu.memory_space<hbm>>) target_semaphore(%arg26 : memref<!tpu.dma_semaphore, #tpu.memory_space<semaphore_mem>>)
      %add3A_305 = arith.constant 1 : i32
      %add3A_306 = arith.addi %add3A_264, %add3A_305 : i32
      %convert_element_type3A_307 = arith.extui %or3A_8 : i1 to i32
      %cond3A_308 = arith.constant 0 : i32
      %cond3A_309 = arith.cmpi ne, %convert_element_type3A_307, %cond3A_308 : i32
      scf.if %cond3A_309 {
        %dma_wait3A_437 = arith.constant 0 : i32
        %dma_wait3A_438 = arith.constant 0 : i32
        %dma_wait3A_439 = tpu.memref_slice %arg15[%dma_wait3A_437, %dma_wait3A_438] : memref<641x16xf32, #tpu.memory_space<vmem>> -> memref<320x16xf32, #tpu.memory_space<vmem>>
        %dma_wait3A_440 = arith.constant 0 : i32
        %dma_wait3A_441 = arith.constant 0 : i32
        %dma_wait3A_442 = tpu.memref_slice %arg2[%add3A_306, %dma_wait3A_440, %dma_wait3A_441] : memref<96x16384x16xf32, #tpu.memory_space<hbm>> -> memref<1x16384x16xf32, #tpu.memory_space<hbm>>
        %dma_wait3A_443 = tpu.memref_squeeze %dma_wait3A_442 : memref<1x16384x16xf32, #tpu.memory_space<hbm>> -> memref<16384x16xf32, #tpu.memory_space<hbm>>
        %dma_wait3A_444 = arith.constant 0 : i32
        %dma_wait3A_445 = arith.constant 0 : i32
        %dma_wait3A_446 = tpu.memref_slice %dma_wait3A_443[%dma_wait3A_444, %dma_wait3A_445] : memref<16384x16xf32, #tpu.memory_space<hbm>> -> memref<16384x16xf32, #tpu.memory_space<hbm>>
        tpu.wait_indirect_dma semaphore(%arg23 : memref<!tpu.dma_semaphore, #tpu.memory_space<semaphore_mem>>) src(%dma_wait3A_446 : memref<16384x16xf32, #tpu.memory_space<hbm>>) dst(%dma_wait3A_439 : memref<320x16xf32, #tpu.memory_space<vmem>>)
      } else {
      }
      %convert_element_type3A_310 = arith.extui %or3A_19 : i1 to i32
      %cond3A_311 = arith.constant 0 : i32
      %cond3A_312 = arith.cmpi ne, %convert_element_type3A_310, %cond3A_311 : i32
      scf.if %cond3A_312 {
        %dma_wait3A_437 = arith.constant 0 : i32
        %dma_wait3A_438 = arith.constant 0 : i32
        %dma_wait3A_439 = tpu.memref_slice %arg15[%dma_wait3A_437, %dma_wait3A_438] : memref<641x16xf32, #tpu.memory_space<vmem>> -> memref<384x16xf32, #tpu.memory_space<vmem>>
        %dma_wait3A_440 = arith.constant 0 : i32
        %dma_wait3A_441 = arith.constant 0 : i32
        %dma_wait3A_442 = tpu.memref_slice %arg2[%add3A_306, %dma_wait3A_440, %dma_wait3A_441] : memref<96x16384x16xf32, #tpu.memory_space<hbm>> -> memref<1x16384x16xf32, #tpu.memory_space<hbm>>
        %dma_wait3A_443 = tpu.memref_squeeze %dma_wait3A_442 : memref<1x16384x16xf32, #tpu.memory_space<hbm>> -> memref<16384x16xf32, #tpu.memory_space<hbm>>
        %dma_wait3A_444 = arith.constant 0 : i32
        %dma_wait3A_445 = arith.constant 0 : i32
        %dma_wait3A_446 = tpu.memref_slice %dma_wait3A_443[%dma_wait3A_444, %dma_wait3A_445] : memref<16384x16xf32, #tpu.memory_space<hbm>> -> memref<16384x16xf32, #tpu.memory_space<hbm>>
        tpu.wait_indirect_dma semaphore(%arg23 : memref<!tpu.dma_semaphore, #tpu.memory_space<semaphore_mem>>) src(%dma_wait3A_446 : memref<16384x16xf32, #tpu.memory_space<hbm>>) dst(%dma_wait3A_439 : memref<384x16xf32, #tpu.memory_space<vmem>>)
      } else {
      }
      %convert_element_type3A_313 = arith.extui %eq3A_21 : i1 to i32
      %cond3A_314 = arith.constant 0 : i32
      %cond3A_315 = arith.cmpi ne, %convert_element_type3A_313, %cond3A_314 : i32
      scf.if %cond3A_315 {
        %dma_wait3A_437 = arith.constant 0 : i32
        %dma_wait3A_438 = arith.constant 0 : i32
        %dma_wait3A_439 = tpu.memref_slice %arg15[%dma_wait3A_437, %dma_wait3A_438] : memref<641x16xf32, #tpu.memory_space<vmem>> -> memref<416x16xf32, #tpu.memory_space<vmem>>
        %dma_wait3A_440 = arith.constant 0 : i32
        %dma_wait3A_441 = arith.constant 0 : i32
        %dma_wait3A_442 = tpu.memref_slice %arg2[%add3A_306, %dma_wait3A_440, %dma_wait3A_441] : memref<96x16384x16xf32, #tpu.memory_space<hbm>> -> memref<1x16384x16xf32, #tpu.memory_space<hbm>>
        %dma_wait3A_443 = tpu.memref_squeeze %dma_wait3A_442 : memref<1x16384x16xf32, #tpu.memory_space<hbm>> -> memref<16384x16xf32, #tpu.memory_space<hbm>>
        %dma_wait3A_444 = arith.constant 0 : i32
        %dma_wait3A_445 = arith.constant 0 : i32
        %dma_wait3A_446 = tpu.memref_slice %dma_wait3A_443[%dma_wait3A_444, %dma_wait3A_445] : memref<16384x16xf32, #tpu.memory_space<hbm>> -> memref<16384x16xf32, #tpu.memory_space<hbm>>
        tpu.wait_indirect_dma semaphore(%arg23 : memref<!tpu.dma_semaphore, #tpu.memory_space<semaphore_mem>>) src(%dma_wait3A_446 : memref<16384x16xf32, #tpu.memory_space<hbm>>) dst(%dma_wait3A_439 : memref<416x16xf32, #tpu.memory_space<vmem>>)
      } else {
      }
      %convert_element_type3A_316 = arith.extui %or3A_44 : i1 to i32
      %cond3A_317 = arith.constant 0 : i32
      %cond3A_318 = arith.cmpi ne, %convert_element_type3A_316, %cond3A_317 : i32
      scf.if %cond3A_318 {
        %dma_wait3A_437 = arith.constant 0 : i32
        %dma_wait3A_438 = arith.constant 0 : i32
        %dma_wait3A_439 = tpu.memref_slice %arg15[%dma_wait3A_437, %dma_wait3A_438] : memref<641x16xf32, #tpu.memory_space<vmem>> -> memref<448x16xf32, #tpu.memory_space<vmem>>
        %dma_wait3A_440 = arith.constant 0 : i32
        %dma_wait3A_441 = arith.constant 0 : i32
        %dma_wait3A_442 = tpu.memref_slice %arg2[%add3A_306, %dma_wait3A_440, %dma_wait3A_441] : memref<96x16384x16xf32, #tpu.memory_space<hbm>> -> memref<1x16384x16xf32, #tpu.memory_space<hbm>>
        %dma_wait3A_443 = tpu.memref_squeeze %dma_wait3A_442 : memref<1x16384x16xf32, #tpu.memory_space<hbm>> -> memref<16384x16xf32, #tpu.memory_space<hbm>>
        %dma_wait3A_444 = arith.constant 0 : i32
        %dma_wait3A_445 = arith.constant 0 : i32
        %dma_wait3A_446 = tpu.memref_slice %dma_wait3A_443[%dma_wait3A_444, %dma_wait3A_445] : memref<16384x16xf32, #tpu.memory_space<hbm>> -> memref<16384x16xf32, #tpu.memory_space<hbm>>
        tpu.wait_indirect_dma semaphore(%arg23 : memref<!tpu.dma_semaphore, #tpu.memory_space<semaphore_mem>>) src(%dma_wait3A_446 : memref<16384x16xf32, #tpu.memory_space<hbm>>) dst(%dma_wait3A_439 : memref<448x16xf32, #tpu.memory_space<vmem>>)
      } else {
      }
      %convert_element_type3A_319 = arith.extui %or3A_55 : i1 to i32
      %cond3A_320 = arith.constant 0 : i32
      %cond3A_321 = arith.cmpi ne, %convert_element_type3A_319, %cond3A_320 : i32
      scf.if %cond3A_321 {
        %dma_wait3A_437 = arith.constant 0 : i32
        %dma_wait3A_438 = arith.constant 0 : i32
        %dma_wait3A_439 = tpu.memref_slice %arg15[%dma_wait3A_437, %dma_wait3A_438] : memref<641x16xf32, #tpu.memory_space<vmem>> -> memref<544x16xf32, #tpu.memory_space<vmem>>
        %dma_wait3A_440 = arith.constant 0 : i32
        %dma_wait3A_441 = arith.constant 0 : i32
        %dma_wait3A_442 = tpu.memref_slice %arg2[%add3A_306, %dma_wait3A_440, %dma_wait3A_441] : memref<96x16384x16xf32, #tpu.memory_space<hbm>> -> memref<1x16384x16xf32, #tpu.memory_space<hbm>>
        %dma_wait3A_443 = tpu.memref_squeeze %dma_wait3A_442 : memref<1x16384x16xf32, #tpu.memory_space<hbm>> -> memref<16384x16xf32, #tpu.memory_space<hbm>>
        %dma_wait3A_444 = arith.constant 0 : i32
        %dma_wait3A_445 = arith.constant 0 : i32
        %dma_wait3A_446 = tpu.memref_slice %dma_wait3A_443[%dma_wait3A_444, %dma_wait3A_445] : memref<16384x16xf32, #tpu.memory_space<hbm>> -> memref<16384x16xf32, #tpu.memory_space<hbm>>
        tpu.wait_indirect_dma semaphore(%arg23 : memref<!tpu.dma_semaphore, #tpu.memory_space<semaphore_mem>>) src(%dma_wait3A_446 : memref<16384x16xf32, #tpu.memory_space<hbm>>) dst(%dma_wait3A_439 : memref<544x16xf32, #tpu.memory_space<vmem>>)
      } else {
      }
      %convert_element_type3A_322 = arith.extui %or3A_66 : i1 to i32
      %cond3A_323 = arith.constant 0 : i32
      %cond3A_324 = arith.cmpi ne, %convert_element_type3A_322, %cond3A_323 : i32
      scf.if %cond3A_324 {
        %dma_wait3A_437 = arith.constant 0 : i32
        %dma_wait3A_438 = arith.constant 0 : i32
        %dma_wait3A_439 = tpu.memref_slice %arg15[%dma_wait3A_437, %dma_wait3A_438] : memref<641x16xf32, #tpu.memory_space<vmem>> -> memref<608x16xf32, #tpu.memory_space<vmem>>
        %dma_wait3A_440 = arith.constant 0 : i32
        %dma_wait3A_441 = arith.constant 0 : i32
        %dma_wait3A_442 = tpu.memref_slice %arg2[%add3A_306, %dma_wait3A_440, %dma_wait3A_441] : memref<96x16384x16xf32, #tpu.memory_space<hbm>> -> memref<1x16384x16xf32, #tpu.memory_space<hbm>>
        %dma_wait3A_443 = tpu.memref_squeeze %dma_wait3A_442 : memref<1x16384x16xf32, #tpu.memory_space<hbm>> -> memref<16384x16xf32, #tpu.memory_space<hbm>>
        %dma_wait3A_444 = arith.constant 0 : i32
        %dma_wait3A_445 = arith.constant 0 : i32
        %dma_wait3A_446 = tpu.memref_slice %dma_wait3A_443[%dma_wait3A_444, %dma_wait3A_445] : memref<16384x16xf32, #tpu.memory_space<hbm>> -> memref<16384x16xf32, #tpu.memory_space<hbm>>
        tpu.wait_indirect_dma semaphore(%arg23 : memref<!tpu.dma_semaphore, #tpu.memory_space<semaphore_mem>>) src(%dma_wait3A_446 : memref<16384x16xf32, #tpu.memory_space<hbm>>) dst(%dma_wait3A_439 : memref<608x16xf32, #tpu.memory_space<vmem>>)
      } else {
      }
      %convert_element_type3A_325 = arith.extui %or3A_89 : i1 to i32
      %cond3A_326 = arith.constant 0 : i32
      %cond3A_327 = arith.cmpi ne, %convert_element_type3A_325, %cond3A_326 : i32
      scf.if %cond3A_327 {
        %dma_wait3A_437 = arith.constant 0 : i32
        %dma_wait3A_438 = arith.constant 0 : i32
        %dma_wait3A_439 = tpu.memref_slice %arg15[%dma_wait3A_437, %dma_wait3A_438] : memref<641x16xf32, #tpu.memory_space<vmem>> -> memref<640x16xf32, #tpu.memory_space<vmem>>
        %dma_wait3A_440 = arith.constant 0 : i32
        %dma_wait3A_441 = arith.constant 0 : i32
        %dma_wait3A_442 = tpu.memref_slice %arg2[%add3A_306, %dma_wait3A_440, %dma_wait3A_441] : memref<96x16384x16xf32, #tpu.memory_space<hbm>> -> memref<1x16384x16xf32, #tpu.memory_space<hbm>>
        %dma_wait3A_443 = tpu.memref_squeeze %dma_wait3A_442 : memref<1x16384x16xf32, #tpu.memory_space<hbm>> -> memref<16384x16xf32, #tpu.memory_space<hbm>>
        %dma_wait3A_444 = arith.constant 0 : i32
        %dma_wait3A_445 = arith.constant 0 : i32
        %dma_wait3A_446 = tpu.memref_slice %dma_wait3A_443[%dma_wait3A_444, %dma_wait3A_445] : memref<16384x16xf32, #tpu.memory_space<hbm>> -> memref<16384x16xf32, #tpu.memory_space<hbm>>
        tpu.wait_indirect_dma semaphore(%arg23 : memref<!tpu.dma_semaphore, #tpu.memory_space<semaphore_mem>>) src(%dma_wait3A_446 : memref<16384x16xf32, #tpu.memory_space<hbm>>) dst(%dma_wait3A_439 : memref<640x16xf32, #tpu.memory_space<vmem>>)
      } else {
      }
      %gt3A_328 = arith.constant 0 : i32
      %gt3A_329 = arith.cmpi sgt, %add3A_264, %gt3A_328 : i32
      %convert_element_type3A_330 = arith.extui %gt3A_329 : i1 to i32
      %cond3A_331 = arith.constant 0 : i32
      %cond3A_332 = arith.cmpi ne, %convert_element_type3A_330, %cond3A_331 : i32
      scf.if %cond3A_332 {
        %sub3A = arith.constant 4 : i32
        %sub3A_437 = arith.subi %add3A_306, %sub3A : i32
        %dma_wait3A_438 = arith.constant 0 : i32
        %dma_wait3A_439 = tpu.memref_slice %arg5[%sub3A_437, %mul3A_2, %dma_wait3A_438] : memref<96x512x512xf32, #tpu.memory_space<hbm>> -> memref<1x16x512xf32, #tpu.memory_space<hbm>>
        %dma_wait3A_440 = tpu.memref_squeeze %dma_wait3A_439 : memref<1x16x512xf32, #tpu.memory_space<hbm>> -> memref<16x512xf32, #tpu.memory_space<hbm>>
        %dma_wait3A_441 = arith.constant 0 : i32
        %dma_wait3A_442 = tpu.memref_slice %arg5[%sub3A_437, %mul3A_2, %dma_wait3A_441] : memref<96x512x512xf32, #tpu.memory_space<hbm>> -> memref<1x16x512xf32, #tpu.memory_space<hbm>>
        %dma_wait3A_443 = tpu.memref_squeeze %dma_wait3A_442 : memref<1x16x512xf32, #tpu.memory_space<hbm>> -> memref<16x512xf32, #tpu.memory_space<hbm>>
        tpu.wait_dma2 semaphore(%arg27 : memref<!tpu.dma_semaphore, #tpu.memory_space<semaphore_mem>>) src(%arg19 : memref<16x512xf32, #tpu.memory_space<vmem>>) dst(%dma_wait3A_443 : memref<16x512xf32, #tpu.memory_space<hbm>>)
      } else {
      }
      %parallel_loop3A_333 = arith.constant 0 : i32
      %parallel_loop3A_334 = arith.constant 4096 : i32
      %parallel_loop3A_335 = arith.constant 16 : i32
      scf.for %parallel_loop3A_437 = %parallel_loop3A_333 to %parallel_loop3A_334 step %parallel_loop3A_335  : i32 {
        %parallel_loop3A_438 = arith.index_cast %parallel_loop3A_437 : i32 to index
        %parallel_loop3A_439 = tpu.vector_load %arg13[%parallel_loop3A_438] {strides = array<i32>} : memref<4096xi32, #tpu.memory_space<vmem>>, vector<16xi32>,
        %parallel_loop3A_440 = arith.constant 4 : i32
        %parallel_loop3A_441 = vector.broadcast %parallel_loop3A_440 : i32 to vector<16xi32>
        %parallel_loop3A_442 = arith.shrui %parallel_loop3A_439, %parallel_loop3A_441 : vector<16xi32>
        %parallel_loop3A_443 = arith.constant 15 : i32
        %parallel_loop3A_444 = vector.broadcast %parallel_loop3A_443 : i32 to vector<16xi32>
        %parallel_loop3A_445 = arith.andi %parallel_loop3A_439, %parallel_loop3A_444 : vector<16xi32>
        %parallel_loop3A_446 = tpu.vector_load_idx %arg15[%parallel_loop3A_442, %parallel_loop3A_445] : memref<641x16xf32, #tpu.memory_space<vmem>>[vector<16xi32>, vector<16xi32>], vector<16xf32>,
        %parallel_loop3A_447 = arith.constant 8 : i32
        %parallel_loop3A_448 = arith.shrui %parallel_loop3A_437, %parallel_loop3A_447 : i32
        %parallel_loop3A_449 = arith.constant 256 : i32
        %parallel_loop3A_450 = arith.remsi %parallel_loop3A_437, %parallel_loop3A_449 : i32
        %parallel_loop3A_451 = arith.index_cast %parallel_loop3A_448 : i32 to index
        %parallel_loop3A_452 = arith.index_cast %parallel_loop3A_450 : i32 to index
        %parallel_loop3A_453 = tpu.vector_load %arg19[%parallel_loop3A_451, %parallel_loop3A_452] {strides = array<i32>} : memref<16x512xf32, #tpu.memory_space<vmem>>, vector<16xf32>,
        tpu.vector_store %arg19[%parallel_loop3A_451, %parallel_loop3A_452], %parallel_loop3A_446 {strides = array<i32>} : memref<16x512xf32, #tpu.memory_space<vmem>>, vector<16xf32>,
      } {sc.loop_unroll_factor = 8 : i64, sc.parallel_access}
      %add3A_336 = arith.constant 4 : i32
      %add3A_337 = arith.addi %add3A_306, %add3A_336 : i32
      %lt3A_338 = arith.constant 96 : i32
      %lt3A_339 = arith.cmpi slt, %add3A_337, %lt3A_338 : i32
      %convert_element_type3A_340 = arith.extui %lt3A_339 : i1 to i32
      %cond3A_341 = arith.constant 0 : i32
      %cond3A_342 = arith.cmpi ne, %convert_element_type3A_340, %cond3A_341 : i32
      scf.if %cond3A_342 {
        %add3A_437 = arith.constant 4 : i32
        %add3A_438 = arith.addi %add3A_306, %add3A_437 : i32
        %convert_element_type3A_439 = arith.extui %or3A_8 : i1 to i32
        %cond3A_440 = arith.constant 0 : i32
        %cond3A_441 = arith.cmpi ne, %convert_element_type3A_439, %cond3A_440 : i32
        scf.if %cond3A_441 {
          %dma_start3A_460 = arith.constant 0 : i32
          %dma_start3A_461 = arith.constant 0 : i32
          %dma_start3A_462 = tpu.memref_slice %arg15[%dma_start3A_460, %dma_start3A_461] : memref<641x16xf32, #tpu.memory_space<vmem>> -> memref<320x16xf32, #tpu.memory_space<vmem>>
          %dma_start3A_463 = arith.constant 0 : i32
          %dma_start3A_464 = arith.constant 0 : i32
          %dma_start3A_465 = tpu.memref_slice %arg2[%add3A_438, %dma_start3A_463, %dma_start3A_464] : memref<96x16384x16xf32, #tpu.memory_space<hbm>> -> memref<1x16384x16xf32, #tpu.memory_space<hbm>>
          %dma_start3A_466 = tpu.memref_squeeze %dma_start3A_465 : memref<1x16384x16xf32, #tpu.memory_space<hbm>> -> memref<16384x16xf32, #tpu.memory_space<hbm>>
          %dma_start3A_467 = arith.constant 0 : i32
          %dma_start3A_468 = arith.constant 0 : i32
          %dma_start3A_469 = tpu.memref_slice %dma_start3A_466[%dma_start3A_467, %dma_start3A_468] : memref<16384x16xf32, #tpu.memory_space<hbm>> -> memref<16384x16xf32, #tpu.memory_space<hbm>>
          tpu.enqueue_indirect_dma source(%dma_start3A_469 : memref<16384x16xf32, #tpu.memory_space<hbm>>) target(%dma_start3A_462 : memref<320x16xf32, #tpu.memory_space<vmem>>) offsets(%arg6 : memref<320xi32, #tpu.memory_space<vmem>>) semaphore(%arg23 : memref<!tpu.dma_semaphore, #tpu.memory_space<semaphore_mem>>)
        } else {
        }
        %convert_element_type3A_442 = arith.extui %or3A_19 : i1 to i32
        %cond3A_443 = arith.constant 0 : i32
        %cond3A_444 = arith.cmpi ne, %convert_element_type3A_442, %cond3A_443 : i32
        scf.if %cond3A_444 {
          %dma_start3A_460 = arith.constant 0 : i32
          %dma_start3A_461 = arith.constant 0 : i32
          %dma_start3A_462 = tpu.memref_slice %arg15[%dma_start3A_460, %dma_start3A_461] : memref<641x16xf32, #tpu.memory_space<vmem>> -> memref<384x16xf32, #tpu.memory_space<vmem>>
          %dma_start3A_463 = arith.constant 0 : i32
          %dma_start3A_464 = arith.constant 0 : i32
          %dma_start3A_465 = tpu.memref_slice %arg2[%add3A_438, %dma_start3A_463, %dma_start3A_464] : memref<96x16384x16xf32, #tpu.memory_space<hbm>> -> memref<1x16384x16xf32, #tpu.memory_space<hbm>>
          %dma_start3A_466 = tpu.memref_squeeze %dma_start3A_465 : memref<1x16384x16xf32, #tpu.memory_space<hbm>> -> memref<16384x16xf32, #tpu.memory_space<hbm>>
          %dma_start3A_467 = arith.constant 0 : i32
          %dma_start3A_468 = arith.constant 0 : i32
          %dma_start3A_469 = tpu.memref_slice %dma_start3A_466[%dma_start3A_467, %dma_start3A_468] : memref<16384x16xf32, #tpu.memory_space<hbm>> -> memref<16384x16xf32, #tpu.memory_space<hbm>>
          tpu.enqueue_indirect_dma source(%dma_start3A_469 : memref<16384x16xf32, #tpu.memory_space<hbm>>) target(%dma_start3A_462 : memref<384x16xf32, #tpu.memory_space<vmem>>) offsets(%arg7 : memref<384xi32, #tpu.memory_space<vmem>>) semaphore(%arg23 : memref<!tpu.dma_semaphore, #tpu.memory_space<semaphore_mem>>)
        } else {
        }
        %convert_element_type3A_445 = arith.extui %eq3A_21 : i1 to i32
        %cond3A_446 = arith.constant 0 : i32
        %cond3A_447 = arith.cmpi ne, %convert_element_type3A_445, %cond3A_446 : i32
        scf.if %cond3A_447 {
          %dma_start3A_460 = arith.constant 0 : i32
          %dma_start3A_461 = arith.constant 0 : i32
          %dma_start3A_462 = tpu.memref_slice %arg15[%dma_start3A_460, %dma_start3A_461] : memref<641x16xf32, #tpu.memory_space<vmem>> -> memref<416x16xf32, #tpu.memory_space<vmem>>
          %dma_start3A_463 = arith.constant 0 : i32
          %dma_start3A_464 = arith.constant 0 : i32
          %dma_start3A_465 = tpu.memref_slice %arg2[%add3A_438, %dma_start3A_463, %dma_start3A_464] : memref<96x16384x16xf32, #tpu.memory_space<hbm>> -> memref<1x16384x16xf32, #tpu.memory_space<hbm>>
          %dma_start3A_466 = tpu.memref_squeeze %dma_start3A_465 : memref<1x16384x16xf32, #tpu.memory_space<hbm>> -> memref<16384x16xf32, #tpu.memory_space<hbm>>
          %dma_start3A_467 = arith.constant 0 : i32
          %dma_start3A_468 = arith.constant 0 : i32
          %dma_start3A_469 = tpu.memref_slice %dma_start3A_466[%dma_start3A_467, %dma_start3A_468] : memref<16384x16xf32, #tpu.memory_space<hbm>> -> memref<16384x16xf32, #tpu.memory_space<hbm>>
          tpu.enqueue_indirect_dma source(%dma_start3A_469 : memref<16384x16xf32, #tpu.memory_space<hbm>>) target(%dma_start3A_462 : memref<416x16xf32, #tpu.memory_space<vmem>>) offsets(%arg8 : memref<416xi32, #tpu.memory_space<vmem>>) semaphore(%arg23 : memref<!tpu.dma_semaphore, #tpu.memory_space<semaphore_mem>>)
        } else {
        }
        %convert_element_type3A_448 = arith.extui %or3A_44 : i1 to i32
        %cond3A_449 = arith.constant 0 : i32
        %cond3A_450 = arith.cmpi ne, %convert_element_type3A_448, %cond3A_449 : i32
        scf.if %cond3A_450 {
          %dma_start3A_460 = arith.constant 0 : i32
          %dma_start3A_461 = arith.constant 0 : i32
          %dma_start3A_462 = tpu.memref_slice %arg15[%dma_start3A_460, %dma_start3A_461] : memref<641x16xf32, #tpu.memory_space<vmem>> -> memref<448x16xf32, #tpu.memory_space<vmem>>
          %dma_start3A_463 = arith.constant 0 : i32
          %dma_start3A_464 = arith.constant 0 : i32
          %dma_start3A_465 = tpu.memref_slice %arg2[%add3A_438, %dma_start3A_463, %dma_start3A_464] : memref<96x16384x16xf32, #tpu.memory_space<hbm>> -> memref<1x16384x16xf32, #tpu.memory_space<hbm>>
          %dma_start3A_466 = tpu.memref_squeeze %dma_start3A_465 : memref<1x16384x16xf32, #tpu.memory_space<hbm>> -> memref<16384x16xf32, #tpu.memory_space<hbm>>
          %dma_start3A_467 = arith.constant 0 : i32
          %dma_start3A_468 = arith.constant 0 : i32
          %dma_start3A_469 = tpu.memref_slice %dma_start3A_466[%dma_start3A_467, %dma_start3A_468] : memref<16384x16xf32, #tpu.memory_space<hbm>> -> memref<16384x16xf32, #tpu.memory_space<hbm>>
          tpu.enqueue_indirect_dma source(%dma_start3A_469 : memref<16384x16xf32, #tpu.memory_space<hbm>>) target(%dma_start3A_462 : memref<448x16xf32, #tpu.memory_space<vmem>>) offsets(%arg9 : memref<448xi32, #tpu.memory_space<vmem>>) semaphore(%arg23 : memref<!tpu.dma_semaphore, #tpu.memory_space<semaphore_mem>>)
        } else {
        }
        %convert_element_type3A_451 = arith.extui %or3A_55 : i1 to i32
        %cond3A_452 = arith.constant 0 : i32
        %cond3A_453 = arith.cmpi ne, %convert_element_type3A_451, %cond3A_452 : i32
        scf.if %cond3A_453 {
          %dma_start3A_460 = arith.constant 0 : i32
          %dma_start3A_461 = arith.constant 0 : i32
          %dma_start3A_462 = tpu.memref_slice %arg15[%dma_start3A_460, %dma_start3A_461] : memref<641x16xf32, #tpu.memory_space<vmem>> -> memref<544x16xf32, #tpu.memory_space<vmem>>
          %dma_start3A_463 = arith.constant 0 : i32
          %dma_start3A_464 = arith.constant 0 : i32
          %dma_start3A_465 = tpu.memref_slice %arg2[%add3A_438, %dma_start3A_463, %dma_start3A_464] : memref<96x16384x16xf32, #tpu.memory_space<hbm>> -> memref<1x16384x16xf32, #tpu.memory_space<hbm>>
          %dma_start3A_466 = tpu.memref_squeeze %dma_start3A_465 : memref<1x16384x16xf32, #tpu.memory_space<hbm>> -> memref<16384x16xf32, #tpu.memory_space<hbm>>
          %dma_start3A_467 = arith.constant 0 : i32
          %dma_start3A_468 = arith.constant 0 : i32
          %dma_start3A_469 = tpu.memref_slice %dma_start3A_466[%dma_start3A_467, %dma_start3A_468] : memref<16384x16xf32, #tpu.memory_space<hbm>> -> memref<16384x16xf32, #tpu.memory_space<hbm>>
          tpu.enqueue_indirect_dma source(%dma_start3A_469 : memref<16384x16xf32, #tpu.memory_space<hbm>>) target(%dma_start3A_462 : memref<544x16xf32, #tpu.memory_space<vmem>>) offsets(%arg10 : memref<544xi32, #tpu.memory_space<vmem>>) semaphore(%arg23 : memref<!tpu.dma_semaphore, #tpu.memory_space<semaphore_mem>>)
        } else {
        }
        %convert_element_type3A_454 = arith.extui %or3A_66 : i1 to i32
        %cond3A_455 = arith.constant 0 : i32
        %cond3A_456 = arith.cmpi ne, %convert_element_type3A_454, %cond3A_455 : i32
        scf.if %cond3A_456 {
          %dma_start3A_460 = arith.constant 0 : i32
          %dma_start3A_461 = arith.constant 0 : i32
          %dma_start3A_462 = tpu.memref_slice %arg15[%dma_start3A_460, %dma_start3A_461] : memref<641x16xf32, #tpu.memory_space<vmem>> -> memref<608x16xf32, #tpu.memory_space<vmem>>
          %dma_start3A_463 = arith.constant 0 : i32
          %dma_start3A_464 = arith.constant 0 : i32
          %dma_start3A_465 = tpu.memref_slice %arg2[%add3A_438, %dma_start3A_463, %dma_start3A_464] : memref<96x16384x16xf32, #tpu.memory_space<hbm>> -> memref<1x16384x16xf32, #tpu.memory_space<hbm>>
          %dma_start3A_466 = tpu.memref_squeeze %dma_start3A_465 : memref<1x16384x16xf32, #tpu.memory_space<hbm>> -> memref<16384x16xf32, #tpu.memory_space<hbm>>
          %dma_start3A_467 = arith.constant 0 : i32
          %dma_start3A_468 = arith.constant 0 : i32
          %dma_start3A_469 = tpu.memref_slice %dma_start3A_466[%dma_start3A_467, %dma_start3A_468] : memref<16384x16xf32, #tpu.memory_space<hbm>> -> memref<16384x16xf32, #tpu.memory_space<hbm>>
          tpu.enqueue_indirect_dma source(%dma_start3A_469 : memref<16384x16xf32, #tpu.memory_space<hbm>>) target(%dma_start3A_462 : memref<608x16xf32, #tpu.memory_space<vmem>>) offsets(%arg11 : memref<608xi32, #tpu.memory_space<vmem>>) semaphore(%arg23 : memref<!tpu.dma_semaphore, #tpu.memory_space<semaphore_mem>>)
        } else {
        }
        %convert_element_type3A_457 = arith.extui %or3A_89 : i1 to i32
        %cond3A_458 = arith.constant 0 : i32
        %cond3A_459 = arith.cmpi ne, %convert_element_type3A_457, %cond3A_458 : i32
        scf.if %cond3A_459 {
          %dma_start3A_460 = arith.constant 0 : i32
          %dma_start3A_461 = arith.constant 0 : i32
          %dma_start3A_462 = tpu.memref_slice %arg15[%dma_start3A_460, %dma_start3A_461] : memref<641x16xf32, #tpu.memory_space<vmem>> -> memref<640x16xf32, #tpu.memory_space<vmem>>
          %dma_start3A_463 = arith.constant 0 : i32
          %dma_start3A_464 = arith.constant 0 : i32
          %dma_start3A_465 = tpu.memref_slice %arg2[%add3A_438, %dma_start3A_463, %dma_start3A_464] : memref<96x16384x16xf32, #tpu.memory_space<hbm>> -> memref<1x16384x16xf32, #tpu.memory_space<hbm>>
          %dma_start3A_466 = tpu.memref_squeeze %dma_start3A_465 : memref<1x16384x16xf32, #tpu.memory_space<hbm>> -> memref<16384x16xf32, #tpu.memory_space<hbm>>
          %dma_start3A_467 = arith.constant 0 : i32
          %dma_start3A_468 = arith.constant 0 : i32
          %dma_start3A_469 = tpu.memref_slice %dma_start3A_466[%dma_start3A_467, %dma_start3A_468] : memref<16384x16xf32, #tpu.memory_space<hbm>> -> memref<16384x16xf32, #tpu.memory_space<hbm>>
          tpu.enqueue_indirect_dma source(%dma_start3A_469 : memref<16384x16xf32, #tpu.memory_space<hbm>>) target(%dma_start3A_462 : memref<640x16xf32, #tpu.memory_space<vmem>>) offsets(%arg12 : memref<640xi32, #tpu.memory_space<vmem>>) semaphore(%arg23 : memref<!tpu.dma_semaphore, #tpu.memory_space<semaphore_mem>>)
        } else {
        }
      } else {
      }
      %dma_start3A_343 = arith.constant 0 : i32
      %dma_start3A_344 = tpu.memref_slice %arg5[%add3A_306, %mul3A_2, %dma_start3A_343] : memref<96x512x512xf32, #tpu.memory_space<hbm>> -> memref<1x16x512xf32, #tpu.memory_space<hbm>>
      %dma_start3A_345 = tpu.memref_squeeze %dma_start3A_344 : memref<1x16x512xf32, #tpu.memory_space<hbm>> -> memref<16x512xf32, #tpu.memory_space<hbm>>
      %dma_start3A_346 = arith.constant 0 : i32
      %dma_start3A_347 = tpu.memref_slice %arg5[%add3A_306, %mul3A_2, %dma_start3A_346] : memref<96x512x512xf32, #tpu.memory_space<hbm>> -> memref<1x16x512xf32, #tpu.memory_space<hbm>>
      %dma_start3A_348 = tpu.memref_squeeze %dma_start3A_347 : memref<1x16x512xf32, #tpu.memory_space<hbm>> -> memref<16x512xf32, #tpu.memory_space<hbm>>
      tpu.enqueue_dma source(%arg19 : memref<16x512xf32, #tpu.memory_space<vmem>>) target(%dma_start3A_348 : memref<16x512xf32, #tpu.memory_space<hbm>>) target_semaphore(%arg27 : memref<!tpu.dma_semaphore, #tpu.memory_space<semaphore_mem>>)
      %add3A_349 = arith.constant 2 : i32
      %add3A_350 = arith.addi %add3A_264, %add3A_349 : i32
      %convert_element_type3A_351 = arith.extui %or3A_8 : i1 to i32
      %cond3A_352 = arith.constant 0 : i32
      %cond3A_353 = arith.cmpi ne, %convert_element_type3A_351, %cond3A_352 : i32
      scf.if %cond3A_353 {
        %dma_wait3A_437 = arith.constant 0 : i32
        %dma_wait3A_438 = arith.constant 0 : i32
        %dma_wait3A_439 = tpu.memref_slice %arg16[%dma_wait3A_437, %dma_wait3A_438] : memref<641x16xf32, #tpu.memory_space<vmem>> -> memref<320x16xf32, #tpu.memory_space<vmem>>
        %dma_wait3A_440 = arith.constant 0 : i32
        %dma_wait3A_441 = arith.constant 0 : i32
        %dma_wait3A_442 = tpu.memref_slice %arg2[%add3A_350, %dma_wait3A_440, %dma_wait3A_441] : memref<96x16384x16xf32, #tpu.memory_space<hbm>> -> memref<1x16384x16xf32, #tpu.memory_space<hbm>>
        %dma_wait3A_443 = tpu.memref_squeeze %dma_wait3A_442 : memref<1x16384x16xf32, #tpu.memory_space<hbm>> -> memref<16384x16xf32, #tpu.memory_space<hbm>>
        %dma_wait3A_444 = arith.constant 0 : i32
        %dma_wait3A_445 = arith.constant 0 : i32
        %dma_wait3A_446 = tpu.memref_slice %dma_wait3A_443[%dma_wait3A_444, %dma_wait3A_445] : memref<16384x16xf32, #tpu.memory_space<hbm>> -> memref<16384x16xf32, #tpu.memory_space<hbm>>
        tpu.wait_indirect_dma semaphore(%arg24 : memref<!tpu.dma_semaphore, #tpu.memory_space<semaphore_mem>>) src(%dma_wait3A_446 : memref<16384x16xf32, #tpu.memory_space<hbm>>) dst(%dma_wait3A_439 : memref<320x16xf32, #tpu.memory_space<vmem>>)
      } else {
      }
      %convert_element_type3A_354 = arith.extui %or3A_19 : i1 to i32
      %cond3A_355 = arith.constant 0 : i32
      %cond3A_356 = arith.cmpi ne, %convert_element_type3A_354, %cond3A_355 : i32
      scf.if %cond3A_356 {
        %dma_wait3A_437 = arith.constant 0 : i32
        %dma_wait3A_438 = arith.constant 0 : i32
        %dma_wait3A_439 = tpu.memref_slice %arg16[%dma_wait3A_437, %dma_wait3A_438] : memref<641x16xf32, #tpu.memory_space<vmem>> -> memref<384x16xf32, #tpu.memory_space<vmem>>
        %dma_wait3A_440 = arith.constant 0 : i32
        %dma_wait3A_441 = arith.constant 0 : i32
        %dma_wait3A_442 = tpu.memref_slice %arg2[%add3A_350, %dma_wait3A_440, %dma_wait3A_441] : memref<96x16384x16xf32, #tpu.memory_space<hbm>> -> memref<1x16384x16xf32, #tpu.memory_space<hbm>>
        %dma_wait3A_443 = tpu.memref_squeeze %dma_wait3A_442 : memref<1x16384x16xf32, #tpu.memory_space<hbm>> -> memref<16384x16xf32, #tpu.memory_space<hbm>>
        %dma_wait3A_444 = arith.constant 0 : i32
        %dma_wait3A_445 = arith.constant 0 : i32
        %dma_wait3A_446 = tpu.memref_slice %dma_wait3A_443[%dma_wait3A_444, %dma_wait3A_445] : memref<16384x16xf32, #tpu.memory_space<hbm>> -> memref<16384x16xf32, #tpu.memory_space<hbm>>
        tpu.wait_indirect_dma semaphore(%arg24 : memref<!tpu.dma_semaphore, #tpu.memory_space<semaphore_mem>>) src(%dma_wait3A_446 : memref<16384x16xf32, #tpu.memory_space<hbm>>) dst(%dma_wait3A_439 : memref<384x16xf32, #tpu.memory_space<vmem>>)
      } else {
      }
      %convert_element_type3A_357 = arith.extui %eq3A_21 : i1 to i32
      %cond3A_358 = arith.constant 0 : i32
      %cond3A_359 = arith.cmpi ne, %convert_element_type3A_357, %cond3A_358 : i32
      scf.if %cond3A_359 {
        %dma_wait3A_437 = arith.constant 0 : i32
        %dma_wait3A_438 = arith.constant 0 : i32
        %dma_wait3A_439 = tpu.memref_slice %arg16[%dma_wait3A_437, %dma_wait3A_438] : memref<641x16xf32, #tpu.memory_space<vmem>> -> memref<416x16xf32, #tpu.memory_space<vmem>>
        %dma_wait3A_440 = arith.constant 0 : i32
        %dma_wait3A_441 = arith.constant 0 : i32
        %dma_wait3A_442 = tpu.memref_slice %arg2[%add3A_350, %dma_wait3A_440, %dma_wait3A_441] : memref<96x16384x16xf32, #tpu.memory_space<hbm>> -> memref<1x16384x16xf32, #tpu.memory_space<hbm>>
        %dma_wait3A_443 = tpu.memref_squeeze %dma_wait3A_442 : memref<1x16384x16xf32, #tpu.memory_space<hbm>> -> memref<16384x16xf32, #tpu.memory_space<hbm>>
        %dma_wait3A_444 = arith.constant 0 : i32
        %dma_wait3A_445 = arith.constant 0 : i32
        %dma_wait3A_446 = tpu.memref_slice %dma_wait3A_443[%dma_wait3A_444, %dma_wait3A_445] : memref<16384x16xf32, #tpu.memory_space<hbm>> -> memref<16384x16xf32, #tpu.memory_space<hbm>>
        tpu.wait_indirect_dma semaphore(%arg24 : memref<!tpu.dma_semaphore, #tpu.memory_space<semaphore_mem>>) src(%dma_wait3A_446 : memref<16384x16xf32, #tpu.memory_space<hbm>>) dst(%dma_wait3A_439 : memref<416x16xf32, #tpu.memory_space<vmem>>)
      } else {
      }
      %convert_element_type3A_360 = arith.extui %or3A_44 : i1 to i32
      %cond3A_361 = arith.constant 0 : i32
      %cond3A_362 = arith.cmpi ne, %convert_element_type3A_360, %cond3A_361 : i32
      scf.if %cond3A_362 {
        %dma_wait3A_437 = arith.constant 0 : i32
        %dma_wait3A_438 = arith.constant 0 : i32
        %dma_wait3A_439 = tpu.memref_slice %arg16[%dma_wait3A_437, %dma_wait3A_438] : memref<641x16xf32, #tpu.memory_space<vmem>> -> memref<448x16xf32, #tpu.memory_space<vmem>>
        %dma_wait3A_440 = arith.constant 0 : i32
        %dma_wait3A_441 = arith.constant 0 : i32
        %dma_wait3A_442 = tpu.memref_slice %arg2[%add3A_350, %dma_wait3A_440, %dma_wait3A_441] : memref<96x16384x16xf32, #tpu.memory_space<hbm>> -> memref<1x16384x16xf32, #tpu.memory_space<hbm>>
        %dma_wait3A_443 = tpu.memref_squeeze %dma_wait3A_442 : memref<1x16384x16xf32, #tpu.memory_space<hbm>> -> memref<16384x16xf32, #tpu.memory_space<hbm>>
        %dma_wait3A_444 = arith.constant 0 : i32
        %dma_wait3A_445 = arith.constant 0 : i32
        %dma_wait3A_446 = tpu.memref_slice %dma_wait3A_443[%dma_wait3A_444, %dma_wait3A_445] : memref<16384x16xf32, #tpu.memory_space<hbm>> -> memref<16384x16xf32, #tpu.memory_space<hbm>>
        tpu.wait_indirect_dma semaphore(%arg24 : memref<!tpu.dma_semaphore, #tpu.memory_space<semaphore_mem>>) src(%dma_wait3A_446 : memref<16384x16xf32, #tpu.memory_space<hbm>>) dst(%dma_wait3A_439 : memref<448x16xf32, #tpu.memory_space<vmem>>)
      } else {
      }
      %convert_element_type3A_363 = arith.extui %or3A_55 : i1 to i32
      %cond3A_364 = arith.constant 0 : i32
      %cond3A_365 = arith.cmpi ne, %convert_element_type3A_363, %cond3A_364 : i32
      scf.if %cond3A_365 {
        %dma_wait3A_437 = arith.constant 0 : i32
        %dma_wait3A_438 = arith.constant 0 : i32
        %dma_wait3A_439 = tpu.memref_slice %arg16[%dma_wait3A_437, %dma_wait3A_438] : memref<641x16xf32, #tpu.memory_space<vmem>> -> memref<544x16xf32, #tpu.memory_space<vmem>>
        %dma_wait3A_440 = arith.constant 0 : i32
        %dma_wait3A_441 = arith.constant 0 : i32
        %dma_wait3A_442 = tpu.memref_slice %arg2[%add3A_350, %dma_wait3A_440, %dma_wait3A_441] : memref<96x16384x16xf32, #tpu.memory_space<hbm>> -> memref<1x16384x16xf32, #tpu.memory_space<hbm>>
        %dma_wait3A_443 = tpu.memref_squeeze %dma_wait3A_442 : memref<1x16384x16xf32, #tpu.memory_space<hbm>> -> memref<16384x16xf32, #tpu.memory_space<hbm>>
        %dma_wait3A_444 = arith.constant 0 : i32
        %dma_wait3A_445 = arith.constant 0 : i32
        %dma_wait3A_446 = tpu.memref_slice %dma_wait3A_443[%dma_wait3A_444, %dma_wait3A_445] : memref<16384x16xf32, #tpu.memory_space<hbm>> -> memref<16384x16xf32, #tpu.memory_space<hbm>>
        tpu.wait_indirect_dma semaphore(%arg24 : memref<!tpu.dma_semaphore, #tpu.memory_space<semaphore_mem>>) src(%dma_wait3A_446 : memref<16384x16xf32, #tpu.memory_space<hbm>>) dst(%dma_wait3A_439 : memref<544x16xf32, #tpu.memory_space<vmem>>)
      } else {
      }
      %convert_element_type3A_366 = arith.extui %or3A_66 : i1 to i32
      %cond3A_367 = arith.constant 0 : i32
      %cond3A_368 = arith.cmpi ne, %convert_element_type3A_366, %cond3A_367 : i32
      scf.if %cond3A_368 {
        %dma_wait3A_437 = arith.constant 0 : i32
        %dma_wait3A_438 = arith.constant 0 : i32
        %dma_wait3A_439 = tpu.memref_slice %arg16[%dma_wait3A_437, %dma_wait3A_438] : memref<641x16xf32, #tpu.memory_space<vmem>> -> memref<608x16xf32, #tpu.memory_space<vmem>>
        %dma_wait3A_440 = arith.constant 0 : i32
        %dma_wait3A_441 = arith.constant 0 : i32
        %dma_wait3A_442 = tpu.memref_slice %arg2[%add3A_350, %dma_wait3A_440, %dma_wait3A_441] : memref<96x16384x16xf32, #tpu.memory_space<hbm>> -> memref<1x16384x16xf32, #tpu.memory_space<hbm>>
        %dma_wait3A_443 = tpu.memref_squeeze %dma_wait3A_442 : memref<1x16384x16xf32, #tpu.memory_space<hbm>> -> memref<16384x16xf32, #tpu.memory_space<hbm>>
        %dma_wait3A_444 = arith.constant 0 : i32
        %dma_wait3A_445 = arith.constant 0 : i32
        %dma_wait3A_446 = tpu.memref_slice %dma_wait3A_443[%dma_wait3A_444, %dma_wait3A_445] : memref<16384x16xf32, #tpu.memory_space<hbm>> -> memref<16384x16xf32, #tpu.memory_space<hbm>>
        tpu.wait_indirect_dma semaphore(%arg24 : memref<!tpu.dma_semaphore, #tpu.memory_space<semaphore_mem>>) src(%dma_wait3A_446 : memref<16384x16xf32, #tpu.memory_space<hbm>>) dst(%dma_wait3A_439 : memref<608x16xf32, #tpu.memory_space<vmem>>)
      } else {
      }
      %convert_element_type3A_369 = arith.extui %or3A_89 : i1 to i32
      %cond3A_370 = arith.constant 0 : i32
      %cond3A_371 = arith.cmpi ne, %convert_element_type3A_369, %cond3A_370 : i32
      scf.if %cond3A_371 {
        %dma_wait3A_437 = arith.constant 0 : i32
        %dma_wait3A_438 = arith.constant 0 : i32
        %dma_wait3A_439 = tpu.memref_slice %arg16[%dma_wait3A_437, %dma_wait3A_438] : memref<641x16xf32, #tpu.memory_space<vmem>> -> memref<640x16xf32, #tpu.memory_space<vmem>>
        %dma_wait3A_440 = arith.constant 0 : i32
        %dma_wait3A_441 = arith.constant 0 : i32
        %dma_wait3A_442 = tpu.memref_slice %arg2[%add3A_350, %dma_wait3A_440, %dma_wait3A_441] : memref<96x16384x16xf32, #tpu.memory_space<hbm>> -> memref<1x16384x16xf32, #tpu.memory_space<hbm>>
        %dma_wait3A_443 = tpu.memref_squeeze %dma_wait3A_442 : memref<1x16384x16xf32, #tpu.memory_space<hbm>> -> memref<16384x16xf32, #tpu.memory_space<hbm>>
        %dma_wait3A_444 = arith.constant 0 : i32
        %dma_wait3A_445 = arith.constant 0 : i32
        %dma_wait3A_446 = tpu.memref_slice %dma_wait3A_443[%dma_wait3A_444, %dma_wait3A_445] : memref<16384x16xf32, #tpu.memory_space<hbm>> -> memref<16384x16xf32, #tpu.memory_space<hbm>>
        tpu.wait_indirect_dma semaphore(%arg24 : memref<!tpu.dma_semaphore, #tpu.memory_space<semaphore_mem>>) src(%dma_wait3A_446 : memref<16384x16xf32, #tpu.memory_space<hbm>>) dst(%dma_wait3A_439 : memref<640x16xf32, #tpu.memory_space<vmem>>)
      } else {
      }
      %gt3A_372 = arith.constant 0 : i32
      %gt3A_373 = arith.cmpi sgt, %add3A_264, %gt3A_372 : i32
      %convert_element_type3A_374 = arith.extui %gt3A_373 : i1 to i32
      %cond3A_375 = arith.constant 0 : i32
      %cond3A_376 = arith.cmpi ne, %convert_element_type3A_374, %cond3A_375 : i32
      scf.if %cond3A_376 {
        %sub3A = arith.constant 4 : i32
        %sub3A_437 = arith.subi %add3A_350, %sub3A : i32
        %dma_wait3A_438 = arith.constant 0 : i32
        %dma_wait3A_439 = tpu.memref_slice %arg5[%sub3A_437, %mul3A_2, %dma_wait3A_438] : memref<96x512x512xf32, #tpu.memory_space<hbm>> -> memref<1x16x512xf32, #tpu.memory_space<hbm>>
        %dma_wait3A_440 = tpu.memref_squeeze %dma_wait3A_439 : memref<1x16x512xf32, #tpu.memory_space<hbm>> -> memref<16x512xf32, #tpu.memory_space<hbm>>
        %dma_wait3A_441 = arith.constant 0 : i32
        %dma_wait3A_442 = tpu.memref_slice %arg5[%sub3A_437, %mul3A_2, %dma_wait3A_441] : memref<96x512x512xf32, #tpu.memory_space<hbm>> -> memref<1x16x512xf32, #tpu.memory_space<hbm>>
        %dma_wait3A_443 = tpu.memref_squeeze %dma_wait3A_442 : memref<1x16x512xf32, #tpu.memory_space<hbm>> -> memref<16x512xf32, #tpu.memory_space<hbm>>
        tpu.wait_dma2 semaphore(%arg28 : memref<!tpu.dma_semaphore, #tpu.memory_space<semaphore_mem>>) src(%arg20 : memref<16x512xf32, #tpu.memory_space<vmem>>) dst(%dma_wait3A_443 : memref<16x512xf32, #tpu.memory_space<hbm>>)
      } else {
      }
      %parallel_loop3A_377 = arith.constant 0 : i32
      %parallel_loop3A_378 = arith.constant 4096 : i32
      %parallel_loop3A_379 = arith.constant 16 : i32
      scf.for %parallel_loop3A_437 = %parallel_loop3A_377 to %parallel_loop3A_378 step %parallel_loop3A_379  : i32 {
        %parallel_loop3A_438 = arith.index_cast %parallel_loop3A_437 : i32 to index
        %parallel_loop3A_439 = tpu.vector_load %arg13[%parallel_loop3A_438] {strides = array<i32>} : memref<4096xi32, #tpu.memory_space<vmem>>, vector<16xi32>,
        %parallel_loop3A_440 = arith.constant 4 : i32
        %parallel_loop3A_441 = vector.broadcast %parallel_loop3A_440 : i32 to vector<16xi32>
        %parallel_loop3A_442 = arith.shrui %parallel_loop3A_439, %parallel_loop3A_441 : vector<16xi32>
        %parallel_loop3A_443 = arith.constant 15 : i32
        %parallel_loop3A_444 = vector.broadcast %parallel_loop3A_443 : i32 to vector<16xi32>
        %parallel_loop3A_445 = arith.andi %parallel_loop3A_439, %parallel_loop3A_444 : vector<16xi32>
        %parallel_loop3A_446 = tpu.vector_load_idx %arg16[%parallel_loop3A_442, %parallel_loop3A_445] : memref<641x16xf32, #tpu.memory_space<vmem>>[vector<16xi32>, vector<16xi32>], vector<16xf32>,
        %parallel_loop3A_447 = arith.constant 8 : i32
        %parallel_loop3A_448 = arith.shrui %parallel_loop3A_437, %parallel_loop3A_447 : i32
        %parallel_loop3A_449 = arith.constant 256 : i32
        %parallel_loop3A_450 = arith.remsi %parallel_loop3A_437, %parallel_loop3A_449 : i32
        %parallel_loop3A_451 = arith.index_cast %parallel_loop3A_448 : i32 to index
        %parallel_loop3A_452 = arith.index_cast %parallel_loop3A_450 : i32 to index
        %parallel_loop3A_453 = tpu.vector_load %arg20[%parallel_loop3A_451, %parallel_loop3A_452] {strides = array<i32>} : memref<16x512xf32, #tpu.memory_space<vmem>>, vector<16xf32>,
        tpu.vector_store %arg20[%parallel_loop3A_451, %parallel_loop3A_452], %parallel_loop3A_446 {strides = array<i32>} : memref<16x512xf32, #tpu.memory_space<vmem>>, vector<16xf32>,
      } {sc.loop_unroll_factor = 8 : i64, sc.parallel_access}
      %add3A_380 = arith.constant 4 : i32
      %add3A_381 = arith.addi %add3A_350, %add3A_380 : i32
      %lt3A_382 = arith.constant 96 : i32
      %lt3A_383 = arith.cmpi slt, %add3A_381, %lt3A_382 : i32
      %convert_element_type3A_384 = arith.extui %lt3A_383 : i1 to i32
      %cond3A_385 = arith.constant 0 : i32
      %cond3A_386 = arith.cmpi ne, %convert_element_type3A_384, %cond3A_385 : i32
      scf.if %cond3A_386 {
        %add3A_437 = arith.constant 4 : i32
        %add3A_438 = arith.addi %add3A_350, %add3A_437 : i32
        %convert_element_type3A_439 = arith.extui %or3A_8 : i1 to i32
        %cond3A_440 = arith.constant 0 : i32
        %cond3A_441 = arith.cmpi ne, %convert_element_type3A_439, %cond3A_440 : i32
        scf.if %cond3A_441 {
          %dma_start3A_460 = arith.constant 0 : i32
          %dma_start3A_461 = arith.constant 0 : i32
          %dma_start3A_462 = tpu.memref_slice %arg16[%dma_start3A_460, %dma_start3A_461] : memref<641x16xf32, #tpu.memory_space<vmem>> -> memref<320x16xf32, #tpu.memory_space<vmem>>
          %dma_start3A_463 = arith.constant 0 : i32
          %dma_start3A_464 = arith.constant 0 : i32
          %dma_start3A_465 = tpu.memref_slice %arg2[%add3A_438, %dma_start3A_463, %dma_start3A_464] : memref<96x16384x16xf32, #tpu.memory_space<hbm>> -> memref<1x16384x16xf32, #tpu.memory_space<hbm>>
          %dma_start3A_466 = tpu.memref_squeeze %dma_start3A_465 : memref<1x16384x16xf32, #tpu.memory_space<hbm>> -> memref<16384x16xf32, #tpu.memory_space<hbm>>
          %dma_start3A_467 = arith.constant 0 : i32
          %dma_start3A_468 = arith.constant 0 : i32
          %dma_start3A_469 = tpu.memref_slice %dma_start3A_466[%dma_start3A_467, %dma_start3A_468] : memref<16384x16xf32, #tpu.memory_space<hbm>> -> memref<16384x16xf32, #tpu.memory_space<hbm>>
          tpu.enqueue_indirect_dma source(%dma_start3A_469 : memref<16384x16xf32, #tpu.memory_space<hbm>>) target(%dma_start3A_462 : memref<320x16xf32, #tpu.memory_space<vmem>>) offsets(%arg6 : memref<320xi32, #tpu.memory_space<vmem>>) semaphore(%arg24 : memref<!tpu.dma_semaphore, #tpu.memory_space<semaphore_mem>>)
        } else {
        }
        %convert_element_type3A_442 = arith.extui %or3A_19 : i1 to i32
        %cond3A_443 = arith.constant 0 : i32
        %cond3A_444 = arith.cmpi ne, %convert_element_type3A_442, %cond3A_443 : i32
        scf.if %cond3A_444 {
          %dma_start3A_460 = arith.constant 0 : i32
          %dma_start3A_461 = arith.constant 0 : i32
          %dma_start3A_462 = tpu.memref_slice %arg16[%dma_start3A_460, %dma_start3A_461] : memref<641x16xf32, #tpu.memory_space<vmem>> -> memref<384x16xf32, #tpu.memory_space<vmem>>
          %dma_start3A_463 = arith.constant 0 : i32
          %dma_start3A_464 = arith.constant 0 : i32
          %dma_start3A_465 = tpu.memref_slice %arg2[%add3A_438, %dma_start3A_463, %dma_start3A_464] : memref<96x16384x16xf32, #tpu.memory_space<hbm>> -> memref<1x16384x16xf32, #tpu.memory_space<hbm>>
          %dma_start3A_466 = tpu.memref_squeeze %dma_start3A_465 : memref<1x16384x16xf32, #tpu.memory_space<hbm>> -> memref<16384x16xf32, #tpu.memory_space<hbm>>
          %dma_start3A_467 = arith.constant 0 : i32
          %dma_start3A_468 = arith.constant 0 : i32
          %dma_start3A_469 = tpu.memref_slice %dma_start3A_466[%dma_start3A_467, %dma_start3A_468] : memref<16384x16xf32, #tpu.memory_space<hbm>> -> memref<16384x16xf32, #tpu.memory_space<hbm>>
          tpu.enqueue_indirect_dma source(%dma_start3A_469 : memref<16384x16xf32, #tpu.memory_space<hbm>>) target(%dma_start3A_462 : memref<384x16xf32, #tpu.memory_space<vmem>>) offsets(%arg7 : memref<384xi32, #tpu.memory_space<vmem>>) semaphore(%arg24 : memref<!tpu.dma_semaphore, #tpu.memory_space<semaphore_mem>>)
        } else {
        }
        %convert_element_type3A_445 = arith.extui %eq3A_21 : i1 to i32
        %cond3A_446 = arith.constant 0 : i32
        %cond3A_447 = arith.cmpi ne, %convert_element_type3A_445, %cond3A_446 : i32
        scf.if %cond3A_447 {
          %dma_start3A_460 = arith.constant 0 : i32
          %dma_start3A_461 = arith.constant 0 : i32
          %dma_start3A_462 = tpu.memref_slice %arg16[%dma_start3A_460, %dma_start3A_461] : memref<641x16xf32, #tpu.memory_space<vmem>> -> memref<416x16xf32, #tpu.memory_space<vmem>>
          %dma_start3A_463 = arith.constant 0 : i32
          %dma_start3A_464 = arith.constant 0 : i32
          %dma_start3A_465 = tpu.memref_slice %arg2[%add3A_438, %dma_start3A_463, %dma_start3A_464] : memref<96x16384x16xf32, #tpu.memory_space<hbm>> -> memref<1x16384x16xf32, #tpu.memory_space<hbm>>
          %dma_start3A_466 = tpu.memref_squeeze %dma_start3A_465 : memref<1x16384x16xf32, #tpu.memory_space<hbm>> -> memref<16384x16xf32, #tpu.memory_space<hbm>>
          %dma_start3A_467 = arith.constant 0 : i32
          %dma_start3A_468 = arith.constant 0 : i32
          %dma_start3A_469 = tpu.memref_slice %dma_start3A_466[%dma_start3A_467, %dma_start3A_468] : memref<16384x16xf32, #tpu.memory_space<hbm>> -> memref<16384x16xf32, #tpu.memory_space<hbm>>
          tpu.enqueue_indirect_dma source(%dma_start3A_469 : memref<16384x16xf32, #tpu.memory_space<hbm>>) target(%dma_start3A_462 : memref<416x16xf32, #tpu.memory_space<vmem>>) offsets(%arg8 : memref<416xi32, #tpu.memory_space<vmem>>) semaphore(%arg24 : memref<!tpu.dma_semaphore, #tpu.memory_space<semaphore_mem>>)
        } else {
        }
        %convert_element_type3A_448 = arith.extui %or3A_44 : i1 to i32
        %cond3A_449 = arith.constant 0 : i32
        %cond3A_450 = arith.cmpi ne, %convert_element_type3A_448, %cond3A_449 : i32
        scf.if %cond3A_450 {
          %dma_start3A_460 = arith.constant 0 : i32
          %dma_start3A_461 = arith.constant 0 : i32
          %dma_start3A_462 = tpu.memref_slice %arg16[%dma_start3A_460, %dma_start3A_461] : memref<641x16xf32, #tpu.memory_space<vmem>> -> memref<448x16xf32, #tpu.memory_space<vmem>>
          %dma_start3A_463 = arith.constant 0 : i32
          %dma_start3A_464 = arith.constant 0 : i32
          %dma_start3A_465 = tpu.memref_slice %arg2[%add3A_438, %dma_start3A_463, %dma_start3A_464] : memref<96x16384x16xf32, #tpu.memory_space<hbm>> -> memref<1x16384x16xf32, #tpu.memory_space<hbm>>
          %dma_start3A_466 = tpu.memref_squeeze %dma_start3A_465 : memref<1x16384x16xf32, #tpu.memory_space<hbm>> -> memref<16384x16xf32, #tpu.memory_space<hbm>>
          %dma_start3A_467 = arith.constant 0 : i32
          %dma_start3A_468 = arith.constant 0 : i32
          %dma_start3A_469 = tpu.memref_slice %dma_start3A_466[%dma_start3A_467, %dma_start3A_468] : memref<16384x16xf32, #tpu.memory_space<hbm>> -> memref<16384x16xf32, #tpu.memory_space<hbm>>
          tpu.enqueue_indirect_dma source(%dma_start3A_469 : memref<16384x16xf32, #tpu.memory_space<hbm>>) target(%dma_start3A_462 : memref<448x16xf32, #tpu.memory_space<vmem>>) offsets(%arg9 : memref<448xi32, #tpu.memory_space<vmem>>) semaphore(%arg24 : memref<!tpu.dma_semaphore, #tpu.memory_space<semaphore_mem>>)
        } else {
        }
        %convert_element_type3A_451 = arith.extui %or3A_55 : i1 to i32
        %cond3A_452 = arith.constant 0 : i32
        %cond3A_453 = arith.cmpi ne, %convert_element_type3A_451, %cond3A_452 : i32
        scf.if %cond3A_453 {
          %dma_start3A_460 = arith.constant 0 : i32
          %dma_start3A_461 = arith.constant 0 : i32
          %dma_start3A_462 = tpu.memref_slice %arg16[%dma_start3A_460, %dma_start3A_461] : memref<641x16xf32, #tpu.memory_space<vmem>> -> memref<544x16xf32, #tpu.memory_space<vmem>>
          %dma_start3A_463 = arith.constant 0 : i32
          %dma_start3A_464 = arith.constant 0 : i32
          %dma_start3A_465 = tpu.memref_slice %arg2[%add3A_438, %dma_start3A_463, %dma_start3A_464] : memref<96x16384x16xf32, #tpu.memory_space<hbm>> -> memref<1x16384x16xf32, #tpu.memory_space<hbm>>
          %dma_start3A_466 = tpu.memref_squeeze %dma_start3A_465 : memref<1x16384x16xf32, #tpu.memory_space<hbm>> -> memref<16384x16xf32, #tpu.memory_space<hbm>>
          %dma_start3A_467 = arith.constant 0 : i32
          %dma_start3A_468 = arith.constant 0 : i32
          %dma_start3A_469 = tpu.memref_slice %dma_start3A_466[%dma_start3A_467, %dma_start3A_468] : memref<16384x16xf32, #tpu.memory_space<hbm>> -> memref<16384x16xf32, #tpu.memory_space<hbm>>
          tpu.enqueue_indirect_dma source(%dma_start3A_469 : memref<16384x16xf32, #tpu.memory_space<hbm>>) target(%dma_start3A_462 : memref<544x16xf32, #tpu.memory_space<vmem>>) offsets(%arg10 : memref<544xi32, #tpu.memory_space<vmem>>) semaphore(%arg24 : memref<!tpu.dma_semaphore, #tpu.memory_space<semaphore_mem>>)
        } else {
        }
        %convert_element_type3A_454 = arith.extui %or3A_66 : i1 to i32
        %cond3A_455 = arith.constant 0 : i32
        %cond3A_456 = arith.cmpi ne, %convert_element_type3A_454, %cond3A_455 : i32
        scf.if %cond3A_456 {
          %dma_start3A_460 = arith.constant 0 : i32
          %dma_start3A_461 = arith.constant 0 : i32
          %dma_start3A_462 = tpu.memref_slice %arg16[%dma_start3A_460, %dma_start3A_461] : memref<641x16xf32, #tpu.memory_space<vmem>> -> memref<608x16xf32, #tpu.memory_space<vmem>>
          %dma_start3A_463 = arith.constant 0 : i32
          %dma_start3A_464 = arith.constant 0 : i32
          %dma_start3A_465 = tpu.memref_slice %arg2[%add3A_438, %dma_start3A_463, %dma_start3A_464] : memref<96x16384x16xf32, #tpu.memory_space<hbm>> -> memref<1x16384x16xf32, #tpu.memory_space<hbm>>
          %dma_start3A_466 = tpu.memref_squeeze %dma_start3A_465 : memref<1x16384x16xf32, #tpu.memory_space<hbm>> -> memref<16384x16xf32, #tpu.memory_space<hbm>>
          %dma_start3A_467 = arith.constant 0 : i32
          %dma_start3A_468 = arith.constant 0 : i32
          %dma_start3A_469 = tpu.memref_slice %dma_start3A_466[%dma_start3A_467, %dma_start3A_468] : memref<16384x16xf32, #tpu.memory_space<hbm>> -> memref<16384x16xf32, #tpu.memory_space<hbm>>
          tpu.enqueue_indirect_dma source(%dma_start3A_469 : memref<16384x16xf32, #tpu.memory_space<hbm>>) target(%dma_start3A_462 : memref<608x16xf32, #tpu.memory_space<vmem>>) offsets(%arg11 : memref<608xi32, #tpu.memory_space<vmem>>) semaphore(%arg24 : memref<!tpu.dma_semaphore, #tpu.memory_space<semaphore_mem>>)
        } else {
        }
        %convert_element_type3A_457 = arith.extui %or3A_89 : i1 to i32
        %cond3A_458 = arith.constant 0 : i32
        %cond3A_459 = arith.cmpi ne, %convert_element_type3A_457, %cond3A_458 : i32
        scf.if %cond3A_459 {
          %dma_start3A_460 = arith.constant 0 : i32
          %dma_start3A_461 = arith.constant 0 : i32
          %dma_start3A_462 = tpu.memref_slice %arg16[%dma_start3A_460, %dma_start3A_461] : memref<641x16xf32, #tpu.memory_space<vmem>> -> memref<640x16xf32, #tpu.memory_space<vmem>>
          %dma_start3A_463 = arith.constant 0 : i32
          %dma_start3A_464 = arith.constant 0 : i32
          %dma_start3A_465 = tpu.memref_slice %arg2[%add3A_438, %dma_start3A_463, %dma_start3A_464] : memref<96x16384x16xf32, #tpu.memory_space<hbm>> -> memref<1x16384x16xf32, #tpu.memory_space<hbm>>
          %dma_start3A_466 = tpu.memref_squeeze %dma_start3A_465 : memref<1x16384x16xf32, #tpu.memory_space<hbm>> -> memref<16384x16xf32, #tpu.memory_space<hbm>>
          %dma_start3A_467 = arith.constant 0 : i32
          %dma_start3A_468 = arith.constant 0 : i32
          %dma_start3A_469 = tpu.memref_slice %dma_start3A_466[%dma_start3A_467, %dma_start3A_468] : memref<16384x16xf32, #tpu.memory_space<hbm>> -> memref<16384x16xf32, #tpu.memory_space<hbm>>
          tpu.enqueue_indirect_dma source(%dma_start3A_469 : memref<16384x16xf32, #tpu.memory_space<hbm>>) target(%dma_start3A_462 : memref<640x16xf32, #tpu.memory_space<vmem>>) offsets(%arg12 : memref<640xi32, #tpu.memory_space<vmem>>) semaphore(%arg24 : memref<!tpu.dma_semaphore, #tpu.memory_space<semaphore_mem>>)
        } else {
        }
      } else {
      }
      %dma_start3A_387 = arith.constant 0 : i32
      %dma_start3A_388 = tpu.memref_slice %arg5[%add3A_350, %mul3A_2, %dma_start3A_387] : memref<96x512x512xf32, #tpu.memory_space<hbm>> -> memref<1x16x512xf32, #tpu.memory_space<hbm>>
      %dma_start3A_389 = tpu.memref_squeeze %dma_start3A_388 : memref<1x16x512xf32, #tpu.memory_space<hbm>> -> memref<16x512xf32, #tpu.memory_space<hbm>>
      %dma_start3A_390 = arith.constant 0 : i32
      %dma_start3A_391 = tpu.memref_slice %arg5[%add3A_350, %mul3A_2, %dma_start3A_390] : memref<96x512x512xf32, #tpu.memory_space<hbm>> -> memref<1x16x512xf32, #tpu.memory_space<hbm>>
      %dma_start3A_392 = tpu.memref_squeeze %dma_start3A_391 : memref<1x16x512xf32, #tpu.memory_space<hbm>> -> memref<16x512xf32, #tpu.memory_space<hbm>>
      tpu.enqueue_dma source(%arg20 : memref<16x512xf32, #tpu.memory_space<vmem>>) target(%dma_start3A_392 : memref<16x512xf32, #tpu.memory_space<hbm>>) target_semaphore(%arg28 : memref<!tpu.dma_semaphore, #tpu.memory_space<semaphore_mem>>)
      %add3A_393 = arith.constant 3 : i32
      %add3A_394 = arith.addi %add3A_264, %add3A_393 : i32
      %convert_element_type3A_395 = arith.extui %or3A_8 : i1 to i32
      %cond3A_396 = arith.constant 0 : i32
      %cond3A_397 = arith.cmpi ne, %convert_element_type3A_395, %cond3A_396 : i32
      scf.if %cond3A_397 {
        %dma_wait3A_437 = arith.constant 0 : i32
        %dma_wait3A_438 = arith.constant 0 : i32
        %dma_wait3A_439 = tpu.memref_slice %arg17[%dma_wait3A_437, %dma_wait3A_438] : memref<641x16xf32, #tpu.memory_space<vmem>> -> memref<320x16xf32, #tpu.memory_space<vmem>>
        %dma_wait3A_440 = arith.constant 0 : i32
        %dma_wait3A_441 = arith.constant 0 : i32
        %dma_wait3A_442 = tpu.memref_slice %arg2[%add3A_394, %dma_wait3A_440, %dma_wait3A_441] : memref<96x16384x16xf32, #tpu.memory_space<hbm>> -> memref<1x16384x16xf32, #tpu.memory_space<hbm>>
        %dma_wait3A_443 = tpu.memref_squeeze %dma_wait3A_442 : memref<1x16384x16xf32, #tpu.memory_space<hbm>> -> memref<16384x16xf32, #tpu.memory_space<hbm>>
        %dma_wait3A_444 = arith.constant 0 : i32
        %dma_wait3A_445 = arith.constant 0 : i32
        %dma_wait3A_446 = tpu.memref_slice %dma_wait3A_443[%dma_wait3A_444, %dma_wait3A_445] : memref<16384x16xf32, #tpu.memory_space<hbm>> -> memref<16384x16xf32, #tpu.memory_space<hbm>>
        tpu.wait_indirect_dma semaphore(%arg25 : memref<!tpu.dma_semaphore, #tpu.memory_space<semaphore_mem>>) src(%dma_wait3A_446 : memref<16384x16xf32, #tpu.memory_space<hbm>>) dst(%dma_wait3A_439 : memref<320x16xf32, #tpu.memory_space<vmem>>)
      } else {
      }
      %convert_element_type3A_398 = arith.extui %or3A_19 : i1 to i32
      %cond3A_399 = arith.constant 0 : i32
      %cond3A_400 = arith.cmpi ne, %convert_element_type3A_398, %cond3A_399 : i32
      scf.if %cond3A_400 {
        %dma_wait3A_437 = arith.constant 0 : i32
        %dma_wait3A_438 = arith.constant 0 : i32
        %dma_wait3A_439 = tpu.memref_slice %arg17[%dma_wait3A_437, %dma_wait3A_438] : memref<641x16xf32, #tpu.memory_space<vmem>> -> memref<384x16xf32, #tpu.memory_space<vmem>>
        %dma_wait3A_440 = arith.constant 0 : i32
        %dma_wait3A_441 = arith.constant 0 : i32
        %dma_wait3A_442 = tpu.memref_slice %arg2[%add3A_394, %dma_wait3A_440, %dma_wait3A_441] : memref<96x16384x16xf32, #tpu.memory_space<hbm>> -> memref<1x16384x16xf32, #tpu.memory_space<hbm>>
        %dma_wait3A_443 = tpu.memref_squeeze %dma_wait3A_442 : memref<1x16384x16xf32, #tpu.memory_space<hbm>> -> memref<16384x16xf32, #tpu.memory_space<hbm>>
        %dma_wait3A_444 = arith.constant 0 : i32
        %dma_wait3A_445 = arith.constant 0 : i32
        %dma_wait3A_446 = tpu.memref_slice %dma_wait3A_443[%dma_wait3A_444, %dma_wait3A_445] : memref<16384x16xf32, #tpu.memory_space<hbm>> -> memref<16384x16xf32, #tpu.memory_space<hbm>>
        tpu.wait_indirect_dma semaphore(%arg25 : memref<!tpu.dma_semaphore, #tpu.memory_space<semaphore_mem>>) src(%dma_wait3A_446 : memref<16384x16xf32, #tpu.memory_space<hbm>>) dst(%dma_wait3A_439 : memref<384x16xf32, #tpu.memory_space<vmem>>)
      } else {
      }
      %convert_element_type3A_401 = arith.extui %eq3A_21 : i1 to i32
      %cond3A_402 = arith.constant 0 : i32
      %cond3A_403 = arith.cmpi ne, %convert_element_type3A_401, %cond3A_402 : i32
      scf.if %cond3A_403 {
        %dma_wait3A_437 = arith.constant 0 : i32
        %dma_wait3A_438 = arith.constant 0 : i32
        %dma_wait3A_439 = tpu.memref_slice %arg17[%dma_wait3A_437, %dma_wait3A_438] : memref<641x16xf32, #tpu.memory_space<vmem>> -> memref<416x16xf32, #tpu.memory_space<vmem>>
        %dma_wait3A_440 = arith.constant 0 : i32
        %dma_wait3A_441 = arith.constant 0 : i32
        %dma_wait3A_442 = tpu.memref_slice %arg2[%add3A_394, %dma_wait3A_440, %dma_wait3A_441] : memref<96x16384x16xf32, #tpu.memory_space<hbm>> -> memref<1x16384x16xf32, #tpu.memory_space<hbm>>
        %dma_wait3A_443 = tpu.memref_squeeze %dma_wait3A_442 : memref<1x16384x16xf32, #tpu.memory_space<hbm>> -> memref<16384x16xf32, #tpu.memory_space<hbm>>
        %dma_wait3A_444 = arith.constant 0 : i32
        %dma_wait3A_445 = arith.constant 0 : i32
        %dma_wait3A_446 = tpu.memref_slice %dma_wait3A_443[%dma_wait3A_444, %dma_wait3A_445] : memref<16384x16xf32, #tpu.memory_space<hbm>> -> memref<16384x16xf32, #tpu.memory_space<hbm>>
        tpu.wait_indirect_dma semaphore(%arg25 : memref<!tpu.dma_semaphore, #tpu.memory_space<semaphore_mem>>) src(%dma_wait3A_446 : memref<16384x16xf32, #tpu.memory_space<hbm>>) dst(%dma_wait3A_439 : memref<416x16xf32, #tpu.memory_space<vmem>>)
      } else {
      }
      %convert_element_type3A_404 = arith.extui %or3A_44 : i1 to i32
      %cond3A_405 = arith.constant 0 : i32
      %cond3A_406 = arith.cmpi ne, %convert_element_type3A_404, %cond3A_405 : i32
      scf.if %cond3A_406 {
        %dma_wait3A_437 = arith.constant 0 : i32
        %dma_wait3A_438 = arith.constant 0 : i32
        %dma_wait3A_439 = tpu.memref_slice %arg17[%dma_wait3A_437, %dma_wait3A_438] : memref<641x16xf32, #tpu.memory_space<vmem>> -> memref<448x16xf32, #tpu.memory_space<vmem>>
        %dma_wait3A_440 = arith.constant 0 : i32
        %dma_wait3A_441 = arith.constant 0 : i32
        %dma_wait3A_442 = tpu.memref_slice %arg2[%add3A_394, %dma_wait3A_440, %dma_wait3A_441] : memref<96x16384x16xf32, #tpu.memory_space<hbm>> -> memref<1x16384x16xf32, #tpu.memory_space<hbm>>
        %dma_wait3A_443 = tpu.memref_squeeze %dma_wait3A_442 : memref<1x16384x16xf32, #tpu.memory_space<hbm>> -> memref<16384x16xf32, #tpu.memory_space<hbm>>
        %dma_wait3A_444 = arith.constant 0 : i32
        %dma_wait3A_445 = arith.constant 0 : i32
        %dma_wait3A_446 = tpu.memref_slice %dma_wait3A_443[%dma_wait3A_444, %dma_wait3A_445] : memref<16384x16xf32, #tpu.memory_space<hbm>> -> memref<16384x16xf32, #tpu.memory_space<hbm>>
        tpu.wait_indirect_dma semaphore(%arg25 : memref<!tpu.dma_semaphore, #tpu.memory_space<semaphore_mem>>) src(%dma_wait3A_446 : memref<16384x16xf32, #tpu.memory_space<hbm>>) dst(%dma_wait3A_439 : memref<448x16xf32, #tpu.memory_space<vmem>>)
      } else {
      }
      %convert_element_type3A_407 = arith.extui %or3A_55 : i1 to i32
      %cond3A_408 = arith.constant 0 : i32
      %cond3A_409 = arith.cmpi ne, %convert_element_type3A_407, %cond3A_408 : i32
      scf.if %cond3A_409 {
        %dma_wait3A_437 = arith.constant 0 : i32
        %dma_wait3A_438 = arith.constant 0 : i32
        %dma_wait3A_439 = tpu.memref_slice %arg17[%dma_wait3A_437, %dma_wait3A_438] : memref<641x16xf32, #tpu.memory_space<vmem>> -> memref<544x16xf32, #tpu.memory_space<vmem>>
        %dma_wait3A_440 = arith.constant 0 : i32
        %dma_wait3A_441 = arith.constant 0 : i32
        %dma_wait3A_442 = tpu.memref_slice %arg2[%add3A_394, %dma_wait3A_440, %dma_wait3A_441] : memref<96x16384x16xf32, #tpu.memory_space<hbm>> -> memref<1x16384x16xf32, #tpu.memory_space<hbm>>
        %dma_wait3A_443 = tpu.memref_squeeze %dma_wait3A_442 : memref<1x16384x16xf32, #tpu.memory_space<hbm>> -> memref<16384x16xf32, #tpu.memory_space<hbm>>
        %dma_wait3A_444 = arith.constant 0 : i32
        %dma_wait3A_445 = arith.constant 0 : i32
        %dma_wait3A_446 = tpu.memref_slice %dma_wait3A_443[%dma_wait3A_444, %dma_wait3A_445] : memref<16384x16xf32, #tpu.memory_space<hbm>> -> memref<16384x16xf32, #tpu.memory_space<hbm>>
        tpu.wait_indirect_dma semaphore(%arg25 : memref<!tpu.dma_semaphore, #tpu.memory_space<semaphore_mem>>) src(%dma_wait3A_446 : memref<16384x16xf32, #tpu.memory_space<hbm>>) dst(%dma_wait3A_439 : memref<544x16xf32, #tpu.memory_space<vmem>>)
      } else {
      }
      %convert_element_type3A_410 = arith.extui %or3A_66 : i1 to i32
      %cond3A_411 = arith.constant 0 : i32
      %cond3A_412 = arith.cmpi ne, %convert_element_type3A_410, %cond3A_411 : i32
      scf.if %cond3A_412 {
        %dma_wait3A_437 = arith.constant 0 : i32
        %dma_wait3A_438 = arith.constant 0 : i32
        %dma_wait3A_439 = tpu.memref_slice %arg17[%dma_wait3A_437, %dma_wait3A_438] : memref<641x16xf32, #tpu.memory_space<vmem>> -> memref<608x16xf32, #tpu.memory_space<vmem>>
        %dma_wait3A_440 = arith.constant 0 : i32
        %dma_wait3A_441 = arith.constant 0 : i32
        %dma_wait3A_442 = tpu.memref_slice %arg2[%add3A_394, %dma_wait3A_440, %dma_wait3A_441] : memref<96x16384x16xf32, #tpu.memory_space<hbm>> -> memref<1x16384x16xf32, #tpu.memory_space<hbm>>
        %dma_wait3A_443 = tpu.memref_squeeze %dma_wait3A_442 : memref<1x16384x16xf32, #tpu.memory_space<hbm>> -> memref<16384x16xf32, #tpu.memory_space<hbm>>
        %dma_wait3A_444 = arith.constant 0 : i32
        %dma_wait3A_445 = arith.constant 0 : i32
        %dma_wait3A_446 = tpu.memref_slice %dma_wait3A_443[%dma_wait3A_444, %dma_wait3A_445] : memref<16384x16xf32, #tpu.memory_space<hbm>> -> memref<16384x16xf32, #tpu.memory_space<hbm>>
        tpu.wait_indirect_dma semaphore(%arg25 : memref<!tpu.dma_semaphore, #tpu.memory_space<semaphore_mem>>) src(%dma_wait3A_446 : memref<16384x16xf32, #tpu.memory_space<hbm>>) dst(%dma_wait3A_439 : memref<608x16xf32, #tpu.memory_space<vmem>>)
      } else {
      }
      %convert_element_type3A_413 = arith.extui %or3A_89 : i1 to i32
      %cond3A_414 = arith.constant 0 : i32
      %cond3A_415 = arith.cmpi ne, %convert_element_type3A_413, %cond3A_414 : i32
      scf.if %cond3A_415 {
        %dma_wait3A_437 = arith.constant 0 : i32
        %dma_wait3A_438 = arith.constant 0 : i32
        %dma_wait3A_439 = tpu.memref_slice %arg17[%dma_wait3A_437, %dma_wait3A_438] : memref<641x16xf32, #tpu.memory_space<vmem>> -> memref<640x16xf32, #tpu.memory_space<vmem>>
        %dma_wait3A_440 = arith.constant 0 : i32
        %dma_wait3A_441 = arith.constant 0 : i32
        %dma_wait3A_442 = tpu.memref_slice %arg2[%add3A_394, %dma_wait3A_440, %dma_wait3A_441] : memref<96x16384x16xf32, #tpu.memory_space<hbm>> -> memref<1x16384x16xf32, #tpu.memory_space<hbm>>
        %dma_wait3A_443 = tpu.memref_squeeze %dma_wait3A_442 : memref<1x16384x16xf32, #tpu.memory_space<hbm>> -> memref<16384x16xf32, #tpu.memory_space<hbm>>
        %dma_wait3A_444 = arith.constant 0 : i32
        %dma_wait3A_445 = arith.constant 0 : i32
        %dma_wait3A_446 = tpu.memref_slice %dma_wait3A_443[%dma_wait3A_444, %dma_wait3A_445] : memref<16384x16xf32, #tpu.memory_space<hbm>> -> memref<16384x16xf32, #tpu.memory_space<hbm>>
        tpu.wait_indirect_dma semaphore(%arg25 : memref<!tpu.dma_semaphore, #tpu.memory_space<semaphore_mem>>) src(%dma_wait3A_446 : memref<16384x16xf32, #tpu.memory_space<hbm>>) dst(%dma_wait3A_439 : memref<640x16xf32, #tpu.memory_space<vmem>>)
      } else {
      }
      %gt3A_416 = arith.constant 0 : i32
      %gt3A_417 = arith.cmpi sgt, %add3A_264, %gt3A_416 : i32
      %convert_element_type3A_418 = arith.extui %gt3A_417 : i1 to i32
      %cond3A_419 = arith.constant 0 : i32
      %cond3A_420 = arith.cmpi ne, %convert_element_type3A_418, %cond3A_419 : i32
      scf.if %cond3A_420 {
        %sub3A = arith.constant 4 : i32
        %sub3A_437 = arith.subi %add3A_394, %sub3A : i32
        %dma_wait3A_438 = arith.constant 0 : i32
        %dma_wait3A_439 = tpu.memref_slice %arg5[%sub3A_437, %mul3A_2, %dma_wait3A_438] : memref<96x512x512xf32, #tpu.memory_space<hbm>> -> memref<1x16x512xf32, #tpu.memory_space<hbm>>
        %dma_wait3A_440 = tpu.memref_squeeze %dma_wait3A_439 : memref<1x16x512xf32, #tpu.memory_space<hbm>> -> memref<16x512xf32, #tpu.memory_space<hbm>>
        %dma_wait3A_441 = arith.constant 0 : i32
        %dma_wait3A_442 = tpu.memref_slice %arg5[%sub3A_437, %mul3A_2, %dma_wait3A_441] : memref<96x512x512xf32, #tpu.memory_space<hbm>> -> memref<1x16x512xf32, #tpu.memory_space<hbm>>
        %dma_wait3A_443 = tpu.memref_squeeze %dma_wait3A_442 : memref<1x16x512xf32, #tpu.memory_space<hbm>> -> memref<16x512xf32, #tpu.memory_space<hbm>>
        tpu.wait_dma2 semaphore(%arg29 : memref<!tpu.dma_semaphore, #tpu.memory_space<semaphore_mem>>) src(%arg21 : memref<16x512xf32, #tpu.memory_space<vmem>>) dst(%dma_wait3A_443 : memref<16x512xf32, #tpu.memory_space<hbm>>)
      } else {
      }
      %parallel_loop3A_421 = arith.constant 0 : i32
      %parallel_loop3A_422 = arith.constant 4096 : i32
      %parallel_loop3A_423 = arith.constant 16 : i32
      scf.for %parallel_loop3A_437 = %parallel_loop3A_421 to %parallel_loop3A_422 step %parallel_loop3A_423  : i32 {
        %parallel_loop3A_438 = arith.index_cast %parallel_loop3A_437 : i32 to index
        %parallel_loop3A_439 = tpu.vector_load %arg13[%parallel_loop3A_438] {strides = array<i32>} : memref<4096xi32, #tpu.memory_space<vmem>>, vector<16xi32>,
        %parallel_loop3A_440 = arith.constant 4 : i32
        %parallel_loop3A_441 = vector.broadcast %parallel_loop3A_440 : i32 to vector<16xi32>
        %parallel_loop3A_442 = arith.shrui %parallel_loop3A_439, %parallel_loop3A_441 : vector<16xi32>
        %parallel_loop3A_443 = arith.constant 15 : i32
        %parallel_loop3A_444 = vector.broadcast %parallel_loop3A_443 : i32 to vector<16xi32>
        %parallel_loop3A_445 = arith.andi %parallel_loop3A_439, %parallel_loop3A_444 : vector<16xi32>
        %parallel_loop3A_446 = tpu.vector_load_idx %arg17[%parallel_loop3A_442, %parallel_loop3A_445] : memref<641x16xf32, #tpu.memory_space<vmem>>[vector<16xi32>, vector<16xi32>], vector<16xf32>,
        %parallel_loop3A_447 = arith.constant 8 : i32
        %parallel_loop3A_448 = arith.shrui %parallel_loop3A_437, %parallel_loop3A_447 : i32
        %parallel_loop3A_449 = arith.constant 256 : i32
        %parallel_loop3A_450 = arith.remsi %parallel_loop3A_437, %parallel_loop3A_449 : i32
        %parallel_loop3A_451 = arith.index_cast %parallel_loop3A_448 : i32 to index
        %parallel_loop3A_452 = arith.index_cast %parallel_loop3A_450 : i32 to index
        %parallel_loop3A_453 = tpu.vector_load %arg21[%parallel_loop3A_451, %parallel_loop3A_452] {strides = array<i32>} : memref<16x512xf32, #tpu.memory_space<vmem>>, vector<16xf32>,
        tpu.vector_store %arg21[%parallel_loop3A_451, %parallel_loop3A_452], %parallel_loop3A_446 {strides = array<i32>} : memref<16x512xf32, #tpu.memory_space<vmem>>, vector<16xf32>,
      } {sc.loop_unroll_factor = 8 : i64, sc.parallel_access}
      %add3A_424 = arith.constant 4 : i32
      %add3A_425 = arith.addi %add3A_394, %add3A_424 : i32
      %lt3A_426 = arith.constant 96 : i32
      %lt3A_427 = arith.cmpi slt, %add3A_425, %lt3A_426 : i32
      %convert_element_type3A_428 = arith.extui %lt3A_427 : i1 to i32
      %cond3A_429 = arith.constant 0 : i32
      %cond3A_430 = arith.cmpi ne, %convert_element_type3A_428, %cond3A_429 : i32
      scf.if %cond3A_430 {
        %add3A_437 = arith.constant 4 : i32
        %add3A_438 = arith.addi %add3A_394, %add3A_437 : i32
        %convert_element_type3A_439 = arith.extui %or3A_8 : i1 to i32
        %cond3A_440 = arith.constant 0 : i32
        %cond3A_441 = arith.cmpi ne, %convert_element_type3A_439, %cond3A_440 : i32
        scf.if %cond3A_441 {
          %dma_start3A_460 = arith.constant 0 : i32
          %dma_start3A_461 = arith.constant 0 : i32
          %dma_start3A_462 = tpu.memref_slice %arg17[%dma_start3A_460, %dma_start3A_461] : memref<641x16xf32, #tpu.memory_space<vmem>> -> memref<320x16xf32, #tpu.memory_space<vmem>>
          %dma_start3A_463 = arith.constant 0 : i32
          %dma_start3A_464 = arith.constant 0 : i32
          %dma_start3A_465 = tpu.memref_slice %arg2[%add3A_438, %dma_start3A_463, %dma_start3A_464] : memref<96x16384x16xf32, #tpu.memory_space<hbm>> -> memref<1x16384x16xf32, #tpu.memory_space<hbm>>
          %dma_start3A_466 = tpu.memref_squeeze %dma_start3A_465 : memref<1x16384x16xf32, #tpu.memory_space<hbm>> -> memref<16384x16xf32, #tpu.memory_space<hbm>>
          %dma_start3A_467 = arith.constant 0 : i32
          %dma_start3A_468 = arith.constant 0 : i32
          %dma_start3A_469 = tpu.memref_slice %dma_start3A_466[%dma_start3A_467, %dma_start3A_468] : memref<16384x16xf32, #tpu.memory_space<hbm>> -> memref<16384x16xf32, #tpu.memory_space<hbm>>
          tpu.enqueue_indirect_dma source(%dma_start3A_469 : memref<16384x16xf32, #tpu.memory_space<hbm>>) target(%dma_start3A_462 : memref<320x16xf32, #tpu.memory_space<vmem>>) offsets(%arg6 : memref<320xi32, #tpu.memory_space<vmem>>) semaphore(%arg25 : memref<!tpu.dma_semaphore, #tpu.memory_space<semaphore_mem>>)
        } else {
        }
        %convert_element_type3A_442 = arith.extui %or3A_19 : i1 to i32
        %cond3A_443 = arith.constant 0 : i32
        %cond3A_444 = arith.cmpi ne, %convert_element_type3A_442, %cond3A_443 : i32
        scf.if %cond3A_444 {
          %dma_start3A_460 = arith.constant 0 : i32
          %dma_start3A_461 = arith.constant 0 : i32
          %dma_start3A_462 = tpu.memref_slice %arg17[%dma_start3A_460, %dma_start3A_461] : memref<641x16xf32, #tpu.memory_space<vmem>> -> memref<384x16xf32, #tpu.memory_space<vmem>>
          %dma_start3A_463 = arith.constant 0 : i32
          %dma_start3A_464 = arith.constant 0 : i32
          %dma_start3A_465 = tpu.memref_slice %arg2[%add3A_438, %dma_start3A_463, %dma_start3A_464] : memref<96x16384x16xf32, #tpu.memory_space<hbm>> -> memref<1x16384x16xf32, #tpu.memory_space<hbm>>
          %dma_start3A_466 = tpu.memref_squeeze %dma_start3A_465 : memref<1x16384x16xf32, #tpu.memory_space<hbm>> -> memref<16384x16xf32, #tpu.memory_space<hbm>>
          %dma_start3A_467 = arith.constant 0 : i32
          %dma_start3A_468 = arith.constant 0 : i32
          %dma_start3A_469 = tpu.memref_slice %dma_start3A_466[%dma_start3A_467, %dma_start3A_468] : memref<16384x16xf32, #tpu.memory_space<hbm>> -> memref<16384x16xf32, #tpu.memory_space<hbm>>
          tpu.enqueue_indirect_dma source(%dma_start3A_469 : memref<16384x16xf32, #tpu.memory_space<hbm>>) target(%dma_start3A_462 : memref<384x16xf32, #tpu.memory_space<vmem>>) offsets(%arg7 : memref<384xi32, #tpu.memory_space<vmem>>) semaphore(%arg25 : memref<!tpu.dma_semaphore, #tpu.memory_space<semaphore_mem>>)
        } else {
        }
        %convert_element_type3A_445 = arith.extui %eq3A_21 : i1 to i32
        %cond3A_446 = arith.constant 0 : i32
        %cond3A_447 = arith.cmpi ne, %convert_element_type3A_445, %cond3A_446 : i32
        scf.if %cond3A_447 {
          %dma_start3A_460 = arith.constant 0 : i32
          %dma_start3A_461 = arith.constant 0 : i32
          %dma_start3A_462 = tpu.memref_slice %arg17[%dma_start3A_460, %dma_start3A_461] : memref<641x16xf32, #tpu.memory_space<vmem>> -> memref<416x16xf32, #tpu.memory_space<vmem>>
          %dma_start3A_463 = arith.constant 0 : i32
          %dma_start3A_464 = arith.constant 0 : i32
          %dma_start3A_465 = tpu.memref_slice %arg2[%add3A_438, %dma_start3A_463, %dma_start3A_464] : memref<96x16384x16xf32, #tpu.memory_space<hbm>> -> memref<1x16384x16xf32, #tpu.memory_space<hbm>>
          %dma_start3A_466 = tpu.memref_squeeze %dma_start3A_465 : memref<1x16384x16xf32, #tpu.memory_space<hbm>> -> memref<16384x16xf32, #tpu.memory_space<hbm>>
          %dma_start3A_467 = arith.constant 0 : i32
          %dma_start3A_468 = arith.constant 0 : i32
          %dma_start3A_469 = tpu.memref_slice %dma_start3A_466[%dma_start3A_467, %dma_start3A_468] : memref<16384x16xf32, #tpu.memory_space<hbm>> -> memref<16384x16xf32, #tpu.memory_space<hbm>>
          tpu.enqueue_indirect_dma source(%dma_start3A_469 : memref<16384x16xf32, #tpu.memory_space<hbm>>) target(%dma_start3A_462 : memref<416x16xf32, #tpu.memory_space<vmem>>) offsets(%arg8 : memref<416xi32, #tpu.memory_space<vmem>>) semaphore(%arg25 : memref<!tpu.dma_semaphore, #tpu.memory_space<semaphore_mem>>)
        } else {
        }
        %convert_element_type3A_448 = arith.extui %or3A_44 : i1 to i32
        %cond3A_449 = arith.constant 0 : i32
        %cond3A_450 = arith.cmpi ne, %convert_element_type3A_448, %cond3A_449 : i32
        scf.if %cond3A_450 {
          %dma_start3A_460 = arith.constant 0 : i32
          %dma_start3A_461 = arith.constant 0 : i32
          %dma_start3A_462 = tpu.memref_slice %arg17[%dma_start3A_460, %dma_start3A_461] : memref<641x16xf32, #tpu.memory_space<vmem>> -> memref<448x16xf32, #tpu.memory_space<vmem>>
          %dma_start3A_463 = arith.constant 0 : i32
          %dma_start3A_464 = arith.constant 0 : i32
          %dma_start3A_465 = tpu.memref_slice %arg2[%add3A_438, %dma_start3A_463, %dma_start3A_464] : memref<96x16384x16xf32, #tpu.memory_space<hbm>> -> memref<1x16384x16xf32, #tpu.memory_space<hbm>>
          %dma_start3A_466 = tpu.memref_squeeze %dma_start3A_465 : memref<1x16384x16xf32, #tpu.memory_space<hbm>> -> memref<16384x16xf32, #tpu.memory_space<hbm>>
          %dma_start3A_467 = arith.constant 0 : i32
          %dma_start3A_468 = arith.constant 0 : i32
          %dma_start3A_469 = tpu.memref_slice %dma_start3A_466[%dma_start3A_467, %dma_start3A_468] : memref<16384x16xf32, #tpu.memory_space<hbm>> -> memref<16384x16xf32, #tpu.memory_space<hbm>>
          tpu.enqueue_indirect_dma source(%dma_start3A_469 : memref<16384x16xf32, #tpu.memory_space<hbm>>) target(%dma_start3A_462 : memref<448x16xf32, #tpu.memory_space<vmem>>) offsets(%arg9 : memref<448xi32, #tpu.memory_space<vmem>>) semaphore(%arg25 : memref<!tpu.dma_semaphore, #tpu.memory_space<semaphore_mem>>)
        } else {
        }
        %convert_element_type3A_451 = arith.extui %or3A_55 : i1 to i32
        %cond3A_452 = arith.constant 0 : i32
        %cond3A_453 = arith.cmpi ne, %convert_element_type3A_451, %cond3A_452 : i32
        scf.if %cond3A_453 {
          %dma_start3A_460 = arith.constant 0 : i32
          %dma_start3A_461 = arith.constant 0 : i32
          %dma_start3A_462 = tpu.memref_slice %arg17[%dma_start3A_460, %dma_start3A_461] : memref<641x16xf32, #tpu.memory_space<vmem>> -> memref<544x16xf32, #tpu.memory_space<vmem>>
          %dma_start3A_463 = arith.constant 0 : i32
          %dma_start3A_464 = arith.constant 0 : i32
          %dma_start3A_465 = tpu.memref_slice %arg2[%add3A_438, %dma_start3A_463, %dma_start3A_464] : memref<96x16384x16xf32, #tpu.memory_space<hbm>> -> memref<1x16384x16xf32, #tpu.memory_space<hbm>>
          %dma_start3A_466 = tpu.memref_squeeze %dma_start3A_465 : memref<1x16384x16xf32, #tpu.memory_space<hbm>> -> memref<16384x16xf32, #tpu.memory_space<hbm>>
          %dma_start3A_467 = arith.constant 0 : i32
          %dma_start3A_468 = arith.constant 0 : i32
          %dma_start3A_469 = tpu.memref_slice %dma_start3A_466[%dma_start3A_467, %dma_start3A_468] : memref<16384x16xf32, #tpu.memory_space<hbm>> -> memref<16384x16xf32, #tpu.memory_space<hbm>>
          tpu.enqueue_indirect_dma source(%dma_start3A_469 : memref<16384x16xf32, #tpu.memory_space<hbm>>) target(%dma_start3A_462 : memref<544x16xf32, #tpu.memory_space<vmem>>) offsets(%arg10 : memref<544xi32, #tpu.memory_space<vmem>>) semaphore(%arg25 : memref<!tpu.dma_semaphore, #tpu.memory_space<semaphore_mem>>)
        } else {
        }
        %convert_element_type3A_454 = arith.extui %or3A_66 : i1 to i32
        %cond3A_455 = arith.constant 0 : i32
        %cond3A_456 = arith.cmpi ne, %convert_element_type3A_454, %cond3A_455 : i32
        scf.if %cond3A_456 {
          %dma_start3A_460 = arith.constant 0 : i32
          %dma_start3A_461 = arith.constant 0 : i32
          %dma_start3A_462 = tpu.memref_slice %arg17[%dma_start3A_460, %dma_start3A_461] : memref<641x16xf32, #tpu.memory_space<vmem>> -> memref<608x16xf32, #tpu.memory_space<vmem>>
          %dma_start3A_463 = arith.constant 0 : i32
          %dma_start3A_464 = arith.constant 0 : i32
          %dma_start3A_465 = tpu.memref_slice %arg2[%add3A_438, %dma_start3A_463, %dma_start3A_464] : memref<96x16384x16xf32, #tpu.memory_space<hbm>> -> memref<1x16384x16xf32, #tpu.memory_space<hbm>>
          %dma_start3A_466 = tpu.memref_squeeze %dma_start3A_465 : memref<1x16384x16xf32, #tpu.memory_space<hbm>> -> memref<16384x16xf32, #tpu.memory_space<hbm>>
          %dma_start3A_467 = arith.constant 0 : i32
          %dma_start3A_468 = arith.constant 0 : i32
          %dma_start3A_469 = tpu.memref_slice %dma_start3A_466[%dma_start3A_467, %dma_start3A_468] : memref<16384x16xf32, #tpu.memory_space<hbm>> -> memref<16384x16xf32, #tpu.memory_space<hbm>>
          tpu.enqueue_indirect_dma source(%dma_start3A_469 : memref<16384x16xf32, #tpu.memory_space<hbm>>) target(%dma_start3A_462 : memref<608x16xf32, #tpu.memory_space<vmem>>) offsets(%arg11 : memref<608xi32, #tpu.memory_space<vmem>>) semaphore(%arg25 : memref<!tpu.dma_semaphore, #tpu.memory_space<semaphore_mem>>)
        } else {
        }
        %convert_element_type3A_457 = arith.extui %or3A_89 : i1 to i32
        %cond3A_458 = arith.constant 0 : i32
        %cond3A_459 = arith.cmpi ne, %convert_element_type3A_457, %cond3A_458 : i32
        scf.if %cond3A_459 {
          %dma_start3A_460 = arith.constant 0 : i32
          %dma_start3A_461 = arith.constant 0 : i32
          %dma_start3A_462 = tpu.memref_slice %arg17[%dma_start3A_460, %dma_start3A_461] : memref<641x16xf32, #tpu.memory_space<vmem>> -> memref<640x16xf32, #tpu.memory_space<vmem>>
          %dma_start3A_463 = arith.constant 0 : i32
          %dma_start3A_464 = arith.constant 0 : i32
          %dma_start3A_465 = tpu.memref_slice %arg2[%add3A_438, %dma_start3A_463, %dma_start3A_464] : memref<96x16384x16xf32, #tpu.memory_space<hbm>> -> memref<1x16384x16xf32, #tpu.memory_space<hbm>>
          %dma_start3A_466 = tpu.memref_squeeze %dma_start3A_465 : memref<1x16384x16xf32, #tpu.memory_space<hbm>> -> memref<16384x16xf32, #tpu.memory_space<hbm>>
          %dma_start3A_467 = arith.constant 0 : i32
          %dma_start3A_468 = arith.constant 0 : i32
          %dma_start3A_469 = tpu.memref_slice %dma_start3A_466[%dma_start3A_467, %dma_start3A_468] : memref<16384x16xf32, #tpu.memory_space<hbm>> -> memref<16384x16xf32, #tpu.memory_space<hbm>>
          tpu.enqueue_indirect_dma source(%dma_start3A_469 : memref<16384x16xf32, #tpu.memory_space<hbm>>) target(%dma_start3A_462 : memref<640x16xf32, #tpu.memory_space<vmem>>) offsets(%arg12 : memref<640xi32, #tpu.memory_space<vmem>>) semaphore(%arg25 : memref<!tpu.dma_semaphore, #tpu.memory_space<semaphore_mem>>)
        } else {
        }
      } else {
      }
      %dma_start3A_431 = arith.constant 0 : i32
      %dma_start3A_432 = tpu.memref_slice %arg5[%add3A_394, %mul3A_2, %dma_start3A_431] : memref<96x512x512xf32, #tpu.memory_space<hbm>> -> memref<1x16x512xf32, #tpu.memory_space<hbm>>
      %dma_start3A_433 = tpu.memref_squeeze %dma_start3A_432 : memref<1x16x512xf32, #tpu.memory_space<hbm>> -> memref<16x512xf32, #tpu.memory_space<hbm>>
      %dma_start3A_434 = arith.constant 0 : i32
      %dma_start3A_435 = tpu.memref_slice %arg5[%add3A_394, %mul3A_2, %dma_start3A_434] : memref<96x512x512xf32, #tpu.memory_space<hbm>> -> memref<1x16x512xf32, #tpu.memory_space<hbm>>
      %dma_start3A_436 = tpu.memref_squeeze %dma_start3A_435 : memref<1x16x512xf32, #tpu.memory_space<hbm>> -> memref<16x512xf32, #tpu.memory_space<hbm>>
      tpu.enqueue_dma source(%arg21 : memref<16x512xf32, #tpu.memory_space<vmem>>) target(%dma_start3A_436 : memref<16x512xf32, #tpu.memory_space<hbm>>) target_semaphore(%arg29 : memref<!tpu.dma_semaphore, #tpu.memory_space<semaphore_mem>>)
    }
    %scan3A_232 = arith.constant 24 : i32
    %dma_wait3A = arith.constant 92 : i32
    %dma_wait3A_233 = arith.constant 0 : i32
    %dma_wait3A_234 = tpu.memref_slice %arg5[%dma_wait3A, %mul3A_2, %dma_wait3A_233] : memref<96x512x512xf32, #tpu.memory_space<hbm>> -> memref<1x16x512xf32, #tpu.memory_space<hbm>>
    %dma_wait3A_235 = tpu.memref_squeeze %dma_wait3A_234 : memref<1x16x512xf32, #tpu.memory_space<hbm>> -> memref<16x512xf32, #tpu.memory_space<hbm>>
    %dma_wait3A_236 = arith.constant 0 : i32
    %dma_wait3A_237 = tpu.memref_slice %arg5[%dma_wait3A, %mul3A_2, %dma_wait3A_236] : memref<96x512x512xf32, #tpu.memory_space<hbm>> -> memref<1x16x512xf32, #tpu.memory_space<hbm>>
    %dma_wait3A_238 = tpu.memref_squeeze %dma_wait3A_237 : memref<1x16x512xf32, #tpu.memory_space<hbm>> -> memref<16x512xf32, #tpu.memory_space<hbm>>
    tpu.wait_dma2 semaphore(%arg26 : memref<!tpu.dma_semaphore, #tpu.memory_space<semaphore_mem>>) src(%arg18 : memref<16x512xf32, #tpu.memory_space<vmem>>) dst(%dma_wait3A_238 : memref<16x512xf32, #tpu.memory_space<hbm>>)
    %dma_wait3A_239 = arith.constant 93 : i32
    %dma_wait3A_240 = arith.constant 0 : i32
    %dma_wait3A_241 = tpu.memref_slice %arg5[%dma_wait3A_239, %mul3A_2, %dma_wait3A_240] : memref<96x512x512xf32, #tpu.memory_space<hbm>> -> memref<1x16x512xf32, #tpu.memory_space<hbm>>
    %dma_wait3A_242 = tpu.memref_squeeze %dma_wait3A_241 : memref<1x16x512xf32, #tpu.memory_space<hbm>> -> memref<16x512xf32, #tpu.memory_space<hbm>>
    %dma_wait3A_243 = arith.constant 0 : i32
    %dma_wait3A_244 = tpu.memref_slice %arg5[%dma_wait3A_239, %mul3A_2, %dma_wait3A_243] : memref<96x512x512xf32, #tpu.memory_space<hbm>> -> memref<1x16x512xf32, #tpu.memory_space<hbm>>
    %dma_wait3A_245 = tpu.memref_squeeze %dma_wait3A_244 : memref<1x16x512xf32, #tpu.memory_space<hbm>> -> memref<16x512xf32, #tpu.memory_space<hbm>>
    tpu.wait_dma2 semaphore(%arg27 : memref<!tpu.dma_semaphore, #tpu.memory_space<semaphore_mem>>) src(%arg19 : memref<16x512xf32, #tpu.memory_space<vmem>>) dst(%dma_wait3A_245 : memref<16x512xf32, #tpu.memory_space<hbm>>)
    %dma_wait3A_246 = arith.constant 94 : i32
    %dma_wait3A_247 = arith.constant 0 : i32
    %dma_wait3A_248 = tpu.memref_slice %arg5[%dma_wait3A_246, %mul3A_2, %dma_wait3A_247] : memref<96x512x512xf32, #tpu.memory_space<hbm>> -> memref<1x16x512xf32, #tpu.memory_space<hbm>>
    %dma_wait3A_249 = tpu.memref_squeeze %dma_wait3A_248 : memref<1x16x512xf32, #tpu.memory_space<hbm>> -> memref<16x512xf32, #tpu.memory_space<hbm>>
    %dma_wait3A_250 = arith.constant 0 : i32
    %dma_wait3A_251 = tpu.memref_slice %arg5[%dma_wait3A_246, %mul3A_2, %dma_wait3A_250] : memref<96x512x512xf32, #tpu.memory_space<hbm>> -> memref<1x16x512xf32, #tpu.memory_space<hbm>>
    %dma_wait3A_252 = tpu.memref_squeeze %dma_wait3A_251 : memref<1x16x512xf32, #tpu.memory_space<hbm>> -> memref<16x512xf32, #tpu.memory_space<hbm>>
    tpu.wait_dma2 semaphore(%arg28 : memref<!tpu.dma_semaphore, #tpu.memory_space<semaphore_mem>>) src(%arg20 : memref<16x512xf32, #tpu.memory_space<vmem>>) dst(%dma_wait3A_252 : memref<16x512xf32, #tpu.memory_space<hbm>>)
    %dma_wait3A_253 = arith.constant 95 : i32
    %dma_wait3A_254 = arith.constant 0 : i32
    %dma_wait3A_255 = tpu.memref_slice %arg5[%dma_wait3A_253, %mul3A_2, %dma_wait3A_254] : memref<96x512x512xf32, #tpu.memory_space<hbm>> -> memref<1x16x512xf32, #tpu.memory_space<hbm>>
    %dma_wait3A_256 = tpu.memref_squeeze %dma_wait3A_255 : memref<1x16x512xf32, #tpu.memory_space<hbm>> -> memref<16x512xf32, #tpu.memory_space<hbm>>
    %dma_wait3A_257 = arith.constant 0 : i32
    %dma_wait3A_258 = tpu.memref_slice %arg5[%dma_wait3A_253, %mul3A_2, %dma_wait3A_257] : memref<96x512x512xf32, #tpu.memory_space<hbm>> -> memref<1x16x512xf32, #tpu.memory_space<hbm>>
    %dma_wait3A_259 = tpu.memref_squeeze %dma_wait3A_258 : memref<1x16x512xf32, #tpu.memory_space<hbm>> -> memref<16x512xf32, #tpu.memory_space<hbm>>
    tpu.wait_dma2 semaphore(%arg29 : memref<!tpu.dma_semaphore, #tpu.memory_space<semaphore_mem>>) src(%arg21 : memref<16x512xf32, #tpu.memory_space<vmem>>) dst(%dma_wait3A_259 : memref<16x512xf32, #tpu.memory_space<hbm>>)
    return
  }
}

</mosaic_0001>

<sc_bundles>
// kernel: kernel.3.cloned.1.call-start
scs
__scs_entry_jumppad:
0x0: {  	(pc) =	sbr.rel $0x88, $3  }
0x1: {  	(tag) =	ssettag $0x0;
	lr =	simm.s32 $0x1  }
0x2: {  	[smem:$0x3FA0] =	sst lr;
	_ =	strace $0xD0000000  }
0x3: {  	_ = 	snop  }
0x4: {  	_ = 	snop  }
0x5: {  	_ = 	snop  }
0x6: {  	_ = 	snop  }
0x7: {  	_ = 	snop  }
__scs_overlays_trampoline_lowered:
0x8: {  	[smem:$0x3FAF] =	sst s0  }
0x9: {  	[smem:$0x3FB0] =	sst s1  }
0xa: {  	[smem:$0x3FB1] =	sst s2  }
0xb: {  	[smem:$0x3FB2] =	sst s3  }
0xc: {  	[smem:$0x3FB3] =	sst s4  }
0xd: {  	[smem:$0x3FB4] =	sst s5  }
0xe: {  	[smem:$0x3FB5] =	sst s6  }
0xf: {  	[smem:$0x3FB6] =	sst s7  }
0x10: {  	[smem:$0x3FB7] =	sst s8  }
0x11: {  	[smem:$0x3FB8] =	sst s9;
	s0 =	simm.s32 @!p0 $0x0  }
0x12: {  	s1 =	sld [smem:$0x3F9E];
	s0 =	simm.s32 @p0 $0x1  }
0x13: {  	[smem:$0x3FB9] =	sst s0;
	s0 =	simm.s32 @!p1 $0x0  }
0x14: {  	s2 =	sld [smem:$0x3F9D];
	s0 =	simm.s32 @p1 $0x1  }
0x15: {  	[smem:$0x3FBA] =	sst s0;
	s0 =	simm.s32 @!p2 $0x0  }
0x16: {  	s3 =	sld [smem:$0x3FDB];
	s0 =	simm.s32 @p2 $0x1  }
0x17: {  	s4 =	simm.s32 $0x1BF5;
	[smem:$0x3FBC] =	sst s0  }
0x18: {  	s0 =	sld [smem:$0x3F9F];
	_ =	swait.ge [sflag:s4], $0x0  }
0x19: {  	s7 =	sld [smem:$0x3FA0]  }
0x1a: {  	s8 =	sadd.s32 $0xFFFFE003, lr  }
0x1b: {  	s9 =	sadd.s32 $0xFFFFFEF7, lr;
	s5 =	simm.s32 $0xFFFFFFFF;
	p2 =	slt.u32 s8, $0xFFFFF086  }
0x1c: {  	p1 =	slt.u32 s9, $0xF7A;
	s5 =	simm.s32 @!p2 $0x0  }
0x1d: {  	s5 =	simm.s32 @p1 $0x1;
	p0 =	seq.s32 s7, s2  }
0x1e: {  	s7 =	smul.u32 @!p0 $0xF7A, s2;
	p2 =	seq.s32 @!p0 s5, $0x0  }
0x1f: {  	s9 =	smul.u32 $0xF7A, s1;
	s8 =	simm.s32 @!p0 $0x1BF5;
	p2 =	por !p2, p0  }
0x20: {  	[sflag:s8] =	ssyncset.s32 @!p0 $0xFFFFF086;
	s6 =	sadd.s32 @!p0 s3, s7;
	s7 =	simm.s32 @!p0 $0x108  }
0x21: {  	s3 =	sadd.s32 s3, s9;
	s6 =	sadd.s32 @!p0 $0x88, s6;
	s7 =	simm.s32 @p2 $0x1082  }
0x22: {  	[simem:s7], [sflag:s8] =	dma.local @!p0 [hbm:s6], $0xF7A  }
0x23: {  	s9 =	sor.u32 $0xD0000000, s2;
	s6 =	simm.s32 $0x108;
	_ =	swait.ge @!p0 [sflag:s8], $0x0  }
0x24: {  	s3 =	sadd.s32 $0x88, s3;
	s6 =	simm.s32 @!p1 $0x1082;
	[sflag:s4] =	ssyncset.s32 $0xFFFFF086  }
0x25: {  	[simem:s6], [sflag:s4] =	dma.local [hbm:s3], $0xF7A  }
0x26: {  	[smem:$0x3FA0] =	sst s1;
	(tag) =	ssettag s2;
	_ =	strace s9  }
0x27: {  	s1 =	sld [smem:$0x3FB0]  }
0x28: {  	s2 =	sld [smem:$0x3FB1]  }
0x29: {  	s4 =	sld [smem:$0x3FB3]  }
0x2a: {  	p0 =	seq.s32 s5, $0x0;
	s5 =	sld [smem:$0x3FB4]  }
0x2b: {  	s6 =	sld [smem:$0x3FB5]  }
0x2c: {  	s7 =	sld [smem:$0x3FB6]  }
0x2d: {  	s3 =	simm.s32 $0x108;
	s8 =	sld [smem:$0x3FB7]  }
0x2e: {  	s3 =	simm.s32 @!p0 $0x1082;
	s9 =	sld [smem:$0x3FB8]  }
0x2f: {  	lr =	sadd.s32 s0, s3;
	s0 =	sld [smem:$0x3FAF]  }
0x30: {  	s3 =	sld [smem:$0x3FB2]  }
0x31: {  	[smem:$0x3FBB] =	sst s10  }
0x32: {  	s10 =	sld [smem:$0x3FB9];
	_ =	sdelay $0x3  }
0x33: {  	p0 =	seq.s32 s10, $0x1;
	s10 =	sld [smem:$0x3FBB];
	_ =	sdelay $0x3  }
0x34: {  	[smem:$0x3FBB] =	sst s10  }
0x35: {  	s10 =	sld [smem:$0x3FBA];
	_ =	sdelay $0x3  }
0x36: {  	p1 =	seq.s32 s10, $0x1;
	s10 =	sld [smem:$0x3FBB];
	_ =	sdelay $0x3  }
0x37: {  	[smem:$0x3FBB] =	sst s10  }
0x38: {  	s10 =	sld [smem:$0x3FBC]  }
0x39: {  	_ = 	snop;
	(pc) =	sbr.ind lr, $3  }
0x3a: {  	_ = 	snop  }
0x3b: {  	_ = 	snop  }
0x3c: {  	p2 =	seq.s32 s10, $0x1;
	s10 =	sld [smem:$0x3FBB]  }
0x3d: {  	_ =	shalt  }
0x3e: {  	_ =	shalt  }
0x3f: {  	_ =	shalt  }
0x40: {  	_ =	shalt  }
0x41: {  	_ =	shalt  }
0x42: {  	_ =	shalt  }
0x43: {  	_ =	shalt  }
0x44: {  	_ =	shalt  }
0x45: {  	_ =	shalt  }
0x46: {  	_ =	shalt  }
0x47: {  	_ =	shalt  }
0x48: {  	_ =	shalt  }
0x49: {  	_ =	shalt  }
0x4a: {  	_ =	shalt  }
0x4b: {  	_ =	shalt  }
0x4c: {  	_ =	shalt  }
0x4d: {  	_ =	shalt  }
0x4e: {  	_ =	shalt  }
0x4f: {  	_ =	shalt  }
0x50: {  	_ =	shalt  }
0x51: {  	_ =	shalt  }
0x52: {  	_ =	shalt  }
0x53: {  	_ =	shalt  }
0x54: {  	_ =	shalt  }
0x55: {  	_ =	shalt  }
0x56: {  	_ =	shalt  }
0x57: {  	_ =	shalt  }
0x58: {  	_ =	shalt  }
0x59: {  	_ =	shalt  }
0x5a: {  	_ =	shalt  }
0x5b: {  	_ =	shalt  }
0x5c: {  	_ =	shalt  }
0x5d: {  	_ =	shalt  }
0x5e: {  	_ =	shalt  }
0x5f: {  	_ =	shalt  }
0x60: {  	_ =	shalt  }
0x61: {  	_ =	shalt  }
0x62: {  	_ =	shalt  }
0x63: {  	_ =	shalt  }
0x64: {  	_ =	shalt  }
0x65: {  	_ =	shalt  }
0x66: {  	_ =	shalt  }
0x67: {  	_ =	shalt  }
0x68: {  	_ =	shalt  }
0x69: {  	_ =	shalt  }
0x6a: {  	_ =	shalt  }
0x6b: {  	_ =	shalt  }
0x6c: {  	_ =	shalt  }
0x6d: {  	_ =	shalt  }
0x6e: {  	_ =	shalt  }
0x6f: {  	_ =	shalt  }
0x70: {  	_ =	shalt  }
0x71: {  	_ =	shalt  }
0x72: {  	_ =	shalt  }
0x73: {  	_ =	shalt  }
0x74: {  	_ =	shalt  }
0x75: {  	_ =	shalt  }
0x76: {  	_ =	shalt  }
0x77: {  	_ =	shalt  }
0x78: {  	_ =	shalt  }
0x79: {  	_ =	shalt  }
0x7a: {  	_ =	shalt  }
0x7b: {  	_ =	shalt  }
0x7c: {  	_ =	shalt  }
0x7d: {  	_ =	shalt  }
0x7e: {  	_ =	shalt  }
0x7f: {  	_ =	shalt  }
0x80: {  	_ =	shalt  }
0x81: {  	_ =	shalt  }
0x82: {  	_ =	shalt  }
0x83: {  	_ =	shalt  }
0x84: {  	_ =	shalt  }
0x85: {  	_ =	shalt  }
0x86: {  	_ =	shalt  }
0x87: {  	_ =	shalt  }
.Lfunc_end0:
.L_simem_size_0:
called_computation.1_lowered:
.L_overlay_start_0:
0x88: {  	s2 =	sld [smem:$0x3FD9]  }
0x89: {  	s3 =	sld [smem:$0x3FFE];
	_ =	sdelay $0x1  }
0x8a: {  	s1 =	srdreg.scid  }
0x8b: {  	s0 =	sand.u32 $0x1, s1  }
0x8c: {  	s17 =	sshll.u32 s0, $0xA;
	s2 =	sadd.s32 s3, s2  }
0x8d: {  	s2 =	sadd.s32 s2, s17  }
0x8e: {  	[smem:$0x3FC7] =	sst s2  }
0x8f: {  	_ = 	snop  }
0x90: {  	s2 =	sld [smem:$0x3FD0];
	(tm) =	ssettm $0x1  }
0x91: {  	s18 =	sld [smem:$0x3FFB];
	_ =	sdelay $0x3  }
0x92: {  	_ =	strace s18  }
0x93: {  	s3 =	sld [smem:$0x3FFC];
	_ =	sdelay $0x3  }
0x94: {  	_ =	strace s3  }
0x95: {  	s3 =	sld [smem:$0x3FFD];
	_ =	sdelay $0x3  }
0x96: {  	_ =	strace s3  }
0x97: {  	_ =	strace $0x8FFFFFFF  }
0x98: {  	s19 =	sld [smem:$0x3FDB];
	_ =	sdelay $0x1  }
0x99: {  	s4 =	simm.s32 $_scs_section_size  }
0x9a: {  	s5 =	simm.s32 $_size__tile_overlayer_lowered;
	s6 =	simm.s32 $_tile_overlayer_lowered  }
0x9b: {  	s22 =	simm.s32 $0x1BFF;
	s21 =	sshll.u32 s6, $0x1;
	s3 =	sadd.s32 s4, s19  }
0x9c: {  	s7 =	simm.s32 $0x0;
	s20 =	sshll.u32 s5, $0x1;
	s5 =	sadd.s32 s21, s3  }
0x9d: {  	[timem:s7], [sflag:s22] =	dma.local [hbm:s5], s20  }
0x9e: {  	_ =	swait.ge [sflag:s22], s20  }
0x9f: {  	s4 =	ssub.s32 $0x0, s20;
	[sflag:s22] =	ssyncset.done $0x0  }
0xa0: {  	[sflag:s22] =	ssyncadd.s32 s4;
	_ =	sdelay $0x1  }
0xa1: {  	s23 =	simm.s32 $0x1B8B  }
0xa2: {  	_ =	swait.ge [sflag:s23], $0x1  }
0xa3: {  	[sflag:s23] =	ssyncset.done $0x0  }
0xa4: {  	s25 =	simm.s32 $0x1B8E;
	s24 =	sld [smem:$0x3FFE];
	[sflag:s23] =	ssyncadd.s32 $0xFFFFFFFF  }
0xa5: {  	s26 =	simm.s32 $execute0_lowered;
	[smem:$0x3FD2] =	sst s25  }
0xa6: {  	s5 =	sshll.u32 s26, $0x1;
	_ =	strace $0x80000049;
	[dreg:$0x1] =	wrdreg $0xFFFFFFFF  }
0xa7: {  	s28 =	simm.s32 $_size_execute0_lowered;
	s3 =	sadd.s32 s3, s5;
	[dreg:$0x0] =	wrdreg $0x0  }
0xa8: {  	s5 =	sshll.u32 s28, $0x1;
	[dreg:$0x2] =	wrdreg s3  }
0xa9: {  	[dreg:$0x3] =	wrdreg s5  }
0xaa: {  	[dreg:$0x4] =	wrdreg $0xC0  }
0xab: {  	_ =	task [dreg:s7], $0x5FFFF  }
0xac: {  	[dreg:$0x1] =	wrdreg $0xFFFFFFFF  }
0xad: {  	[dreg:$0x0] =	wrdreg $0x60  }
0xae: {  	[dreg:$0x2] =	wrdreg s2  }
0xaf: {  	[dreg:$0x3] =	wrdreg s24  }
0xb0: {  	[dreg:$0x4] =	wrdreg $0x9  }
0xb1: {  	_ =	task.clear_ibuf [dreg:s7], $0x5FFFF;
	_ =	strace $0x90000049  }
0xb2: {  	s29 =	simm.s32 $0x9;
	_ =	strace $0x8000004B  }
0xb3: {  	_ =	swait.ge [sflag:s29], $0x1  }
0xb4: {  	[sflag:s29] =	ssyncadd.s32 $0xFFFFFFFF  }
0xb5: {  	_ =	strace $0x9000004B  }
0xb6: {  	_ =	sfence  }
0xb7: {  	s30 =	sld [smem:$0x0];
	_ =	sdelay $0x2  }
0xb8: {  	s31 =	sshll.u32 s1, $0xD;
	s1 =	sshrl.u32 s1, $0x2  }
0xb9: {  	s3 =	sand.u32 $0x4000, s31;
	s1 =	sadd.s32 s1, s30  }
0xba: {  	s0 =	sor.u32 s3, s0;
	s1 =	sshll.u32 s1, $0x11  }
0xbb: {  	s0 =	sor.u32 s1, s0  }
0xbc: {  	s0 =	sadd.s32 $0x8F2B, s0  }
0xbd: {  	[sflag:s0] =	ssyncadd.remote.s32 $0x1  }
0xbe: {  	_ =	sfence.sel $0xFFFF  }
0xbf: {  	[dreg:$0x0] =	wrdreg $0xFFFFFFFF;
	(pc) =	sbr.abs _section_cstart, $3  }
0xc0: {  	[dreg:$0x1] =	wrdreg $0xFFFFFFFF  }
0xc1: {  	_ =	task.clear_ibuf [dreg:s7], $0x2FFFF;
	_ =	strace $0x9FFFFFFF  }
0xc2: {  	(tm) =	ssettm $0x7FFFFFFF  }
0xc3: {  	_ =	shalt  }
tec
execute0_lowered:
.L_overlay_start_1:
0x0: {  	(tag) =	ssettag $0x1  }
0x1: {  	s2 =	rddreg [dreg:$0x0];
	s0 =	srdreg.scid  }
0x2: {  	s3 =	stileid.u32;
	s1 =	rddreg [dreg:$0x1]  }
0x3: {  	s0 =	sand.u32 $0x1, s0;
	s4 =	sshll.u32 s3, $0x1;
	s3 =	simm.s32 $0x0  }
0x4: {  	s4 =	sor.u32 s0, s4;
	[smem:$0x7FF] =	sst s3;
	s0 =	ssub.s32 $0x2, s0  }
0x5: {  	_ =	strace $0x8000004A;
	s8 =	sshrl.u32 s0, $0x1;
	s18 =	sadd.s32 $0xFFFFFFF1, s4  }
0x6: {  	s21 =	sshll.u32 s4, $0xA;
	s22 =	sadd.s32 $0xFFFFFFFF, s4;
	s0 =	ssub.s32 s0, s8  }
0x7: {  	s23 =	sadd.s32 $0xFFFFFFFD, s4;
	p0 =	slt.u32 s22, $0x2;
	s0 =	smax.u32 s0, $0x1  }
0x8: {  	s24 =	sadd.s32 $0xFFFFFFF5, s4;
	[dreg:$0xb] =	wrdreg s0;
	s0 =	simm.s32 @!p0 $0x0  }
0x9: {  	[dreg:$0x4] =	wrdreg s18;
	s0 =	simm.s32 @p0 $0x1;
	p0 =	slt.u32 s23, $0x2  }
0xa: {  	s25 =	sadd.s32 $0xFFFFFFF3, s4;
	[smem:$0x7E2] =	sst s0;
	s0 =	simm.s32 @!p0 $0x0  }
0xb: {  	[dreg:$0xa] =	wrdreg s21;
	s0 =	simm.s32 @p0 $0x1;
	p0 =	slt.u32 s24, $0x2  }
0xc: {  	s18 =	simm.s32 $0x1;
	[smem:$0x7E3] =	sst s0;
	s0 =	simm.s32 @!p0 $0x0  }
0xd: {  	s21 =	sshll.u32 s18, s4;
	s0 =	simm.s32 @p0 $0x1;
	p0 =	slt.u32 s25, $0x2  }
0xe: {  	s26 =	sand.u32 $0x18181818, s21;
	[smem:$0x7E4] =	sst s0;
	s0 =	simm.s32 @!p0 $0x0  }
0xf: {  	s0 =	simm.s32 @p0 $0x1;
	p0 =	sne.s32 s26, $0x0  }
0x10: {  	s28 =	sand.u32 $0x2400240, s21;
	[smem:$0x7E5] =	sst s0;
	s0 =	simm.s32 @!p0 $0x0  }
0x11: {  	s0 =	simm.s32 @p0 $0x1;
	p0 =	sne.s32 s28, $0x0  }
0x12: {  	s31 =	sand.u32 $0x4200420, s21;
	[smem:$0x7E6] =	sst s0;
	s0 =	simm.s32 @!p0 $0x0  }
0x13: {  	s0 =	simm.s32 @p0 $0x1;
	p0 =	sne.s32 s31, $0x0  }
0x14: {  	[smem:$0x7E7] =	sst s0;
	s0 =	simm.s32 @!p0 $0x0  }
0x15: {  	s0 =	simm.s32 @p0 $0x1;
	p0 =	sgt.s32 s4, $0x4  }
0x16: {  	[smem:$0x7E8] =	sst s0;
	s0 =	simm.s32 @!p0 $0x0  }
0x17: {  	s0 =	simm.s32 @p0 $0x1;
	p0 =	sgt.s32 s4, $0x6  }
0x18: {  	[smem:$0x7E9] =	sst s0;
	s0 =	simm.s32 @!p0 $0x0  }
0x19: {  	s0 =	simm.s32 @p0 $0x1;
	p0 =	seq.s32 s4, $0x5  }
0x1a: {  	[smem:$0x7EA] =	sst s0;
	s0 =	simm.s32 @!p0 $0x0  }
0x1b: {  	s0 =	simm.s32 @p0 $0x1;
	p0 =	seq.s32 s4, $0x7  }
0x1c: {  	[smem:$0x7EB] =	sst s0;
	s0 =	simm.s32 @!p0 $0x0  }
0x1d: {  	s0 =	simm.s32 @p0 $0x1;
	p0 =	sgt.s32 s4, $0xC  }
0x1e: {  	[smem:$0x7EC] =	sst s0;
	s0 =	simm.s32 @!p0 $0x0  }
0x1f: {  	s0 =	simm.s32 @p0 $0x1;
	p0 =	seq.s32 s4, $0x9  }
0x20: {  	[smem:$0x7ED] =	sst s0;
	s0 =	simm.s32 @!p0 $0x0  }
0x21: {  	s12 =	simm.s32 $0x9;
	s0 =	simm.s32 @p0 $0x1;
	p0 =	sgt.u32 s4, $0x1C  }
0x22: {  	s29 =	simm.s32 $0x6D40;
	[smem:$0x7EE] =	sst s0;
	s0 =	simm.s32 @!p0 $0x0  }
0x23: {  	s30 =	simm.s32 $0x9550;
	s0 =	simm.s32 @p0 $0x1;
	p0 =	sgt.u32 s4, $0x18  }
0x24: {  	s10 =	simm.s32 $0x3;
	[smem:$0x7EF] =	sst s0;
	s0 =	simm.s32 @!p0 $0x0  }
0x25: {  	s19 =	sadd.s32 $0xE80, s1;
	s0 =	simm.s32 @p0 $0x1;
	p0 =	sgt.s32 s4, $0x12  }
0x26: {  	s9 =	sadd.s32 $0x10000, s2;
	[smem:$0x7F0] =	sst s0;
	s0 =	simm.s32 @!p0 $0x0  }
0x27: {  	s11 =	sadd.s32 $0x18000, s2;
	s0 =	simm.s32 @p0 $0x1;
	p0 =	sgt.s32 s4, $0x9  }
0x28: {  	s14 =	sadd.s32 $0xD600, s1;
	[smem:$0x7F1] =	sst s0;
	s0 =	simm.s32 @!p0 $0x0  }
0x29: {  	s15 =	sadd.s32 $0x15600, s1;
	s0 =	simm.s32 @p0 $0x1;
	p0 =	sgt.s32 s4, $0x5  }
0x2a: {  	s16 =	sadd.s32 $0x1D600, s1;
	[smem:$0x7F2] =	sst s0;
	s0 =	simm.s32 @!p0 $0x0  }
0x2b: {  	s5 =	smul.u32 $0x50, s4;
	s0 =	simm.s32 @p0 $0x1;
	p0 =	seq.s32 s4, $0x6  }
0x2c: {  	s17 =	sshll.u32 s4, $0x9;
	[smem:$0x7F3] =	sst s0;
	s0 =	simm.s32 @!p0 $0x0  }
0x2d: {  	[dreg:$0x5] =	wrdreg s19;
	s0 =	simm.s32 @p0 $0x1;
	p0 =	seq.s32 s4, $0xA  }
0x2e: {  	p6 =	sgt.s32 s4, $0x10;
	[smem:$0x7F4] =	sst s0;
	s0 =	simm.s32 @!p0 $0x0  }
0x2f: {  	p1 =	sgt.s32 s4, $0x8;
	s0 =	simm.s32 @p0 $0x1;
	p0 =	sgt.s32 s4, $0x16  }
0x30: {  	p5 =	sgt.s32 s4, $0x18;
	[smem:$0x7F5] =	sst s0;
	s0 =	simm.s32 @!p0 $0x0  }
0x31: {  	[dreg:$0x8] =	wrdreg s9;
	s0 =	simm.s32 @p0 $0x1;
	p0 =	seq.s32 s4, $0x15  }
0x32: {  	p2 =	sgt.s32 s4, $0x14;
	[smem:$0x7F6] =	sst s0;
	s0 =	simm.s32 @!p0 $0x0  }
0x33: {  	[dreg:$0x9] =	wrdreg s11;
	s0 =	simm.s32 @p0 $0x1;
	p0 =	seq.s32 s4, $0x16  }
0x34: {  	s7 =	sadd.s32 s17, s1;
	[smem:$0x7F7] =	sst s0;
	s0 =	simm.s32 @!p0 $0x0  }
0x35: {  	s17 =	simm.s32 $0x0;
	s0 =	simm.s32 @p0 $0x1;
	p0 =	sgt.s32 s4, $0x19  }
0x36: {  	s6 =	sadd.s32 s5, s1;
	[smem:$0x7F8] =	sst s0;
	s0 =	simm.s32 @!p0 $0x0  }
0x37: {  	s5 =	sadd.s32 $0x5600, s1;
	s0 =	simm.s32 @p0 $0x1;
	p0 =	seq.s32 s4, $0x19  }
0x38: {  	s20 =	sadd.s32 $0x1600, s7;
	[smem:$0x7F9] =	sst s0;
	s0 =	simm.s32 @!p0 $0x0  }
0x39: {  	s7 =	sadd.s32 $0x8000, s2;
	s0 =	simm.s32 @p0 $0x1;
	p0 =	seq.s32 s4, $0x1A  }
0x3a: {  	s8 =	sadd.s32 $0xC00, s6;
	[smem:$0x7FA] =	sst s0;
	s0 =	simm.s32 @!p0 $0x0  }
0x3b: {  	[dreg:$0x6] =	wrdreg s20;
	s0 =	simm.s32 @p0 $0x1;
	p0 =	sgt.u32 s4, $0x15  }
.Ltmp0:
0x3c: {  	[smem:$0x7FB] =	sst s0;
	s0 =	simm.s32 @!p0 $0x0;
	(pc) =	sbr.rel .LBB2_1-.Ltmp0, $4  }
0x3d: {  	s6 =	simm.s32 $0x2;
	[dreg:$0x7] =	wrdreg s7;
	s0 =	simm.s32 @p0 $0x1  }
0x3e: {  	s20 =	simm.s32 $0x4;
	[smem:$0x7FC] =	sst s0;
	s0 =	simm.s32 @!p2 $0x0  }
0x3f: {  	[dreg:$0x3] =	wrdreg s8;
	s24 =	simm.s32 $0x1D20;
	s0 =	simm.s32 @p2 $0x1  }
0x40: {  	v0 =	vimm.f32 $0.0e+00;
	s25 =	simm.s32 $0x4530;
	p0 =	sgt.u32 s4, $0x14;
	[smem:$0x7FD] =	sst s0  }
.LBB2_755:
0x41: {  	s0 =	simm.s32 $0x5  }
0x42: {  	_ =	swait.ge [sflag:s0], $0x2000  }
0x43: {  	[sflag:s0] =	ssyncset.done $0x0  }
0x44: {  	s26 =	simm.s32 $0x6;
	[sflag:s0] =	ssyncadd.s32 $0xFFFFE000  }
0x45: {  	_ =	swait.ge [sflag:s26], $0x2000  }
0x46: {  	[sflag:s26] =	ssyncset.done $0x0  }
0x47: {  	s28 =	simm.s32 $0x7;
	[sflag:s26] =	ssyncadd.s32 $0xFFFFE000  }
0x48: {  	_ =	swait.ge [sflag:s28], $0x2000  }
0x49: {  	[sflag:s28] =	ssyncset.done $0x0  }
0x4a: {  	s1 =	simm.s32 $0x8;
	[sflag:s28] =	ssyncadd.s32 $0xFFFFE000  }
0x4b: {  	_ =	swait.ge [sflag:s1], $0x2000  }
0x4c: {  	s17 =	rddreg [dreg:$0xc]  }
0x4d: {  	s31 =	rddreg [dreg:$0xb];
	s17 =	sadd.s32 $0x1, s17  }
0x4e: {  	p2 =	sne.s32 s17, s31  }
.Ltmp1:
0x4f: {  	_ = 	snop;
	(pc) =	sbr.rel @!p2 .LBB2_756-.Ltmp1, $4  }
0x50: {  	s8 =	rddreg [dreg:$0x3]  }
0x51: {  	s7 =	rddreg [dreg:$0x7]  }
0x52: {  	[sflag:s1] =	ssyncset.done $0x0;
	s9 =	rddreg [dreg:$0x8]  }
0x53: {  	s12 =	simm.s32 $0x9;
	s11 =	rddreg [dreg:$0x9];
	[sflag:s1] =	ssyncadd.s32 $0xFFFFE000  }
.LBB2_1:
.Ltmp2:
0x54: {  	(pc) =	sbr.rel @p6 .LBB2_11-.Ltmp2, $1  }
0x55: {  	_ =	sdelay $0x3  }
.Ltmp3:
0x56: {  	(pc) =	sbr.rel @p1 .LBB2_8-.Ltmp3, $1  }
0x57: {  	_ =	sdelay $0x3  }
0x58: {  	s0 =	sld [smem:$0x7E9];
	_ =	sdelay $0x2  }
0x59: {  	p2 =	seq.s32 s0, $0x1  }
.Ltmp4:
0x5a: {  	_ = 	snop;
	(pc) =	sbr.rel @p2 .LBB2_6-.Ltmp4, $1  }
0x5b: {  	_ =	sdelay $0x3  }
0x5c: {  	s0 =	sld [smem:$0x7E2];
	_ =	sdelay $0x2  }
0x5d: {  	p2 =	seq.s32 s0, $0x1  }
.Ltmp5:
0x5e: {  	_ = 	snop;
	(pc) =	sbr.rel @p2 .LBB2_52-.Ltmp5, $1  }
0x5f: {  	_ =	sdelay $0x3  }
0x60: {  	s0 =	sld [smem:$0x7E3];
	_ =	sdelay $0x2  }
0x61: {  	p2 =	seq.s32 s0, $0x1  }
.Ltmp6:
0x62: {  	_ = 	snop;
	(pc) =	sbr.rel @p2 .LBB2_57-.Ltmp6, $4  }
.Ltmp7:
0x63: {  	_ = 	snop;
	(pc) =	sbr.rel @!p2 .LBB2_24-.Ltmp7, $4  }
0x64: {  	_ = 	snop  }
0x65: {  	_ = 	snop  }
0x66: {  	_ = 	snop  }
0x67: {  	_ = 	snop  }
.LBB2_11:
.Ltmp8:
0x68: {  	(pc) =	sbr.rel @p5 .LBB2_16-.Ltmp8, $1  }
0x69: {  	_ =	sdelay $0x3  }
0x6a: {  	s0 =	sld [smem:$0x7FD];
	_ =	sdelay $0x2  }
0x6b: {  	p2 =	seq.s32 s0, $0x1  }
.Ltmp9:
0x6c: {  	_ = 	snop;
	(pc) =	sbr.rel @p2 .LBB2_14-.Ltmp9, $1  }
0x6d: {  	_ =	sdelay $0x3  }
0x6e: {  	s0 =	sadd.s32 $0xFFFFFFEF, s4  }
0x6f: {  	p2 =	slt.u32 s0, $0x2  }
.Ltmp10:
0x70: {  	_ = 	snop;
	(pc) =	sbr.rel @p2 .LBB2_52-.Ltmp10, $4  }
.Ltmp11:
0x71: {  	_ = 	snop;
	(pc) =	sbr.rel @!p2 .LBB2_57-.Ltmp11, $4  }
0x72: {  	_ = 	snop  }
0x73: {  	_ = 	snop  }
0x74: {  	_ = 	snop  }
0x75: {  	_ = 	snop  }
.LBB2_8:
0x76: {  	s0 =	sld [smem:$0x7ED];
	_ =	sdelay $0x2  }
0x77: {  	p2 =	seq.s32 s0, $0x1  }
.Ltmp12:
0x78: {  	_ = 	snop;
	(pc) =	sbr.rel @p2 .LBB2_51-.Ltmp12, $1  }
0x79: {  	_ =	sdelay $0x3  }
0x7a: {  	s0 =	sld [smem:$0x7E4];
	_ =	sdelay $0x2  }
0x7b: {  	p2 =	seq.s32 s0, $0x1  }
.Ltmp13:
0x7c: {  	_ = 	snop;
	(pc) =	sbr.rel @p2 .LBB2_57-.Ltmp13, $1  }
0x7d: {  	_ =	sdelay $0x3  }
0x7e: {  	s0 =	sld [smem:$0x7EE];
	_ =	sdelay $0x2  }
0x7f: {  	p2 =	seq.s32 s0, $0x1  }
.Ltmp14:
0x80: {  	_ = 	snop;
	(pc) =	sbr.rel @p2 .LBB2_19-.Ltmp14, $4  }
.Ltmp15:
0x81: {  	_ = 	snop;
	(pc) =	sbr.rel @!p2 .LBB2_56-.Ltmp15, $4  }
0x82: {  	_ = 	snop  }
0x83: {  	_ = 	snop  }
0x84: {  	_ = 	snop  }
0x85: {  	_ = 	snop  }
.LBB2_16:
0x86: {  	p2 =	sgt.s32 s4, $0x1C  }
.Ltmp16:
0x87: {  	_ = 	snop;
	(pc) =	sbr.rel @p2 .LBB2_22-.Ltmp16, $1  }
0x88: {  	_ =	sdelay $0x3  }
0x89: {  	s0 =	sadd.s32 $0xFFFFFFE5, s4  }
0x8a: {  	p2 =	slt.u32 s0, $0x2  }
.Ltmp17:
0x8b: {  	_ = 	snop;
	(pc) =	sbr.rel @p2 .LBB2_57-.Ltmp17, $1  }
0x8c: {  	_ =	sdelay $0x3  }
0x8d: {  	s0 =	sld [smem:$0x7FA];
	_ =	sdelay $0x2  }
0x8e: {  	p2 =	seq.s32 s0, $0x1  }
.Ltmp18:
0x8f: {  	_ = 	snop;
	(pc) =	sbr.rel @!p2 .LBB2_56-.Ltmp18, $4  }
.Ltmp19:
0x90: {  	_ = 	snop;
	(pc) =	sbr.rel @p2 .LBB2_19-.Ltmp19, $4  }
0x91: {  	_ = 	snop  }
0x92: {  	_ = 	snop  }
0x93: {  	_ = 	snop  }
0x94: {  	_ = 	snop  }
.LBB2_6:
0x95: {  	s0 =	sld [smem:$0x7EA];
	_ =	sdelay $0x2  }
0x96: {  	p2 =	seq.s32 s0, $0x1  }
.Ltmp20:
0x97: {  	_ = 	snop;
	(pc) =	sbr.rel @p2 .LBB2_49-.Ltmp20, $1  }
0x98: {  	_ =	sdelay $0x3  }
0x99: {  	s0 =	sld [smem:$0x7EB];
	_ =	sdelay $0x2  }
0x9a: {  	p2 =	seq.s32 s0, $0x1  }
.Ltmp21:
0x9b: {  	_ = 	snop;
	(pc) =	sbr.rel @p2 .LBB2_56-.Ltmp21, $4  }
.Ltmp22:
0x9c: {  	_ = 	snop;
	(pc) =	sbr.rel @!p2 .LBB2_19-.Ltmp22, $4  }
0x9d: {  	_ = 	snop  }
0x9e: {  	_ = 	snop  }
0x9f: {  	_ = 	snop  }
0xa0: {  	_ = 	snop  }
.LBB2_14:
0xa1: {  	s0 =	sadd.s32 $0xFFFFFFE9, s4  }
0xa2: {  	p2 =	slt.u32 s0, $0x2  }
.Ltmp23:
0xa3: {  	_ = 	snop;
	(pc) =	sbr.rel @p2 .LBB2_23-.Ltmp23, $1  }
0xa4: {  	_ =	sdelay $0x3  }
0xa5: {  	s0 =	sld [smem:$0x7F7];
	_ =	sdelay $0x2  }
0xa6: {  	p2 =	seq.s32 s0, $0x1  }
.Ltmp24:
0xa7: {  	_ = 	snop;
	(pc) =	sbr.rel @p2 .LBB2_56-.Ltmp24, $4  }
.Ltmp25:
0xa8: {  	_ = 	snop;
	(pc) =	sbr.rel @!p2 .LBB2_19-.Ltmp25, $4  }
0xa9: {  	_ = 	snop  }
0xaa: {  	_ = 	snop  }
0xab: {  	_ = 	snop  }
0xac: {  	_ = 	snop  }
.LBB2_51:
0xad: {  	s0 =	sld [smem:$0x7E5];
	_ =	sdelay $0x2  }
0xae: {  	p2 =	seq.s32 s0, $0x1  }
.Ltmp26:
0xaf: {  	_ = 	snop;
	(pc) =	sbr.rel @!p2 .LBB2_24-.Ltmp26, $4  }
.Ltmp27:
0xb0: {  	_ = 	snop;
	(pc) =	sbr.rel @p2 .LBB2_52-.Ltmp27, $4  }
0xb1: {  	_ = 	snop  }
0xb2: {  	_ = 	snop  }
0xb3: {  	_ = 	snop  }
0xb4: {  	_ = 	snop  }
.LBB2_22:
0xb5: {  	s0 =	sadd.s32 $0xFFFFFFE3, s4  }
0xb6: {  	p2 =	slt.u32 s0, $0x2  }
.Ltmp28:
0xb7: {  	_ = 	snop;
	(pc) =	sbr.rel @p2 .LBB2_52-.Ltmp28, $4  }
.Ltmp29:
0xb8: {  	_ = 	snop;
	(pc) =	sbr.rel @!p2 .LBB2_24-.Ltmp29, $4  }
0xb9: {  	_ = 	snop  }
0xba: {  	_ = 	snop  }
0xbb: {  	_ = 	snop  }
0xbc: {  	_ = 	snop  }
.LBB2_49:
0xbd: {  	s0 =	sld [smem:$0x7EC];
	_ =	sdelay $0x2  }
0xbe: {  	p2 =	seq.s32 s0, $0x1  }
.Ltmp30:
0xbf: {  	_ = 	snop;
	(pc) =	sbr.rel @!p2 .LBB2_50-.Ltmp30, $1  }
0xc0: {  	_ =	sdelay $0x3  }
.LBB2_23:
0xc1: {  	[tilespmem:s3], [sflag:$0x9] =	stream.linear.gather [hbm4b:s8+s3], $0x140, $0x38;
	[tilespmem:$0x13D60] =	vst v63  }
0xc2: {  	_ =	swait.ge [sflag:s12], $0x140  }
0xc3: {  	s0 =	rddreg [dreg:$0x4]  }
0xc4: {  	p2 =	sgt.u32 s0, $0x1  }
.Ltmp31:
0xc5: {  	_ = 	snop;
	(pc) =	sbr.rel @p2 .LBB2_25-.Ltmp31, $3  }
0xc6: {  	_ =	sdelay $0x1  }
0xc7: {  	[sflag:s12] =	ssyncset.done $0x0  }
0xc8: {  	[sflag:s12] =	ssyncadd.s32 $0xFFFFFEC0  }
.LBB2_24:
0xc9: {  	s0 =	simm.s32 $0x140  }
0xca: {  	[tilespmem:s0], [sflag:$0x9] =	stream.linear.gather [hbm4b:s8+s3], $0x180, $0x38;
	[tilespmem:$0x13D60] =	vst v63  }
0xcb: {  	_ =	swait.ge [sflag:s12], $0x180  }
0xcc: {  	[sflag:s12] =	ssyncset.done $0x0  }
0xcd: {  	[sflag:s12] =	ssyncadd.s32 $0xFFFFFE80  }
.LBB2_25:
.Ltmp32:
0xce: {  	(pc) =	sbr.rel @p6 .LBB2_38-.Ltmp32, $1  }
0xcf: {  	_ =	sdelay $0x3  }
0xd0: {  	p2 =	sgt.s32 s4, $0x7  }
.Ltmp33:
0xd1: {  	_ = 	snop;
	(pc) =	sbr.rel @!p2 .LBB2_27-.Ltmp33, $1  }
0xd2: {  	_ =	sdelay $0x3  }
0xd3: {  	p2 =	sgt.s32 s4, $0xA  }
.Ltmp34:
0xd4: {  	_ = 	snop;
	(pc) =	sbr.rel @!p2 .LBB2_33-.Ltmp34, $1  }
0xd5: {  	_ =	sdelay $0x3  }
0xd6: {  	s0 =	sld [smem:$0x7E4];
	_ =	sdelay $0x2  }
0xd7: {  	p2 =	seq.s32 s0, $0x1  }
.Ltmp35:
0xd8: {  	_ = 	snop;
	(pc) =	sbr.rel @p2 .LBB2_57-.Ltmp35, $1  }
0xd9: {  	_ =	sdelay $0x3  }
0xda: {  	s0 =	sld [smem:$0x7E5];
	_ =	sdelay $0x2  }
0xdb: {  	p2 =	seq.s32 s0, $0x1  }
.Ltmp36:
0xdc: {  	_ = 	snop;
	(pc) =	sbr.rel @p2 .LBB2_52-.Ltmp36, $4  }
.Ltmp37:
0xdd: {  	_ = 	snop;
	(pc) =	sbr.rel @!p2 .LBB2_58-.Ltmp37, $4  }
0xde: {  	_ = 	snop  }
0xdf: {  	_ = 	snop  }
0xe0: {  	_ = 	snop  }
0xe1: {  	_ = 	snop  }
.LBB2_38:
.Ltmp38:
0xe2: {  	(pc) =	sbr.rel @p5 .LBB2_44-.Ltmp38, $1  }
0xe3: {  	_ =	sdelay $0x3  }
0xe4: {  	s0 =	sld [smem:$0x7FD];
	_ =	sdelay $0x2  }
0xe5: {  	p2 =	seq.s32 s0, $0x1  }
.Ltmp39:
0xe6: {  	_ = 	snop;
	(pc) =	sbr.rel @p2 .LBB2_42-.Ltmp39, $1  }
0xe7: {  	_ =	sdelay $0x3  }
0xe8: {  	s0 =	sadd.s32 $0xFFFFFFEF, s4  }
0xe9: {  	p2 =	slt.u32 s0, $0x2  }
.Ltmp40:
0xea: {  	_ = 	snop;
	(pc) =	sbr.rel @p2 .LBB2_52-.Ltmp40, $1  }
0xeb: {  	_ =	sdelay $0x3  }
0xec: {  	s0 =	sadd.s32 $0xFFFFFFED, s4  }
0xed: {  	p2 =	slt.u32 s0, $0x2  }
.Ltmp41:
0xee: {  	_ = 	snop;
	(pc) =	sbr.rel @p2 .LBB2_57-.Ltmp41, $4  }
.Ltmp42:
0xef: {  	_ = 	snop;
	(pc) =	sbr.rel @!p2 .LBB2_58-.Ltmp42, $4  }
0xf0: {  	_ = 	snop  }
0xf1: {  	_ = 	snop  }
0xf2: {  	_ = 	snop  }
0xf3: {  	_ = 	snop  }
.LBB2_44:
0xf4: {  	p2 =	sgt.s32 s4, $0x1C  }
.Ltmp43:
0xf5: {  	_ = 	snop;
	(pc) =	sbr.rel @p2 .LBB2_48-.Ltmp43, $1  }
0xf6: {  	_ =	sdelay $0x3  }
0xf7: {  	s0 =	sadd.s32 $0xFFFFFFE5, s4  }
0xf8: {  	p2 =	slt.u32 s0, $0x2  }
.Ltmp44:
0xf9: {  	_ = 	snop;
	(pc) =	sbr.rel @p2 .LBB2_57-.Ltmp44, $1  }
0xfa: {  	_ =	sdelay $0x3  }
0xfb: {  	s0 =	sld [smem:$0x7FA];
	_ =	sdelay $0x2  }
0xfc: {  	p2 =	seq.s32 s0, $0x1  }
.Ltmp45:
0xfd: {  	_ = 	snop;
	(pc) =	sbr.rel @p2 .LBB2_19-.Ltmp45, $1  }
0xfe: {  	_ =	sdelay $0x3  }
0xff: {  	s0 =	sld [smem:$0x7FB];
	_ =	sdelay $0x2  }
0x100: {  	p2 =	seq.s32 s0, $0x1  }
.Ltmp46:
0x101: {  	_ = 	snop;
	(pc) =	sbr.rel @p2 .LBB2_56-.Ltmp46, $4  }
.Ltmp47:
0x102: {  	_ = 	snop;
	(pc) =	sbr.rel @!p2 .LBB2_58-.Ltmp47, $4  }
0x103: {  	_ = 	snop  }
0x104: {  	_ = 	snop  }
0x105: {  	_ = 	snop  }
0x106: {  	_ = 	snop  }
.LBB2_27:
0x107: {  	s0 =	sld [smem:$0x7E9];
	_ =	sdelay $0x2  }
0x108: {  	p2 =	seq.s32 s0, $0x1  }
.Ltmp48:
0x109: {  	_ = 	snop;
	(pc) =	sbr.rel @p2 .LBB2_30-.Ltmp48, $1  }
0x10a: {  	_ =	sdelay $0x3  }
0x10b: {  	s0 =	sld [smem:$0x7E2];
	_ =	sdelay $0x2  }
0x10c: {  	p2 =	seq.s32 s0, $0x1  }
.Ltmp49:
0x10d: {  	_ = 	snop;
	(pc) =	sbr.rel @p2 .LBB2_52-.Ltmp49, $1  }
0x10e: {  	_ =	sdelay $0x3  }
0x10f: {  	s0 =	sld [smem:$0x7E3];
	_ =	sdelay $0x2  }
0x110: {  	p2 =	seq.s32 s0, $0x1  }
.Ltmp50:
0x111: {  	_ = 	snop;
	(pc) =	sbr.rel @p2 .LBB2_57-.Ltmp50, $4  }
.Ltmp51:
0x112: {  	_ = 	snop;
	(pc) =	sbr.rel @!p2 .LBB2_58-.Ltmp51, $4  }
0x113: {  	_ = 	snop  }
0x114: {  	_ = 	snop  }
0x115: {  	_ = 	snop  }
0x116: {  	_ = 	snop  }
.LBB2_33:
0x117: {  	p2 =	seq.s32 s4, $0x8  }
.Ltmp52:
0x118: {  	_ = 	snop;
	(pc) =	sbr.rel @p2 .LBB2_50-.Ltmp52, $1  }
0x119: {  	_ =	sdelay $0x3  }
0x11a: {  	s0 =	sld [smem:$0x7EE];
	_ =	sdelay $0x2  }
0x11b: {  	p2 =	seq.s32 s0, $0x1  }
.Ltmp53:
0x11c: {  	_ = 	snop;
	(pc) =	sbr.rel @p2 .LBB2_19-.Ltmp53, $1  }
0x11d: {  	_ =	sdelay $0x3  }
0x11e: {  	s0 =	sld [smem:$0x7F5];
	_ =	sdelay $0x2  }
0x11f: {  	p2 =	seq.s32 s0, $0x1  }
.Ltmp54:
0x120: {  	_ = 	snop;
	(pc) =	sbr.rel @p2 .LBB2_56-.Ltmp54, $4  }
.Ltmp55:
0x121: {  	_ = 	snop;
	(pc) =	sbr.rel @!p2 .LBB2_58-.Ltmp55, $4  }
0x122: {  	_ = 	snop  }
0x123: {  	_ = 	snop  }
0x124: {  	_ = 	snop  }
0x125: {  	_ = 	snop  }
.LBB2_50:
.Ltmp56:
0x126: {  	s0 =	rddreg [dreg:$0x5];
	s1 =	simm.s32 $0x2C0;
	(pc) =	sbr.rel .LBB2_58-.Ltmp56, $4  }
0x127: {  	[tilespmem:s1], [sflag:$0x9] =	stream.linear.gather [hbm4b:s0+s3], $0x1A0, $0x38;
	[tilespmem:$0x13D60] =	vst v63  }
0x128: {  	_ =	swait.ge [sflag:s12], $0x1A0  }
0x129: {  	[sflag:s12] =	ssyncset.done $0x0  }
0x12a: {  	[sflag:s12] =	ssyncadd.s32 $0xFFFFFE60  }
.LBB2_42:
0x12b: {  	s0 =	sld [smem:$0x7F7];
	_ =	sdelay $0x2  }
0x12c: {  	p2 =	seq.s32 s0, $0x1  }
.Ltmp57:
0x12d: {  	_ = 	snop;
	(pc) =	sbr.rel @p2 .LBB2_56-.Ltmp57, $1  }
0x12e: {  	_ =	sdelay $0x3  }
0x12f: {  	s0 =	sld [smem:$0x7F8];
	_ =	sdelay $0x2  }
0x130: {  	p2 =	seq.s32 s0, $0x1  }
.Ltmp58:
0x131: {  	_ = 	snop;
	(pc) =	sbr.rel @p2 .LBB2_19-.Ltmp58, $4  }
.Ltmp59:
0x132: {  	_ = 	snop;
	(pc) =	sbr.rel @!p2 .LBB2_58-.Ltmp59, $4  }
0x133: {  	_ = 	snop  }
0x134: {  	_ = 	snop  }
0x135: {  	_ = 	snop  }
0x136: {  	_ = 	snop  }
.LBB2_48:
0x137: {  	s0 =	sadd.s32 $0xFFFFFFE3, s4  }
0x138: {  	p2 =	slt.u32 s0, $0x2  }
.Ltmp60:
0x139: {  	_ = 	snop;
	(pc) =	sbr.rel @!p2 .LBB2_58-.Ltmp60, $1  }
0x13a: {  	_ =	sdelay $0x3  }
.LBB2_52:
0x13b: {  	s0 =	simm.s32 $0x460  }
0x13c: {  	[tilespmem:s0], [sflag:$0x9] =	stream.linear.gather [hbm4b:s8+s3], $0x1C0, $0x38;
	[tilespmem:$0x13D60] =	vst v63  }
0x13d: {  	_ =	swait.ge [sflag:s12], $0x1C0  }
0x13e: {  	s31 =	sld [smem:$0x7EF];
	_ =	sdelay $0x2  }
0x13f: {  	p2 =	seq.s32 s31, $0x1  }
.Ltmp61:
0x140: {  	_ = 	snop;
	(pc) =	sbr.rel @p2 .LBB2_58-.Ltmp61, $3  }
0x141: {  	_ =	sdelay $0x1  }
0x142: {  	[sflag:s12] =	ssyncset.done $0x0  }
0x143: {  	[sflag:s12] =	ssyncadd.s32 $0xFFFFFE40  }
0x144: {  	s0 =	sld [smem:$0x7E6];
	_ =	sdelay $0x2  }
0x145: {  	p2 =	seq.s32 s0, $0x1  }
.Ltmp62:
0x146: {  	_ = 	snop;
	(pc) =	sbr.rel @p2 .LBB2_57-.Ltmp62, $1  }
0x147: {  	_ =	sdelay $0x3  }
0x148: {  	s0 =	sld [smem:$0x7E7];
	_ =	sdelay $0x2  }
0x149: {  	p2 =	seq.s32 s0, $0x1  }
.Ltmp63:
0x14a: {  	_ = 	snop;
	(pc) =	sbr.rel @p2 .LBB2_19-.Ltmp63, $1  }
0x14b: {  	_ =	sdelay $0x3  }
0x14c: {  	s0 =	sld [smem:$0x7E8];
	_ =	sdelay $0x2  }
0x14d: {  	p2 =	seq.s32 s0, $0x1  }
.Ltmp64:
0x14e: {  	_ = 	snop;
	(pc) =	sbr.rel @p2 .LBB2_56-.Ltmp64, $4  }
.Ltmp65:
0x14f: {  	_ = 	snop;
	(pc) =	sbr.rel @!p2 .LBB2_58-.Ltmp65, $4  }
0x150: {  	_ = 	snop  }
0x151: {  	_ = 	snop  }
0x152: {  	_ = 	snop  }
0x153: {  	_ = 	snop  }
.LBB2_30:
0x154: {  	s0 =	sld [smem:$0x7EB];
	_ =	sdelay $0x2  }
0x155: {  	p2 =	seq.s32 s0, $0x1  }
.Ltmp66:
0x156: {  	_ = 	snop;
	(pc) =	sbr.rel @p2 .LBB2_56-.Ltmp66, $1  }
0x157: {  	_ =	sdelay $0x3  }
0x158: {  	s0 =	sld [smem:$0x7F4];
	_ =	sdelay $0x2  }
0x159: {  	p2 =	seq.s32 s0, $0x1  }
.Ltmp67:
0x15a: {  	_ = 	snop;
	(pc) =	sbr.rel @!p2 .LBB2_58-.Ltmp67, $1  }
0x15b: {  	_ =	sdelay $0x3  }
.LBB2_19:
0x15c: {  	s0 =	simm.s32 $0x620  }
0x15d: {  	[tilespmem:s0], [sflag:$0x9] =	stream.linear.gather [hbm4b:s8+s3], $0x220, $0x38;
	[tilespmem:$0x13D60] =	vst v63  }
0x15e: {  	_ =	swait.ge [sflag:s12], $0x220  }
0x15f: {  	s31 =	sld [smem:$0x7FC];
	_ =	sdelay $0x2  }
0x160: {  	p2 =	seq.s32 s31, $0x1  }
.Ltmp68:
0x161: {  	_ = 	snop;
	(pc) =	sbr.rel @p2 .LBB2_58-.Ltmp68, $3  }
0x162: {  	_ =	sdelay $0x1  }
0x163: {  	[sflag:s12] =	ssyncset.done $0x0  }
0x164: {  	[sflag:s12] =	ssyncadd.s32 $0xFFFFFDE0  }
0x165: {  	s0 =	sand.u32 $0x181800, s21  }
0x166: {  	p2 =	sne.s32 s0, $0x0  }
.Ltmp69:
0x167: {  	_ = 	snop;
	(pc) =	sbr.rel @p2 .LBB2_57-.Ltmp69, $1  }
0x168: {  	_ =	sdelay $0x3  }
0x169: {  	s0 =	sand.u32 $0x200400, s21  }
0x16a: {  	p2 =	sne.s32 s0, $0x0  }
.Ltmp70:
0x16b: {  	_ = 	snop;
	(pc) =	sbr.rel @!p2 .LBB2_58-.Ltmp70, $1  }
0x16c: {  	_ =	sdelay $0x3  }
.LBB2_56:
0x16d: {  	s0 =	simm.s32 $0x840  }
0x16e: {  	[tilespmem:s0], [sflag:$0x9] =	stream.linear.gather [hbm4b:s8+s3], $0x260, $0x38;
	[tilespmem:$0x13D60] =	vst v63  }
0x16f: {  	s0 =	simm.s32 @!p0 $0x1  }
0x170: {  	s0 =	sshll.u32 @!p0 s0, s4  }
0x171: {  	s0 =	sand.u32 @!p0 $0x181800, s0  }
0x172: {  	p2 =	sne.s32 @!p0 s0, $0x0  }
0x173: {  	p2 =	por p0, !p2  }
.Ltmp71:
0x174: {  	_ = 	snop;
	(pc) =	sbr.rel @p2 .LBB2_58-.Ltmp71, $4  }
0x175: {  	_ = 	snop  }
0x176: {  	_ =	swait.ge [sflag:s12], $0x260  }
0x177: {  	[sflag:s12] =	ssyncset.done $0x0  }
0x178: {  	[sflag:s12] =	ssyncadd.s32 $0xFFFFFDA0  }
.LBB2_57:
0x179: {  	s0 =	simm.s32 $0xAA0  }
0x17a: {  	[tilespmem:s0], [sflag:$0x9] =	stream.linear.gather [hbm4b:s8+s3], $0x280, $0x38;
	[tilespmem:$0x13D60] =	vst v63  }
0x17b: {  	_ =	swait.ge [sflag:s12], $0x280  }
0x17c: {  	[sflag:s12] =	ssyncset.done $0x0  }
0x17d: {  	[sflag:s12] =	ssyncadd.s32 $0xFFFFFD80  }
.LBB2_58:
0x17e: {  	s0 =	simm.s32 $0x0;
	s1 =	rddreg [dreg:$0x6];
	s13 =	simm.s32 $0xD20  }
0x17f: {  	[tilespmem:s13], [sflag:$0x9] =	stream.linear.gather [hbm4b:s1+s0], $0x1000, $0x38;
	[tilespmem:$0x13D60] =	vst v63  }
0x180: {  	_ =	swait.ge [sflag:s12], $0x1000  }
0x181: {  	[sflag:s12] =	ssyncset.done $0x0  }
0x182: {  	[sflag:s12] =	ssyncadd.s32 $0xFFFFF000  }
0x183: {  	[tilespmem:$0x4520] =	vst v0  }
0x184: {  	[tilespmem:$0x6D30] =	vst v0  }
0x185: {  	[tilespmem:$0x9540] =	vst v0  }
0x186: {  	s0 =	simm.s32 $0x0;
	s1 =	simm.s32 $0x800;
	[tilespmem:$0xBD50] =	vst v0  }
.LBB2_59:
0x187: {  	p2 =	sne.s32 s1, $0x7800;
	[tilespmem:s0+$0xBF50] =	vst v0  }
0x188: {  	[tilespmem:s0+$0xBD60] =	vst v0  }
0x189: {  	[tilespmem:s0+$0xBD70] =	vst v0  }
0x18a: {  	[tilespmem:s0+$0xBD80] =	vst v0  }
0x18b: {  	[tilespmem:s0+$0xBD90] =	vst v0  }
0x18c: {  	[tilespmem:s0+$0xBDA0] =	vst v0  }
0x18d: {  	[tilespmem:s0+$0xBDB0] =	vst v0  }
0x18e: {  	[tilespmem:s0+$0xBDC0] =	vst v0  }
0x18f: {  	[tilespmem:s0+$0xBDD0] =	vst v0  }
0x190: {  	[tilespmem:s0+$0xBDE0] =	vst v0  }
0x191: {  	[tilespmem:s0+$0xBDF0] =	vst v0  }
0x192: {  	[tilespmem:s0+$0xBE00] =	vst v0  }
0x193: {  	[tilespmem:s0+$0xBE10] =	vst v0  }
0x194: {  	[tilespmem:s0+$0xBE20] =	vst v0  }
0x195: {  	[tilespmem:s0+$0xBE30] =	vst v0  }
0x196: {  	[tilespmem:s0+$0xBE40] =	vst v0  }
0x197: {  	[tilespmem:s0+$0xBE50] =	vst v0  }
0x198: {  	[tilespmem:s0+$0xBE60] =	vst v0  }
0x199: {  	[tilespmem:s0+$0xBE70] =	vst v0  }
0x19a: {  	[tilespmem:s0+$0xBE80] =	vst v0  }
0x19b: {  	[tilespmem:s0+$0xBE90] =	vst v0  }
0x19c: {  	[tilespmem:s0+$0xBEA0] =	vst v0  }
0x19d: {  	[tilespmem:s0+$0xBEB0] =	vst v0  }
0x19e: {  	[tilespmem:s0+$0xBEC0] =	vst v0  }
0x19f: {  	[tilespmem:s0+$0xBED0] =	vst v0  }
0x1a0: {  	[tilespmem:s0+$0xBEE0] =	vst v0  }
0x1a1: {  	[tilespmem:s0+$0xBEF0] =	vst v0  }
.Ltmp72:
0x1a2: {  	[tilespmem:s0+$0xBF00] =	vst v0;
	(pc) =	sbr.rel @p2 .LBB2_59-.Ltmp72, $4  }
0x1a3: {  	[tilespmem:s0+$0xBF10] =	vst v0  }
0x1a4: {  	[tilespmem:s0+$0xBF20] =	vst v0  }
0x1a5: {  	[tilespmem:s0+$0xBF30] =	vst v0  }
0x1a6: {  	[tilespmem:s0+$0xBF40] =	vst v0;
	s0 =	sshra.s32 s1, $0x2;
	s1 =	sadd.s32 $0x800, s1  }
0x1a7: {  	[tilespmem:s0+$0xBF50] =	vst v0  }
0x1a8: {  	[tilespmem:s0+$0xBD60] =	vst v0  }
0x1a9: {  	[tilespmem:s0+$0xBD70] =	vst v0  }
0x1aa: {  	[tilespmem:s0+$0xBD80] =	vst v0  }
0x1ab: {  	[tilespmem:s0+$0xBD90] =	vst v0  }
0x1ac: {  	[tilespmem:s0+$0xBDA0] =	vst v0  }
0x1ad: {  	[tilespmem:s0+$0xBDB0] =	vst v0  }
0x1ae: {  	[tilespmem:s0+$0xBDC0] =	vst v0  }
0x1af: {  	[tilespmem:s0+$0xBDD0] =	vst v0  }
0x1b0: {  	[tilespmem:s0+$0xBDE0] =	vst v0  }
0x1b1: {  	[tilespmem:s0+$0xBDF0] =	vst v0  }
0x1b2: {  	[tilespmem:s0+$0xBE00] =	vst v0  }
0x1b3: {  	[tilespmem:s0+$0xBE10] =	vst v0  }
0x1b4: {  	[tilespmem:s0+$0xBE20] =	vst v0  }
0x1b5: {  	[tilespmem:s0+$0xBE30] =	vst v0  }
0x1b6: {  	[tilespmem:s0+$0xBE40] =	vst v0  }
0x1b7: {  	[tilespmem:s0+$0xBE50] =	vst v0  }
0x1b8: {  	[tilespmem:s0+$0xBE60] =	vst v0  }
0x1b9: {  	[tilespmem:s0+$0xBE70] =	vst v0  }
0x1ba: {  	[tilespmem:s0+$0xBE80] =	vst v0  }
0x1bb: {  	[tilespmem:s0+$0xBE90] =	vst v0  }
0x1bc: {  	[tilespmem:s0+$0xBEA0] =	vst v0  }
0x1bd: {  	[tilespmem:s0+$0xBEB0] =	vst v0  }
0x1be: {  	[tilespmem:s0+$0xBEC0] =	vst v0  }
0x1bf: {  	[tilespmem:s0+$0xBED0] =	vst v0  }
0x1c0: {  	[tilespmem:s0+$0xBEE0] =	vst v0  }
0x1c1: {  	[tilespmem:s0+$0xBEF0] =	vst v0  }
0x1c2: {  	[tilespmem:s0+$0xBF00] =	vst v0  }
0x1c3: {  	[tilespmem:s0+$0xBF10] =	vst v0  }
0x1c4: {  	[tilespmem:s0+$0xBF20] =	vst v0  }
0x1c5: {  	[tilespmem:s0+$0xBF30] =	vst v0  }
0x1c6: {  	[tilespmem:s0+$0xBF40] =	vst v0;
	s0 =	simm.s32 $0x0;
	s1 =	simm.s32 $0x800  }
.LBB2_61:
0x1c7: {  	p2 =	sne.s32 s1, $0x7800;
	[tilespmem:s0+$0xDF50] =	vst v0  }
0x1c8: {  	[tilespmem:s0+$0xDD60] =	vst v0  }
0x1c9: {  	[tilespmem:s0+$0xDD70] =	vst v0  }
0x1ca: {  	[tilespmem:s0+$0xDD80] =	vst v0  }
0x1cb: {  	[tilespmem:s0+$0xDD90] =	vst v0  }
0x1cc: {  	[tilespmem:s0+$0xDDA0] =	vst v0  }
0x1cd: {  	[tilespmem:s0+$0xDDB0] =	vst v0  }
0x1ce: {  	[tilespmem:s0+$0xDDC0] =	vst v0  }
0x1cf: {  	[tilespmem:s0+$0xDDD0] =	vst v0  }
0x1d0: {  	[tilespmem:s0+$0xDDE0] =	vst v0  }
0x1d1: {  	[tilespmem:s0+$0xDDF0] =	vst v0  }
0x1d2: {  	[tilespmem:s0+$0xDE00] =	vst v0  }
0x1d3: {  	[tilespmem:s0+$0xDE10] =	vst v0  }
0x1d4: {  	[tilespmem:s0+$0xDE20] =	vst v0  }
0x1d5: {  	[tilespmem:s0+$0xDE30] =	vst v0  }
0x1d6: {  	[tilespmem:s0+$0xDE40] =	vst v0  }
0x1d7: {  	[tilespmem:s0+$0xDE50] =	vst v0  }
0x1d8: {  	[tilespmem:s0+$0xDE60] =	vst v0  }
0x1d9: {  	[tilespmem:s0+$0xDE70] =	vst v0  }
0x1da: {  	[tilespmem:s0+$0xDE80] =	vst v0  }
0x1db: {  	[tilespmem:s0+$0xDE90] =	vst v0  }
0x1dc: {  	[tilespmem:s0+$0xDEA0] =	vst v0  }
0x1dd: {  	[tilespmem:s0+$0xDEB0] =	vst v0  }
0x1de: {  	[tilespmem:s0+$0xDEC0] =	vst v0  }
0x1df: {  	[tilespmem:s0+$0xDED0] =	vst v0  }
0x1e0: {  	[tilespmem:s0+$0xDEE0] =	vst v0  }
0x1e1: {  	[tilespmem:s0+$0xDEF0] =	vst v0  }
.Ltmp73:
0x1e2: {  	[tilespmem:s0+$0xDF00] =	vst v0;
	(pc) =	sbr.rel @p2 .LBB2_61-.Ltmp73, $4  }
0x1e3: {  	[tilespmem:s0+$0xDF10] =	vst v0  }
0x1e4: {  	[tilespmem:s0+$0xDF20] =	vst v0  }
0x1e5: {  	[tilespmem:s0+$0xDF30] =	vst v0  }
0x1e6: {  	[tilespmem:s0+$0xDF40] =	vst v0;
	s0 =	sshra.s32 s1, $0x2;
	s1 =	sadd.s32 $0x800, s1  }
0x1e7: {  	[tilespmem:s0+$0xDF50] =	vst v0  }
0x1e8: {  	[tilespmem:s0+$0xDD60] =	vst v0  }
0x1e9: {  	[tilespmem:s0+$0xDD70] =	vst v0  }
0x1ea: {  	[tilespmem:s0+$0xDD80] =	vst v0  }
0x1eb: {  	[tilespmem:s0+$0xDD90] =	vst v0  }
0x1ec: {  	[tilespmem:s0+$0xDDA0] =	vst v0  }
0x1ed: {  	[tilespmem:s0+$0xDDB0] =	vst v0  }
0x1ee: {  	[tilespmem:s0+$0xDDC0] =	vst v0  }
0x1ef: {  	[tilespmem:s0+$0xDDD0] =	vst v0  }
0x1f0: {  	[tilespmem:s0+$0xDDE0] =	vst v0  }
0x1f1: {  	[tilespmem:s0+$0xDDF0] =	vst v0  }
0x1f2: {  	[tilespmem:s0+$0xDE00] =	vst v0  }
0x1f3: {  	[tilespmem:s0+$0xDE10] =	vst v0  }
0x1f4: {  	[tilespmem:s0+$0xDE20] =	vst v0  }
0x1f5: {  	[tilespmem:s0+$0xDE30] =	vst v0  }
0x1f6: {  	[tilespmem:s0+$0xDE40] =	vst v0  }
0x1f7: {  	[tilespmem:s0+$0xDE50] =	vst v0  }
0x1f8: {  	[tilespmem:s0+$0xDE60] =	vst v0  }
0x1f9: {  	[tilespmem:s0+$0xDE70] =	vst v0  }
0x1fa: {  	[tilespmem:s0+$0xDE80] =	vst v0  }
0x1fb: {  	[tilespmem:s0+$0xDE90] =	vst v0  }
0x1fc: {  	[tilespmem:s0+$0xDEA0] =	vst v0  }
0x1fd: {  	[tilespmem:s0+$0xDEB0] =	vst v0  }
0x1fe: {  	[tilespmem:s0+$0xDEC0] =	vst v0  }
0x1ff: {  	[tilespmem:s0+$0xDED0] =	vst v0  }
0x200: {  	[tilespmem:s0+$0xDEE0] =	vst v0  }
0x201: {  	[tilespmem:s0+$0xDEF0] =	vst v0  }
0x202: {  	[tilespmem:s0+$0xDF00] =	vst v0  }
0x203: {  	[tilespmem:s0+$0xDF10] =	vst v0  }
0x204: {  	[tilespmem:s0+$0xDF20] =	vst v0  }
0x205: {  	[tilespmem:s0+$0xDF30] =	vst v0  }
0x206: {  	[tilespmem:s0+$0xDF40] =	vst v0;
	s0 =	simm.s32 $0x0;
	s1 =	simm.s32 $0x800  }
.LBB2_63:
0x207: {  	p2 =	sne.s32 s1, $0x7800;
	[tilespmem:s0+$0xFF50] =	vst v0  }
0x208: {  	[tilespmem:s0+$0xFD60] =	vst v0  }
0x209: {  	[tilespmem:s0+$0xFD70] =	vst v0  }
0x20a: {  	[tilespmem:s0+$0xFD80] =	vst v0  }
0x20b: {  	[tilespmem:s0+$0xFD90] =	vst v0  }
0x20c: {  	[tilespmem:s0+$0xFDA0] =	vst v0  }
0x20d: {  	[tilespmem:s0+$0xFDB0] =	vst v0  }
0x20e: {  	[tilespmem:s0+$0xFDC0] =	vst v0  }
0x20f: {  	[tilespmem:s0+$0xFDD0] =	vst v0  }
0x210: {  	[tilespmem:s0+$0xFDE0] =	vst v0  }
0x211: {  	[tilespmem:s0+$0xFDF0] =	vst v0  }
0x212: {  	[tilespmem:s0+$0xFE00] =	vst v0  }
0x213: {  	[tilespmem:s0+$0xFE10] =	vst v0  }
0x214: {  	[tilespmem:s0+$0xFE20] =	vst v0  }
0x215: {  	[tilespmem:s0+$0xFE30] =	vst v0  }
0x216: {  	[tilespmem:s0+$0xFE40] =	vst v0  }
0x217: {  	[tilespmem:s0+$0xFE50] =	vst v0  }
0x218: {  	[tilespmem:s0+$0xFE60] =	vst v0  }
0x219: {  	[tilespmem:s0+$0xFE70] =	vst v0  }
0x21a: {  	[tilespmem:s0+$0xFE80] =	vst v0  }
0x21b: {  	[tilespmem:s0+$0xFE90] =	vst v0  }
0x21c: {  	[tilespmem:s0+$0xFEA0] =	vst v0  }
0x21d: {  	[tilespmem:s0+$0xFEB0] =	vst v0  }
0x21e: {  	[tilespmem:s0+$0xFEC0] =	vst v0  }
0x21f: {  	[tilespmem:s0+$0xFED0] =	vst v0  }
0x220: {  	[tilespmem:s0+$0xFEE0] =	vst v0  }
0x221: {  	[tilespmem:s0+$0xFEF0] =	vst v0  }
.Ltmp74:
0x222: {  	[tilespmem:s0+$0xFF00] =	vst v0;
	(pc) =	sbr.rel @p2 .LBB2_63-.Ltmp74, $4  }
0x223: {  	[tilespmem:s0+$0xFF10] =	vst v0  }
0x224: {  	[tilespmem:s0+$0xFF20] =	vst v0  }
0x225: {  	[tilespmem:s0+$0xFF30] =	vst v0  }
0x226: {  	[tilespmem:s0+$0xFF40] =	vst v0;
	s0 =	sshra.s32 s1, $0x2;
	s1 =	sadd.s32 $0x800, s1  }
0x227: {  	[tilespmem:s0+$0xFF50] =	vst v0  }
0x228: {  	[tilespmem:s0+$0xFD60] =	vst v0  }
0x229: {  	[tilespmem:s0+$0xFD70] =	vst v0  }
0x22a: {  	[tilespmem:s0+$0xFD80] =	vst v0  }
0x22b: {  	[tilespmem:s0+$0xFD90] =	vst v0  }
0x22c: {  	[tilespmem:s0+$0xFDA0] =	vst v0  }
0x22d: {  	[tilespmem:s0+$0xFDB0] =	vst v0  }
0x22e: {  	[tilespmem:s0+$0xFDC0] =	vst v0  }
0x22f: {  	[tilespmem:s0+$0xFDD0] =	vst v0  }
0x230: {  	[tilespmem:s0+$0xFDE0] =	vst v0  }
0x231: {  	[tilespmem:s0+$0xFDF0] =	vst v0  }
0x232: {  	[tilespmem:s0+$0xFE00] =	vst v0  }
0x233: {  	[tilespmem:s0+$0xFE10] =	vst v0  }
0x234: {  	[tilespmem:s0+$0xFE20] =	vst v0  }
0x235: {  	[tilespmem:s0+$0xFE30] =	vst v0  }
0x236: {  	[tilespmem:s0+$0xFE40] =	vst v0  }
0x237: {  	[tilespmem:s0+$0xFE50] =	vst v0  }
0x238: {  	[tilespmem:s0+$0xFE60] =	vst v0  }
0x239: {  	[tilespmem:s0+$0xFE70] =	vst v0  }
0x23a: {  	[tilespmem:s0+$0xFE80] =	vst v0  }
0x23b: {  	[tilespmem:s0+$0xFE90] =	vst v0  }
0x23c: {  	[tilespmem:s0+$0xFEA0] =	vst v0  }
0x23d: {  	[tilespmem:s0+$0xFEB0] =	vst v0  }
0x23e: {  	[tilespmem:s0+$0xFEC0] =	vst v0  }
0x23f: {  	[tilespmem:s0+$0xFED0] =	vst v0  }
0x240: {  	[tilespmem:s0+$0xFEE0] =	vst v0  }
0x241: {  	[tilespmem:s0+$0xFEF0] =	vst v0  }
0x242: {  	[tilespmem:s0+$0xFF00] =	vst v0  }
0x243: {  	[tilespmem:s0+$0xFF10] =	vst v0  }
0x244: {  	[tilespmem:s0+$0xFF20] =	vst v0  }
0x245: {  	[tilespmem:s0+$0xFF30] =	vst v0  }
0x246: {  	[tilespmem:s0+$0xFF40] =	vst v0;
	s0 =	simm.s32 $0x0;
	s1 =	simm.s32 $0x800  }
.LBB2_65:
0x247: {  	p2 =	sne.s32 s1, $0x7800;
	[tilespmem:s0+$0x11F50] =	vst v0  }
0x248: {  	[tilespmem:s0+$0x11D60] =	vst v0  }
0x249: {  	[tilespmem:s0+$0x11D70] =	vst v0  }
0x24a: {  	[tilespmem:s0+$0x11D80] =	vst v0  }
0x24b: {  	[tilespmem:s0+$0x11D90] =	vst v0  }
0x24c: {  	[tilespmem:s0+$0x11DA0] =	vst v0  }
0x24d: {  	[tilespmem:s0+$0x11DB0] =	vst v0  }
0x24e: {  	[tilespmem:s0+$0x11DC0] =	vst v0  }
0x24f: {  	[tilespmem:s0+$0x11DD0] =	vst v0  }
0x250: {  	[tilespmem:s0+$0x11DE0] =	vst v0  }
0x251: {  	[tilespmem:s0+$0x11DF0] =	vst v0  }
0x252: {  	[tilespmem:s0+$0x11E00] =	vst v0  }
0x253: {  	[tilespmem:s0+$0x11E10] =	vst v0  }
0x254: {  	[tilespmem:s0+$0x11E20] =	vst v0  }
0x255: {  	[tilespmem:s0+$0x11E30] =	vst v0  }
0x256: {  	[tilespmem:s0+$0x11E40] =	vst v0  }
0x257: {  	[tilespmem:s0+$0x11E50] =	vst v0  }
0x258: {  	[tilespmem:s0+$0x11E60] =	vst v0  }
0x259: {  	[tilespmem:s0+$0x11E70] =	vst v0  }
0x25a: {  	[tilespmem:s0+$0x11E80] =	vst v0  }
0x25b: {  	[tilespmem:s0+$0x11E90] =	vst v0  }
0x25c: {  	[tilespmem:s0+$0x11EA0] =	vst v0  }
0x25d: {  	[tilespmem:s0+$0x11EB0] =	vst v0  }
0x25e: {  	[tilespmem:s0+$0x11EC0] =	vst v0  }
0x25f: {  	[tilespmem:s0+$0x11ED0] =	vst v0  }
0x260: {  	[tilespmem:s0+$0x11EE0] =	vst v0  }
0x261: {  	[tilespmem:s0+$0x11EF0] =	vst v0  }
.Ltmp75:
0x262: {  	[tilespmem:s0+$0x11F00] =	vst v0;
	(pc) =	sbr.rel @p2 .LBB2_65-.Ltmp75, $4  }
0x263: {  	[tilespmem:s0+$0x11F10] =	vst v0  }
0x264: {  	[tilespmem:s0+$0x11F20] =	vst v0  }
0x265: {  	[tilespmem:s0+$0x11F30] =	vst v0  }
0x266: {  	[tilespmem:s0+$0x11F40] =	vst v0;
	s0 =	sshra.s32 s1, $0x2;
	s1 =	sadd.s32 $0x800, s1  }
0x267: {  	[tilespmem:s0+$0x11F50] =	vst v0  }
0x268: {  	[tilespmem:s0+$0x11D60] =	vst v0  }
0x269: {  	[tilespmem:s0+$0x11D70] =	vst v0  }
0x26a: {  	[tilespmem:s0+$0x11D80] =	vst v0  }
0x26b: {  	[tilespmem:s0+$0x11D90] =	vst v0  }
0x26c: {  	[tilespmem:s0+$0x11DA0] =	vst v0  }
0x26d: {  	[tilespmem:s0+$0x11DB0] =	vst v0  }
0x26e: {  	[tilespmem:s0+$0x11DC0] =	vst v0  }
0x26f: {  	[tilespmem:s0+$0x11DD0] =	vst v0  }
0x270: {  	[tilespmem:s0+$0x11DE0] =	vst v0  }
0x271: {  	[tilespmem:s0+$0x11DF0] =	vst v0  }
0x272: {  	[tilespmem:s0+$0x11E00] =	vst v0  }
0x273: {  	[tilespmem:s0+$0x11E10] =	vst v0  }
0x274: {  	[tilespmem:s0+$0x11E20] =	vst v0  }
0x275: {  	[tilespmem:s0+$0x11E30] =	vst v0  }
0x276: {  	[tilespmem:s0+$0x11E40] =	vst v0  }
0x277: {  	[tilespmem:s0+$0x11E50] =	vst v0  }
0x278: {  	[tilespmem:s0+$0x11E60] =	vst v0  }
0x279: {  	[tilespmem:s0+$0x11E70] =	vst v0  }
0x27a: {  	[tilespmem:s0+$0x11E80] =	vst v0  }
0x27b: {  	[tilespmem:s0+$0x11E90] =	vst v0  }
0x27c: {  	[tilespmem:s0+$0x11EA0] =	vst v0  }
0x27d: {  	[tilespmem:s0+$0x11EB0] =	vst v0  }
0x27e: {  	[tilespmem:s0+$0x11EC0] =	vst v0  }
0x27f: {  	[tilespmem:s0+$0x11ED0] =	vst v0  }
0x280: {  	[tilespmem:s0+$0x11EE0] =	vst v0  }
0x281: {  	[tilespmem:s0+$0x11EF0] =	vst v0  }
.Ltmp76:
0x282: {  	[tilespmem:s0+$0x11F00] =	vst v0;
	(pc) =	sbr.rel @p6 .LBB2_78-.Ltmp76, $4  }
0x283: {  	[tilespmem:s0+$0x11F10] =	vst v0  }
0x284: {  	[tilespmem:s0+$0x11F20] =	vst v0  }
0x285: {  	[tilespmem:s0+$0x11F30] =	vst v0  }
0x286: {  	[tilespmem:s0+$0x11F40] =	vst v0  }
.Ltmp77:
0x287: {  	(pc) =	sbr.rel @p1 .LBB2_74-.Ltmp77, $1  }
0x288: {  	_ =	sdelay $0x3  }
0x289: {  	s0 =	sld [smem:$0x7E9];
	_ =	sdelay $0x2  }
0x28a: {  	p2 =	seq.s32 s0, $0x1  }
.Ltmp78:
0x28b: {  	_ = 	snop;
	(pc) =	sbr.rel @p2 .LBB2_72-.Ltmp78, $1  }
0x28c: {  	_ =	sdelay $0x3  }
0x28d: {  	s0 =	sld [smem:$0x7E2];
	_ =	sdelay $0x2  }
0x28e: {  	p2 =	seq.s32 s0, $0x1  }
.Ltmp79:
0x28f: {  	_ = 	snop;
	(pc) =	sbr.rel @p2 .LBB2_114-.Ltmp79, $1  }
0x290: {  	_ =	sdelay $0x3  }
0x291: {  	s0 =	sld [smem:$0x7E3];
	_ =	sdelay $0x2  }
0x292: {  	p2 =	seq.s32 s0, $0x1  }
.Ltmp80:
0x293: {  	_ = 	snop;
	(pc) =	sbr.rel @p2 .LBB2_71-.Ltmp80, $4  }
.Ltmp81:
0x294: {  	_ = 	snop;
	(pc) =	sbr.rel @!p2 .LBB2_93-.Ltmp81, $4  }
0x295: {  	_ = 	snop  }
0x296: {  	_ = 	snop  }
0x297: {  	_ = 	snop  }
0x298: {  	_ = 	snop  }
.LBB2_78:
.Ltmp82:
0x299: {  	(pc) =	sbr.rel @p5 .LBB2_83-.Ltmp82, $1  }
0x29a: {  	_ =	sdelay $0x3  }
0x29b: {  	s0 =	sld [smem:$0x7FD];
	_ =	sdelay $0x2  }
0x29c: {  	p2 =	seq.s32 s0, $0x1  }
.Ltmp83:
0x29d: {  	_ = 	snop;
	(pc) =	sbr.rel @p2 .LBB2_81-.Ltmp83, $1  }
0x29e: {  	_ =	sdelay $0x3  }
0x29f: {  	s0 =	sadd.s32 $0xFFFFFFEF, s4  }
0x2a0: {  	p2 =	slt.u32 s0, $0x2  }
.Ltmp84:
0x2a1: {  	_ = 	snop;
	(pc) =	sbr.rel @p2 .LBB2_114-.Ltmp84, $4  }
.Ltmp85:
0x2a2: {  	_ = 	snop;
	(pc) =	sbr.rel @!p2 .LBB2_71-.Ltmp85, $4  }
0x2a3: {  	_ = 	snop  }
0x2a4: {  	_ = 	snop  }
0x2a5: {  	_ = 	snop  }
0x2a6: {  	_ = 	snop  }
.LBB2_74:
0x2a7: {  	s0 =	sld [smem:$0x7ED];
	_ =	sdelay $0x2  }
0x2a8: {  	p2 =	seq.s32 s0, $0x1  }
.Ltmp86:
0x2a9: {  	_ = 	snop;
	(pc) =	sbr.rel @p2 .LBB2_77-.Ltmp86, $1  }
0x2aa: {  	_ =	sdelay $0x3  }
0x2ab: {  	s0 =	sld [smem:$0x7E4];
	_ =	sdelay $0x2  }
0x2ac: {  	p2 =	seq.s32 s0, $0x1  }
.Ltmp87:
0x2ad: {  	_ = 	snop;
	(pc) =	sbr.rel @p2 .LBB2_71-.Ltmp87, $1  }
0x2ae: {  	_ =	sdelay $0x3  }
0x2af: {  	s0 =	sld [smem:$0x7EE];
	_ =	sdelay $0x2  }
0x2b0: {  	p2 =	seq.s32 s0, $0x1  }
.Ltmp88:
0x2b1: {  	_ = 	snop;
	(pc) =	sbr.rel @p2 .LBB2_86-.Ltmp88, $4  }
.Ltmp89:
0x2b2: {  	_ = 	snop;
	(pc) =	sbr.rel @!p2 .LBB2_125-.Ltmp89, $4  }
0x2b3: {  	_ = 	snop  }
0x2b4: {  	_ = 	snop  }
0x2b5: {  	_ = 	snop  }
0x2b6: {  	_ = 	snop  }
.LBB2_83:
0x2b7: {  	p2 =	sgt.s32 s4, $0x1C  }
.Ltmp90:
0x2b8: {  	_ = 	snop;
	(pc) =	sbr.rel @p2 .LBB2_91-.Ltmp90, $1  }
0x2b9: {  	_ =	sdelay $0x3  }
0x2ba: {  	s0 =	sadd.s32 $0xFFFFFFE5, s4  }
0x2bb: {  	p2 =	slt.u32 s0, $0x2  }
.Ltmp91:
0x2bc: {  	_ = 	snop;
	(pc) =	sbr.rel @p2 .LBB2_71-.Ltmp91, $1  }
0x2bd: {  	_ =	sdelay $0x3  }
0x2be: {  	s0 =	sld [smem:$0x7FA];
	_ =	sdelay $0x2  }
0x2bf: {  	p2 =	seq.s32 s0, $0x1  }
.Ltmp92:
0x2c0: {  	_ = 	snop;
	(pc) =	sbr.rel @!p2 .LBB2_125-.Ltmp92, $4  }
.Ltmp93:
0x2c1: {  	_ = 	snop;
	(pc) =	sbr.rel @p2 .LBB2_86-.Ltmp93, $4  }
0x2c2: {  	_ = 	snop  }
0x2c3: {  	_ = 	snop  }
0x2c4: {  	_ = 	snop  }
0x2c5: {  	_ = 	snop  }
.LBB2_72:
0x2c6: {  	s0 =	sld [smem:$0x7EA];
	_ =	sdelay $0x2  }
0x2c7: {  	p2 =	seq.s32 s0, $0x1  }
.Ltmp94:
0x2c8: {  	_ = 	snop;
	(pc) =	sbr.rel @p2 .LBB2_249-.Ltmp94, $1  }
0x2c9: {  	_ =	sdelay $0x3  }
0x2ca: {  	s0 =	sld [smem:$0x7EB];
	_ =	sdelay $0x2  }
0x2cb: {  	p2 =	seq.s32 s0, $0x1  }
.Ltmp95:
0x2cc: {  	_ = 	snop;
	(pc) =	sbr.rel @p2 .LBB2_125-.Ltmp95, $4  }
.Ltmp96:
0x2cd: {  	_ = 	snop;
	(pc) =	sbr.rel @!p2 .LBB2_86-.Ltmp96, $4  }
0x2ce: {  	_ = 	snop  }
0x2cf: {  	_ = 	snop  }
0x2d0: {  	_ = 	snop  }
0x2d1: {  	_ = 	snop  }
.LBB2_81:
0x2d2: {  	s0 =	sadd.s32 $0xFFFFFFE9, s4  }
0x2d3: {  	p2 =	slt.u32 s0, $0x2  }
.Ltmp97:
0x2d4: {  	_ = 	snop;
	(pc) =	sbr.rel @p2 .LBB2_92-.Ltmp97, $1  }
0x2d5: {  	_ =	sdelay $0x3  }
0x2d6: {  	s0 =	sld [smem:$0x7F7];
	_ =	sdelay $0x2  }
0x2d7: {  	p2 =	seq.s32 s0, $0x1  }
.Ltmp98:
0x2d8: {  	_ = 	snop;
	(pc) =	sbr.rel @p2 .LBB2_125-.Ltmp98, $4  }
.Ltmp99:
0x2d9: {  	_ = 	snop;
	(pc) =	sbr.rel @!p2 .LBB2_86-.Ltmp99, $4  }
0x2da: {  	_ = 	snop  }
0x2db: {  	_ = 	snop  }
0x2dc: {  	_ = 	snop  }
0x2dd: {  	_ = 	snop  }
.LBB2_77:
0x2de: {  	s0 =	sld [smem:$0x7E5];
	_ =	sdelay $0x2  }
0x2df: {  	p2 =	seq.s32 s0, $0x1  }
.Ltmp100:
0x2e0: {  	_ = 	snop;
	(pc) =	sbr.rel @p2 .LBB2_114-.Ltmp100, $4  }
.Ltmp101:
0x2e1: {  	_ = 	snop;
	(pc) =	sbr.rel @!p2 .LBB2_93-.Ltmp101, $4  }
0x2e2: {  	_ = 	snop  }
0x2e3: {  	_ = 	snop  }
0x2e4: {  	_ = 	snop  }
0x2e5: {  	_ = 	snop  }
.LBB2_91:
0x2e6: {  	s0 =	sadd.s32 $0xFFFFFFE3, s4  }
0x2e7: {  	p2 =	slt.u32 s0, $0x2  }
.Ltmp102:
0x2e8: {  	_ = 	snop;
	(pc) =	sbr.rel @!p2 .LBB2_93-.Ltmp102, $1  }
0x2e9: {  	_ =	sdelay $0x3  }
.LBB2_114:
0x2ea: {  	s31 =	sld [smem:$0x7EF];
	_ =	sdelay $0x2  }
0x2eb: {  	p2 =	seq.s32 s31, $0x1  }
.Ltmp103:
0x2ec: {  	_ = 	snop;
	(pc) =	sbr.rel @p2 .LBB2_118-.Ltmp103, $3  }
0x2ed: {  	_ =	sdelay $0x1  }
0x2ee: {  	s0 =	simm.s32 $0x460;
	s1 =	simm.s32 $0x1C0  }
0x2ef: {  	[tilespmem:s24], [sflag:$0x1] =	stream.indirect.gather [hbm4b:s2+s1], $0x10, s0, s1, $0xb8;
	[tilespmem:$0x13D60] =	vst v63  }
0x2f0: {  	s0 =	sld [smem:$0x7E6];
	_ =	sdelay $0x2  }
0x2f1: {  	p2 =	seq.s32 s0, $0x1  }
.Ltmp104:
0x2f2: {  	_ = 	snop;
	(pc) =	sbr.rel @p2 .LBB2_71-.Ltmp104, $1  }
0x2f3: {  	_ =	sdelay $0x3  }
0x2f4: {  	s0 =	sld [smem:$0x7E7];
	_ =	sdelay $0x2  }
0x2f5: {  	p2 =	seq.s32 s0, $0x1  }
.Ltmp105:
0x2f6: {  	_ = 	snop;
	(pc) =	sbr.rel @p2 .LBB2_86-.Ltmp105, $1  }
0x2f7: {  	_ =	sdelay $0x3  }
0x2f8: {  	s0 =	sld [smem:$0x7E8];
	_ =	sdelay $0x2  }
0x2f9: {  	p2 =	seq.s32 s0, $0x1  }
.Ltmp106:
0x2fa: {  	_ = 	snop;
	(pc) =	sbr.rel @p2 .LBB2_125-.Ltmp106, $4  }
.Ltmp107:
0x2fb: {  	_ = 	snop;
	(pc) =	sbr.rel @!p2 .LBB2_118-.Ltmp107, $4  }
0x2fc: {  	_ = 	snop  }
0x2fd: {  	_ = 	snop  }
0x2fe: {  	_ = 	snop  }
0x2ff: {  	_ = 	snop  }
.LBB2_249:
0x300: {  	s0 =	sld [smem:$0x7EC];
	_ =	sdelay $0x2  }
0x301: {  	p2 =	seq.s32 s0, $0x1  }
.Ltmp108:
0x302: {  	_ = 	snop;
	(pc) =	sbr.rel @!p2 .LBB2_250-.Ltmp108, $1  }
0x303: {  	_ =	sdelay $0x3  }
.LBB2_92:
0x304: {  	s31 =	rddreg [dreg:$0x4]  }
0x305: {  	p2 =	sgt.u32 s31, $0x1  }
.Ltmp109:
0x306: {  	_ = 	snop;
	(pc) =	sbr.rel @p2 .LBB2_94-.Ltmp109, $3  }
0x307: {  	_ =	sdelay $0x1  }
0x308: {  	s0 =	simm.s32 $0x140  }
0x309: {  	[tilespmem:s24], [sflag:$0x1] =	stream.indirect.gather [hbm4b:s2+s0], $0x10, s3, s0, $0xb8;
	[tilespmem:$0x13D60] =	vst v63  }
.LBB2_93:
0x30a: {  	s0 =	simm.s32 $0x140;
	s1 =	simm.s32 $0x180  }
0x30b: {  	[tilespmem:s24], [sflag:$0x1] =	stream.indirect.gather [hbm4b:s2+s1], $0x10, s0, s1, $0xb8;
	[tilespmem:$0x13D60] =	vst v63  }
.LBB2_94:
.Ltmp110:
0x30c: {  	(pc) =	sbr.rel @p6 .LBB2_105-.Ltmp110, $1  }
0x30d: {  	_ =	sdelay $0x3  }
.Ltmp111:
0x30e: {  	(pc) =	sbr.rel @p1 .LBB2_101-.Ltmp111, $1  }
0x30f: {  	_ =	sdelay $0x3  }
0x310: {  	s0 =	sld [smem:$0x7E9];
	_ =	sdelay $0x2  }
0x311: {  	p2 =	seq.s32 s0, $0x1  }
.Ltmp112:
0x312: {  	_ = 	snop;
	(pc) =	sbr.rel @p2 .LBB2_99-.Ltmp112, $1  }
0x313: {  	_ =	sdelay $0x3  }
0x314: {  	s0 =	sld [smem:$0x7E2];
	_ =	sdelay $0x2  }
0x315: {  	p2 =	seq.s32 s0, $0x1  }
.Ltmp113:
0x316: {  	_ = 	snop;
	(pc) =	sbr.rel @p2 .LBB2_114-.Ltmp113, $1  }
0x317: {  	_ =	sdelay $0x3  }
0x318: {  	s0 =	sld [smem:$0x7E3];
	_ =	sdelay $0x2  }
0x319: {  	p2 =	seq.s32 s0, $0x1  }
.Ltmp114:
0x31a: {  	_ = 	snop;
	(pc) =	sbr.rel @p2 .LBB2_71-.Ltmp114, $4  }
.Ltmp115:
0x31b: {  	_ = 	snop;
	(pc) =	sbr.rel @!p2 .LBB2_131-.Ltmp115, $4  }
0x31c: {  	_ = 	snop  }
0x31d: {  	_ = 	snop  }
0x31e: {  	_ = 	snop  }
0x31f: {  	_ = 	snop  }
.LBB2_105:
.Ltmp116:
0x320: {  	(pc) =	sbr.rel @p5 .LBB2_110-.Ltmp116, $1  }
0x321: {  	_ =	sdelay $0x3  }
0x322: {  	s0 =	sld [smem:$0x7FD];
	_ =	sdelay $0x2  }
0x323: {  	p2 =	seq.s32 s0, $0x1  }
.Ltmp117:
0x324: {  	_ = 	snop;
	(pc) =	sbr.rel @p2 .LBB2_108-.Ltmp117, $1  }
0x325: {  	_ =	sdelay $0x3  }
0x326: {  	s0 =	sadd.s32 $0xFFFFFFEF, s4  }
0x327: {  	p2 =	slt.u32 s0, $0x2  }
.Ltmp118:
0x328: {  	_ = 	snop;
	(pc) =	sbr.rel @p2 .LBB2_114-.Ltmp118, $4  }
.Ltmp119:
0x329: {  	_ = 	snop;
	(pc) =	sbr.rel @!p2 .LBB2_71-.Ltmp119, $4  }
0x32a: {  	_ = 	snop  }
0x32b: {  	_ = 	snop  }
0x32c: {  	_ = 	snop  }
0x32d: {  	_ = 	snop  }
.LBB2_101:
0x32e: {  	s0 =	sld [smem:$0x7ED];
	_ =	sdelay $0x2  }
0x32f: {  	p2 =	seq.s32 s0, $0x1  }
.Ltmp120:
0x330: {  	_ = 	snop;
	(pc) =	sbr.rel @p2 .LBB2_104-.Ltmp120, $1  }
0x331: {  	_ =	sdelay $0x3  }
0x332: {  	s0 =	sld [smem:$0x7E4];
	_ =	sdelay $0x2  }
0x333: {  	p2 =	seq.s32 s0, $0x1  }
.Ltmp121:
0x334: {  	_ = 	snop;
	(pc) =	sbr.rel @p2 .LBB2_71-.Ltmp121, $1  }
0x335: {  	_ =	sdelay $0x3  }
0x336: {  	s0 =	sld [smem:$0x7EE];
	_ =	sdelay $0x2  }
0x337: {  	p2 =	seq.s32 s0, $0x1  }
.Ltmp122:
0x338: {  	_ = 	snop;
	(pc) =	sbr.rel @p2 .LBB2_86-.Ltmp122, $4  }
.Ltmp123:
0x339: {  	_ = 	snop;
	(pc) =	sbr.rel @!p2 .LBB2_125-.Ltmp123, $4  }
0x33a: {  	_ = 	snop  }
0x33b: {  	_ = 	snop  }
0x33c: {  	_ = 	snop  }
0x33d: {  	_ = 	snop  }
.LBB2_110:
0x33e: {  	p2 =	sgt.s32 s4, $0x1C  }
.Ltmp124:
0x33f: {  	_ = 	snop;
	(pc) =	sbr.rel @p2 .LBB2_113-.Ltmp124, $1  }
0x340: {  	_ =	sdelay $0x3  }
0x341: {  	s0 =	sadd.s32 $0xFFFFFFE5, s4  }
0x342: {  	p2 =	slt.u32 s0, $0x2  }
.Ltmp125:
0x343: {  	_ = 	snop;
	(pc) =	sbr.rel @p2 .LBB2_71-.Ltmp125, $1  }
0x344: {  	_ =	sdelay $0x3  }
0x345: {  	s0 =	sld [smem:$0x7FA];
	_ =	sdelay $0x2  }
0x346: {  	p2 =	seq.s32 s0, $0x1  }
.Ltmp126:
0x347: {  	_ = 	snop;
	(pc) =	sbr.rel @p2 .LBB2_86-.Ltmp126, $4  }
.Ltmp127:
0x348: {  	_ = 	snop;
	(pc) =	sbr.rel @!p2 .LBB2_125-.Ltmp127, $4  }
0x349: {  	_ = 	snop  }
0x34a: {  	_ = 	snop  }
0x34b: {  	_ = 	snop  }
0x34c: {  	_ = 	snop  }
.LBB2_99:
0x34d: {  	s0 =	sld [smem:$0x7EA];
	_ =	sdelay $0x2  }
0x34e: {  	p2 =	seq.s32 s0, $0x1  }
.Ltmp128:
0x34f: {  	_ = 	snop;
	(pc) =	sbr.rel @p2 .LBB2_129-.Ltmp128, $1  }
0x350: {  	_ =	sdelay $0x3  }
0x351: {  	s0 =	sld [smem:$0x7EB];
	_ =	sdelay $0x2  }
0x352: {  	p2 =	seq.s32 s0, $0x1  }
.Ltmp129:
0x353: {  	_ = 	snop;
	(pc) =	sbr.rel @p2 .LBB2_125-.Ltmp129, $4  }
.Ltmp130:
0x354: {  	_ = 	snop;
	(pc) =	sbr.rel @!p2 .LBB2_86-.Ltmp130, $4  }
0x355: {  	_ = 	snop  }
0x356: {  	_ = 	snop  }
0x357: {  	_ = 	snop  }
0x358: {  	_ = 	snop  }
.LBB2_108:
0x359: {  	s0 =	sadd.s32 $0xFFFFFFE9, s4  }
0x35a: {  	p2 =	slt.u32 s0, $0x2  }
.Ltmp131:
0x35b: {  	_ = 	snop;
	(pc) =	sbr.rel @p2 .LBB2_130-.Ltmp131, $1  }
0x35c: {  	_ =	sdelay $0x3  }
0x35d: {  	s0 =	sld [smem:$0x7F7];
	_ =	sdelay $0x2  }
0x35e: {  	p2 =	seq.s32 s0, $0x1  }
.Ltmp132:
0x35f: {  	_ = 	snop;
	(pc) =	sbr.rel @p2 .LBB2_125-.Ltmp132, $1  }
0x360: {  	_ =	sdelay $0x3  }
.LBB2_86:
0x361: {  	s31 =	sld [smem:$0x7F1];
	_ =	sdelay $0x2  }
0x362: {  	p2 =	seq.s32 s31, $0x1  }
.Ltmp133:
0x363: {  	_ = 	snop;
	(pc) =	sbr.rel @p2 .LBB2_122-.Ltmp133, $3  }
0x364: {  	_ =	sdelay $0x1  }
0x365: {  	s0 =	simm.s32 $0x220;
	s1 =	simm.s32 $0x620  }
0x366: {  	[tilespmem:s24], [sflag:$0x1] =	stream.indirect.gather [hbm4b:s2+s0], $0x10, s1, s0, $0xb8;
	[tilespmem:$0x13D60] =	vst v63  }
0x367: {  	p2 =	sgt.s32 s4, $0xE  }
.Ltmp134:
0x368: {  	_ = 	snop;
	(pc) =	sbr.rel @p2 .LBB2_121-.Ltmp134, $1  }
0x369: {  	_ =	sdelay $0x3  }
0x36a: {  	s0 =	sld [smem:$0x7E4];
	_ =	sdelay $0x2  }
0x36b: {  	p2 =	seq.s32 s0, $0x1  }
.Ltmp135:
0x36c: {  	_ = 	snop;
	(pc) =	sbr.rel @p2 .LBB2_71-.Ltmp135, $1  }
0x36d: {  	_ =	sdelay $0x3  }
0x36e: {  	s0 =	sld [smem:$0x7EC];
	_ =	sdelay $0x2  }
0x36f: {  	p2 =	seq.s32 s0, $0x1  }
.Ltmp136:
0x370: {  	_ = 	snop;
	(pc) =	sbr.rel @p2 .LBB2_130-.Ltmp136, $1  }
0x371: {  	_ =	sdelay $0x3  }
0x372: {  	s0 =	sld [smem:$0x7F5];
	_ =	sdelay $0x2  }
0x373: {  	p2 =	seq.s32 s0, $0x1  }
.Ltmp137:
0x374: {  	_ = 	snop;
	(pc) =	sbr.rel @p2 .LBB2_125-.Ltmp137, $4  }
.Ltmp138:
0x375: {  	_ = 	snop;
	(pc) =	sbr.rel @!p2 .LBB2_132-.Ltmp138, $4  }
0x376: {  	_ = 	snop  }
0x377: {  	_ = 	snop  }
0x378: {  	_ = 	snop  }
0x379: {  	_ = 	snop  }
.LBB2_122:
0x37a: {  	s0 =	sadd.s32 $0xFFFFFFED, s4  }
0x37b: {  	p2 =	slt.u32 s0, $0x2  }
.Ltmp139:
0x37c: {  	_ = 	snop;
	(pc) =	sbr.rel @p2 .LBB2_71-.Ltmp139, $1  }
0x37d: {  	_ =	sdelay $0x3  }
0x37e: {  	s0 =	sadd.s32 $0xFFFFFFE9, s4  }
0x37f: {  	p2 =	slt.u32 s0, $0x2  }
.Ltmp140:
0x380: {  	_ = 	snop;
	(pc) =	sbr.rel @p2 .LBB2_130-.Ltmp140, $1  }
0x381: {  	_ =	sdelay $0x3  }
0x382: {  	p2 =	sne.s32 s4, $0x15  }
.Ltmp141:
0x383: {  	_ = 	snop;
	(pc) =	sbr.rel @p2 .LBB2_132-.Ltmp141, $1  }
0x384: {  	_ =	sdelay $0x3  }
.LBB2_125:
0x385: {  	s31 =	sld [smem:$0x7F0];
	_ =	sdelay $0x2  }
0x386: {  	p2 =	seq.s32 s31, $0x1  }
.Ltmp142:
0x387: {  	_ = 	snop;
	(pc) =	sbr.rel @p2 .LBB2_132-.Ltmp142, $3  }
0x388: {  	_ =	sdelay $0x1  }
0x389: {  	s0 =	simm.s32 $0x260;
	s1 =	simm.s32 $0x840  }
0x38a: {  	[tilespmem:s24], [sflag:$0x1] =	stream.indirect.gather [hbm4b:s2+s0], $0x10, s1, s0, $0xb8;
	[tilespmem:$0x13D60] =	vst v63  }
0x38b: {  	s0 =	sand.u32 $0x181800, s21  }
0x38c: {  	p2 =	sne.s32 s0, $0x0  }
.Ltmp143:
0x38d: {  	_ = 	snop;
	(pc) =	sbr.rel @p2 .LBB2_71-.Ltmp143, $1  }
0x38e: {  	_ =	sdelay $0x3  }
0x38f: {  	s0 =	sand.u32 $0x1800080, s21  }
0x390: {  	p2 =	sne.s32 s0, $0x0  }
.Ltmp144:
0x391: {  	_ = 	snop;
	(pc) =	sbr.rel @p2 .LBB2_130-.Ltmp144, $1  }
0x392: {  	_ =	sdelay $0x3  }
0x393: {  	s0 =	sand.u32 $0x18000, s21  }
0x394: {  	p2 =	sne.s32 s0, $0x0  }
.Ltmp145:
0x395: {  	_ = 	snop;
	(pc) =	sbr.rel @p2 .LBB2_131-.Ltmp145, $4  }
.Ltmp146:
0x396: {  	_ = 	snop;
	(pc) =	sbr.rel @!p2 .LBB2_132-.Ltmp146, $4  }
0x397: {  	_ = 	snop  }
0x398: {  	_ = 	snop  }
0x399: {  	_ = 	snop  }
0x39a: {  	_ = 	snop  }
.LBB2_71:
0x39b: {  	s0 =	simm.s32 $0x280;
	s1 =	simm.s32 $0xAA0  }
0x39c: {  	[tilespmem:s24], [sflag:$0x1] =	stream.indirect.gather [hbm4b:s2+s0], $0x10, s1, s0, $0xb8;
	[tilespmem:$0x13D60] =	vst v63  }
.LBB2_118:
0x39d: {  	s0 =	sld [smem:$0x7F0];
	_ =	sdelay $0x2  }
0x39e: {  	p2 =	seq.s32 s0, $0x1  }
.Ltmp147:
0x39f: {  	_ = 	snop;
	(pc) =	sbr.rel @p2 .LBB2_132-.Ltmp147, $1  }
0x3a0: {  	_ =	sdelay $0x3  }
0x3a1: {  	s0 =	sand.u32 $0x1800080, s21  }
0x3a2: {  	p2 =	sne.s32 s0, $0x0  }
.Ltmp148:
0x3a3: {  	_ = 	snop;
	(pc) =	sbr.rel @!p2 .LBB2_120-.Ltmp148, $1  }
0x3a4: {  	_ =	sdelay $0x3  }
.LBB2_130:
0x3a5: {  	s31 =	rddreg [dreg:$0x4]  }
0x3a6: {  	p2 =	sgt.u32 s31, $0x1  }
.Ltmp149:
0x3a7: {  	_ = 	snop;
	(pc) =	sbr.rel @p2 .LBB2_132-.Ltmp149, $4  }
.Ltmp150:
0x3a8: {  	_ = 	snop;
	(pc) =	sbr.rel @!p2 .LBB2_131-.Ltmp150, $4  }
0x3a9: {  	_ = 	snop  }
0x3aa: {  	s0 =	simm.s32 $0x140  }
0x3ab: {  	[tilespmem:s25], [sflag:$0x2] =	stream.indirect.gather [hbm4b:s7+s0], $0x10, s3, s0, $0xb8;
	[tilespmem:$0x13D60] =	vst v63  }
0x3ac: {  	_ = 	snop  }
.LBB2_120:
0x3ad: {  	s0 =	sand.u32 $0x18000, s21  }
0x3ae: {  	p2 =	sne.s32 s0, $0x0  }
.Ltmp151:
0x3af: {  	_ = 	snop;
	(pc) =	sbr.rel @!p2 .LBB2_132-.Ltmp151, $1  }
0x3b0: {  	_ =	sdelay $0x3  }
.LBB2_131:
0x3b1: {  	s0 =	simm.s32 $0x140;
	s1 =	simm.s32 $0x180  }
0x3b2: {  	[tilespmem:s25], [sflag:$0x2] =	stream.indirect.gather [hbm4b:s7+s1], $0x10, s0, s1, $0xb8;
	[tilespmem:$0x13D60] =	vst v63  }
.LBB2_132:
.Ltmp152:
0x3b3: {  	(pc) =	sbr.rel @p6 .LBB2_146-.Ltmp152, $1  }
0x3b4: {  	_ =	sdelay $0x3  }
.Ltmp153:
0x3b5: {  	(pc) =	sbr.rel @p1 .LBB2_142-.Ltmp153, $1  }
0x3b6: {  	_ =	sdelay $0x3  }
0x3b7: {  	s0 =	sld [smem:$0x7E9];
	_ =	sdelay $0x2  }
0x3b8: {  	p2 =	seq.s32 s0, $0x1  }
.Ltmp154:
0x3b9: {  	_ = 	snop;
	(pc) =	sbr.rel @p2 .LBB2_140-.Ltmp154, $1  }
0x3ba: {  	_ =	sdelay $0x3  }
0x3bb: {  	s0 =	sld [smem:$0x7E2];
	_ =	sdelay $0x2  }
0x3bc: {  	p2 =	seq.s32 s0, $0x1  }
.Ltmp155:
0x3bd: {  	_ = 	snop;
	(pc) =	sbr.rel @p2 .LBB2_160-.Ltmp155, $1  }
0x3be: {  	_ =	sdelay $0x3  }
0x3bf: {  	s0 =	sld [smem:$0x7E3];
	_ =	sdelay $0x2  }
0x3c0: {  	p2 =	seq.s32 s0, $0x1  }
.Ltmp156:
0x3c1: {  	_ = 	snop;
	(pc) =	sbr.rel @p2 .LBB2_137-.Ltmp156, $4  }
.Ltmp157:
0x3c2: {  	_ = 	snop;
	(pc) =	sbr.rel @!p2 .LBB2_190-.Ltmp157, $4  }
0x3c3: {  	_ = 	snop  }
0x3c4: {  	_ = 	snop  }
0x3c5: {  	_ = 	snop  }
0x3c6: {  	_ = 	snop  }
.LBB2_146:
.Ltmp158:
0x3c7: {  	(pc) =	sbr.rel @p5 .LBB2_151-.Ltmp158, $1  }
0x3c8: {  	_ =	sdelay $0x3  }
0x3c9: {  	s0 =	sld [smem:$0x7FD];
	_ =	sdelay $0x2  }
0x3ca: {  	p2 =	seq.s32 s0, $0x1  }
.Ltmp159:
0x3cb: {  	_ = 	snop;
	(pc) =	sbr.rel @p2 .LBB2_149-.Ltmp159, $1  }
0x3cc: {  	_ =	sdelay $0x3  }
0x3cd: {  	s0 =	sadd.s32 $0xFFFFFFEF, s4  }
0x3ce: {  	p2 =	slt.u32 s0, $0x2  }
.Ltmp160:
0x3cf: {  	_ = 	snop;
	(pc) =	sbr.rel @p2 .LBB2_160-.Ltmp160, $4  }
.Ltmp161:
0x3d0: {  	_ = 	snop;
	(pc) =	sbr.rel @!p2 .LBB2_137-.Ltmp161, $4  }
0x3d1: {  	_ = 	snop  }
0x3d2: {  	_ = 	snop  }
0x3d3: {  	_ = 	snop  }
0x3d4: {  	_ = 	snop  }
.LBB2_142:
0x3d5: {  	s0 =	sld [smem:$0x7ED];
	_ =	sdelay $0x2  }
0x3d6: {  	p2 =	seq.s32 s0, $0x1  }
.Ltmp162:
0x3d7: {  	_ = 	snop;
	(pc) =	sbr.rel @p2 .LBB2_145-.Ltmp162, $1  }
0x3d8: {  	_ =	sdelay $0x3  }
0x3d9: {  	s0 =	sld [smem:$0x7E4];
	_ =	sdelay $0x2  }
0x3da: {  	p2 =	seq.s32 s0, $0x1  }
.Ltmp163:
0x3db: {  	_ = 	snop;
	(pc) =	sbr.rel @p2 .LBB2_137-.Ltmp163, $1  }
0x3dc: {  	_ =	sdelay $0x3  }
0x3dd: {  	s0 =	sld [smem:$0x7EE];
	_ =	sdelay $0x2  }
0x3de: {  	p2 =	seq.s32 s0, $0x1  }
.Ltmp164:
0x3df: {  	_ = 	snop;
	(pc) =	sbr.rel @p2 .LBB2_154-.Ltmp164, $4  }
.Ltmp165:
0x3e0: {  	_ = 	snop;
	(pc) =	sbr.rel @!p2 .LBB2_184-.Ltmp165, $4  }
0x3e1: {  	_ = 	snop  }
0x3e2: {  	_ = 	snop  }
0x3e3: {  	_ = 	snop  }
0x3e4: {  	_ = 	snop  }
.LBB2_151:
0x3e5: {  	p2 =	sgt.s32 s4, $0x1C  }
.Ltmp166:
0x3e6: {  	_ = 	snop;
	(pc) =	sbr.rel @p2 .LBB2_159-.Ltmp166, $1  }
0x3e7: {  	_ =	sdelay $0x3  }
0x3e8: {  	s0 =	sadd.s32 $0xFFFFFFE5, s4  }
0x3e9: {  	p2 =	slt.u32 s0, $0x2  }
.Ltmp167:
0x3ea: {  	_ = 	snop;
	(pc) =	sbr.rel @p2 .LBB2_137-.Ltmp167, $1  }
0x3eb: {  	_ =	sdelay $0x3  }
0x3ec: {  	s0 =	sld [smem:$0x7FA];
	_ =	sdelay $0x2  }
0x3ed: {  	p2 =	seq.s32 s0, $0x1  }
.Ltmp168:
0x3ee: {  	_ = 	snop;
	(pc) =	sbr.rel @!p2 .LBB2_184-.Ltmp168, $4  }
.Ltmp169:
0x3ef: {  	_ = 	snop;
	(pc) =	sbr.rel @p2 .LBB2_154-.Ltmp169, $4  }
0x3f0: {  	_ = 	snop  }
0x3f1: {  	_ = 	snop  }
0x3f2: {  	_ = 	snop  }
0x3f3: {  	_ = 	snop  }
.LBB2_140:
0x3f4: {  	s0 =	sld [smem:$0x7EA];
	_ =	sdelay $0x2  }
0x3f5: {  	p2 =	seq.s32 s0, $0x1  }
.Ltmp170:
0x3f6: {  	_ = 	snop;
	(pc) =	sbr.rel @p2 .LBB2_188-.Ltmp170, $1  }
0x3f7: {  	_ =	sdelay $0x3  }
0x3f8: {  	s0 =	sld [smem:$0x7EB];
	_ =	sdelay $0x2  }
0x3f9: {  	p2 =	seq.s32 s0, $0x1  }
.Ltmp171:
0x3fa: {  	_ = 	snop;
	(pc) =	sbr.rel @p2 .LBB2_184-.Ltmp171, $4  }
.Ltmp172:
0x3fb: {  	_ = 	snop;
	(pc) =	sbr.rel @!p2 .LBB2_154-.Ltmp172, $4  }
0x3fc: {  	_ = 	snop  }
0x3fd: {  	_ = 	snop  }
0x3fe: {  	_ = 	snop  }
0x3ff: {  	_ = 	snop  }
.LBB2_149:
0x400: {  	s0 =	sadd.s32 $0xFFFFFFE9, s4  }
0x401: {  	p2 =	slt.u32 s0, $0x2  }
.Ltmp173:
0x402: {  	_ = 	snop;
	(pc) =	sbr.rel @p2 .LBB2_189-.Ltmp173, $1  }
0x403: {  	_ =	sdelay $0x3  }
0x404: {  	s0 =	sld [smem:$0x7F7];
	_ =	sdelay $0x2  }
0x405: {  	p2 =	seq.s32 s0, $0x1  }
.Ltmp174:
0x406: {  	_ = 	snop;
	(pc) =	sbr.rel @p2 .LBB2_184-.Ltmp174, $4  }
.Ltmp175:
0x407: {  	_ = 	snop;
	(pc) =	sbr.rel @!p2 .LBB2_154-.Ltmp175, $4  }
0x408: {  	_ = 	snop  }
0x409: {  	_ = 	snop  }
0x40a: {  	_ = 	snop  }
0x40b: {  	_ = 	snop  }
.LBB2_145:
0x40c: {  	s0 =	sld [smem:$0x7E5];
	_ =	sdelay $0x2  }
0x40d: {  	p2 =	seq.s32 s0, $0x1  }
.Ltmp176:
0x40e: {  	_ = 	snop;
	(pc) =	sbr.rel @p2 .LBB2_160-.Ltmp176, $4  }
.Ltmp177:
0x40f: {  	_ = 	snop;
	(pc) =	sbr.rel @!p2 .LBB2_190-.Ltmp177, $4  }
0x410: {  	_ = 	snop  }
0x411: {  	_ = 	snop  }
0x412: {  	_ = 	snop  }
0x413: {  	_ = 	snop  }
.LBB2_159:
0x414: {  	s0 =	sadd.s32 $0xFFFFFFE3, s4  }
0x415: {  	p2 =	slt.u32 s0, $0x2  }
.Ltmp178:
0x416: {  	_ = 	snop;
	(pc) =	sbr.rel @!p2 .LBB2_190-.Ltmp178, $1  }
0x417: {  	_ =	sdelay $0x3  }
.LBB2_160:
0x418: {  	s31 =	sld [smem:$0x7F1];
	_ =	sdelay $0x2  }
0x419: {  	p2 =	seq.s32 s31, $0x1  }
.Ltmp179:
0x41a: {  	_ = 	snop;
	(pc) =	sbr.rel @p2 .LBB2_171-.Ltmp179, $3  }
0x41b: {  	_ =	sdelay $0x1  }
0x41c: {  	s0 =	simm.s32 $0x460;
	s1 =	simm.s32 $0x1C0  }
0x41d: {  	[tilespmem:s25], [sflag:$0x2] =	stream.indirect.gather [hbm4b:s7+s1], $0x10, s0, s1, $0xb8;
	[tilespmem:$0x13D60] =	vst v63  }
0x41e: {  	s0 =	sld [smem:$0x7F2];
	_ =	sdelay $0x2  }
0x41f: {  	p2 =	seq.s32 s0, $0x1  }
.Ltmp180:
0x420: {  	_ = 	snop;
	(pc) =	sbr.rel @p2 .LBB2_168-.Ltmp180, $1  }
0x421: {  	_ =	sdelay $0x3  }
0x422: {  	s0 =	sld [smem:$0x7F3];
	_ =	sdelay $0x2  }
0x423: {  	p2 =	seq.s32 s0, $0x1  }
.Ltmp181:
0x424: {  	_ = 	snop;
	(pc) =	sbr.rel @p2 .LBB2_165-.Ltmp181, $1  }
0x425: {  	_ =	sdelay $0x3  }
0x426: {  	s0 =	sld [smem:$0x7E3];
	_ =	sdelay $0x2  }
0x427: {  	p2 =	seq.s32 s0, $0x1  }
.Ltmp182:
0x428: {  	_ = 	snop;
	(pc) =	sbr.rel @p2 .LBB2_137-.Ltmp182, $1  }
0x429: {  	_ =	sdelay $0x3  }
0x42a: {  	s0 =	sld [smem:$0x7EB];
	_ =	sdelay $0x2  }
0x42b: {  	p2 =	seq.s32 s0, $0x1  }
.Ltmp183:
0x42c: {  	_ = 	snop;
	(pc) =	sbr.rel @p2 .LBB2_184-.Ltmp183, $4  }
.Ltmp184:
0x42d: {  	_ = 	snop;
	(pc) =	sbr.rel @!p2 .LBB2_191-.Ltmp184, $4  }
0x42e: {  	_ = 	snop  }
0x42f: {  	_ = 	snop  }
0x430: {  	_ = 	snop  }
0x431: {  	_ = 	snop  }
.LBB2_171:
0x432: {  	s0 =	sld [smem:$0x7F6];
	_ =	sdelay $0x2  }
0x433: {  	p2 =	seq.s32 s0, $0x1  }
.Ltmp185:
0x434: {  	_ = 	snop;
	(pc) =	sbr.rel @!p2 .LBB2_172-.Ltmp185, $1  }
0x435: {  	_ =	sdelay $0x3  }
0x436: {  	s0 =	sld [smem:$0x7F9];
	_ =	sdelay $0x2  }
0x437: {  	p2 =	seq.s32 s0, $0x1  }
.Ltmp186:
0x438: {  	_ = 	snop;
	(pc) =	sbr.rel @p2 .LBB2_178-.Ltmp186, $1  }
0x439: {  	_ =	sdelay $0x3  }
0x43a: {  	s0 =	sadd.s32 $0xFFFFFFE9, s4  }
0x43b: {  	p2 =	slt.u32 s0, $0x2  }
.Ltmp187:
0x43c: {  	_ = 	snop;
	(pc) =	sbr.rel @p2 .LBB2_189-.Ltmp187, $1  }
0x43d: {  	_ =	sdelay $0x3  }
0x43e: {  	s0 =	sld [smem:$0x7FA];
	_ =	sdelay $0x2  }
0x43f: {  	p2 =	seq.s32 s0, $0x1  }
.Ltmp188:
0x440: {  	_ = 	snop;
	(pc) =	sbr.rel @p2 .LBB2_154-.Ltmp188, $4  }
.Ltmp189:
0x441: {  	_ = 	snop;
	(pc) =	sbr.rel @!p2 .LBB2_191-.Ltmp189, $4  }
0x442: {  	_ = 	snop  }
0x443: {  	_ = 	snop  }
0x444: {  	_ = 	snop  }
0x445: {  	_ = 	snop  }
.LBB2_188:
0x446: {  	s0 =	sld [smem:$0x7EC];
	_ =	sdelay $0x2  }
0x447: {  	p2 =	seq.s32 s0, $0x1  }
.Ltmp190:
0x448: {  	_ = 	snop;
	(pc) =	sbr.rel @!p2 .LBB2_284-.Ltmp190, $4  }
.Ltmp191:
0x449: {  	_ = 	snop;
	(pc) =	sbr.rel @p2 .LBB2_189-.Ltmp191, $4  }
0x44a: {  	_ = 	snop  }
0x44b: {  	_ = 	snop  }
0x44c: {  	_ = 	snop  }
0x44d: {  	_ = 	snop  }
.LBB2_168:
0x44e: {  	s0 =	sld [smem:$0x7E4];
	_ =	sdelay $0x2  }
0x44f: {  	p2 =	seq.s32 s0, $0x1  }
.Ltmp192:
0x450: {  	_ = 	snop;
	(pc) =	sbr.rel @p2 .LBB2_137-.Ltmp192, $1  }
0x451: {  	_ =	sdelay $0x3  }
0x452: {  	s0 =	rddreg [dreg:$0x4]  }
0x453: {  	p2 =	slt.u32 s0, $0x2  }
.Ltmp193:
0x454: {  	_ = 	snop;
	(pc) =	sbr.rel @p2 .LBB2_190-.Ltmp193, $1  }
0x455: {  	_ =	sdelay $0x3  }
0x456: {  	s0 =	sld [smem:$0x7F5];
	_ =	sdelay $0x2  }
0x457: {  	p2 =	seq.s32 s0, $0x1  }
.Ltmp194:
0x458: {  	_ = 	snop;
	(pc) =	sbr.rel @p2 .LBB2_184-.Ltmp194, $4  }
.Ltmp195:
0x459: {  	_ = 	snop;
	(pc) =	sbr.rel @!p2 .LBB2_191-.Ltmp195, $4  }
0x45a: {  	_ = 	snop  }
0x45b: {  	_ = 	snop  }
0x45c: {  	_ = 	snop  }
0x45d: {  	_ = 	snop  }
.LBB2_172:
0x45e: {  	s0 =	sadd.s32 $0xFFFFFFED, s4  }
0x45f: {  	p2 =	slt.u32 s0, $0x2  }
.Ltmp196:
0x460: {  	_ = 	snop;
	(pc) =	sbr.rel @p2 .LBB2_137-.Ltmp196, $1  }
0x461: {  	_ =	sdelay $0x3  }
0x462: {  	s0 =	sld [smem:$0x7F7];
	_ =	sdelay $0x2  }
0x463: {  	p2 =	seq.s32 s0, $0x1  }
.Ltmp197:
0x464: {  	_ = 	snop;
	(pc) =	sbr.rel @p2 .LBB2_184-.Ltmp197, $1  }
0x465: {  	_ =	sdelay $0x3  }
0x466: {  	s0 =	sld [smem:$0x7F8];
	_ =	sdelay $0x2  }
0x467: {  	p2 =	seq.s32 s0, $0x1  }
.Ltmp198:
0x468: {  	_ = 	snop;
	(pc) =	sbr.rel @p2 .LBB2_154-.Ltmp198, $4  }
.Ltmp199:
0x469: {  	_ = 	snop;
	(pc) =	sbr.rel @!p2 .LBB2_191-.Ltmp199, $4  }
0x46a: {  	_ = 	snop  }
0x46b: {  	_ = 	snop  }
0x46c: {  	_ = 	snop  }
0x46d: {  	_ = 	snop  }
.LBB2_121:
0x46e: {  	s0 =	rddreg [dreg:$0x4]  }
0x46f: {  	p2 =	slt.u32 s0, $0x2  }
.Ltmp200:
0x470: {  	_ = 	snop;
	(pc) =	sbr.rel @p2 .LBB2_131-.Ltmp200, $4  }
.Ltmp201:
0x471: {  	_ = 	snop;
	(pc) =	sbr.rel @!p2 .LBB2_132-.Ltmp201, $4  }
0x472: {  	_ = 	snop  }
0x473: {  	_ = 	snop  }
0x474: {  	_ = 	snop  }
0x475: {  	_ = 	snop  }
.LBB2_165:
0x476: {  	s0 =	sld [smem:$0x7F4];
	_ =	sdelay $0x2  }
0x477: {  	p2 =	seq.s32 s0, $0x1  }
.Ltmp202:
0x478: {  	_ = 	snop;
	(pc) =	sbr.rel @p2 .LBB2_154-.Ltmp202, $1  }
0x479: {  	_ =	sdelay $0x3  }
0x47a: {  	s0 =	sld [smem:$0x7EC];
	_ =	sdelay $0x2  }
0x47b: {  	p2 =	seq.s32 s0, $0x1  }
.Ltmp203:
0x47c: {  	_ = 	snop;
	(pc) =	sbr.rel @p2 .LBB2_189-.Ltmp203, $1  }
0x47d: {  	_ =	sdelay $0x3  }
0x47e: {  	s0 =	sld [smem:$0x7EE];
	_ =	sdelay $0x2  }
0x47f: {  	p2 =	seq.s32 s0, $0x1  }
.Ltmp204:
0x480: {  	_ = 	snop;
	(pc) =	sbr.rel @!p2 .LBB2_191-.Ltmp204, $1  }
0x481: {  	_ =	sdelay $0x3  }
.LBB2_154:
0x482: {  	s31 =	sld [smem:$0x7F1];
	_ =	sdelay $0x2  }
0x483: {  	p2 =	seq.s32 s31, $0x1  }
.Ltmp205:
0x484: {  	_ = 	snop;
	(pc) =	sbr.rel @p2 .LBB2_181-.Ltmp205, $3  }
0x485: {  	_ =	sdelay $0x1  }
0x486: {  	s0 =	simm.s32 $0x220;
	s1 =	simm.s32 $0x620  }
0x487: {  	[tilespmem:s25], [sflag:$0x2] =	stream.indirect.gather [hbm4b:s7+s0], $0x10, s1, s0, $0xb8;
	[tilespmem:$0x13D60] =	vst v63  }
0x488: {  	p2 =	sgt.s32 s4, $0xE  }
.Ltmp206:
0x489: {  	_ = 	snop;
	(pc) =	sbr.rel @p2 .LBB2_180-.Ltmp206, $1  }
0x48a: {  	_ =	sdelay $0x3  }
0x48b: {  	s0 =	sld [smem:$0x7E4];
	_ =	sdelay $0x2  }
0x48c: {  	p2 =	seq.s32 s0, $0x1  }
.Ltmp207:
0x48d: {  	_ = 	snop;
	(pc) =	sbr.rel @p2 .LBB2_137-.Ltmp207, $1  }
0x48e: {  	_ =	sdelay $0x3  }
0x48f: {  	s0 =	sld [smem:$0x7EC];
	_ =	sdelay $0x2  }
0x490: {  	p2 =	seq.s32 s0, $0x1  }
.Ltmp208:
0x491: {  	_ = 	snop;
	(pc) =	sbr.rel @p2 .LBB2_189-.Ltmp208, $1  }
0x492: {  	_ =	sdelay $0x3  }
0x493: {  	s0 =	sld [smem:$0x7F5];
	_ =	sdelay $0x2  }
0x494: {  	p2 =	seq.s32 s0, $0x1  }
.Ltmp209:
0x495: {  	_ = 	snop;
	(pc) =	sbr.rel @p2 .LBB2_184-.Ltmp209, $4  }
.Ltmp210:
0x496: {  	_ = 	snop;
	(pc) =	sbr.rel @!p2 .LBB2_191-.Ltmp210, $4  }
0x497: {  	_ = 	snop  }
0x498: {  	_ = 	snop  }
0x499: {  	_ = 	snop  }
0x49a: {  	_ = 	snop  }
.LBB2_181:
0x49b: {  	s0 =	sadd.s32 $0xFFFFFFED, s4  }
0x49c: {  	p2 =	slt.u32 s0, $0x2  }
.Ltmp211:
0x49d: {  	_ = 	snop;
	(pc) =	sbr.rel @p2 .LBB2_137-.Ltmp211, $1  }
0x49e: {  	_ =	sdelay $0x3  }
0x49f: {  	s0 =	sadd.s32 $0xFFFFFFE9, s4  }
0x4a0: {  	p2 =	slt.u32 s0, $0x2  }
.Ltmp212:
0x4a1: {  	_ = 	snop;
	(pc) =	sbr.rel @p2 .LBB2_189-.Ltmp212, $1  }
0x4a2: {  	_ =	sdelay $0x3  }
0x4a3: {  	p2 =	sne.s32 s4, $0x15  }
.Ltmp213:
0x4a4: {  	_ = 	snop;
	(pc) =	sbr.rel @!p2 .LBB2_184-.Ltmp213, $4  }
.Ltmp214:
0x4a5: {  	_ = 	snop;
	(pc) =	sbr.rel @p2 .LBB2_191-.Ltmp214, $4  }
0x4a6: {  	_ = 	snop  }
0x4a7: {  	_ = 	snop  }
0x4a8: {  	_ = 	snop  }
0x4a9: {  	_ = 	snop  }
.LBB2_178:
0x4aa: {  	s0 =	sadd.s32 $0xFFFFFFE5, s4  }
0x4ab: {  	p2 =	slt.u32 s0, $0x2  }
.Ltmp215:
0x4ac: {  	_ = 	snop;
	(pc) =	sbr.rel @p2 .LBB2_137-.Ltmp215, $1  }
0x4ad: {  	_ =	sdelay $0x3  }
0x4ae: {  	s0 =	sld [smem:$0x7FB];
	_ =	sdelay $0x2  }
0x4af: {  	p2 =	seq.s32 s0, $0x1  }
.Ltmp216:
0x4b0: {  	_ = 	snop;
	(pc) =	sbr.rel @!p2 .LBB2_191-.Ltmp216, $1  }
0x4b1: {  	_ =	sdelay $0x3  }
.LBB2_184:
0x4b2: {  	s31 =	sld [smem:$0x7F0];
	_ =	sdelay $0x2  }
0x4b3: {  	p2 =	seq.s32 s31, $0x1  }
.Ltmp217:
0x4b4: {  	_ = 	snop;
	(pc) =	sbr.rel @p2 .LBB2_191-.Ltmp217, $3  }
0x4b5: {  	_ =	sdelay $0x1  }
0x4b6: {  	s0 =	simm.s32 $0x260;
	s1 =	simm.s32 $0x840  }
0x4b7: {  	[tilespmem:s25], [sflag:$0x2] =	stream.indirect.gather [hbm4b:s7+s0], $0x10, s1, s0, $0xb8;
	[tilespmem:$0x13D60] =	vst v63  }
0x4b8: {  	s0 =	sand.u32 $0x181800, s21  }
0x4b9: {  	p2 =	sne.s32 s0, $0x0  }
.Ltmp218:
0x4ba: {  	_ = 	snop;
	(pc) =	sbr.rel @p2 .LBB2_137-.Ltmp218, $1  }
0x4bb: {  	_ =	sdelay $0x3  }
0x4bc: {  	s0 =	sand.u32 $0x1800080, s21  }
0x4bd: {  	p2 =	sne.s32 s0, $0x0  }
.Ltmp219:
0x4be: {  	_ = 	snop;
	(pc) =	sbr.rel @p2 .LBB2_189-.Ltmp219, $1  }
0x4bf: {  	_ =	sdelay $0x3  }
0x4c0: {  	s0 =	sand.u32 $0x18000, s21  }
0x4c1: {  	p2 =	sne.s32 s0, $0x0  }
.Ltmp220:
0x4c2: {  	_ = 	snop;
	(pc) =	sbr.rel @p2 .LBB2_190-.Ltmp220, $4  }
.Ltmp221:
0x4c3: {  	_ = 	snop;
	(pc) =	sbr.rel @!p2 .LBB2_191-.Ltmp221, $4  }
0x4c4: {  	_ = 	snop  }
0x4c5: {  	_ = 	snop  }
0x4c6: {  	_ = 	snop  }
0x4c7: {  	_ = 	snop  }
.LBB2_137:
0x4c8: {  	s31 =	sld [smem:$0x7F0];
	_ =	sdelay $0x2  }
0x4c9: {  	p2 =	seq.s32 s31, $0x1  }
.Ltmp222:
0x4ca: {  	_ = 	snop;
	(pc) =	sbr.rel @p2 .LBB2_191-.Ltmp222, $3  }
0x4cb: {  	_ =	sdelay $0x1  }
0x4cc: {  	s0 =	simm.s32 $0x280;
	s1 =	simm.s32 $0xAA0  }
0x4cd: {  	[tilespmem:s25], [sflag:$0x2] =	stream.indirect.gather [hbm4b:s7+s0], $0x10, s1, s0, $0xb8;
	[tilespmem:$0x13D60] =	vst v63  }
0x4ce: {  	s0 =	sand.u32 $0x1800080, s21  }
0x4cf: {  	p2 =	sne.s32 s0, $0x0  }
.Ltmp223:
0x4d0: {  	_ = 	snop;
	(pc) =	sbr.rel @!p2 .LBB2_139-.Ltmp223, $1  }
0x4d1: {  	_ =	sdelay $0x3  }
.LBB2_189:
0x4d2: {  	s31 =	rddreg [dreg:$0x4]  }
0x4d3: {  	p2 =	sgt.u32 s31, $0x1  }
.Ltmp224:
0x4d4: {  	_ = 	snop;
	(pc) =	sbr.rel @p2 .LBB2_191-.Ltmp224, $3  }
0x4d5: {  	_ =	sdelay $0x1  }
0x4d6: {  	s0 =	simm.s32 $0x140  }
0x4d7: {  	[tilespmem:s29], [sflag:$0x3] =	stream.indirect.gather [hbm4b:s9+s0], $0x10, s3, s0, $0xb8;
	[tilespmem:$0x13D60] =	vst v63  }
.LBB2_190:
0x4d8: {  	s0 =	simm.s32 $0x140;
	s1 =	simm.s32 $0x180  }
0x4d9: {  	[tilespmem:s29], [sflag:$0x3] =	stream.indirect.gather [hbm4b:s9+s1], $0x10, s0, s1, $0xb8;
	[tilespmem:$0x13D60] =	vst v63  }
.LBB2_191:
.Ltmp225:
0x4da: {  	(pc) =	sbr.rel @p6 .LBB2_205-.Ltmp225, $1  }
0x4db: {  	_ =	sdelay $0x3  }
.Ltmp226:
0x4dc: {  	(pc) =	sbr.rel @p1 .LBB2_201-.Ltmp226, $1  }
0x4dd: {  	_ =	sdelay $0x3  }
0x4de: {  	s0 =	sld [smem:$0x7E9];
	_ =	sdelay $0x2  }
0x4df: {  	p2 =	seq.s32 s0, $0x1  }
.Ltmp227:
0x4e0: {  	_ = 	snop;
	(pc) =	sbr.rel @p2 .LBB2_199-.Ltmp227, $1  }
0x4e1: {  	_ =	sdelay $0x3  }
0x4e2: {  	s0 =	sld [smem:$0x7E2];
	_ =	sdelay $0x2  }
0x4e3: {  	p2 =	seq.s32 s0, $0x1  }
.Ltmp228:
0x4e4: {  	_ = 	snop;
	(pc) =	sbr.rel @p2 .LBB2_219-.Ltmp228, $1  }
0x4e5: {  	_ =	sdelay $0x3  }
0x4e6: {  	s0 =	sld [smem:$0x7E3];
	_ =	sdelay $0x2  }
0x4e7: {  	p2 =	seq.s32 s0, $0x1  }
.Ltmp229:
0x4e8: {  	_ = 	snop;
	(pc) =	sbr.rel @p2 .LBB2_196-.Ltmp229, $4  }
.Ltmp230:
0x4e9: {  	_ = 	snop;
	(pc) =	sbr.rel @!p2 .LBB2_248-.Ltmp230, $4  }
0x4ea: {  	_ = 	snop  }
0x4eb: {  	_ = 	snop  }
0x4ec: {  	_ = 	snop  }
0x4ed: {  	_ = 	snop  }
.LBB2_205:
.Ltmp231:
0x4ee: {  	(pc) =	sbr.rel @p5 .LBB2_210-.Ltmp231, $1  }
0x4ef: {  	_ =	sdelay $0x3  }
0x4f0: {  	s0 =	sld [smem:$0x7FD];
	_ =	sdelay $0x2  }
0x4f1: {  	p2 =	seq.s32 s0, $0x1  }
.Ltmp232:
0x4f2: {  	_ = 	snop;
	(pc) =	sbr.rel @p2 .LBB2_208-.Ltmp232, $1  }
0x4f3: {  	_ =	sdelay $0x3  }
0x4f4: {  	s0 =	sadd.s32 $0xFFFFFFEF, s4  }
0x4f5: {  	p2 =	slt.u32 s0, $0x2  }
.Ltmp233:
0x4f6: {  	_ = 	snop;
	(pc) =	sbr.rel @p2 .LBB2_219-.Ltmp233, $4  }
.Ltmp234:
0x4f7: {  	_ = 	snop;
	(pc) =	sbr.rel @!p2 .LBB2_196-.Ltmp234, $4  }
0x4f8: {  	_ = 	snop  }
0x4f9: {  	_ = 	snop  }
0x4fa: {  	_ = 	snop  }
0x4fb: {  	_ = 	snop  }
.LBB2_201:
0x4fc: {  	s0 =	sld [smem:$0x7ED];
	_ =	sdelay $0x2  }
0x4fd: {  	p2 =	seq.s32 s0, $0x1  }
.Ltmp235:
0x4fe: {  	_ = 	snop;
	(pc) =	sbr.rel @p2 .LBB2_204-.Ltmp235, $1  }
0x4ff: {  	_ =	sdelay $0x3  }
0x500: {  	s0 =	sld [smem:$0x7E4];
	_ =	sdelay $0x2  }
0x501: {  	p2 =	seq.s32 s0, $0x1  }
.Ltmp236:
0x502: {  	_ = 	snop;
	(pc) =	sbr.rel @p2 .LBB2_196-.Ltmp236, $1  }
0x503: {  	_ =	sdelay $0x3  }
0x504: {  	s0 =	sld [smem:$0x7EE];
	_ =	sdelay $0x2  }
0x505: {  	p2 =	seq.s32 s0, $0x1  }
.Ltmp237:
0x506: {  	_ = 	snop;
	(pc) =	sbr.rel @p2 .LBB2_213-.Ltmp237, $4  }
.Ltmp238:
0x507: {  	_ = 	snop;
	(pc) =	sbr.rel @!p2 .LBB2_242-.Ltmp238, $4  }
0x508: {  	_ = 	snop  }
0x509: {  	_ = 	snop  }
0x50a: {  	_ = 	snop  }
0x50b: {  	_ = 	snop  }
.LBB2_210:
0x50c: {  	p2 =	sgt.s32 s4, $0x1C  }
.Ltmp239:
0x50d: {  	_ = 	snop;
	(pc) =	sbr.rel @p2 .LBB2_218-.Ltmp239, $1  }
0x50e: {  	_ =	sdelay $0x3  }
0x50f: {  	s0 =	sadd.s32 $0xFFFFFFE5, s4  }
0x510: {  	p2 =	slt.u32 s0, $0x2  }
.Ltmp240:
0x511: {  	_ = 	snop;
	(pc) =	sbr.rel @p2 .LBB2_196-.Ltmp240, $1  }
0x512: {  	_ =	sdelay $0x3  }
0x513: {  	s0 =	sld [smem:$0x7FA];
	_ =	sdelay $0x2  }
0x514: {  	p2 =	seq.s32 s0, $0x1  }
.Ltmp241:
0x515: {  	_ = 	snop;
	(pc) =	sbr.rel @!p2 .LBB2_242-.Ltmp241, $4  }
.Ltmp242:
0x516: {  	_ = 	snop;
	(pc) =	sbr.rel @p2 .LBB2_213-.Ltmp242, $4  }
0x517: {  	_ = 	snop  }
0x518: {  	_ = 	snop  }
0x519: {  	_ = 	snop  }
0x51a: {  	_ = 	snop  }
.LBB2_139:
0x51b: {  	s0 =	sand.u32 $0x18000, s21  }
0x51c: {  	p2 =	sne.s32 s0, $0x0  }
.Ltmp243:
0x51d: {  	_ = 	snop;
	(pc) =	sbr.rel @p2 .LBB2_190-.Ltmp243, $4  }
.Ltmp244:
0x51e: {  	_ = 	snop;
	(pc) =	sbr.rel @!p2 .LBB2_191-.Ltmp244, $4  }
0x51f: {  	_ = 	snop  }
0x520: {  	_ = 	snop  }
0x521: {  	_ = 	snop  }
0x522: {  	_ = 	snop  }
.LBB2_199:
0x523: {  	s0 =	sld [smem:$0x7EA];
	_ =	sdelay $0x2  }
0x524: {  	p2 =	seq.s32 s0, $0x1  }
.Ltmp245:
0x525: {  	_ = 	snop;
	(pc) =	sbr.rel @p2 .LBB2_246-.Ltmp245, $1  }
0x526: {  	_ =	sdelay $0x3  }
0x527: {  	s0 =	sld [smem:$0x7EB];
	_ =	sdelay $0x2  }
0x528: {  	p2 =	seq.s32 s0, $0x1  }
.Ltmp246:
0x529: {  	_ = 	snop;
	(pc) =	sbr.rel @p2 .LBB2_242-.Ltmp246, $4  }
.Ltmp247:
0x52a: {  	_ = 	snop;
	(pc) =	sbr.rel @!p2 .LBB2_213-.Ltmp247, $4  }
0x52b: {  	_ = 	snop  }
0x52c: {  	_ = 	snop  }
0x52d: {  	_ = 	snop  }
0x52e: {  	_ = 	snop  }
.LBB2_208:
0x52f: {  	s0 =	sadd.s32 $0xFFFFFFE9, s4  }
0x530: {  	p2 =	slt.u32 s0, $0x2  }
.Ltmp248:
0x531: {  	_ = 	snop;
	(pc) =	sbr.rel @p2 .LBB2_247-.Ltmp248, $1  }
0x532: {  	_ =	sdelay $0x3  }
0x533: {  	s0 =	sld [smem:$0x7F7];
	_ =	sdelay $0x2  }
0x534: {  	p2 =	seq.s32 s0, $0x1  }
.Ltmp249:
0x535: {  	_ = 	snop;
	(pc) =	sbr.rel @p2 .LBB2_242-.Ltmp249, $4  }
.Ltmp250:
0x536: {  	_ = 	snop;
	(pc) =	sbr.rel @!p2 .LBB2_213-.Ltmp250, $4  }
0x537: {  	_ = 	snop  }
0x538: {  	_ = 	snop  }
0x539: {  	_ = 	snop  }
0x53a: {  	_ = 	snop  }
.LBB2_204:
0x53b: {  	s0 =	sld [smem:$0x7E5];
	_ =	sdelay $0x2  }
0x53c: {  	p2 =	seq.s32 s0, $0x1  }
.Ltmp251:
0x53d: {  	_ = 	snop;
	(pc) =	sbr.rel @p2 .LBB2_219-.Ltmp251, $4  }
.Ltmp252:
0x53e: {  	_ = 	snop;
	(pc) =	sbr.rel @!p2 .LBB2_248-.Ltmp252, $4  }
0x53f: {  	_ = 	snop  }
0x540: {  	_ = 	snop  }
0x541: {  	_ = 	snop  }
0x542: {  	_ = 	snop  }
.LBB2_218:
0x543: {  	s0 =	sadd.s32 $0xFFFFFFE3, s4  }
0x544: {  	p2 =	slt.u32 s0, $0x2  }
.Ltmp253:
0x545: {  	_ = 	snop;
	(pc) =	sbr.rel @!p2 .LBB2_248-.Ltmp253, $1  }
0x546: {  	_ =	sdelay $0x3  }
.LBB2_219:
0x547: {  	s31 =	sld [smem:$0x7F1];
	_ =	sdelay $0x2  }
0x548: {  	p2 =	seq.s32 s31, $0x1  }
.Ltmp254:
0x549: {  	_ = 	snop;
	(pc) =	sbr.rel @p2 .LBB2_230-.Ltmp254, $3  }
0x54a: {  	_ =	sdelay $0x1  }
0x54b: {  	s0 =	simm.s32 $0x460;
	s1 =	simm.s32 $0x1C0  }
0x54c: {  	[tilespmem:s29], [sflag:$0x3] =	stream.indirect.gather [hbm4b:s9+s1], $0x10, s0, s1, $0xb8;
	[tilespmem:$0x13D60] =	vst v63  }
0x54d: {  	s0 =	sld [smem:$0x7F2];
	_ =	sdelay $0x2  }
0x54e: {  	p2 =	seq.s32 s0, $0x1  }
.Ltmp255:
0x54f: {  	_ = 	snop;
	(pc) =	sbr.rel @p2 .LBB2_227-.Ltmp255, $1  }
0x550: {  	_ =	sdelay $0x3  }
0x551: {  	s0 =	sld [smem:$0x7F3];
	_ =	sdelay $0x2  }
0x552: {  	p2 =	seq.s32 s0, $0x1  }
.Ltmp256:
0x553: {  	_ = 	snop;
	(pc) =	sbr.rel @p2 .LBB2_224-.Ltmp256, $1  }
0x554: {  	_ =	sdelay $0x3  }
0x555: {  	s0 =	sld [smem:$0x7E3];
	_ =	sdelay $0x2  }
0x556: {  	p2 =	seq.s32 s0, $0x1  }
.Ltmp257:
0x557: {  	_ = 	snop;
	(pc) =	sbr.rel @p2 .LBB2_196-.Ltmp257, $1  }
0x558: {  	_ =	sdelay $0x3  }
0x559: {  	s0 =	sld [smem:$0x7EB];
	_ =	sdelay $0x2  }
0x55a: {  	p2 =	seq.s32 s0, $0x1  }
.Ltmp258:
0x55b: {  	_ = 	snop;
	(pc) =	sbr.rel @p2 .LBB2_242-.Ltmp258, $4  }
.Ltmp259:
0x55c: {  	_ = 	snop;
	(pc) =	sbr.rel @!p2 .LBB2_252-.Ltmp259, $4  }
0x55d: {  	_ = 	snop  }
0x55e: {  	_ = 	snop  }
0x55f: {  	_ = 	snop  }
0x560: {  	_ = 	snop  }
.LBB2_230:
0x561: {  	s0 =	sld [smem:$0x7F6];
	_ =	sdelay $0x2  }
0x562: {  	p2 =	seq.s32 s0, $0x1  }
.Ltmp260:
0x563: {  	_ = 	snop;
	(pc) =	sbr.rel @!p2 .LBB2_231-.Ltmp260, $1  }
0x564: {  	_ =	sdelay $0x3  }
0x565: {  	s0 =	sld [smem:$0x7F9];
	_ =	sdelay $0x2  }
0x566: {  	p2 =	seq.s32 s0, $0x1  }
.Ltmp261:
0x567: {  	_ = 	snop;
	(pc) =	sbr.rel @p2 .LBB2_237-.Ltmp261, $1  }
0x568: {  	_ =	sdelay $0x3  }
0x569: {  	s0 =	sadd.s32 $0xFFFFFFE9, s4  }
0x56a: {  	p2 =	slt.u32 s0, $0x2  }
.Ltmp262:
0x56b: {  	_ = 	snop;
	(pc) =	sbr.rel @p2 .LBB2_247-.Ltmp262, $1  }
0x56c: {  	_ =	sdelay $0x3  }
0x56d: {  	s0 =	sld [smem:$0x7FA];
	_ =	sdelay $0x2  }
0x56e: {  	p2 =	seq.s32 s0, $0x1  }
.Ltmp263:
0x56f: {  	_ = 	snop;
	(pc) =	sbr.rel @p2 .LBB2_213-.Ltmp263, $4  }
.Ltmp264:
0x570: {  	_ = 	snop;
	(pc) =	sbr.rel @!p2 .LBB2_252-.Ltmp264, $4  }
0x571: {  	_ = 	snop  }
0x572: {  	_ = 	snop  }
0x573: {  	_ = 	snop  }
0x574: {  	_ = 	snop  }
.LBB2_246:
0x575: {  	s0 =	sld [smem:$0x7EC];
	_ =	sdelay $0x2  }
0x576: {  	p2 =	seq.s32 s0, $0x1  }
.Ltmp265:
0x577: {  	_ = 	snop;
	(pc) =	sbr.rel @!p2 .LBB2_284-.Ltmp265, $4  }
.Ltmp266:
0x578: {  	_ = 	snop;
	(pc) =	sbr.rel @p2 .LBB2_247-.Ltmp266, $4  }
0x579: {  	_ = 	snop  }
0x57a: {  	_ = 	snop  }
0x57b: {  	_ = 	snop  }
0x57c: {  	_ = 	snop  }
.LBB2_227:
0x57d: {  	s0 =	sld [smem:$0x7E4];
	_ =	sdelay $0x2  }
0x57e: {  	p2 =	seq.s32 s0, $0x1  }
.Ltmp267:
0x57f: {  	_ = 	snop;
	(pc) =	sbr.rel @p2 .LBB2_196-.Ltmp267, $1  }
0x580: {  	_ =	sdelay $0x3  }
0x581: {  	s0 =	rddreg [dreg:$0x4]  }
0x582: {  	p2 =	slt.u32 s0, $0x2  }
.Ltmp268:
0x583: {  	_ = 	snop;
	(pc) =	sbr.rel @p2 .LBB2_248-.Ltmp268, $1  }
0x584: {  	_ =	sdelay $0x3  }
0x585: {  	s0 =	sld [smem:$0x7F5];
	_ =	sdelay $0x2  }
0x586: {  	p2 =	seq.s32 s0, $0x1  }
.Ltmp269:
0x587: {  	_ = 	snop;
	(pc) =	sbr.rel @p2 .LBB2_242-.Ltmp269, $4  }
.Ltmp270:
0x588: {  	_ = 	snop;
	(pc) =	sbr.rel @!p2 .LBB2_252-.Ltmp270, $4  }
0x589: {  	_ = 	snop  }
0x58a: {  	_ = 	snop  }
0x58b: {  	_ = 	snop  }
0x58c: {  	_ = 	snop  }
.LBB2_231:
0x58d: {  	s0 =	sadd.s32 $0xFFFFFFED, s4  }
0x58e: {  	p2 =	slt.u32 s0, $0x2  }
.Ltmp271:
0x58f: {  	_ = 	snop;
	(pc) =	sbr.rel @p2 .LBB2_196-.Ltmp271, $1  }
0x590: {  	_ =	sdelay $0x3  }
0x591: {  	s0 =	sld [smem:$0x7F7];
	_ =	sdelay $0x2  }
0x592: {  	p2 =	seq.s32 s0, $0x1  }
.Ltmp272:
0x593: {  	_ = 	snop;
	(pc) =	sbr.rel @p2 .LBB2_242-.Ltmp272, $1  }
0x594: {  	_ =	sdelay $0x3  }
0x595: {  	s0 =	sld [smem:$0x7F8];
	_ =	sdelay $0x2  }
0x596: {  	p2 =	seq.s32 s0, $0x1  }
.Ltmp273:
0x597: {  	_ = 	snop;
	(pc) =	sbr.rel @p2 .LBB2_213-.Ltmp273, $4  }
.Ltmp274:
0x598: {  	_ = 	snop;
	(pc) =	sbr.rel @!p2 .LBB2_252-.Ltmp274, $4  }
0x599: {  	_ = 	snop  }
0x59a: {  	_ = 	snop  }
0x59b: {  	_ = 	snop  }
0x59c: {  	_ = 	snop  }
.LBB2_224:
0x59d: {  	s0 =	sld [smem:$0x7F4];
	_ =	sdelay $0x2  }
0x59e: {  	p2 =	seq.s32 s0, $0x1  }
.Ltmp275:
0x59f: {  	_ = 	snop;
	(pc) =	sbr.rel @p2 .LBB2_213-.Ltmp275, $1  }
0x5a0: {  	_ =	sdelay $0x3  }
0x5a1: {  	s0 =	sld [smem:$0x7EC];
	_ =	sdelay $0x2  }
0x5a2: {  	p2 =	seq.s32 s0, $0x1  }
.Ltmp276:
0x5a3: {  	_ = 	snop;
	(pc) =	sbr.rel @p2 .LBB2_247-.Ltmp276, $1  }
0x5a4: {  	_ =	sdelay $0x3  }
0x5a5: {  	s0 =	sld [smem:$0x7EE];
	_ =	sdelay $0x2  }
0x5a6: {  	p2 =	seq.s32 s0, $0x1  }
.Ltmp277:
0x5a7: {  	_ = 	snop;
	(pc) =	sbr.rel @!p2 .LBB2_252-.Ltmp277, $1  }
0x5a8: {  	_ =	sdelay $0x3  }
.LBB2_213:
0x5a9: {  	s31 =	sld [smem:$0x7F1];
	_ =	sdelay $0x2  }
0x5aa: {  	p2 =	seq.s32 s31, $0x1  }
.Ltmp278:
0x5ab: {  	_ = 	snop;
	(pc) =	sbr.rel @p2 .LBB2_239-.Ltmp278, $3  }
0x5ac: {  	_ =	sdelay $0x1  }
0x5ad: {  	s0 =	simm.s32 $0x220;
	s1 =	simm.s32 $0x620  }
0x5ae: {  	[tilespmem:s29], [sflag:$0x3] =	stream.indirect.gather [hbm4b:s9+s0], $0x10, s1, s0, $0xb8;
	[tilespmem:$0x13D60] =	vst v63  }
0x5af: {  	p2 =	sgt.s32 s4, $0xE  }
.Ltmp279:
0x5b0: {  	_ = 	snop;
	(pc) =	sbr.rel @p2 .LBB2_251-.Ltmp279, $1  }
0x5b1: {  	_ =	sdelay $0x3  }
0x5b2: {  	s0 =	sld [smem:$0x7E4];
	_ =	sdelay $0x2  }
0x5b3: {  	p2 =	seq.s32 s0, $0x1  }
.Ltmp280:
0x5b4: {  	_ = 	snop;
	(pc) =	sbr.rel @p2 .LBB2_196-.Ltmp280, $1  }
0x5b5: {  	_ =	sdelay $0x3  }
0x5b6: {  	s0 =	sld [smem:$0x7EC];
	_ =	sdelay $0x2  }
0x5b7: {  	p2 =	seq.s32 s0, $0x1  }
.Ltmp281:
0x5b8: {  	_ = 	snop;
	(pc) =	sbr.rel @p2 .LBB2_247-.Ltmp281, $1  }
0x5b9: {  	_ =	sdelay $0x3  }
0x5ba: {  	s0 =	sld [smem:$0x7F5];
	_ =	sdelay $0x2  }
0x5bb: {  	p2 =	seq.s32 s0, $0x1  }
.Ltmp282:
0x5bc: {  	_ = 	snop;
	(pc) =	sbr.rel @p2 .LBB2_242-.Ltmp282, $4  }
.Ltmp283:
0x5bd: {  	_ = 	snop;
	(pc) =	sbr.rel @!p2 .LBB2_252-.Ltmp283, $4  }
0x5be: {  	_ = 	snop  }
0x5bf: {  	_ = 	snop  }
0x5c0: {  	_ = 	snop  }
0x5c1: {  	_ = 	snop  }
.LBB2_239:
0x5c2: {  	s0 =	sadd.s32 $0xFFFFFFED, s4  }
0x5c3: {  	p2 =	slt.u32 s0, $0x2  }
.Ltmp284:
0x5c4: {  	_ = 	snop;
	(pc) =	sbr.rel @p2 .LBB2_196-.Ltmp284, $1  }
0x5c5: {  	_ =	sdelay $0x3  }
0x5c6: {  	s0 =	sadd.s32 $0xFFFFFFE9, s4  }
0x5c7: {  	p2 =	slt.u32 s0, $0x2  }
.Ltmp285:
0x5c8: {  	_ = 	snop;
	(pc) =	sbr.rel @p2 .LBB2_247-.Ltmp285, $1  }
0x5c9: {  	_ =	sdelay $0x3  }
0x5ca: {  	p2 =	sne.s32 s4, $0x15  }
.Ltmp286:
0x5cb: {  	_ = 	snop;
	(pc) =	sbr.rel @!p2 .LBB2_242-.Ltmp286, $4  }
.Ltmp287:
0x5cc: {  	_ = 	snop;
	(pc) =	sbr.rel @p2 .LBB2_252-.Ltmp287, $4  }
0x5cd: {  	_ = 	snop  }
0x5ce: {  	_ = 	snop  }
0x5cf: {  	_ = 	snop  }
0x5d0: {  	_ = 	snop  }
.LBB2_237:
0x5d1: {  	s0 =	sadd.s32 $0xFFFFFFE5, s4  }
0x5d2: {  	p2 =	slt.u32 s0, $0x2  }
.Ltmp288:
0x5d3: {  	_ = 	snop;
	(pc) =	sbr.rel @p2 .LBB2_196-.Ltmp288, $1  }
0x5d4: {  	_ =	sdelay $0x3  }
0x5d5: {  	s0 =	sld [smem:$0x7FB];
	_ =	sdelay $0x2  }
0x5d6: {  	p2 =	seq.s32 s0, $0x1  }
.Ltmp289:
0x5d7: {  	_ = 	snop;
	(pc) =	sbr.rel @!p2 .LBB2_252-.Ltmp289, $1  }
0x5d8: {  	_ =	sdelay $0x3  }
.LBB2_242:
0x5d9: {  	s31 =	sld [smem:$0x7F0];
	_ =	sdelay $0x2  }
0x5da: {  	p2 =	seq.s32 s31, $0x1  }
.Ltmp290:
0x5db: {  	_ = 	snop;
	(pc) =	sbr.rel @p2 .LBB2_252-.Ltmp290, $3  }
0x5dc: {  	_ =	sdelay $0x1  }
0x5dd: {  	s0 =	simm.s32 $0x260;
	s1 =	simm.s32 $0x840  }
0x5de: {  	[tilespmem:s29], [sflag:$0x3] =	stream.indirect.gather [hbm4b:s9+s0], $0x10, s1, s0, $0xb8;
	[tilespmem:$0x13D60] =	vst v63  }
0x5df: {  	s0 =	sand.u32 $0x181800, s21  }
0x5e0: {  	p2 =	sne.s32 s0, $0x0  }
.Ltmp291:
0x5e1: {  	_ = 	snop;
	(pc) =	sbr.rel @p2 .LBB2_196-.Ltmp291, $1  }
0x5e2: {  	_ =	sdelay $0x3  }
0x5e3: {  	s0 =	sand.u32 $0x1800080, s21  }
0x5e4: {  	p2 =	sne.s32 s0, $0x0  }
.Ltmp292:
0x5e5: {  	_ = 	snop;
	(pc) =	sbr.rel @p2 .LBB2_247-.Ltmp292, $1  }
0x5e6: {  	_ =	sdelay $0x3  }
0x5e7: {  	s0 =	sand.u32 $0x18000, s21  }
0x5e8: {  	p2 =	sne.s32 s0, $0x0  }
.Ltmp293:
0x5e9: {  	_ = 	snop;
	(pc) =	sbr.rel @p2 .LBB2_248-.Ltmp293, $4  }
.Ltmp294:
0x5ea: {  	_ = 	snop;
	(pc) =	sbr.rel @!p2 .LBB2_252-.Ltmp294, $4  }
0x5eb: {  	_ = 	snop  }
0x5ec: {  	_ = 	snop  }
0x5ed: {  	_ = 	snop  }
0x5ee: {  	_ = 	snop  }
.LBB2_196:
0x5ef: {  	s31 =	sld [smem:$0x7F0];
	_ =	sdelay $0x2  }
0x5f0: {  	p2 =	seq.s32 s31, $0x1  }
.Ltmp295:
0x5f1: {  	_ = 	snop;
	(pc) =	sbr.rel @p2 .LBB2_252-.Ltmp295, $3  }
0x5f2: {  	_ =	sdelay $0x1  }
0x5f3: {  	s0 =	simm.s32 $0x280;
	s1 =	simm.s32 $0xAA0  }
0x5f4: {  	[tilespmem:s29], [sflag:$0x3] =	stream.indirect.gather [hbm4b:s9+s0], $0x10, s1, s0, $0xb8;
	[tilespmem:$0x13D60] =	vst v63  }
0x5f5: {  	s0 =	sand.u32 $0x1800080, s21  }
0x5f6: {  	p2 =	sne.s32 s0, $0x0  }
.Ltmp296:
0x5f7: {  	_ = 	snop;
	(pc) =	sbr.rel @!p2 .LBB2_198-.Ltmp296, $1  }
0x5f8: {  	_ =	sdelay $0x3  }
.LBB2_247:
0x5f9: {  	s31 =	rddreg [dreg:$0x4]  }
0x5fa: {  	p2 =	sgt.u32 s31, $0x1  }
.Ltmp297:
0x5fb: {  	_ = 	snop;
	(pc) =	sbr.rel @p2 .LBB2_252-.Ltmp297, $3  }
0x5fc: {  	_ =	sdelay $0x1  }
0x5fd: {  	s0 =	simm.s32 $0x140  }
0x5fe: {  	[tilespmem:s30], [sflag:$0x4] =	stream.indirect.gather [hbm4b:s11+s0], $0x10, s3, s0, $0xb8;
	[tilespmem:$0x13D60] =	vst v63  }
.LBB2_248:
0x5ff: {  	s0 =	simm.s32 $0x140;
	s1 =	simm.s32 $0x180  }
0x600: {  	[tilespmem:s30], [sflag:$0x4] =	stream.indirect.gather [hbm4b:s11+s1], $0x10, s0, s1, $0xb8;
	[tilespmem:$0x13D60] =	vst v63  }
.LBB2_252:
.Ltmp298:
0x601: {  	(pc) =	sbr.rel @p6 .LBB2_264-.Ltmp298, $1  }
0x602: {  	_ =	sdelay $0x3  }
.Ltmp299:
0x603: {  	(pc) =	sbr.rel @p1 .LBB2_259-.Ltmp299, $1  }
0x604: {  	_ =	sdelay $0x3  }
0x605: {  	s0 =	sld [smem:$0x7E9];
	_ =	sdelay $0x2  }
0x606: {  	p2 =	seq.s32 s0, $0x1  }
.Ltmp300:
0x607: {  	_ = 	snop;
	(pc) =	sbr.rel @p2 .LBB2_257-.Ltmp300, $1  }
0x608: {  	_ =	sdelay $0x3  }
0x609: {  	s0 =	sld [smem:$0x7E2];
	_ =	sdelay $0x2  }
0x60a: {  	p2 =	seq.s32 s0, $0x1  }
.Ltmp301:
0x60b: {  	_ = 	snop;
	(pc) =	sbr.rel @p2 .LBB2_278-.Ltmp301, $1  }
0x60c: {  	_ =	sdelay $0x3  }
0x60d: {  	s0 =	sld [smem:$0x7E3];
	_ =	sdelay $0x2  }
0x60e: {  	p2 =	seq.s32 s0, $0x1  }
.Ltmp302:
0x60f: {  	_ = 	snop;
	(pc) =	sbr.rel @p2 .LBB2_283-.Ltmp302, $4  }
.Ltmp303:
0x610: {  	_ = 	snop;
	(pc) =	sbr.rel @!p2 .LBB2_284-.Ltmp303, $4  }
0x611: {  	_ = 	snop  }
0x612: {  	_ = 	snop  }
0x613: {  	_ = 	snop  }
0x614: {  	_ = 	snop  }
.LBB2_264:
.Ltmp304:
0x615: {  	(pc) =	sbr.rel @p5 .LBB2_273-.Ltmp304, $1  }
0x616: {  	_ =	sdelay $0x3  }
0x617: {  	s0 =	sld [smem:$0x7FD];
	_ =	sdelay $0x2  }
0x618: {  	p2 =	seq.s32 s0, $0x1  }
.Ltmp305:
0x619: {  	_ = 	snop;
	(pc) =	sbr.rel @p2 .LBB2_268-.Ltmp305, $1  }
0x61a: {  	_ =	sdelay $0x3  }
0x61b: {  	s0 =	sadd.s32 $0xFFFFFFEF, s4  }
0x61c: {  	p2 =	slt.u32 s0, $0x2  }
.Ltmp306:
0x61d: {  	_ = 	snop;
	(pc) =	sbr.rel @p2 .LBB2_278-.Ltmp306, $1  }
0x61e: {  	_ =	sdelay $0x3  }
0x61f: {  	s0 =	sadd.s32 $0xFFFFFFED, s4  }
0x620: {  	p2 =	slt.u32 s0, $0x2  }
.Ltmp307:
0x621: {  	_ = 	snop;
	(pc) =	sbr.rel @p2 .LBB2_283-.Ltmp307, $4  }
.Ltmp308:
0x622: {  	_ = 	snop;
	(pc) =	sbr.rel @!p2 .LBB2_284-.Ltmp308, $4  }
0x623: {  	_ = 	snop  }
0x624: {  	_ = 	snop  }
0x625: {  	_ = 	snop  }
0x626: {  	_ = 	snop  }
.LBB2_259:
0x627: {  	s0 =	sld [smem:$0x7ED];
	_ =	sdelay $0x2  }
0x628: {  	p2 =	seq.s32 s0, $0x1  }
.Ltmp309:
0x629: {  	_ = 	snop;
	(pc) =	sbr.rel @p2 .LBB2_263-.Ltmp309, $1  }
0x62a: {  	_ =	sdelay $0x3  }
0x62b: {  	s0 =	sld [smem:$0x7E4];
	_ =	sdelay $0x2  }
0x62c: {  	p2 =	seq.s32 s0, $0x1  }
.Ltmp310:
0x62d: {  	_ = 	snop;
	(pc) =	sbr.rel @p2 .LBB2_283-.Ltmp310, $1  }
0x62e: {  	_ =	sdelay $0x3  }
0x62f: {  	s0 =	sld [smem:$0x7EE];
	_ =	sdelay $0x2  }
0x630: {  	p2 =	seq.s32 s0, $0x1  }
.Ltmp311:
0x631: {  	_ = 	snop;
	(pc) =	sbr.rel @p2 .LBB2_270-.Ltmp311, $1  }
0x632: {  	_ =	sdelay $0x3  }
0x633: {  	s0 =	sld [smem:$0x7F5];
	_ =	sdelay $0x2  }
0x634: {  	p2 =	seq.s32 s0, $0x1  }
.Ltmp312:
0x635: {  	_ = 	snop;
	(pc) =	sbr.rel @p2 .LBB2_282-.Ltmp312, $4  }
.Ltmp313:
0x636: {  	_ = 	snop;
	(pc) =	sbr.rel @!p2 .LBB2_284-.Ltmp313, $4  }
0x637: {  	_ = 	snop  }
0x638: {  	_ = 	snop  }
0x639: {  	_ = 	snop  }
0x63a: {  	_ = 	snop  }
.LBB2_273:
0x63b: {  	p2 =	sgt.s32 s4, $0x1C  }
.Ltmp314:
0x63c: {  	_ = 	snop;
	(pc) =	sbr.rel @p2 .LBB2_277-.Ltmp314, $1  }
0x63d: {  	_ =	sdelay $0x3  }
0x63e: {  	s0 =	sadd.s32 $0xFFFFFFE5, s4  }
0x63f: {  	p2 =	slt.u32 s0, $0x2  }
.Ltmp315:
0x640: {  	_ = 	snop;
	(pc) =	sbr.rel @p2 .LBB2_283-.Ltmp315, $1  }
0x641: {  	_ =	sdelay $0x3  }
0x642: {  	s0 =	sld [smem:$0x7FA];
	_ =	sdelay $0x2  }
0x643: {  	p2 =	seq.s32 s0, $0x1  }
.Ltmp316:
0x644: {  	_ = 	snop;
	(pc) =	sbr.rel @p2 .LBB2_270-.Ltmp316, $1  }
0x645: {  	_ =	sdelay $0x3  }
0x646: {  	s0 =	sld [smem:$0x7FB];
	_ =	sdelay $0x2  }
0x647: {  	p2 =	seq.s32 s0, $0x1  }
.Ltmp317:
0x648: {  	_ = 	snop;
	(pc) =	sbr.rel @p2 .LBB2_282-.Ltmp317, $4  }
.Ltmp318:
0x649: {  	_ = 	snop;
	(pc) =	sbr.rel @!p2 .LBB2_284-.Ltmp318, $4  }
0x64a: {  	_ = 	snop  }
0x64b: {  	_ = 	snop  }
0x64c: {  	_ = 	snop  }
0x64d: {  	_ = 	snop  }
.LBB2_198:
0x64e: {  	s0 =	sand.u32 $0x18000, s21  }
0x64f: {  	p2 =	sne.s32 s0, $0x0  }
.Ltmp319:
0x650: {  	_ = 	snop;
	(pc) =	sbr.rel @p2 .LBB2_248-.Ltmp319, $4  }
.Ltmp320:
0x651: {  	_ = 	snop;
	(pc) =	sbr.rel @!p2 .LBB2_252-.Ltmp320, $4  }
0x652: {  	_ = 	snop  }
0x653: {  	_ = 	snop  }
0x654: {  	_ = 	snop  }
0x655: {  	_ = 	snop  }
.LBB2_257:
0x656: {  	s0 =	sld [smem:$0x7EB];
	_ =	sdelay $0x2  }
0x657: {  	p2 =	seq.s32 s0, $0x1  }
.Ltmp321:
0x658: {  	_ = 	snop;
	(pc) =	sbr.rel @p2 .LBB2_282-.Ltmp321, $1  }
0x659: {  	_ =	sdelay $0x3  }
0x65a: {  	s0 =	sld [smem:$0x7F4];
	_ =	sdelay $0x2  }
0x65b: {  	p2 =	seq.s32 s0, $0x1  }
.Ltmp322:
0x65c: {  	_ = 	snop;
	(pc) =	sbr.rel @p2 .LBB2_270-.Ltmp322, $4  }
.Ltmp323:
0x65d: {  	_ = 	snop;
	(pc) =	sbr.rel @!p2 .LBB2_284-.Ltmp323, $4  }
0x65e: {  	_ = 	snop  }
0x65f: {  	_ = 	snop  }
0x660: {  	_ = 	snop  }
0x661: {  	_ = 	snop  }
.LBB2_268:
0x662: {  	s0 =	sld [smem:$0x7F7];
	_ =	sdelay $0x2  }
0x663: {  	p2 =	seq.s32 s0, $0x1  }
.Ltmp324:
0x664: {  	_ = 	snop;
	(pc) =	sbr.rel @p2 .LBB2_282-.Ltmp324, $1  }
0x665: {  	_ =	sdelay $0x3  }
0x666: {  	s0 =	sld [smem:$0x7F8];
	_ =	sdelay $0x2  }
0x667: {  	p2 =	seq.s32 s0, $0x1  }
.Ltmp325:
0x668: {  	_ = 	snop;
	(pc) =	sbr.rel @p2 .LBB2_270-.Ltmp325, $4  }
.Ltmp326:
0x669: {  	_ = 	snop;
	(pc) =	sbr.rel @!p2 .LBB2_284-.Ltmp326, $4  }
0x66a: {  	_ = 	snop  }
0x66b: {  	_ = 	snop  }
0x66c: {  	_ = 	snop  }
0x66d: {  	_ = 	snop  }
.LBB2_263:
0x66e: {  	s0 =	sld [smem:$0x7E5];
	_ =	sdelay $0x2  }
0x66f: {  	p2 =	seq.s32 s0, $0x1  }
.Ltmp327:
0x670: {  	_ = 	snop;
	(pc) =	sbr.rel @p2 .LBB2_278-.Ltmp327, $4  }
.Ltmp328:
0x671: {  	_ = 	snop;
	(pc) =	sbr.rel @!p2 .LBB2_284-.Ltmp328, $4  }
0x672: {  	_ = 	snop  }
0x673: {  	_ = 	snop  }
0x674: {  	_ = 	snop  }
0x675: {  	_ = 	snop  }
.LBB2_277:
0x676: {  	s0 =	sadd.s32 $0xFFFFFFE3, s4  }
0x677: {  	p2 =	sgt.u32 s0, $0x1  }
.Ltmp329:
0x678: {  	_ = 	snop;
	(pc) =	sbr.rel @p2 .LBB2_284-.Ltmp329, $1  }
0x679: {  	_ =	sdelay $0x3  }
.LBB2_278:
0x67a: {  	s31 =	sld [smem:$0x7EF];
	_ =	sdelay $0x2  }
0x67b: {  	p2 =	seq.s32 s31, $0x1  }
.Ltmp330:
0x67c: {  	_ = 	snop;
	(pc) =	sbr.rel @p2 .LBB2_284-.Ltmp330, $3  }
0x67d: {  	_ =	sdelay $0x1  }
0x67e: {  	s0 =	simm.s32 $0x460;
	s1 =	simm.s32 $0x1C0  }
0x67f: {  	[tilespmem:s30], [sflag:$0x4] =	stream.indirect.gather [hbm4b:s11+s1], $0x10, s0, s1, $0xb8;
	[tilespmem:$0x13D60] =	vst v63  }
0x680: {  	s0 =	sld [smem:$0x7E6];
	_ =	sdelay $0x2  }
0x681: {  	p2 =	seq.s32 s0, $0x1  }
.Ltmp331:
0x682: {  	_ = 	snop;
	(pc) =	sbr.rel @p2 .LBB2_283-.Ltmp331, $1  }
0x683: {  	_ =	sdelay $0x3  }
0x684: {  	s0 =	sld [smem:$0x7E7];
	_ =	sdelay $0x2  }
0x685: {  	p2 =	seq.s32 s0, $0x1  }
.Ltmp332:
0x686: {  	_ = 	snop;
	(pc) =	sbr.rel @p2 .LBB2_270-.Ltmp332, $1  }
0x687: {  	_ =	sdelay $0x3  }
0x688: {  	s0 =	sld [smem:$0x7E8];
	_ =	sdelay $0x2  }
0x689: {  	p2 =	seq.s32 s0, $0x1  }
.Ltmp333:
0x68a: {  	_ = 	snop;
	(pc) =	sbr.rel @p2 .LBB2_282-.Ltmp333, $4  }
.Ltmp334:
0x68b: {  	_ = 	snop;
	(pc) =	sbr.rel @!p2 .LBB2_284-.Ltmp334, $4  }
0x68c: {  	_ = 	snop  }
0x68d: {  	_ = 	snop  }
0x68e: {  	_ = 	snop  }
0x68f: {  	_ = 	snop  }
.LBB2_270:
0x690: {  	s31 =	sld [smem:$0x7FC];
	_ =	sdelay $0x2  }
0x691: {  	p2 =	seq.s32 s31, $0x1  }
.Ltmp335:
0x692: {  	_ = 	snop;
	(pc) =	sbr.rel @p2 .LBB2_284-.Ltmp335, $3  }
0x693: {  	_ =	sdelay $0x1  }
0x694: {  	s0 =	simm.s32 $0x220;
	s1 =	simm.s32 $0x620  }
0x695: {  	[tilespmem:s30], [sflag:$0x4] =	stream.indirect.gather [hbm4b:s11+s0], $0x10, s1, s0, $0xb8;
	[tilespmem:$0x13D60] =	vst v63  }
0x696: {  	s0 =	sand.u32 $0x181800, s21  }
0x697: {  	p2 =	sne.s32 s0, $0x0  }
.Ltmp336:
0x698: {  	_ = 	snop;
	(pc) =	sbr.rel @p2 .LBB2_283-.Ltmp336, $1  }
0x699: {  	_ =	sdelay $0x3  }
0x69a: {  	s0 =	sand.u32 $0x200400, s21  }
0x69b: {  	p2 =	sne.s32 s0, $0x0  }
.Ltmp337:
0x69c: {  	_ = 	snop;
	(pc) =	sbr.rel @!p2 .LBB2_284-.Ltmp337, $1  }
0x69d: {  	_ =	sdelay $0x3  }
.LBB2_282:
0x69e: {  	s0 =	simm.s32 $0x260;
	s1 =	simm.s32 $0x840  }
0x69f: {  	[tilespmem:s30], [sflag:$0x4] =	stream.indirect.gather [hbm4b:s11+s0], $0x10, s1, s0, $0xb8;
	[tilespmem:$0x13D60] =	vst v63  }
0x6a0: {  	s0 =	simm.s32 @!p0 $0x1  }
0x6a1: {  	s0 =	sshll.u32 @!p0 s0, s4  }
0x6a2: {  	s0 =	sand.u32 @!p0 $0x181800, s0  }
0x6a3: {  	p2 =	sne.s32 @!p0 s0, $0x0  }
0x6a4: {  	p2 =	por p0, !p2  }
.Ltmp338:
0x6a5: {  	_ = 	snop;
	(pc) =	sbr.rel @p2 .LBB2_284-.Ltmp338, $1  }
0x6a6: {  	_ =	sdelay $0x3  }
.LBB2_283:
0x6a7: {  	s0 =	simm.s32 $0x280;
	s1 =	simm.s32 $0xAA0  }
0x6a8: {  	[tilespmem:s30], [sflag:$0x4] =	stream.indirect.gather [hbm4b:s11+s0], $0x10, s1, s0, $0xb8;
	[tilespmem:$0x13D60] =	vst v63  }
.LBB2_284:
.Ltmp339:
0x6a9: {  	(pc) =	sbr.rel .LBB2_285-.Ltmp339, $2  }
0x6aa: {  	_ =	sdelay $0x2  }
0x6ab: {  	[dreg:$0xc] =	wrdreg s17;
	s31 =	simm.s32 $0x0  }
.LBB2_751:
0x6ac: {  	s7 =	sld [smem:$0x7E8];
	_ =	sdelay $0x2  }
0x6ad: {  	p2 =	seq.s32 s7, $0x1  }
.Ltmp340:
0x6ae: {  	_ = 	snop;
	(pc) =	sbr.rel @!p2 .LBB2_754-.Ltmp340, $1  }
0x6af: {  	_ =	sdelay $0x3  }
.LBB2_752:
0x6b0: {  	s7 =	sshll.u32 s1, $0xF  }
0x6b1: {  	s8 =	simm.s32 $0x260;
	s9 =	simm.s32 $0x840;
	s7 =	sadd.s32 s2, s7  }
0x6b2: {  	[tilespmem:s30], [sflag:$0x4] =	stream.indirect.gather [hbm4b:s7+s8], $0x10, s9, s8, $0xb8;
	[tilespmem:$0x13D60] =	vst v63  }
0x6b3: {  	s7 =	simm.s32 @!p0 $0x1  }
0x6b4: {  	s7 =	sshll.u32 @!p0 s7, s4  }
0x6b5: {  	s7 =	sand.u32 @!p0 $0x181800, s7  }
0x6b6: {  	p2 =	sne.s32 @!p0 s7, $0x0  }
0x6b7: {  	p2 =	por p0, !p2  }
.Ltmp341:
0x6b8: {  	_ = 	snop;
	(pc) =	sbr.rel @p2 .LBB2_754-.Ltmp341, $1  }
0x6b9: {  	_ =	sdelay $0x3  }
.LBB2_753:
0x6ba: {  	s1 =	sshll.u32 s1, $0xF  }
0x6bb: {  	s7 =	simm.s32 $0x280;
	s8 =	simm.s32 $0xAA0;
	s1 =	sadd.s32 s2, s1  }
0x6bc: {  	[tilespmem:s30], [sflag:$0x4] =	stream.indirect.gather [hbm4b:s1+s7], $0x10, s8, s7, $0xb8;
	[tilespmem:$0x13D60] =	vst v63  }
.LBB2_754:
0x6bd: {  	s31 =	sadd.s32 $0x1, s31  }
0x6be: {  	p2 =	sne.s32 s31, $0x18  }
.Ltmp342:
0x6bf: {  	_ = 	snop;
	(pc) =	sbr.rel @!p2 .LBB2_755-.Ltmp342, $3  }
0x6c0: {  	_ =	sdelay $0x1  }
0x6c1: {  	s0 =	sadd.s32 s0, s16;
	s1 =	simm.s32 $0x11D60  }
0x6c2: {  	[hbm4b:s0+s3] =	stream.linear.scatter [tilespmem:s1], [sflag:$0x8], $0x2000, $0x38;
	[tilespmem:$0x13D60] =	vst v63  }
.LBB2_285:
.Ltmp343:
0x6c3: {  	(pc) =	sbr.rel @p6 .LBB2_295-.Ltmp343, $1  }
0x6c4: {  	_ =	sdelay $0x3  }
.Ltmp344:
0x6c5: {  	(pc) =	sbr.rel @p1 .LBB2_292-.Ltmp344, $1  }
0x6c6: {  	_ =	sdelay $0x3  }
0x6c7: {  	s0 =	sld [smem:$0x7E9];
	_ =	sdelay $0x2  }
0x6c8: {  	p2 =	seq.s32 s0, $0x1  }
.Ltmp345:
0x6c9: {  	_ = 	snop;
	(pc) =	sbr.rel @p2 .LBB2_290-.Ltmp345, $1  }
0x6ca: {  	_ =	sdelay $0x3  }
0x6cb: {  	s0 =	sld [smem:$0x7E2];
	_ =	sdelay $0x2  }
0x6cc: {  	p2 =	seq.s32 s0, $0x1  }
.Ltmp346:
0x6cd: {  	_ = 	snop;
	(pc) =	sbr.rel @p2 .LBB2_336-.Ltmp346, $1  }
0x6ce: {  	_ =	sdelay $0x3  }
0x6cf: {  	s0 =	sld [smem:$0x7E3];
	_ =	sdelay $0x2  }
0x6d0: {  	p2 =	seq.s32 s0, $0x1  }
.Ltmp347:
0x6d1: {  	_ = 	snop;
	(pc) =	sbr.rel @p2 .LBB2_341-.Ltmp347, $4  }
.Ltmp348:
0x6d2: {  	_ = 	snop;
	(pc) =	sbr.rel @!p2 .LBB2_308-.Ltmp348, $4  }
0x6d3: {  	_ = 	snop  }
0x6d4: {  	_ = 	snop  }
0x6d5: {  	_ = 	snop  }
0x6d6: {  	_ = 	snop  }
.LBB2_295:
.Ltmp349:
0x6d7: {  	(pc) =	sbr.rel @p5 .LBB2_300-.Ltmp349, $1  }
0x6d8: {  	_ =	sdelay $0x3  }
0x6d9: {  	s0 =	sld [smem:$0x7FD];
	_ =	sdelay $0x2  }
0x6da: {  	p2 =	seq.s32 s0, $0x1  }
.Ltmp350:
0x6db: {  	_ = 	snop;
	(pc) =	sbr.rel @p2 .LBB2_298-.Ltmp350, $1  }
0x6dc: {  	_ =	sdelay $0x3  }
0x6dd: {  	s0 =	sadd.s32 $0xFFFFFFEF, s4  }
0x6de: {  	p2 =	slt.u32 s0, $0x2  }
.Ltmp351:
0x6df: {  	_ = 	snop;
	(pc) =	sbr.rel @p2 .LBB2_336-.Ltmp351, $4  }
.Ltmp352:
0x6e0: {  	_ = 	snop;
	(pc) =	sbr.rel @!p2 .LBB2_341-.Ltmp352, $4  }
0x6e1: {  	_ = 	snop  }
0x6e2: {  	_ = 	snop  }
0x6e3: {  	_ = 	snop  }
0x6e4: {  	_ = 	snop  }
.LBB2_292:
0x6e5: {  	s0 =	sld [smem:$0x7ED];
	_ =	sdelay $0x2  }
0x6e6: {  	p2 =	seq.s32 s0, $0x1  }
.Ltmp353:
0x6e7: {  	_ = 	snop;
	(pc) =	sbr.rel @p2 .LBB2_335-.Ltmp353, $1  }
0x6e8: {  	_ =	sdelay $0x3  }
0x6e9: {  	s0 =	sld [smem:$0x7E4];
	_ =	sdelay $0x2  }
0x6ea: {  	p2 =	seq.s32 s0, $0x1  }
.Ltmp354:
0x6eb: {  	_ = 	snop;
	(pc) =	sbr.rel @p2 .LBB2_341-.Ltmp354, $1  }
0x6ec: {  	_ =	sdelay $0x3  }
0x6ed: {  	s0 =	sld [smem:$0x7EE];
	_ =	sdelay $0x2  }
0x6ee: {  	p2 =	seq.s32 s0, $0x1  }
.Ltmp355:
0x6ef: {  	_ = 	snop;
	(pc) =	sbr.rel @p2 .LBB2_303-.Ltmp355, $4  }
.Ltmp356:
0x6f0: {  	_ = 	snop;
	(pc) =	sbr.rel @!p2 .LBB2_340-.Ltmp356, $4  }
0x6f1: {  	_ = 	snop  }
0x6f2: {  	_ = 	snop  }
0x6f3: {  	_ = 	snop  }
0x6f4: {  	_ = 	snop  }
.LBB2_300:
0x6f5: {  	p2 =	sgt.s32 s4, $0x1C  }
.Ltmp357:
0x6f6: {  	_ = 	snop;
	(pc) =	sbr.rel @p2 .LBB2_306-.Ltmp357, $1  }
0x6f7: {  	_ =	sdelay $0x3  }
0x6f8: {  	s0 =	sadd.s32 $0xFFFFFFE5, s4  }
0x6f9: {  	p2 =	slt.u32 s0, $0x2  }
.Ltmp358:
0x6fa: {  	_ = 	snop;
	(pc) =	sbr.rel @p2 .LBB2_341-.Ltmp358, $1  }
0x6fb: {  	_ =	sdelay $0x3  }
0x6fc: {  	s0 =	sld [smem:$0x7FA];
	_ =	sdelay $0x2  }
0x6fd: {  	p2 =	seq.s32 s0, $0x1  }
.Ltmp359:
0x6fe: {  	_ = 	snop;
	(pc) =	sbr.rel @!p2 .LBB2_340-.Ltmp359, $4  }
.Ltmp360:
0x6ff: {  	_ = 	snop;
	(pc) =	sbr.rel @p2 .LBB2_303-.Ltmp360, $4  }
0x700: {  	_ = 	snop  }
0x701: {  	_ = 	snop  }
0x702: {  	_ = 	snop  }
0x703: {  	_ = 	snop  }
.LBB2_290:
0x704: {  	s0 =	sld [smem:$0x7EA];
	_ =	sdelay $0x2  }
0x705: {  	p2 =	seq.s32 s0, $0x1  }
.Ltmp361:
0x706: {  	_ = 	snop;
	(pc) =	sbr.rel @p2 .LBB2_333-.Ltmp361, $1  }
0x707: {  	_ =	sdelay $0x3  }
0x708: {  	s0 =	sld [smem:$0x7EB];
	_ =	sdelay $0x2  }
0x709: {  	p2 =	seq.s32 s0, $0x1  }
.Ltmp362:
0x70a: {  	_ = 	snop;
	(pc) =	sbr.rel @p2 .LBB2_340-.Ltmp362, $4  }
.Ltmp363:
0x70b: {  	_ = 	snop;
	(pc) =	sbr.rel @!p2 .LBB2_303-.Ltmp363, $4  }
0x70c: {  	_ = 	snop  }
0x70d: {  	_ = 	snop  }
0x70e: {  	_ = 	snop  }
0x70f: {  	_ = 	snop  }
.LBB2_298:
0x710: {  	s0 =	sadd.s32 $0xFFFFFFE9, s4  }
0x711: {  	p2 =	slt.u32 s0, $0x2  }
.Ltmp364:
0x712: {  	_ = 	snop;
	(pc) =	sbr.rel @p2 .LBB2_307-.Ltmp364, $1  }
0x713: {  	_ =	sdelay $0x3  }
0x714: {  	s0 =	sld [smem:$0x7F7];
	_ =	sdelay $0x2  }
0x715: {  	p2 =	seq.s32 s0, $0x1  }
.Ltmp365:
0x716: {  	_ = 	snop;
	(pc) =	sbr.rel @p2 .LBB2_340-.Ltmp365, $4  }
.Ltmp366:
0x717: {  	_ = 	snop;
	(pc) =	sbr.rel @!p2 .LBB2_303-.Ltmp366, $4  }
0x718: {  	_ = 	snop  }
0x719: {  	_ = 	snop  }
0x71a: {  	_ = 	snop  }
0x71b: {  	_ = 	snop  }
.LBB2_335:
0x71c: {  	s0 =	sld [smem:$0x7E5];
	_ =	sdelay $0x2  }
0x71d: {  	p2 =	seq.s32 s0, $0x1  }
.Ltmp367:
0x71e: {  	_ = 	snop;
	(pc) =	sbr.rel @!p2 .LBB2_308-.Ltmp367, $4  }
.Ltmp368:
0x71f: {  	_ = 	snop;
	(pc) =	sbr.rel @p2 .LBB2_336-.Ltmp368, $4  }
0x720: {  	_ = 	snop  }
0x721: {  	_ = 	snop  }
0x722: {  	_ = 	snop  }
0x723: {  	_ = 	snop  }
.LBB2_306:
0x724: {  	s0 =	sadd.s32 $0xFFFFFFE3, s4  }
0x725: {  	p2 =	slt.u32 s0, $0x2  }
.Ltmp369:
0x726: {  	_ = 	snop;
	(pc) =	sbr.rel @p2 .LBB2_336-.Ltmp369, $4  }
.Ltmp370:
0x727: {  	_ = 	snop;
	(pc) =	sbr.rel @!p2 .LBB2_308-.Ltmp370, $4  }
0x728: {  	_ = 	snop  }
0x729: {  	_ = 	snop  }
0x72a: {  	_ = 	snop  }
0x72b: {  	_ = 	snop  }
.LBB2_333:
0x72c: {  	s0 =	sld [smem:$0x7EC];
	_ =	sdelay $0x2  }
0x72d: {  	p2 =	seq.s32 s0, $0x1  }
.Ltmp371:
0x72e: {  	_ = 	snop;
	(pc) =	sbr.rel @!p2 .LBB2_334-.Ltmp371, $1  }
0x72f: {  	_ =	sdelay $0x3  }
.LBB2_307:
0x730: {  	_ =	swait.ge [sflag:s18], $0x1400  }
0x731: {  	s0 =	rddreg [dreg:$0x4]  }
0x732: {  	p2 =	sgt.u32 s0, $0x1  }
.Ltmp372:
0x733: {  	_ = 	snop;
	(pc) =	sbr.rel @p2 .LBB2_309-.Ltmp372, $3  }
0x734: {  	_ =	sdelay $0x1  }
0x735: {  	[sflag:s18] =	ssyncset.done $0x0  }
0x736: {  	[sflag:s18] =	ssyncadd.s32 $0xFFFFEC00  }
.LBB2_308:
0x737: {  	_ =	swait.ge [sflag:s18], $0x1800  }
0x738: {  	[sflag:s18] =	ssyncset.done $0x0  }
0x739: {  	[sflag:s18] =	ssyncadd.s32 $0xFFFFE800  }
.LBB2_309:
.Ltmp373:
0x73a: {  	(pc) =	sbr.rel @p6 .LBB2_322-.Ltmp373, $1  }
0x73b: {  	_ =	sdelay $0x3  }
0x73c: {  	p2 =	sgt.s32 s4, $0x7  }
.Ltmp374:
0x73d: {  	_ = 	snop;
	(pc) =	sbr.rel @!p2 .LBB2_311-.Ltmp374, $1  }
0x73e: {  	_ =	sdelay $0x3  }
0x73f: {  	p2 =	sgt.s32 s4, $0xA  }
.Ltmp375:
0x740: {  	_ = 	snop;
	(pc) =	sbr.rel @!p2 .LBB2_317-.Ltmp375, $1  }
0x741: {  	_ =	sdelay $0x3  }
0x742: {  	s0 =	sld [smem:$0x7E4];
	_ =	sdelay $0x2  }
0x743: {  	p2 =	seq.s32 s0, $0x1  }
.Ltmp376:
0x744: {  	_ = 	snop;
	(pc) =	sbr.rel @p2 .LBB2_341-.Ltmp376, $1  }
0x745: {  	_ =	sdelay $0x3  }
0x746: {  	s0 =	sld [smem:$0x7E5];
	_ =	sdelay $0x2  }
0x747: {  	p2 =	seq.s32 s0, $0x1  }
.Ltmp377:
0x748: {  	_ = 	snop;
	(pc) =	sbr.rel @p2 .LBB2_336-.Ltmp377, $4  }
.Ltmp378:
0x749: {  	_ = 	snop;
	(pc) =	sbr.rel @!p2 .LBB2_342-.Ltmp378, $4  }
0x74a: {  	_ = 	snop  }
0x74b: {  	_ = 	snop  }
0x74c: {  	_ = 	snop  }
0x74d: {  	_ = 	snop  }
.LBB2_322:
.Ltmp379:
0x74e: {  	(pc) =	sbr.rel @p5 .LBB2_328-.Ltmp379, $1  }
0x74f: {  	_ =	sdelay $0x3  }
0x750: {  	s0 =	sld [smem:$0x7FD];
	_ =	sdelay $0x2  }
0x751: {  	p2 =	seq.s32 s0, $0x1  }
.Ltmp380:
0x752: {  	_ = 	snop;
	(pc) =	sbr.rel @p2 .LBB2_326-.Ltmp380, $1  }
0x753: {  	_ =	sdelay $0x3  }
0x754: {  	s0 =	sadd.s32 $0xFFFFFFEF, s4  }
0x755: {  	p2 =	slt.u32 s0, $0x2  }
.Ltmp381:
0x756: {  	_ = 	snop;
	(pc) =	sbr.rel @p2 .LBB2_336-.Ltmp381, $1  }
0x757: {  	_ =	sdelay $0x3  }
0x758: {  	s0 =	sadd.s32 $0xFFFFFFED, s4  }
0x759: {  	p2 =	slt.u32 s0, $0x2  }
.Ltmp382:
0x75a: {  	_ = 	snop;
	(pc) =	sbr.rel @p2 .LBB2_341-.Ltmp382, $4  }
.Ltmp383:
0x75b: {  	_ = 	snop;
	(pc) =	sbr.rel @!p2 .LBB2_342-.Ltmp383, $4  }
0x75c: {  	_ = 	snop  }
0x75d: {  	_ = 	snop  }
0x75e: {  	_ = 	snop  }
0x75f: {  	_ = 	snop  }
.LBB2_328:
0x760: {  	p2 =	sgt.s32 s4, $0x1C  }
.Ltmp384:
0x761: {  	_ = 	snop;
	(pc) =	sbr.rel @p2 .LBB2_332-.Ltmp384, $1  }
0x762: {  	_ =	sdelay $0x3  }
0x763: {  	s0 =	sadd.s32 $0xFFFFFFE5, s4  }
0x764: {  	p2 =	slt.u32 s0, $0x2  }
.Ltmp385:
0x765: {  	_ = 	snop;
	(pc) =	sbr.rel @p2 .LBB2_341-.Ltmp385, $1  }
0x766: {  	_ =	sdelay $0x3  }
0x767: {  	s0 =	sld [smem:$0x7FA];
	_ =	sdelay $0x2  }
0x768: {  	p2 =	seq.s32 s0, $0x1  }
.Ltmp386:
0x769: {  	_ = 	snop;
	(pc) =	sbr.rel @p2 .LBB2_303-.Ltmp386, $1  }
0x76a: {  	_ =	sdelay $0x3  }
0x76b: {  	s0 =	sld [smem:$0x7FB];
	_ =	sdelay $0x2  }
0x76c: {  	p2 =	seq.s32 s0, $0x1  }
.Ltmp387:
0x76d: {  	_ = 	snop;
	(pc) =	sbr.rel @p2 .LBB2_340-.Ltmp387, $4  }
.Ltmp388:
0x76e: {  	_ = 	snop;
	(pc) =	sbr.rel @!p2 .LBB2_342-.Ltmp388, $4  }
0x76f: {  	_ = 	snop  }
0x770: {  	_ = 	snop  }
0x771: {  	_ = 	snop  }
0x772: {  	_ = 	snop  }
.LBB2_311:
0x773: {  	s0 =	sld [smem:$0x7E9];
	_ =	sdelay $0x2  }
0x774: {  	p2 =	seq.s32 s0, $0x1  }
.Ltmp389:
0x775: {  	_ = 	snop;
	(pc) =	sbr.rel @p2 .LBB2_314-.Ltmp389, $1  }
0x776: {  	_ =	sdelay $0x3  }
0x777: {  	s0 =	sld [smem:$0x7E2];
	_ =	sdelay $0x2  }
0x778: {  	p2 =	seq.s32 s0, $0x1  }
.Ltmp390:
0x779: {  	_ = 	snop;
	(pc) =	sbr.rel @p2 .LBB2_336-.Ltmp390, $1  }
0x77a: {  	_ =	sdelay $0x3  }
0x77b: {  	s0 =	sld [smem:$0x7E3];
	_ =	sdelay $0x2  }
0x77c: {  	p2 =	seq.s32 s0, $0x1  }
.Ltmp391:
0x77d: {  	_ = 	snop;
	(pc) =	sbr.rel @p2 .LBB2_341-.Ltmp391, $4  }
.Ltmp392:
0x77e: {  	_ = 	snop;
	(pc) =	sbr.rel @!p2 .LBB2_342-.Ltmp392, $4  }
0x77f: {  	_ = 	snop  }
0x780: {  	_ = 	snop  }
0x781: {  	_ = 	snop  }
0x782: {  	_ = 	snop  }
.LBB2_317:
0x783: {  	p2 =	seq.s32 s4, $0x8  }
.Ltmp393:
0x784: {  	_ = 	snop;
	(pc) =	sbr.rel @p2 .LBB2_334-.Ltmp393, $1  }
0x785: {  	_ =	sdelay $0x3  }
0x786: {  	s0 =	sld [smem:$0x7EE];
	_ =	sdelay $0x2  }
0x787: {  	p2 =	seq.s32 s0, $0x1  }
.Ltmp394:
0x788: {  	_ = 	snop;
	(pc) =	sbr.rel @p2 .LBB2_303-.Ltmp394, $1  }
0x789: {  	_ =	sdelay $0x3  }
0x78a: {  	s0 =	sld [smem:$0x7F5];
	_ =	sdelay $0x2  }
0x78b: {  	p2 =	seq.s32 s0, $0x1  }
.Ltmp395:
0x78c: {  	_ = 	snop;
	(pc) =	sbr.rel @p2 .LBB2_340-.Ltmp395, $4  }
.Ltmp396:
0x78d: {  	_ = 	snop;
	(pc) =	sbr.rel @!p2 .LBB2_342-.Ltmp396, $4  }
0x78e: {  	_ = 	snop  }
0x78f: {  	_ = 	snop  }
0x790: {  	_ = 	snop  }
0x791: {  	_ = 	snop  }
.LBB2_334:
.Ltmp397:
0x792: {  	(pc) =	sbr.rel .LBB2_342-.Ltmp397, $4  }
0x793: {  	_ = 	snop  }
0x794: {  	_ =	swait.ge [sflag:s18], $0x1A00  }
0x795: {  	[sflag:s18] =	ssyncset.done $0x0  }
0x796: {  	[sflag:s18] =	ssyncadd.s32 $0xFFFFE600  }
.LBB2_326:
0x797: {  	s0 =	sld [smem:$0x7F7];
	_ =	sdelay $0x2  }
0x798: {  	p2 =	seq.s32 s0, $0x1  }
.Ltmp398:
0x799: {  	_ = 	snop;
	(pc) =	sbr.rel @p2 .LBB2_340-.Ltmp398, $1  }
0x79a: {  	_ =	sdelay $0x3  }
0x79b: {  	s0 =	sld [smem:$0x7F8];
	_ =	sdelay $0x2  }
0x79c: {  	p2 =	seq.s32 s0, $0x1  }
.Ltmp399:
0x79d: {  	_ = 	snop;
	(pc) =	sbr.rel @p2 .LBB2_303-.Ltmp399, $4  }
.Ltmp400:
0x79e: {  	_ = 	snop;
	(pc) =	sbr.rel @!p2 .LBB2_342-.Ltmp400, $4  }
0x79f: {  	_ = 	snop  }
0x7a0: {  	_ = 	snop  }
0x7a1: {  	_ = 	snop  }
0x7a2: {  	_ = 	snop  }
.LBB2_332:
0x7a3: {  	s0 =	sadd.s32 $0xFFFFFFE3, s4  }
0x7a4: {  	p2 =	slt.u32 s0, $0x2  }
.Ltmp401:
0x7a5: {  	_ = 	snop;
	(pc) =	sbr.rel @!p2 .LBB2_342-.Ltmp401, $1  }
0x7a6: {  	_ =	sdelay $0x3  }
.LBB2_336:
0x7a7: {  	_ =	swait.ge [sflag:s18], $0x1C00  }
0x7a8: {  	s0 =	sld [smem:$0x7EF];
	_ =	sdelay $0x2  }
0x7a9: {  	p2 =	seq.s32 s0, $0x1  }
.Ltmp402:
0x7aa: {  	_ = 	snop;
	(pc) =	sbr.rel @p2 .LBB2_342-.Ltmp402, $3  }
0x7ab: {  	_ =	sdelay $0x1  }
0x7ac: {  	[sflag:s18] =	ssyncset.done $0x0  }
0x7ad: {  	[sflag:s18] =	ssyncadd.s32 $0xFFFFE400  }
0x7ae: {  	s0 =	sld [smem:$0x7E6];
	_ =	sdelay $0x2  }
0x7af: {  	p2 =	seq.s32 s0, $0x1  }
.Ltmp403:
0x7b0: {  	_ = 	snop;
	(pc) =	sbr.rel @p2 .LBB2_341-.Ltmp403, $1  }
0x7b1: {  	_ =	sdelay $0x3  }
0x7b2: {  	s0 =	sld [smem:$0x7E7];
	_ =	sdelay $0x2  }
0x7b3: {  	p2 =	seq.s32 s0, $0x1  }
.Ltmp404:
0x7b4: {  	_ = 	snop;
	(pc) =	sbr.rel @p2 .LBB2_303-.Ltmp404, $1  }
0x7b5: {  	_ =	sdelay $0x3  }
0x7b6: {  	s0 =	sld [smem:$0x7E8];
	_ =	sdelay $0x2  }
0x7b7: {  	p2 =	seq.s32 s0, $0x1  }
.Ltmp405:
0x7b8: {  	_ = 	snop;
	(pc) =	sbr.rel @p2 .LBB2_340-.Ltmp405, $4  }
.Ltmp406:
0x7b9: {  	_ = 	snop;
	(pc) =	sbr.rel @!p2 .LBB2_342-.Ltmp406, $4  }
0x7ba: {  	_ = 	snop  }
0x7bb: {  	_ = 	snop  }
0x7bc: {  	_ = 	snop  }
0x7bd: {  	_ = 	snop  }
.LBB2_314:
0x7be: {  	s0 =	sld [smem:$0x7EB];
	_ =	sdelay $0x2  }
0x7bf: {  	p2 =	seq.s32 s0, $0x1  }
.Ltmp407:
0x7c0: {  	_ = 	snop;
	(pc) =	sbr.rel @p2 .LBB2_340-.Ltmp407, $1  }
0x7c1: {  	_ =	sdelay $0x3  }
0x7c2: {  	s0 =	sld [smem:$0x7F4];
	_ =	sdelay $0x2  }
0x7c3: {  	p2 =	seq.s32 s0, $0x1  }
.Ltmp408:
0x7c4: {  	_ = 	snop;
	(pc) =	sbr.rel @!p2 .LBB2_342-.Ltmp408, $1  }
0x7c5: {  	_ =	sdelay $0x3  }
.LBB2_303:
0x7c6: {  	_ =	swait.ge [sflag:s18], $0x2200  }
0x7c7: {  	s0 =	sld [smem:$0x7FC];
	_ =	sdelay $0x2  }
0x7c8: {  	p2 =	seq.s32 s0, $0x1  }
.Ltmp409:
0x7c9: {  	_ = 	snop;
	(pc) =	sbr.rel @p2 .LBB2_342-.Ltmp409, $3  }
0x7ca: {  	_ =	sdelay $0x1  }
0x7cb: {  	[sflag:s18] =	ssyncset.done $0x0  }
0x7cc: {  	[sflag:s18] =	ssyncadd.s32 $0xFFFFDE00  }
0x7cd: {  	s0 =	sand.u32 $0x181800, s21  }
0x7ce: {  	p2 =	sne.s32 s0, $0x0  }
.Ltmp410:
0x7cf: {  	_ = 	snop;
	(pc) =	sbr.rel @p2 .LBB2_341-.Ltmp410, $1  }
0x7d0: {  	_ =	sdelay $0x3  }
0x7d1: {  	s0 =	sand.u32 $0x200400, s21  }
0x7d2: {  	p2 =	sne.s32 s0, $0x0  }
.Ltmp411:
0x7d3: {  	_ = 	snop;
	(pc) =	sbr.rel @!p2 .LBB2_342-.Ltmp411, $1  }
0x7d4: {  	_ =	sdelay $0x3  }
.LBB2_340:
0x7d5: {  	s0 =	simm.s32 @!p0 $0x1  }
0x7d6: {  	s0 =	sshll.u32 @!p0 s0, s4  }
0x7d7: {  	s0 =	sand.u32 @!p0 $0x181800, s0  }
0x7d8: {  	p2 =	sne.s32 @!p0 s0, $0x0  }
0x7d9: {  	p2 =	por p0, !p2  }
.Ltmp412:
0x7da: {  	_ = 	snop;
	(pc) =	sbr.rel @p2 .LBB2_342-.Ltmp412, $4  }
0x7db: {  	_ = 	snop  }
0x7dc: {  	_ =	swait.ge [sflag:s18], $0x2600  }
0x7dd: {  	[sflag:s18] =	ssyncset.done $0x0  }
0x7de: {  	[sflag:s18] =	ssyncadd.s32 $0xFFFFDA00  }
.LBB2_341:
0x7df: {  	_ =	swait.ge [sflag:s18], $0x2800  }
0x7e0: {  	[sflag:s18] =	ssyncset.done $0x0  }
0x7e1: {  	[sflag:s18] =	ssyncadd.s32 $0xFFFFD800  }
.LBB2_342:
0x7e2: {  	p4 =	seq.s32 s31, $0x0  }
0x7e3: {  	s0 =	simm.s32 @!p4 $0x5  }
0x7e4: {  	_ =	swait.ge @!p4 [sflag:s0], $0x2000  }
0x7e5: {  	[sflag:s0] =	ssyncset.done @!p4 $0x0  }
0x7e6: {  	s26 =	simm.s32 $0xD60;
	[sflag:s0] =	ssyncadd.s32 @!p4 $0xFFFFE000  }
0x7e7: {  	v1 =	vld [tilespmem:s26+$0xFFFFFFF0]  }
0x7e8: {  	v2 =	vld [tilespmem:s26+$0x30]  }
0x7e9: {  	v3 =	vld [tilespmem:s26+$0xFFFFFFC0]  }
0x7ea: {  	v4 =	vld [tilespmem:s26+$0x20]  }
0x7eb: {  	v5 =	vld [tilespmem:s26+$0xFFFFFFE0]  }
0x7ec: {  	v6 =	vld [tilespmem:s26+$0x10]  }
0x7ed: {  	v7 =	vld [tilespmem:s26+$0x0]  }
0x7ee: {  	s1 =	sshll.u32 s31, $0x2;
	s7 =	simm.s32 $0x0;
	s8 =	simm.s32 $0x30;
	v8 =	vld [tilespmem:s26+$0xFFFFFFD0]  }
0x7ef: {  	s11 =	simm.s32 $0x10;
	s12 =	simm.s32 $0x50;
	s17 =	simm.s32 $0x60;
	v9 =	vld.idx.msk [tilespmem:v1+s24+$0x0], $0xffff  }
0x7f0: {  	s28 =	simm.s32 $0x20;
	s23 =	simm.s32 $0x70;
	s9 =	sand.u32 $0xB0, s8;
	v10 =	vld.idx.msk [tilespmem:v2+s24+$0x0], $0xffff  }
0x7f1: {  	s8 =	simm.s32 $0x100;
	s7 =	sand.u32 $0x1E00, s7;
	s22 =	sand.u32 $0x90, s11;
	v11 =	vld.idx.msk [tilespmem:v3+s24+$0x0], $0xffff  }
0x7f2: {  	s13 =	sand.u32 $0xA0, s28;
	s28 =	sand.u32 $0xF0, s23;
	s19 =	sadd.s32 $0xBD60, s7;
	v2 =	vld.idx.msk [tilespmem:v4+s24+$0x0], $0xffff  }
0x7f3: {  	s11 =	sadd.s32 s13, s19;
	s0 =	simm.s32 $0x0;
	s26 =	sadd.s32 s9, s19;
	v1 =	vld.idx.msk [tilespmem:v5+s24+$0x0], $0xffff  }
0x7f4: {  	s13 =	sand.u32 $0x80, s0;
	s9 =	sadd.s32 s28, s19;
	s28 =	sand.u32 $0xE0, s17;
	v3 =	vld.idx.msk [tilespmem:v6+s24+$0x0], $0xffff;
	[tilespmem:s26+$0x0] =	vst v9  }
0x7f5: {  	s23 =	sor.u32 s13, s19;
	s17 =	sadd.s32 s28, s19;
	v4 =	vld.idx.msk [tilespmem:v7+s24+$0x0], $0xffff;
	s26 =	sand.u32 $0xD0, s12;
	[tilespmem:s9+$0x0] =	vst v10  }
0x7f6: {  	v5 =	vld.idx.msk [tilespmem:v8+s24+$0x0], $0xffff;
	[tilespmem:s23+$0x0] =	vst v11;
	s9 =	simm.s32 $0x40;
	s23 =	simm.s32 $0xDE0;
	s12 =	sadd.s32 s26, s19  }
.LBB2_343:
0x7f7: {  	s7 =	sadd.s32 $0xB0, s0;
	s9 =	sand.u32 $0xC0, s9  }
0x7f8: {  	v6 =	vld [tilespmem:s23+$0xFFFFFFF0];
	[tilespmem:s17+$0x0] =	vst v2;
	s17 =	smov.u32 s0;
	s0 =	sadd.s32 $0x80, s0;
	s26 =	smov.u32 s8  }
0x7f9: {  	s7 =	sand.u32 $0xB0, s7;
	v2 =	vld [tilespmem:s23+$0x30];
	p2 =	slt.u32 s0, $0xF80;
	[tilespmem:s11+$0x0] =	vst v1;
	s9 =	sadd.s32 s9, s19  }
0x7fa: {  	s11 =	sor.u32 s22, s19;
	v1 =	vld [tilespmem:s23+$0xFFFFFFC0];
	[tilespmem:s12+$0x0] =	vst v3  }
0x7fb: {  	v3 =	vld [tilespmem:s23+$0x20];
	[tilespmem:s9+$0x0] =	vst v4  }
0x7fc: {  	v4 =	vld [tilespmem:s23+$0xFFFFFFE0];
	[tilespmem:s11+$0x0] =	vst v5  }
0x7fd: {  	v5 =	vld [tilespmem:s23+$0x10]  }
0x7fe: {  	v7 =	vld [tilespmem:s23+$0x0]  }
0x7ff: {  	v8 =	vld [tilespmem:s23+$0xFFFFFFD0]  }
0x800: {  	v6 =	vld.idx.msk [tilespmem:v6+s24+$0x0], $0xffff  }
0x801: {  	s8 =	sadd.s32 $0x100, s8;
	s28 =	sadd.s32 $0xE0, s17;
	v9 =	vld.idx.msk [tilespmem:v2+s24+$0x0], $0xffff  }
0x802: {  	s12 =	sadd.s32 $0xD0, s17;
	s9 =	sadd.s32 $0x90, s17;
	s11 =	sand.u32 $0x1E00, s26;
	v10 =	vld.idx.msk [tilespmem:v1+s24+$0x0], $0xffff  }
0x803: {  	s22 =	sand.u32 $0x90, s9;
	s9 =	sadd.s32 $0xA0, s17;
	s26 =	sadd.s32 $0xF0, s17;
	v2 =	vld.idx.msk [tilespmem:v3+s24+$0x0], $0xffff  }
.Ltmp413:
0x804: {  	s19 =	sadd.s32 $0xBD60, s11;
	s9 =	sand.u32 $0xA0, s9;
	v1 =	vld.idx.msk [tilespmem:v4+s24+$0x0], $0xffff;
	(pc) =	sbr.rel @p2 .LBB2_343-.Ltmp413, $4  }
0x805: {  	s11 =	sadd.s32 s9, s19;
	s7 =	sadd.s32 s7, s19;
	s9 =	sand.u32 $0xF0, s26;
	v3 =	vld.idx.msk [tilespmem:v5+s24+$0x0], $0xffff  }
0x806: {  	s26 =	sand.u32 $0x80, s0;
	s9 =	sadd.s32 s9, s19;
	[tilespmem:s7+$0x0] =	vst v6;
	v4 =	vld.idx.msk [tilespmem:v7+s24+$0x0], $0xffff;
	s7 =	sand.u32 $0xD0, s12  }
0x807: {  	s26 =	sor.u32 s26, s19;
	v5 =	vld.idx.msk [tilespmem:v8+s24+$0x0], $0xffff;
	s12 =	sadd.s32 s7, s19;
	s7 =	sand.u32 $0xE0, s28;
	[tilespmem:s9+$0x0] =	vst v9  }
0x808: {  	s23 =	sadd.s32 $0x80, s23;
	s9 =	sadd.s32 $0xC0, s17;
	[tilespmem:s26+$0x0] =	vst v10;
	s17 =	sadd.s32 s7, s19  }
0x809: {  	p2 =	seq.s32 s31, $0x17  }
.Ltmp414:
0x80a: {  	[tilespmem:s17+$0x0] =	vst v2;
	(pc) =	sbr.rel @p2 .LBB2_403-.Ltmp414, $4  }
0x80b: {  	s0 =	sand.u32 $0xC0, s9;
	[tilespmem:s11+$0x0] =	vst v1  }
0x80c: {  	s0 =	sadd.s32 s0, s19;
	[tilespmem:s12+$0x0] =	vst v3  }
0x80d: {  	s7 =	sor.u32 s22, s19;
	[tilespmem:s0+$0x0] =	vst v4  }
0x80e: {  	[tilespmem:s7+$0x0] =	vst v5  }
.Ltmp415:
0x80f: {  	(pc) =	sbr.rel @p6 .LBB2_355-.Ltmp415, $2  }
0x810: {  	_ =	sdelay $0x2  }
0x811: {  	s0 =	sadd.s32 $0x4, s1  }
.Ltmp416:
0x812: {  	(pc) =	sbr.rel @p1 .LBB2_352-.Ltmp416, $1  }
0x813: {  	_ =	sdelay $0x3  }
0x814: {  	s7 =	sld [smem:$0x7E9];
	_ =	sdelay $0x2  }
0x815: {  	p3 =	seq.s32 s7, $0x1  }
.Ltmp417:
0x816: {  	_ = 	snop;
	(pc) =	sbr.rel @p3 .LBB2_350-.Ltmp417, $1  }
0x817: {  	_ =	sdelay $0x3  }
0x818: {  	s7 =	sld [smem:$0x7E2];
	_ =	sdelay $0x2  }
0x819: {  	p3 =	seq.s32 s7, $0x1  }
.Ltmp418:
0x81a: {  	_ = 	snop;
	(pc) =	sbr.rel @p3 .LBB2_397-.Ltmp418, $1  }
0x81b: {  	_ =	sdelay $0x3  }
0x81c: {  	s7 =	sld [smem:$0x7E3];
	_ =	sdelay $0x2  }
0x81d: {  	p3 =	seq.s32 s7, $0x1  }
.Ltmp419:
0x81e: {  	_ = 	snop;
	(pc) =	sbr.rel @p3 .LBB2_402-.Ltmp419, $4  }
.Ltmp420:
0x81f: {  	_ = 	snop;
	(pc) =	sbr.rel @!p3 .LBB2_368-.Ltmp420, $4  }
0x820: {  	_ = 	snop  }
0x821: {  	_ = 	snop  }
0x822: {  	_ = 	snop  }
0x823: {  	_ = 	snop  }
.LBB2_355:
.Ltmp421:
0x824: {  	(pc) =	sbr.rel @p5 .LBB2_360-.Ltmp421, $1  }
0x825: {  	_ =	sdelay $0x3  }
0x826: {  	s7 =	sld [smem:$0x7FD];
	_ =	sdelay $0x2  }
0x827: {  	p3 =	seq.s32 s7, $0x1  }
.Ltmp422:
0x828: {  	_ = 	snop;
	(pc) =	sbr.rel @p3 .LBB2_358-.Ltmp422, $1  }
0x829: {  	_ =	sdelay $0x3  }
0x82a: {  	s7 =	sadd.s32 $0xFFFFFFEF, s4  }
0x82b: {  	p3 =	slt.u32 s7, $0x2  }
.Ltmp423:
0x82c: {  	_ = 	snop;
	(pc) =	sbr.rel @p3 .LBB2_397-.Ltmp423, $4  }
.Ltmp424:
0x82d: {  	_ = 	snop;
	(pc) =	sbr.rel @!p3 .LBB2_402-.Ltmp424, $4  }
0x82e: {  	_ = 	snop  }
0x82f: {  	_ = 	snop  }
0x830: {  	_ = 	snop  }
0x831: {  	_ = 	snop  }
.LBB2_352:
0x832: {  	s7 =	sld [smem:$0x7ED];
	_ =	sdelay $0x2  }
0x833: {  	p3 =	seq.s32 s7, $0x1  }
.Ltmp425:
0x834: {  	_ = 	snop;
	(pc) =	sbr.rel @p3 .LBB2_396-.Ltmp425, $1  }
0x835: {  	_ =	sdelay $0x3  }
0x836: {  	s7 =	sld [smem:$0x7E4];
	_ =	sdelay $0x2  }
0x837: {  	p3 =	seq.s32 s7, $0x1  }
.Ltmp426:
0x838: {  	_ = 	snop;
	(pc) =	sbr.rel @p3 .LBB2_402-.Ltmp426, $1  }
0x839: {  	_ =	sdelay $0x3  }
0x83a: {  	s7 =	sld [smem:$0x7EE];
	_ =	sdelay $0x2  }
0x83b: {  	p3 =	seq.s32 s7, $0x1  }
.Ltmp427:
0x83c: {  	_ = 	snop;
	(pc) =	sbr.rel @p3 .LBB2_363-.Ltmp427, $4  }
.Ltmp428:
0x83d: {  	_ = 	snop;
	(pc) =	sbr.rel @!p3 .LBB2_401-.Ltmp428, $4  }
0x83e: {  	_ = 	snop  }
0x83f: {  	_ = 	snop  }
0x840: {  	_ = 	snop  }
0x841: {  	_ = 	snop  }
.LBB2_360:
0x842: {  	p3 =	sgt.s32 s4, $0x1C  }
.Ltmp429:
0x843: {  	_ = 	snop;
	(pc) =	sbr.rel @p3 .LBB2_366-.Ltmp429, $1  }
0x844: {  	_ =	sdelay $0x3  }
0x845: {  	s7 =	sadd.s32 $0xFFFFFFE5, s4  }
0x846: {  	p3 =	slt.u32 s7, $0x2  }
.Ltmp430:
0x847: {  	_ = 	snop;
	(pc) =	sbr.rel @p3 .LBB2_402-.Ltmp430, $1  }
0x848: {  	_ =	sdelay $0x3  }
0x849: {  	s7 =	sld [smem:$0x7FA];
	_ =	sdelay $0x2  }
0x84a: {  	p3 =	seq.s32 s7, $0x1  }
.Ltmp431:
0x84b: {  	_ = 	snop;
	(pc) =	sbr.rel @!p3 .LBB2_401-.Ltmp431, $4  }
.Ltmp432:
0x84c: {  	_ = 	snop;
	(pc) =	sbr.rel @p3 .LBB2_363-.Ltmp432, $4  }
0x84d: {  	_ = 	snop  }
0x84e: {  	_ = 	snop  }
0x84f: {  	_ = 	snop  }
0x850: {  	_ = 	snop  }
.LBB2_350:
0x851: {  	s7 =	sld [smem:$0x7EA];
	_ =	sdelay $0x2  }
0x852: {  	p3 =	seq.s32 s7, $0x1  }
.Ltmp433:
0x853: {  	_ = 	snop;
	(pc) =	sbr.rel @p3 .LBB2_393-.Ltmp433, $1  }
0x854: {  	_ =	sdelay $0x3  }
0x855: {  	s7 =	sld [smem:$0x7EB];
	_ =	sdelay $0x2  }
0x856: {  	p3 =	seq.s32 s7, $0x1  }
.Ltmp434:
0x857: {  	_ = 	snop;
	(pc) =	sbr.rel @p3 .LBB2_401-.Ltmp434, $4  }
.Ltmp435:
0x858: {  	_ = 	snop;
	(pc) =	sbr.rel @!p3 .LBB2_363-.Ltmp435, $4  }
0x859: {  	_ = 	snop  }
0x85a: {  	_ = 	snop  }
0x85b: {  	_ = 	snop  }
0x85c: {  	_ = 	snop  }
.LBB2_358:
0x85d: {  	s7 =	sadd.s32 $0xFFFFFFE9, s4  }
0x85e: {  	p3 =	slt.u32 s7, $0x2  }
.Ltmp436:
0x85f: {  	_ = 	snop;
	(pc) =	sbr.rel @p3 .LBB2_367-.Ltmp436, $1  }
0x860: {  	_ =	sdelay $0x3  }
0x861: {  	s7 =	sld [smem:$0x7F7];
	_ =	sdelay $0x2  }
0x862: {  	p3 =	seq.s32 s7, $0x1  }
.Ltmp437:
0x863: {  	_ = 	snop;
	(pc) =	sbr.rel @p3 .LBB2_401-.Ltmp437, $4  }
.Ltmp438:
0x864: {  	_ = 	snop;
	(pc) =	sbr.rel @!p3 .LBB2_363-.Ltmp438, $4  }
0x865: {  	_ = 	snop  }
0x866: {  	_ = 	snop  }
0x867: {  	_ = 	snop  }
0x868: {  	_ = 	snop  }
.LBB2_396:
0x869: {  	s7 =	sld [smem:$0x7E5];
	_ =	sdelay $0x2  }
0x86a: {  	p3 =	seq.s32 s7, $0x1  }
.Ltmp439:
0x86b: {  	_ = 	snop;
	(pc) =	sbr.rel @!p3 .LBB2_368-.Ltmp439, $4  }
.Ltmp440:
0x86c: {  	_ = 	snop;
	(pc) =	sbr.rel @p3 .LBB2_397-.Ltmp440, $4  }
0x86d: {  	_ = 	snop  }
0x86e: {  	_ = 	snop  }
0x86f: {  	_ = 	snop  }
0x870: {  	_ = 	snop  }
.LBB2_366:
0x871: {  	s7 =	sadd.s32 $0xFFFFFFE3, s4  }
0x872: {  	p3 =	slt.u32 s7, $0x2  }
.Ltmp441:
0x873: {  	_ = 	snop;
	(pc) =	sbr.rel @p3 .LBB2_397-.Ltmp441, $4  }
.Ltmp442:
0x874: {  	_ = 	snop;
	(pc) =	sbr.rel @!p3 .LBB2_368-.Ltmp442, $4  }
0x875: {  	_ = 	snop  }
0x876: {  	_ = 	snop  }
0x877: {  	_ = 	snop  }
0x878: {  	_ = 	snop  }
.LBB2_393:
0x879: {  	s7 =	sld [smem:$0x7EC];
	_ =	sdelay $0x2  }
0x87a: {  	p3 =	seq.s32 s7, $0x1  }
.Ltmp443:
0x87b: {  	_ = 	snop;
	(pc) =	sbr.rel @!p3 .LBB2_394-.Ltmp443, $1  }
0x87c: {  	_ =	sdelay $0x3  }
.LBB2_367:
0x87d: {  	s28 =	rddreg [dreg:$0x4]  }
0x87e: {  	p3 =	sgt.u32 s28, $0x1  }
.Ltmp444:
0x87f: {  	_ = 	snop;
	(pc) =	sbr.rel @p3 .LBB2_369-.Ltmp444, $4  }
0x880: {  	_ = 	snop  }
0x881: {  	s7 =	sshll.u32 s0, $0xF  }
0x882: {  	s8 =	simm.s32 $0x140;
	s7 =	sadd.s32 s2, s7  }
0x883: {  	[tilespmem:s24], [sflag:$0x1] =	stream.indirect.gather [hbm4b:s7+s8], $0x10, s3, s8, $0xb8;
	[tilespmem:$0x13D60] =	vst v63  }
.LBB2_368:
0x884: {  	s7 =	sshll.u32 s0, $0xF  }
0x885: {  	s8 =	simm.s32 $0x140;
	s9 =	simm.s32 $0x180;
	s7 =	sadd.s32 s2, s7  }
0x886: {  	[tilespmem:s24], [sflag:$0x1] =	stream.indirect.gather [hbm4b:s7+s9], $0x10, s8, s9, $0xb8;
	[tilespmem:$0x13D60] =	vst v63  }
.LBB2_369:
.Ltmp445:
0x887: {  	(pc) =	sbr.rel @p6 .LBB2_382-.Ltmp445, $1  }
0x888: {  	_ =	sdelay $0x3  }
0x889: {  	p3 =	sgt.s32 s4, $0x7  }
.Ltmp446:
0x88a: {  	_ = 	snop;
	(pc) =	sbr.rel @!p3 .LBB2_371-.Ltmp446, $1  }
0x88b: {  	_ =	sdelay $0x3  }
0x88c: {  	p3 =	sgt.s32 s4, $0xA  }
.Ltmp447:
0x88d: {  	_ = 	snop;
	(pc) =	sbr.rel @!p3 .LBB2_377-.Ltmp447, $1  }
0x88e: {  	_ =	sdelay $0x3  }
0x88f: {  	s7 =	sld [smem:$0x7E4];
	_ =	sdelay $0x2  }
0x890: {  	p3 =	seq.s32 s7, $0x1  }
.Ltmp448:
0x891: {  	_ = 	snop;
	(pc) =	sbr.rel @p3 .LBB2_402-.Ltmp448, $1  }
0x892: {  	_ =	sdelay $0x3  }
0x893: {  	s7 =	sld [smem:$0x7E5];
	_ =	sdelay $0x2  }
0x894: {  	p3 =	seq.s32 s7, $0x1  }
.Ltmp449:
0x895: {  	_ = 	snop;
	(pc) =	sbr.rel @p3 .LBB2_397-.Ltmp449, $4  }
.Ltmp450:
0x896: {  	_ = 	snop;
	(pc) =	sbr.rel @!p3 .LBB2_403-.Ltmp450, $4  }
0x897: {  	_ = 	snop  }
0x898: {  	_ = 	snop  }
0x899: {  	_ = 	snop  }
0x89a: {  	_ = 	snop  }
.LBB2_382:
.Ltmp451:
0x89b: {  	(pc) =	sbr.rel @p5 .LBB2_388-.Ltmp451, $1  }
0x89c: {  	_ =	sdelay $0x3  }
0x89d: {  	s7 =	sld [smem:$0x7FD];
	_ =	sdelay $0x2  }
0x89e: {  	p3 =	seq.s32 s7, $0x1  }
.Ltmp452:
0x89f: {  	_ = 	snop;
	(pc) =	sbr.rel @p3 .LBB2_386-.Ltmp452, $1  }
0x8a0: {  	_ =	sdelay $0x3  }
0x8a1: {  	s7 =	sadd.s32 $0xFFFFFFEF, s4  }
0x8a2: {  	p3 =	slt.u32 s7, $0x2  }
.Ltmp453:
0x8a3: {  	_ = 	snop;
	(pc) =	sbr.rel @p3 .LBB2_397-.Ltmp453, $1  }
0x8a4: {  	_ =	sdelay $0x3  }
0x8a5: {  	s7 =	sadd.s32 $0xFFFFFFED, s4  }
0x8a6: {  	p3 =	slt.u32 s7, $0x2  }
.Ltmp454:
0x8a7: {  	_ = 	snop;
	(pc) =	sbr.rel @p3 .LBB2_402-.Ltmp454, $4  }
.Ltmp455:
0x8a8: {  	_ = 	snop;
	(pc) =	sbr.rel @!p3 .LBB2_403-.Ltmp455, $4  }
0x8a9: {  	_ = 	snop  }
0x8aa: {  	_ = 	snop  }
0x8ab: {  	_ = 	snop  }
0x8ac: {  	_ = 	snop  }
.LBB2_388:
0x8ad: {  	p3 =	sgt.s32 s4, $0x1C  }
.Ltmp456:
0x8ae: {  	_ = 	snop;
	(pc) =	sbr.rel @p3 .LBB2_392-.Ltmp456, $1  }
0x8af: {  	_ =	sdelay $0x3  }
0x8b0: {  	s7 =	sadd.s32 $0xFFFFFFE5, s4  }
0x8b1: {  	p3 =	slt.u32 s7, $0x2  }
.Ltmp457:
0x8b2: {  	_ = 	snop;
	(pc) =	sbr.rel @p3 .LBB2_402-.Ltmp457, $1  }
0x8b3: {  	_ =	sdelay $0x3  }
0x8b4: {  	s7 =	sld [smem:$0x7FA];
	_ =	sdelay $0x2  }
0x8b5: {  	p3 =	seq.s32 s7, $0x1  }
.Ltmp458:
0x8b6: {  	_ = 	snop;
	(pc) =	sbr.rel @p3 .LBB2_363-.Ltmp458, $1  }
0x8b7: {  	_ =	sdelay $0x3  }
0x8b8: {  	s7 =	sld [smem:$0x7FB];
	_ =	sdelay $0x2  }
0x8b9: {  	p3 =	seq.s32 s7, $0x1  }
.Ltmp459:
0x8ba: {  	_ = 	snop;
	(pc) =	sbr.rel @p3 .LBB2_401-.Ltmp459, $4  }
.Ltmp460:
0x8bb: {  	_ = 	snop;
	(pc) =	sbr.rel @!p3 .LBB2_403-.Ltmp460, $4  }
0x8bc: {  	_ = 	snop  }
0x8bd: {  	_ = 	snop  }
0x8be: {  	_ = 	snop  }
0x8bf: {  	_ = 	snop  }
.LBB2_371:
0x8c0: {  	s7 =	sld [smem:$0x7E9];
	_ =	sdelay $0x2  }
0x8c1: {  	p3 =	seq.s32 s7, $0x1  }
.Ltmp461:
0x8c2: {  	_ = 	snop;
	(pc) =	sbr.rel @p3 .LBB2_374-.Ltmp461, $1  }
0x8c3: {  	_ =	sdelay $0x3  }
0x8c4: {  	s7 =	sld [smem:$0x7E2];
	_ =	sdelay $0x2  }
0x8c5: {  	p3 =	seq.s32 s7, $0x1  }
.Ltmp462:
0x8c6: {  	_ = 	snop;
	(pc) =	sbr.rel @p3 .LBB2_397-.Ltmp462, $1  }
0x8c7: {  	_ =	sdelay $0x3  }
0x8c8: {  	s7 =	sld [smem:$0x7E3];
	_ =	sdelay $0x2  }
0x8c9: {  	p3 =	seq.s32 s7, $0x1  }
.Ltmp463:
0x8ca: {  	_ = 	snop;
	(pc) =	sbr.rel @p3 .LBB2_402-.Ltmp463, $4  }
.Ltmp464:
0x8cb: {  	_ = 	snop;
	(pc) =	sbr.rel @!p3 .LBB2_403-.Ltmp464, $4  }
0x8cc: {  	_ = 	snop  }
0x8cd: {  	_ = 	snop  }
0x8ce: {  	_ = 	snop  }
0x8cf: {  	_ = 	snop  }
.LBB2_377:
0x8d0: {  	p3 =	seq.s32 s4, $0x8  }
.Ltmp465:
0x8d1: {  	_ = 	snop;
	(pc) =	sbr.rel @p3 .LBB2_394-.Ltmp465, $1  }
0x8d2: {  	_ =	sdelay $0x3  }
0x8d3: {  	s7 =	sld [smem:$0x7EE];
	_ =	sdelay $0x2  }
0x8d4: {  	p3 =	seq.s32 s7, $0x1  }
.Ltmp466:
0x8d5: {  	_ = 	snop;
	(pc) =	sbr.rel @p3 .LBB2_363-.Ltmp466, $1  }
0x8d6: {  	_ =	sdelay $0x3  }
0x8d7: {  	s7 =	sld [smem:$0x7F5];
	_ =	sdelay $0x2  }
0x8d8: {  	p3 =	seq.s32 s7, $0x1  }
.Ltmp467:
0x8d9: {  	_ = 	snop;
	(pc) =	sbr.rel @p3 .LBB2_401-.Ltmp467, $4  }
.Ltmp468:
0x8da: {  	_ = 	snop;
	(pc) =	sbr.rel @!p3 .LBB2_403-.Ltmp468, $4  }
0x8db: {  	_ = 	snop  }
0x8dc: {  	_ = 	snop  }
0x8dd: {  	_ = 	snop  }
0x8de: {  	_ = 	snop  }
.LBB2_394:
0x8df: {  	s0 =	sshll.u32 s0, $0xF;
	s7 =	simm.s32 $0x1A0;
	s8 =	simm.s32 $0x2C0  }
.Ltmp469:
0x8e0: {  	s23 =	sshll.u32 s31, $0x11;
	s0 =	sadd.s32 s2, s0;
	(pc) =	sbr.rel .LBB2_395-.Ltmp469, $4  }
0x8e1: {  	[tilespmem:s24], [sflag:$0x1] =	stream.indirect.gather [hbm4b:s0+s7], $0x10, s8, s7, $0xb8;
	[tilespmem:$0x13D60] =	vst v63  }
0x8e2: {  	s0 =	sor.u32 $0x2000, s23  }
0x8e3: {  	s28 =	simm.s32 $0xBD60;
	s26 =	sadd.s32 s5, s0  }
0x8e4: {  	[hbm4b:s26+s3] =	stream.linear.scatter [tilespmem:s28], [sflag:$0x5], $0x2000, $0x38;
	[tilespmem:$0x13D60] =	vst v63  }
.LBB2_386:
0x8e5: {  	s7 =	sld [smem:$0x7F7];
	_ =	sdelay $0x2  }
0x8e6: {  	p3 =	seq.s32 s7, $0x1  }
.Ltmp470:
0x8e7: {  	_ = 	snop;
	(pc) =	sbr.rel @p3 .LBB2_401-.Ltmp470, $1  }
0x8e8: {  	_ =	sdelay $0x3  }
0x8e9: {  	s7 =	sld [smem:$0x7F8];
	_ =	sdelay $0x2  }
0x8ea: {  	p3 =	seq.s32 s7, $0x1  }
.Ltmp471:
0x8eb: {  	_ = 	snop;
	(pc) =	sbr.rel @p3 .LBB2_363-.Ltmp471, $4  }
.Ltmp472:
0x8ec: {  	_ = 	snop;
	(pc) =	sbr.rel @!p3 .LBB2_403-.Ltmp472, $4  }
0x8ed: {  	_ = 	snop  }
0x8ee: {  	_ = 	snop  }
0x8ef: {  	_ = 	snop  }
0x8f0: {  	_ = 	snop  }
.LBB2_392:
0x8f1: {  	s7 =	sadd.s32 $0xFFFFFFE3, s4  }
0x8f2: {  	p3 =	slt.u32 s7, $0x2  }
.Ltmp473:
0x8f3: {  	_ = 	snop;
	(pc) =	sbr.rel @!p3 .LBB2_403-.Ltmp473, $1  }
0x8f4: {  	_ =	sdelay $0x3  }
.LBB2_397:
0x8f5: {  	s28 =	sld [smem:$0x7EF];
	_ =	sdelay $0x2  }
0x8f6: {  	p3 =	seq.s32 s28, $0x1  }
.Ltmp474:
0x8f7: {  	_ = 	snop;
	(pc) =	sbr.rel @p3 .LBB2_403-.Ltmp474, $4  }
0x8f8: {  	_ = 	snop  }
0x8f9: {  	s7 =	sshll.u32 s0, $0xF  }
0x8fa: {  	s8 =	simm.s32 $0x460;
	s9 =	simm.s32 $0x1C0;
	s7 =	sadd.s32 s2, s7  }
0x8fb: {  	[tilespmem:s24], [sflag:$0x1] =	stream.indirect.gather [hbm4b:s7+s9], $0x10, s8, s9, $0xb8;
	[tilespmem:$0x13D60] =	vst v63  }
0x8fc: {  	s7 =	sld [smem:$0x7E6];
	_ =	sdelay $0x2  }
0x8fd: {  	p3 =	seq.s32 s7, $0x1  }
.Ltmp475:
0x8fe: {  	_ = 	snop;
	(pc) =	sbr.rel @p3 .LBB2_402-.Ltmp475, $1  }
0x8ff: {  	_ =	sdelay $0x3  }
0x900: {  	s7 =	sld [smem:$0x7E7];
	_ =	sdelay $0x2  }
0x901: {  	p3 =	seq.s32 s7, $0x1  }
.Ltmp476:
0x902: {  	_ = 	snop;
	(pc) =	sbr.rel @p3 .LBB2_363-.Ltmp476, $1  }
0x903: {  	_ =	sdelay $0x3  }
0x904: {  	s7 =	sld [smem:$0x7E8];
	_ =	sdelay $0x2  }
0x905: {  	p3 =	seq.s32 s7, $0x1  }
.Ltmp477:
0x906: {  	_ = 	snop;
	(pc) =	sbr.rel @p3 .LBB2_401-.Ltmp477, $4  }
.Ltmp478:
0x907: {  	_ = 	snop;
	(pc) =	sbr.rel @!p3 .LBB2_403-.Ltmp478, $4  }
0x908: {  	_ = 	snop  }
0x909: {  	_ = 	snop  }
0x90a: {  	_ = 	snop  }
0x90b: {  	_ = 	snop  }
.LBB2_374:
0x90c: {  	s7 =	sld [smem:$0x7EB];
	_ =	sdelay $0x2  }
0x90d: {  	p3 =	seq.s32 s7, $0x1  }
.Ltmp479:
0x90e: {  	_ = 	snop;
	(pc) =	sbr.rel @p3 .LBB2_401-.Ltmp479, $1  }
0x90f: {  	_ =	sdelay $0x3  }
0x910: {  	s7 =	sld [smem:$0x7F4];
	_ =	sdelay $0x2  }
0x911: {  	p3 =	seq.s32 s7, $0x1  }
.Ltmp480:
0x912: {  	_ = 	snop;
	(pc) =	sbr.rel @!p3 .LBB2_403-.Ltmp480, $1  }
0x913: {  	_ =	sdelay $0x3  }
.LBB2_363:
0x914: {  	s28 =	sld [smem:$0x7FC];
	_ =	sdelay $0x2  }
0x915: {  	p3 =	seq.s32 s28, $0x1  }
.Ltmp481:
0x916: {  	_ = 	snop;
	(pc) =	sbr.rel @p3 .LBB2_403-.Ltmp481, $4  }
0x917: {  	_ = 	snop  }
0x918: {  	s7 =	sshll.u32 s0, $0xF  }
0x919: {  	s8 =	simm.s32 $0x220;
	s9 =	simm.s32 $0x620;
	s7 =	sadd.s32 s2, s7  }
0x91a: {  	[tilespmem:s24], [sflag:$0x1] =	stream.indirect.gather [hbm4b:s7+s8], $0x10, s9, s8, $0xb8;
	[tilespmem:$0x13D60] =	vst v63  }
0x91b: {  	s7 =	sand.u32 $0x181800, s21  }
0x91c: {  	p3 =	sne.s32 s7, $0x0  }
.Ltmp482:
0x91d: {  	_ = 	snop;
	(pc) =	sbr.rel @p3 .LBB2_402-.Ltmp482, $1  }
0x91e: {  	_ =	sdelay $0x3  }
0x91f: {  	s7 =	sand.u32 $0x200400, s21  }
0x920: {  	p3 =	sne.s32 s7, $0x0  }
.Ltmp483:
0x921: {  	_ = 	snop;
	(pc) =	sbr.rel @!p3 .LBB2_403-.Ltmp483, $1  }
0x922: {  	_ =	sdelay $0x3  }
.LBB2_401:
0x923: {  	s7 =	sshll.u32 s0, $0xF  }
0x924: {  	s8 =	simm.s32 $0x260;
	s9 =	simm.s32 $0x840;
	s7 =	sadd.s32 s2, s7  }
0x925: {  	[tilespmem:s24], [sflag:$0x1] =	stream.indirect.gather [hbm4b:s7+s8], $0x10, s9, s8, $0xb8;
	[tilespmem:$0x13D60] =	vst v63  }
0x926: {  	s7 =	simm.s32 @!p0 $0x1  }
0x927: {  	s7 =	sshll.u32 @!p0 s7, s4  }
0x928: {  	s7 =	sand.u32 @!p0 $0x181800, s7  }
0x929: {  	p3 =	sne.s32 @!p0 s7, $0x0  }
0x92a: {  	p3 =	por p0, !p3  }
.Ltmp484:
0x92b: {  	_ = 	snop;
	(pc) =	sbr.rel @p3 .LBB2_403-.Ltmp484, $1  }
0x92c: {  	_ =	sdelay $0x3  }
.LBB2_402:
0x92d: {  	s0 =	sshll.u32 s0, $0xF  }
0x92e: {  	s7 =	simm.s32 $0x280;
	s8 =	simm.s32 $0xAA0;
	s0 =	sadd.s32 s2, s0  }
0x92f: {  	[tilespmem:s24], [sflag:$0x1] =	stream.indirect.gather [hbm4b:s0+s7], $0x10, s8, s7, $0xb8;
	[tilespmem:$0x13D60] =	vst v63  }
.LBB2_403:
.Ltmp485:
0x930: {  	(pc) =	sbr.rel @p6 .LBB2_416-.Ltmp485, $4  }
0x931: {  	s0 =	sshll.u32 s31, $0x11;
	s7 =	rddreg [dreg:$0xa]  }
0x932: {  	s0 =	sor.u32 s7, s0  }
0x933: {  	s8 =	simm.s32 $0xBD60;
	s7 =	sadd.s32 s5, s0  }
0x934: {  	[hbm4b:s7+s3] =	stream.linear.scatter [tilespmem:s8], [sflag:$0x5], $0x2000, $0x38;
	[tilespmem:$0x13D60] =	vst v63  }
.Ltmp486:
0x935: {  	(pc) =	sbr.rel @p1 .LBB2_413-.Ltmp486, $1  }
0x936: {  	_ =	sdelay $0x3  }
0x937: {  	s7 =	sld [smem:$0x7E9];
	_ =	sdelay $0x2  }
0x938: {  	p3 =	seq.s32 s7, $0x1  }
.Ltmp487:
0x939: {  	_ = 	snop;
	(pc) =	sbr.rel @p3 .LBB2_409-.Ltmp487, $1  }
0x93a: {  	_ =	sdelay $0x3  }
0x93b: {  	s7 =	sld [smem:$0x7E2];
	_ =	sdelay $0x2  }
0x93c: {  	p3 =	seq.s32 s7, $0x1  }
.Ltmp488:
0x93d: {  	_ = 	snop;
	(pc) =	sbr.rel @p3 .LBB2_454-.Ltmp488, $1  }
0x93e: {  	_ =	sdelay $0x3  }
0x93f: {  	s7 =	sld [smem:$0x7E3];
	_ =	sdelay $0x2  }
0x940: {  	p3 =	seq.s32 s7, $0x1  }
.Ltmp489:
0x941: {  	_ = 	snop;
	(pc) =	sbr.rel @p3 .LBB2_408-.Ltmp489, $4  }
.Ltmp490:
0x942: {  	_ = 	snop;
	(pc) =	sbr.rel @!p3 .LBB2_428-.Ltmp490, $4  }
0x943: {  	_ = 	snop  }
0x944: {  	_ = 	snop  }
0x945: {  	_ = 	snop  }
0x946: {  	_ = 	snop  }
.LBB2_416:
.Ltmp491:
0x947: {  	(pc) =	sbr.rel @p5 .LBB2_421-.Ltmp491, $1  }
0x948: {  	_ =	sdelay $0x3  }
0x949: {  	s7 =	sld [smem:$0x7FD];
	_ =	sdelay $0x2  }
0x94a: {  	p3 =	seq.s32 s7, $0x1  }
.Ltmp492:
0x94b: {  	_ = 	snop;
	(pc) =	sbr.rel @p3 .LBB2_419-.Ltmp492, $1  }
0x94c: {  	_ =	sdelay $0x3  }
0x94d: {  	s7 =	sadd.s32 $0xFFFFFFEF, s4  }
0x94e: {  	p3 =	slt.u32 s7, $0x2  }
.Ltmp493:
0x94f: {  	_ = 	snop;
	(pc) =	sbr.rel @p3 .LBB2_454-.Ltmp493, $4  }
.Ltmp494:
0x950: {  	_ = 	snop;
	(pc) =	sbr.rel @!p3 .LBB2_408-.Ltmp494, $4  }
0x951: {  	_ = 	snop  }
0x952: {  	_ = 	snop  }
0x953: {  	_ = 	snop  }
0x954: {  	_ = 	snop  }
.LBB2_413:
0x955: {  	s7 =	sld [smem:$0x7ED];
	_ =	sdelay $0x2  }
0x956: {  	p3 =	seq.s32 s7, $0x1  }
.Ltmp495:
0x957: {  	_ = 	snop;
	(pc) =	sbr.rel @p3 .LBB2_453-.Ltmp495, $1  }
0x958: {  	_ =	sdelay $0x3  }
0x959: {  	s7 =	sld [smem:$0x7E4];
	_ =	sdelay $0x2  }
0x95a: {  	p3 =	seq.s32 s7, $0x1  }
.Ltmp496:
0x95b: {  	_ = 	snop;
	(pc) =	sbr.rel @p3 .LBB2_408-.Ltmp496, $1  }
0x95c: {  	_ =	sdelay $0x3  }
0x95d: {  	s7 =	sld [smem:$0x7EE];
	_ =	sdelay $0x2  }
0x95e: {  	p3 =	seq.s32 s7, $0x1  }
.Ltmp497:
0x95f: {  	_ = 	snop;
	(pc) =	sbr.rel @p3 .LBB2_424-.Ltmp497, $4  }
.Ltmp498:
0x960: {  	_ = 	snop;
	(pc) =	sbr.rel @!p3 .LBB2_458-.Ltmp498, $4  }
0x961: {  	_ = 	snop  }
0x962: {  	_ = 	snop  }
0x963: {  	_ = 	snop  }
0x964: {  	_ = 	snop  }
.LBB2_421:
0x965: {  	p3 =	sgt.s32 s4, $0x1C  }
.Ltmp499:
0x966: {  	_ = 	snop;
	(pc) =	sbr.rel @p3 .LBB2_427-.Ltmp499, $1  }
0x967: {  	_ =	sdelay $0x3  }
0x968: {  	s7 =	sadd.s32 $0xFFFFFFE5, s4  }
0x969: {  	p3 =	slt.u32 s7, $0x2  }
.Ltmp500:
0x96a: {  	_ = 	snop;
	(pc) =	sbr.rel @p3 .LBB2_408-.Ltmp500, $1  }
0x96b: {  	_ =	sdelay $0x3  }
0x96c: {  	s7 =	sld [smem:$0x7FA];
	_ =	sdelay $0x2  }
0x96d: {  	p3 =	seq.s32 s7, $0x1  }
.Ltmp501:
0x96e: {  	_ = 	snop;
	(pc) =	sbr.rel @!p3 .LBB2_458-.Ltmp501, $4  }
.Ltmp502:
0x96f: {  	_ = 	snop;
	(pc) =	sbr.rel @p3 .LBB2_424-.Ltmp502, $4  }
0x970: {  	_ = 	snop  }
0x971: {  	_ = 	snop  }
0x972: {  	_ = 	snop  }
0x973: {  	_ = 	snop  }
.LBB2_409:
0x974: {  	s7 =	sld [smem:$0x7EA];
	_ =	sdelay $0x2  }
0x975: {  	p3 =	seq.s32 s7, $0x1  }
.Ltmp503:
0x976: {  	_ = 	snop;
	(pc) =	sbr.rel @p3 .LBB2_411-.Ltmp503, $1  }
0x977: {  	_ =	sdelay $0x3  }
0x978: {  	s7 =	sld [smem:$0x7EB];
	_ =	sdelay $0x2  }
0x979: {  	p3 =	seq.s32 s7, $0x1  }
.Ltmp504:
0x97a: {  	_ = 	snop;
	(pc) =	sbr.rel @p3 .LBB2_458-.Ltmp504, $4  }
.Ltmp505:
0x97b: {  	_ = 	snop;
	(pc) =	sbr.rel @!p3 .LBB2_424-.Ltmp505, $4  }
0x97c: {  	_ = 	snop  }
0x97d: {  	_ = 	snop  }
0x97e: {  	_ = 	snop  }
0x97f: {  	_ = 	snop  }
.LBB2_419:
0x980: {  	s7 =	sadd.s32 $0xFFFFFFE9, s4  }
0x981: {  	p3 =	slt.u32 s7, $0x2  }
.Ltmp506:
0x982: {  	_ = 	snop;
	(pc) =	sbr.rel @p3 .LBB2_412-.Ltmp506, $1  }
0x983: {  	_ =	sdelay $0x3  }
0x984: {  	s7 =	sld [smem:$0x7F7];
	_ =	sdelay $0x2  }
0x985: {  	p3 =	seq.s32 s7, $0x1  }
.Ltmp507:
0x986: {  	_ = 	snop;
	(pc) =	sbr.rel @p3 .LBB2_458-.Ltmp507, $4  }
.Ltmp508:
0x987: {  	_ = 	snop;
	(pc) =	sbr.rel @!p3 .LBB2_424-.Ltmp508, $4  }
0x988: {  	_ = 	snop  }
0x989: {  	_ = 	snop  }
0x98a: {  	_ = 	snop  }
0x98b: {  	_ = 	snop  }
.LBB2_453:
0x98c: {  	s7 =	sld [smem:$0x7E5];
	_ =	sdelay $0x2  }
0x98d: {  	p3 =	seq.s32 s7, $0x1  }
.Ltmp509:
0x98e: {  	_ = 	snop;
	(pc) =	sbr.rel @!p3 .LBB2_428-.Ltmp509, $4  }
.Ltmp510:
0x98f: {  	_ = 	snop;
	(pc) =	sbr.rel @p3 .LBB2_454-.Ltmp510, $4  }
0x990: {  	_ = 	snop  }
0x991: {  	_ = 	snop  }
0x992: {  	_ = 	snop  }
0x993: {  	_ = 	snop  }
.LBB2_427:
0x994: {  	s7 =	sadd.s32 $0xFFFFFFE3, s4  }
0x995: {  	p3 =	slt.u32 s7, $0x2  }
.Ltmp511:
0x996: {  	_ = 	snop;
	(pc) =	sbr.rel @p3 .LBB2_454-.Ltmp511, $4  }
.Ltmp512:
0x997: {  	_ = 	snop;
	(pc) =	sbr.rel @!p3 .LBB2_428-.Ltmp512, $4  }
0x998: {  	_ = 	snop  }
0x999: {  	_ = 	snop  }
0x99a: {  	_ = 	snop  }
0x99b: {  	_ = 	snop  }
.LBB2_411:
0x99c: {  	s7 =	sld [smem:$0x7EC];
	_ =	sdelay $0x2  }
0x99d: {  	p3 =	seq.s32 s7, $0x1  }
.Ltmp513:
0x99e: {  	_ = 	snop;
	(pc) =	sbr.rel @!p3 .LBB2_395-.Ltmp513, $1  }
0x99f: {  	_ =	sdelay $0x3  }
.LBB2_412:
0x9a0: {  	_ =	swait.ge [sflag:s6], $0x1400  }
0x9a1: {  	s7 =	rddreg [dreg:$0x4]  }
0x9a2: {  	p3 =	sgt.u32 s7, $0x1  }
.Ltmp514:
0x9a3: {  	_ = 	snop;
	(pc) =	sbr.rel @p3 .LBB2_429-.Ltmp514, $3  }
0x9a4: {  	_ =	sdelay $0x1  }
0x9a5: {  	[sflag:s6] =	ssyncset.done $0x0  }
0x9a6: {  	[sflag:s6] =	ssyncadd.s32 $0xFFFFEC00  }
.LBB2_428:
0x9a7: {  	_ =	swait.ge [sflag:s6], $0x1800  }
0x9a8: {  	[sflag:s6] =	ssyncset.done $0x0  }
0x9a9: {  	[sflag:s6] =	ssyncadd.s32 $0xFFFFE800  }
.LBB2_429:
.Ltmp515:
0x9aa: {  	(pc) =	sbr.rel @p6 .LBB2_442-.Ltmp515, $1  }
0x9ab: {  	_ =	sdelay $0x3  }
0x9ac: {  	p3 =	sgt.s32 s4, $0x7  }
.Ltmp516:
0x9ad: {  	_ = 	snop;
	(pc) =	sbr.rel @!p3 .LBB2_431-.Ltmp516, $1  }
0x9ae: {  	_ =	sdelay $0x3  }
0x9af: {  	p3 =	sgt.s32 s4, $0xA  }
.Ltmp517:
0x9b0: {  	_ = 	snop;
	(pc) =	sbr.rel @!p3 .LBB2_437-.Ltmp517, $1  }
0x9b1: {  	_ =	sdelay $0x3  }
0x9b2: {  	s7 =	sld [smem:$0x7E4];
	_ =	sdelay $0x2  }
0x9b3: {  	p3 =	seq.s32 s7, $0x1  }
.Ltmp518:
0x9b4: {  	_ = 	snop;
	(pc) =	sbr.rel @p3 .LBB2_408-.Ltmp518, $1  }
0x9b5: {  	_ =	sdelay $0x3  }
0x9b6: {  	s7 =	sld [smem:$0x7E5];
	_ =	sdelay $0x2  }
0x9b7: {  	p3 =	seq.s32 s7, $0x1  }
.Ltmp519:
0x9b8: {  	_ = 	snop;
	(pc) =	sbr.rel @p3 .LBB2_454-.Ltmp519, $4  }
.Ltmp520:
0x9b9: {  	_ = 	snop;
	(pc) =	sbr.rel @!p3 .LBB2_460-.Ltmp520, $4  }
0x9ba: {  	_ = 	snop  }
0x9bb: {  	_ = 	snop  }
0x9bc: {  	_ = 	snop  }
0x9bd: {  	_ = 	snop  }
.LBB2_442:
.Ltmp521:
0x9be: {  	(pc) =	sbr.rel @p5 .LBB2_448-.Ltmp521, $1  }
0x9bf: {  	_ =	sdelay $0x3  }
0x9c0: {  	s7 =	sld [smem:$0x7FD];
	_ =	sdelay $0x2  }
0x9c1: {  	p3 =	seq.s32 s7, $0x1  }
.Ltmp522:
0x9c2: {  	_ = 	snop;
	(pc) =	sbr.rel @p3 .LBB2_446-.Ltmp522, $1  }
0x9c3: {  	_ =	sdelay $0x3  }
0x9c4: {  	s7 =	sadd.s32 $0xFFFFFFEF, s4  }
0x9c5: {  	p3 =	slt.u32 s7, $0x2  }
.Ltmp523:
0x9c6: {  	_ = 	snop;
	(pc) =	sbr.rel @p3 .LBB2_454-.Ltmp523, $1  }
0x9c7: {  	_ =	sdelay $0x3  }
0x9c8: {  	s7 =	sadd.s32 $0xFFFFFFED, s4  }
0x9c9: {  	p3 =	slt.u32 s7, $0x2  }
.Ltmp524:
0x9ca: {  	_ = 	snop;
	(pc) =	sbr.rel @p3 .LBB2_408-.Ltmp524, $4  }
.Ltmp525:
0x9cb: {  	_ = 	snop;
	(pc) =	sbr.rel @!p3 .LBB2_460-.Ltmp525, $4  }
0x9cc: {  	_ = 	snop  }
0x9cd: {  	_ = 	snop  }
0x9ce: {  	_ = 	snop  }
0x9cf: {  	_ = 	snop  }
.LBB2_448:
0x9d0: {  	p3 =	sgt.s32 s4, $0x1C  }
.Ltmp526:
0x9d1: {  	_ = 	snop;
	(pc) =	sbr.rel @p3 .LBB2_452-.Ltmp526, $1  }
0x9d2: {  	_ =	sdelay $0x3  }
0x9d3: {  	s7 =	sadd.s32 $0xFFFFFFE5, s4  }
0x9d4: {  	p3 =	slt.u32 s7, $0x2  }
.Ltmp527:
0x9d5: {  	_ = 	snop;
	(pc) =	sbr.rel @p3 .LBB2_408-.Ltmp527, $1  }
0x9d6: {  	_ =	sdelay $0x3  }
0x9d7: {  	s7 =	sld [smem:$0x7FA];
	_ =	sdelay $0x2  }
0x9d8: {  	p3 =	seq.s32 s7, $0x1  }
.Ltmp528:
0x9d9: {  	_ = 	snop;
	(pc) =	sbr.rel @p3 .LBB2_424-.Ltmp528, $1  }
0x9da: {  	_ =	sdelay $0x3  }
0x9db: {  	s7 =	sld [smem:$0x7FB];
	_ =	sdelay $0x2  }
0x9dc: {  	p3 =	seq.s32 s7, $0x1  }
.Ltmp529:
0x9dd: {  	_ = 	snop;
	(pc) =	sbr.rel @p3 .LBB2_458-.Ltmp529, $4  }
.Ltmp530:
0x9de: {  	_ = 	snop;
	(pc) =	sbr.rel @!p3 .LBB2_460-.Ltmp530, $4  }
0x9df: {  	_ = 	snop  }
0x9e0: {  	_ = 	snop  }
0x9e1: {  	_ = 	snop  }
0x9e2: {  	_ = 	snop  }
.LBB2_431:
0x9e3: {  	s7 =	sld [smem:$0x7E9];
	_ =	sdelay $0x2  }
0x9e4: {  	p3 =	seq.s32 s7, $0x1  }
.Ltmp531:
0x9e5: {  	_ = 	snop;
	(pc) =	sbr.rel @p3 .LBB2_434-.Ltmp531, $1  }
0x9e6: {  	_ =	sdelay $0x3  }
0x9e7: {  	s7 =	sld [smem:$0x7E2];
	_ =	sdelay $0x2  }
0x9e8: {  	p3 =	seq.s32 s7, $0x1  }
.Ltmp532:
0x9e9: {  	_ = 	snop;
	(pc) =	sbr.rel @p3 .LBB2_454-.Ltmp532, $1  }
0x9ea: {  	_ =	sdelay $0x3  }
0x9eb: {  	s7 =	sld [smem:$0x7E3];
	_ =	sdelay $0x2  }
0x9ec: {  	p3 =	seq.s32 s7, $0x1  }
.Ltmp533:
0x9ed: {  	_ = 	snop;
	(pc) =	sbr.rel @p3 .LBB2_408-.Ltmp533, $4  }
.Ltmp534:
0x9ee: {  	_ = 	snop;
	(pc) =	sbr.rel @!p3 .LBB2_460-.Ltmp534, $4  }
0x9ef: {  	_ = 	snop  }
0x9f0: {  	_ = 	snop  }
0x9f1: {  	_ = 	snop  }
0x9f2: {  	_ = 	snop  }
.LBB2_437:
0x9f3: {  	p3 =	seq.s32 s4, $0x8  }
.Ltmp535:
0x9f4: {  	_ = 	snop;
	(pc) =	sbr.rel @p3 .LBB2_395-.Ltmp535, $1  }
0x9f5: {  	_ =	sdelay $0x3  }
0x9f6: {  	s7 =	sld [smem:$0x7EE];
	_ =	sdelay $0x2  }
0x9f7: {  	p3 =	seq.s32 s7, $0x1  }
.Ltmp536:
0x9f8: {  	_ = 	snop;
	(pc) =	sbr.rel @p3 .LBB2_424-.Ltmp536, $1  }
0x9f9: {  	_ =	sdelay $0x3  }
0x9fa: {  	s7 =	sld [smem:$0x7F5];
	_ =	sdelay $0x2  }
0x9fb: {  	p3 =	seq.s32 s7, $0x1  }
.Ltmp537:
0x9fc: {  	_ = 	snop;
	(pc) =	sbr.rel @p3 .LBB2_458-.Ltmp537, $4  }
.Ltmp538:
0x9fd: {  	_ = 	snop;
	(pc) =	sbr.rel @!p3 .LBB2_460-.Ltmp538, $4  }
0x9fe: {  	_ = 	snop  }
0x9ff: {  	_ = 	snop  }
0xa00: {  	_ = 	snop  }
0xa01: {  	_ = 	snop  }
.LBB2_395:
.Ltmp539:
0xa02: {  	(pc) =	sbr.rel .LBB2_460-.Ltmp539, $4  }
0xa03: {  	_ = 	snop  }
0xa04: {  	_ =	swait.ge [sflag:s6], $0x1A00  }
0xa05: {  	[sflag:s6] =	ssyncset.done $0x0  }
0xa06: {  	[sflag:s6] =	ssyncadd.s32 $0xFFFFE600  }
.LBB2_446:
0xa07: {  	s7 =	sld [smem:$0x7F7];
	_ =	sdelay $0x2  }
0xa08: {  	p3 =	seq.s32 s7, $0x1  }
.Ltmp540:
0xa09: {  	_ = 	snop;
	(pc) =	sbr.rel @p3 .LBB2_458-.Ltmp540, $1  }
0xa0a: {  	_ =	sdelay $0x3  }
0xa0b: {  	s7 =	sld [smem:$0x7F8];
	_ =	sdelay $0x2  }
0xa0c: {  	p3 =	seq.s32 s7, $0x1  }
.Ltmp541:
0xa0d: {  	_ = 	snop;
	(pc) =	sbr.rel @p3 .LBB2_424-.Ltmp541, $4  }
.Ltmp542:
0xa0e: {  	_ = 	snop;
	(pc) =	sbr.rel @!p3 .LBB2_460-.Ltmp542, $4  }
0xa0f: {  	_ = 	snop  }
0xa10: {  	_ = 	snop  }
0xa11: {  	_ = 	snop  }
0xa12: {  	_ = 	snop  }
.LBB2_452:
0xa13: {  	s7 =	sadd.s32 $0xFFFFFFE3, s4  }
0xa14: {  	p3 =	slt.u32 s7, $0x2  }
.Ltmp543:
0xa15: {  	_ = 	snop;
	(pc) =	sbr.rel @!p3 .LBB2_460-.Ltmp543, $1  }
0xa16: {  	_ =	sdelay $0x3  }
.LBB2_454:
0xa17: {  	_ =	swait.ge [sflag:s6], $0x1C00  }
0xa18: {  	s7 =	sld [smem:$0x7EF];
	_ =	sdelay $0x2  }
0xa19: {  	p3 =	seq.s32 s7, $0x1  }
.Ltmp544:
0xa1a: {  	_ = 	snop;
	(pc) =	sbr.rel @p3 .LBB2_460-.Ltmp544, $3  }
0xa1b: {  	_ =	sdelay $0x1  }
0xa1c: {  	[sflag:s6] =	ssyncset.done $0x0  }
0xa1d: {  	[sflag:s6] =	ssyncadd.s32 $0xFFFFE400  }
0xa1e: {  	s7 =	sld [smem:$0x7E6];
	_ =	sdelay $0x2  }
0xa1f: {  	p3 =	seq.s32 s7, $0x1  }
.Ltmp545:
0xa20: {  	_ = 	snop;
	(pc) =	sbr.rel @p3 .LBB2_408-.Ltmp545, $1  }
0xa21: {  	_ =	sdelay $0x3  }
0xa22: {  	s7 =	sld [smem:$0x7E7];
	_ =	sdelay $0x2  }
0xa23: {  	p3 =	seq.s32 s7, $0x1  }
.Ltmp546:
0xa24: {  	_ = 	snop;
	(pc) =	sbr.rel @p3 .LBB2_424-.Ltmp546, $1  }
0xa25: {  	_ =	sdelay $0x3  }
0xa26: {  	s7 =	sld [smem:$0x7E8];
	_ =	sdelay $0x2  }
0xa27: {  	p3 =	seq.s32 s7, $0x1  }
.Ltmp547:
0xa28: {  	_ = 	snop;
	(pc) =	sbr.rel @p3 .LBB2_458-.Ltmp547, $4  }
.Ltmp548:
0xa29: {  	_ = 	snop;
	(pc) =	sbr.rel @!p3 .LBB2_460-.Ltmp548, $4  }
0xa2a: {  	_ = 	snop  }
0xa2b: {  	_ = 	snop  }
0xa2c: {  	_ = 	snop  }
0xa2d: {  	_ = 	snop  }
.LBB2_434:
0xa2e: {  	s7 =	sld [smem:$0x7EB];
	_ =	sdelay $0x2  }
0xa2f: {  	p3 =	seq.s32 s7, $0x1  }
.Ltmp549:
0xa30: {  	_ = 	snop;
	(pc) =	sbr.rel @p3 .LBB2_458-.Ltmp549, $1  }
0xa31: {  	_ =	sdelay $0x3  }
0xa32: {  	s7 =	sld [smem:$0x7F4];
	_ =	sdelay $0x2  }
0xa33: {  	p3 =	seq.s32 s7, $0x1  }
.Ltmp550:
0xa34: {  	_ = 	snop;
	(pc) =	sbr.rel @!p3 .LBB2_460-.Ltmp550, $1  }
0xa35: {  	_ =	sdelay $0x3  }
.LBB2_424:
0xa36: {  	_ =	swait.ge [sflag:s6], $0x2200  }
0xa37: {  	s7 =	sld [smem:$0x7FC];
	_ =	sdelay $0x2  }
0xa38: {  	p3 =	seq.s32 s7, $0x1  }
.Ltmp551:
0xa39: {  	_ = 	snop;
	(pc) =	sbr.rel @p3 .LBB2_460-.Ltmp551, $3  }
0xa3a: {  	_ =	sdelay $0x1  }
0xa3b: {  	[sflag:s6] =	ssyncset.done $0x0  }
0xa3c: {  	[sflag:s6] =	ssyncadd.s32 $0xFFFFDE00  }
0xa3d: {  	s7 =	sand.u32 $0x181800, s21  }
0xa3e: {  	p3 =	sne.s32 s7, $0x0  }
.Ltmp552:
0xa3f: {  	_ = 	snop;
	(pc) =	sbr.rel @p3 .LBB2_408-.Ltmp552, $1  }
0xa40: {  	_ =	sdelay $0x3  }
0xa41: {  	s7 =	sand.u32 $0x200400, s21  }
0xa42: {  	p3 =	sne.s32 s7, $0x0  }
.Ltmp553:
0xa43: {  	_ = 	snop;
	(pc) =	sbr.rel @!p3 .LBB2_460-.Ltmp553, $1  }
0xa44: {  	_ =	sdelay $0x3  }
.LBB2_458:
0xa45: {  	s7 =	simm.s32 @!p0 $0x1  }
0xa46: {  	s7 =	sshll.u32 @!p0 s7, s4  }
0xa47: {  	s7 =	sand.u32 @!p0 $0x181800, s7  }
0xa48: {  	p3 =	sne.s32 @!p0 s7, $0x0  }
0xa49: {  	p3 =	por p0, !p3  }
.Ltmp554:
0xa4a: {  	_ = 	snop;
	(pc) =	sbr.rel @p3 .LBB2_459-.Ltmp554, $4  }
0xa4b: {  	_ = 	snop  }
0xa4c: {  	_ =	swait.ge [sflag:s6], $0x2600  }
0xa4d: {  	[sflag:s6] =	ssyncset.done $0x0  }
0xa4e: {  	[sflag:s6] =	ssyncadd.s32 $0xFFFFDA00  }
.LBB2_408:
0xa4f: {  	_ =	swait.ge [sflag:s6], $0x2800  }
0xa50: {  	[sflag:s6] =	ssyncset.done $0x0  }
0xa51: {  	[sflag:s6] =	ssyncadd.s32 $0xFFFFD800  }
.LBB2_460:
0xa52: {  	s7 =	simm.s32 @!p4 $0x6  }
0xa53: {  	_ =	swait.ge @!p4 [sflag:s7], $0x2000  }
0xa54: {  	[sflag:s7] =	ssyncset.done @!p4 $0x0  }
0xa55: {  	s26 =	simm.s32 $0xD60;
	[sflag:s7] =	ssyncadd.s32 @!p4 $0xFFFFE000  }
0xa56: {  	v1 =	vld [tilespmem:s26+$0xFFFFFFF0]  }
0xa57: {  	v2 =	vld [tilespmem:s26+$0x30]  }
0xa58: {  	v3 =	vld [tilespmem:s26+$0xFFFFFFC0]  }
0xa59: {  	v4 =	vld [tilespmem:s26+$0x20]  }
0xa5a: {  	v5 =	vld [tilespmem:s26+$0xFFFFFFE0]  }
0xa5b: {  	v6 =	vld [tilespmem:s26+$0x10]  }
0xa5c: {  	v7 =	vld [tilespmem:s26+$0x0]  }
0xa5d: {  	s9 =	simm.s32 $0x0;
	s11 =	simm.s32 $0x30;
	v8 =	vld [tilespmem:s26+$0xFFFFFFD0]  }
0xa5e: {  	s8 =	simm.s32 $0x0;
	s22 =	simm.s32 $0x100;
	s28 =	simm.s32 $0x10;
	v9 =	vld.idx.msk [tilespmem:v1+s25+$0x0], $0xffff  }
0xa5f: {  	s19 =	simm.s32 $0x50;
	s12 =	simm.s32 $0x20;
	s9 =	sand.u32 $0x1E00, s9;
	v10 =	vld.idx.msk [tilespmem:v2+s25+$0x0], $0xffff  }
0xa60: {  	s23 =	sand.u32 $0x90, s28;
	s13 =	sand.u32 $0xA0, s12;
	s17 =	sadd.s32 $0xDD60, s9;
	v11 =	vld.idx.msk [tilespmem:v3+s25+$0x0], $0xffff  }
0xa61: {  	s28 =	simm.s32 $0x70;
	s7 =	sand.u32 $0xB0, s11;
	s12 =	sadd.s32 s13, s17;
	v2 =	vld.idx.msk [tilespmem:v4+s25+$0x0], $0xffff  }
0xa62: {  	s13 =	sand.u32 $0xF0, s28;
	s11 =	sand.u32 $0x80, s8;
	s7 =	sadd.s32 s7, s17;
	v1 =	vld.idx.msk [tilespmem:v5+s25+$0x0], $0xffff  }
0xa63: {  	s28 =	sand.u32 $0xD0, s19;
	s26 =	simm.s32 $0x60;
	s13 =	sadd.s32 s13, s17;
	v3 =	vld.idx.msk [tilespmem:v6+s25+$0x0], $0xffff;
	[tilespmem:s7+$0x0] =	vst v9  }
0xa64: {  	s11 =	sor.u32 s11, s17;
	s9 =	sadd.s32 s28, s17;
	s28 =	sand.u32 $0xE0, s26;
	v4 =	vld.idx.msk [tilespmem:v7+s25+$0x0], $0xffff;
	[tilespmem:s13+$0x0] =	vst v10  }
0xa65: {  	s19 =	simm.s32 $0xDE0;
	v5 =	vld.idx.msk [tilespmem:v8+s25+$0x0], $0xffff;
	[tilespmem:s11+$0x0] =	vst v11;
	s11 =	simm.s32 $0x40;
	s7 =	sadd.s32 s28, s17  }
.LBB2_461:
0xa66: {  	s26 =	sadd.s32 $0xB0, s8;
	s28 =	sand.u32 $0xC0, s11  }
0xa67: {  	v6 =	vld [tilespmem:s19+$0xFFFFFFF0];
	[tilespmem:s7+$0x0] =	vst v2;
	s11 =	smov.u32 s8;
	s8 =	sadd.s32 $0x80, s8;
	s7 =	smov.u32 s22  }
0xa68: {  	s26 =	sand.u32 $0xB0, s26;
	v2 =	vld [tilespmem:s19+$0x30];
	p3 =	slt.u32 s8, $0xF80;
	[tilespmem:s12+$0x0] =	vst v1;
	s12 =	sadd.s32 s28, s17  }
0xa69: {  	s17 =	sor.u32 s23, s17;
	v1 =	vld [tilespmem:s19+$0xFFFFFFC0];
	[tilespmem:s9+$0x0] =	vst v3  }
0xa6a: {  	v3 =	vld [tilespmem:s19+$0x20];
	[tilespmem:s12+$0x0] =	vst v4  }
0xa6b: {  	v4 =	vld [tilespmem:s19+$0xFFFFFFE0];
	[tilespmem:s17+$0x0] =	vst v5  }
0xa6c: {  	v5 =	vld [tilespmem:s19+$0x10]  }
0xa6d: {  	v7 =	vld [tilespmem:s19+$0x0]  }
0xa6e: {  	v8 =	vld [tilespmem:s19+$0xFFFFFFD0]  }
0xa6f: {  	v6 =	vld.idx.msk [tilespmem:v6+s25+$0x0], $0xffff  }
0xa70: {  	s22 =	sadd.s32 $0x100, s22;
	s28 =	sadd.s32 $0xD0, s11;
	v9 =	vld.idx.msk [tilespmem:v2+s25+$0x0], $0xffff  }
0xa71: {  	s13 =	sadd.s32 $0xE0, s11;
	s7 =	sand.u32 $0x1E00, s7;
	s9 =	sadd.s32 $0x90, s11;
	v10 =	vld.idx.msk [tilespmem:v1+s25+$0x0], $0xffff  }
0xa72: {  	s23 =	sand.u32 $0x90, s9;
	s9 =	sadd.s32 $0xA0, s11;
	s17 =	sadd.s32 $0xDD60, s7;
	v2 =	vld.idx.msk [tilespmem:v3+s25+$0x0], $0xffff  }
.Ltmp555:
0xa73: {  	s7 =	sand.u32 $0xA0, s9;
	s9 =	sadd.s32 $0xF0, s11;
	v1 =	vld.idx.msk [tilespmem:v4+s25+$0x0], $0xffff;
	(pc) =	sbr.rel @p3 .LBB2_461-.Ltmp555, $4  }
0xa74: {  	s12 =	sadd.s32 s7, s17;
	s7 =	sadd.s32 s26, s17;
	s9 =	sand.u32 $0xF0, s9;
	v3 =	vld.idx.msk [tilespmem:v5+s25+$0x0], $0xffff  }
0xa75: {  	s26 =	sand.u32 $0x80, s8;
	[tilespmem:s7+$0x0] =	vst v6;
	v4 =	vld.idx.msk [tilespmem:v7+s25+$0x0], $0xffff;
	s7 =	sand.u32 $0xD0, s28;
	s28 =	sadd.s32 s9, s17  }
0xa76: {  	s26 =	sor.u32 s26, s17;
	v5 =	vld.idx.msk [tilespmem:v8+s25+$0x0], $0xffff;
	s9 =	sadd.s32 s7, s17;
	s7 =	sand.u32 $0xE0, s13;
	[tilespmem:s28+$0x0] =	vst v9  }
0xa77: {  	s11 =	sadd.s32 $0xC0, s11;
	s19 =	sadd.s32 $0x80, s19;
	[tilespmem:s26+$0x0] =	vst v10;
	s7 =	sadd.s32 s7, s17  }
.Ltmp556:
0xa78: {  	[tilespmem:s7+$0x0] =	vst v2;
	(pc) =	sbr.rel @p2 .LBB2_520-.Ltmp556, $4  }
0xa79: {  	s28 =	sand.u32 $0xC0, s11;
	[tilespmem:s12+$0x0] =	vst v1  }
0xa7a: {  	s7 =	sadd.s32 s28, s17;
	[tilespmem:s9+$0x0] =	vst v3  }
0xa7b: {  	s8 =	sor.u32 s23, s17;
	[tilespmem:s7+$0x0] =	vst v4  }
0xa7c: {  	[tilespmem:s8+$0x0] =	vst v5  }
.Ltmp557:
0xa7d: {  	(pc) =	sbr.rel @p6 .LBB2_473-.Ltmp557, $2  }
0xa7e: {  	_ =	sdelay $0x2  }
0xa7f: {  	s8 =	sadd.s32 $0x5, s1  }
.Ltmp558:
0xa80: {  	(pc) =	sbr.rel @p1 .LBB2_470-.Ltmp558, $1  }
0xa81: {  	_ =	sdelay $0x3  }
0xa82: {  	s7 =	sld [smem:$0x7E9];
	_ =	sdelay $0x2  }
0xa83: {  	p3 =	seq.s32 s7, $0x1  }
.Ltmp559:
0xa84: {  	_ = 	snop;
	(pc) =	sbr.rel @p3 .LBB2_468-.Ltmp559, $1  }
0xa85: {  	_ =	sdelay $0x3  }
0xa86: {  	s7 =	sld [smem:$0x7E2];
	_ =	sdelay $0x2  }
0xa87: {  	p3 =	seq.s32 s7, $0x1  }
.Ltmp560:
0xa88: {  	_ = 	snop;
	(pc) =	sbr.rel @p3 .LBB2_514-.Ltmp560, $1  }
0xa89: {  	_ =	sdelay $0x3  }
0xa8a: {  	s7 =	sld [smem:$0x7E3];
	_ =	sdelay $0x2  }
0xa8b: {  	p3 =	seq.s32 s7, $0x1  }
.Ltmp561:
0xa8c: {  	_ = 	snop;
	(pc) =	sbr.rel @p3 .LBB2_519-.Ltmp561, $4  }
.Ltmp562:
0xa8d: {  	_ = 	snop;
	(pc) =	sbr.rel @!p3 .LBB2_486-.Ltmp562, $4  }
0xa8e: {  	_ = 	snop  }
0xa8f: {  	_ = 	snop  }
0xa90: {  	_ = 	snop  }
0xa91: {  	_ = 	snop  }
.LBB2_473:
.Ltmp563:
0xa92: {  	(pc) =	sbr.rel @p5 .LBB2_478-.Ltmp563, $1  }
0xa93: {  	_ =	sdelay $0x3  }
0xa94: {  	s7 =	sld [smem:$0x7FD];
	_ =	sdelay $0x2  }
0xa95: {  	p3 =	seq.s32 s7, $0x1  }
.Ltmp564:
0xa96: {  	_ = 	snop;
	(pc) =	sbr.rel @p3 .LBB2_476-.Ltmp564, $1  }
0xa97: {  	_ =	sdelay $0x3  }
0xa98: {  	s7 =	sadd.s32 $0xFFFFFFEF, s4  }
0xa99: {  	p3 =	slt.u32 s7, $0x2  }
.Ltmp565:
0xa9a: {  	_ = 	snop;
	(pc) =	sbr.rel @p3 .LBB2_514-.Ltmp565, $4  }
.Ltmp566:
0xa9b: {  	_ = 	snop;
	(pc) =	sbr.rel @!p3 .LBB2_519-.Ltmp566, $4  }
0xa9c: {  	_ = 	snop  }
0xa9d: {  	_ = 	snop  }
0xa9e: {  	_ = 	snop  }
0xa9f: {  	_ = 	snop  }
.LBB2_470:
0xaa0: {  	s7 =	sld [smem:$0x7ED];
	_ =	sdelay $0x2  }
0xaa1: {  	p3 =	seq.s32 s7, $0x1  }
.Ltmp567:
0xaa2: {  	_ = 	snop;
	(pc) =	sbr.rel @p3 .LBB2_513-.Ltmp567, $1  }
0xaa3: {  	_ =	sdelay $0x3  }
0xaa4: {  	s7 =	sld [smem:$0x7E4];
	_ =	sdelay $0x2  }
0xaa5: {  	p3 =	seq.s32 s7, $0x1  }
.Ltmp568:
0xaa6: {  	_ = 	snop;
	(pc) =	sbr.rel @p3 .LBB2_519-.Ltmp568, $1  }
0xaa7: {  	_ =	sdelay $0x3  }
0xaa8: {  	s7 =	sld [smem:$0x7EE];
	_ =	sdelay $0x2  }
0xaa9: {  	p3 =	seq.s32 s7, $0x1  }
.Ltmp569:
0xaaa: {  	_ = 	snop;
	(pc) =	sbr.rel @p3 .LBB2_481-.Ltmp569, $4  }
.Ltmp570:
0xaab: {  	_ = 	snop;
	(pc) =	sbr.rel @!p3 .LBB2_518-.Ltmp570, $4  }
0xaac: {  	_ = 	snop  }
0xaad: {  	_ = 	snop  }
0xaae: {  	_ = 	snop  }
0xaaf: {  	_ = 	snop  }
.LBB2_478:
0xab0: {  	p3 =	sgt.s32 s4, $0x1C  }
.Ltmp571:
0xab1: {  	_ = 	snop;
	(pc) =	sbr.rel @p3 .LBB2_484-.Ltmp571, $1  }
0xab2: {  	_ =	sdelay $0x3  }
0xab3: {  	s7 =	sadd.s32 $0xFFFFFFE5, s4  }
0xab4: {  	p3 =	slt.u32 s7, $0x2  }
.Ltmp572:
0xab5: {  	_ = 	snop;
	(pc) =	sbr.rel @p3 .LBB2_519-.Ltmp572, $1  }
0xab6: {  	_ =	sdelay $0x3  }
0xab7: {  	s7 =	sld [smem:$0x7FA];
	_ =	sdelay $0x2  }
0xab8: {  	p3 =	seq.s32 s7, $0x1  }
.Ltmp573:
0xab9: {  	_ = 	snop;
	(pc) =	sbr.rel @!p3 .LBB2_518-.Ltmp573, $4  }
.Ltmp574:
0xaba: {  	_ = 	snop;
	(pc) =	sbr.rel @p3 .LBB2_481-.Ltmp574, $4  }
0xabb: {  	_ = 	snop  }
0xabc: {  	_ = 	snop  }
0xabd: {  	_ = 	snop  }
0xabe: {  	_ = 	snop  }
.LBB2_468:
0xabf: {  	s7 =	sld [smem:$0x7EA];
	_ =	sdelay $0x2  }
0xac0: {  	p3 =	seq.s32 s7, $0x1  }
.Ltmp575:
0xac1: {  	_ = 	snop;
	(pc) =	sbr.rel @p3 .LBB2_511-.Ltmp575, $1  }
0xac2: {  	_ =	sdelay $0x3  }
0xac3: {  	s7 =	sld [smem:$0x7EB];
	_ =	sdelay $0x2  }
0xac4: {  	p3 =	seq.s32 s7, $0x1  }
.Ltmp576:
0xac5: {  	_ = 	snop;
	(pc) =	sbr.rel @p3 .LBB2_518-.Ltmp576, $4  }
.Ltmp577:
0xac6: {  	_ = 	snop;
	(pc) =	sbr.rel @!p3 .LBB2_481-.Ltmp577, $4  }
0xac7: {  	_ = 	snop  }
0xac8: {  	_ = 	snop  }
0xac9: {  	_ = 	snop  }
0xaca: {  	_ = 	snop  }
.LBB2_476:
0xacb: {  	s7 =	sadd.s32 $0xFFFFFFE9, s4  }
0xacc: {  	p3 =	slt.u32 s7, $0x2  }
.Ltmp578:
0xacd: {  	_ = 	snop;
	(pc) =	sbr.rel @p3 .LBB2_485-.Ltmp578, $1  }
0xace: {  	_ =	sdelay $0x3  }
0xacf: {  	s7 =	sld [smem:$0x7F7];
	_ =	sdelay $0x2  }
0xad0: {  	p3 =	seq.s32 s7, $0x1  }
.Ltmp579:
0xad1: {  	_ = 	snop;
	(pc) =	sbr.rel @p3 .LBB2_518-.Ltmp579, $4  }
.Ltmp580:
0xad2: {  	_ = 	snop;
	(pc) =	sbr.rel @!p3 .LBB2_481-.Ltmp580, $4  }
0xad3: {  	_ = 	snop  }
0xad4: {  	_ = 	snop  }
0xad5: {  	_ = 	snop  }
0xad6: {  	_ = 	snop  }
.LBB2_513:
0xad7: {  	s7 =	sld [smem:$0x7E5];
	_ =	sdelay $0x2  }
0xad8: {  	p3 =	seq.s32 s7, $0x1  }
.Ltmp581:
0xad9: {  	_ = 	snop;
	(pc) =	sbr.rel @!p3 .LBB2_486-.Ltmp581, $4  }
.Ltmp582:
0xada: {  	_ = 	snop;
	(pc) =	sbr.rel @p3 .LBB2_514-.Ltmp582, $4  }
0xadb: {  	_ = 	snop  }
0xadc: {  	_ = 	snop  }
0xadd: {  	_ = 	snop  }
0xade: {  	_ = 	snop  }
.LBB2_484:
0xadf: {  	s7 =	sadd.s32 $0xFFFFFFE3, s4  }
0xae0: {  	p3 =	slt.u32 s7, $0x2  }
.Ltmp583:
0xae1: {  	_ = 	snop;
	(pc) =	sbr.rel @p3 .LBB2_514-.Ltmp583, $4  }
.Ltmp584:
0xae2: {  	_ = 	snop;
	(pc) =	sbr.rel @!p3 .LBB2_486-.Ltmp584, $4  }
0xae3: {  	_ = 	snop  }
0xae4: {  	_ = 	snop  }
0xae5: {  	_ = 	snop  }
0xae6: {  	_ = 	snop  }
.LBB2_459:
.Ltmp585:
0xae7: {  	(pc) =	sbr.rel .LBB2_460-.Ltmp585, $3  }
0xae8: {  	_ =	sdelay $0x1  }
0xae9: {  	s7 =	smov.u32 s0  }
0xaea: {  	s7 =	smov.u32 @p0 s0  }
.LBB2_511:
0xaeb: {  	s7 =	sld [smem:$0x7EC];
	_ =	sdelay $0x2  }
0xaec: {  	p3 =	seq.s32 s7, $0x1  }
.Ltmp586:
0xaed: {  	_ = 	snop;
	(pc) =	sbr.rel @!p3 .LBB2_512-.Ltmp586, $1  }
0xaee: {  	_ =	sdelay $0x3  }
.LBB2_485:
0xaef: {  	s28 =	rddreg [dreg:$0x4]  }
0xaf0: {  	p3 =	sgt.u32 s28, $0x1  }
.Ltmp587:
0xaf1: {  	_ = 	snop;
	(pc) =	sbr.rel @p3 .LBB2_487-.Ltmp587, $4  }
0xaf2: {  	_ = 	snop  }
0xaf3: {  	s7 =	sshll.u32 s8, $0xF  }
0xaf4: {  	s9 =	simm.s32 $0x140;
	s7 =	sadd.s32 s2, s7  }
0xaf5: {  	[tilespmem:s25], [sflag:$0x2] =	stream.indirect.gather [hbm4b:s7+s9], $0x10, s3, s9, $0xb8;
	[tilespmem:$0x13D60] =	vst v63  }
.LBB2_486:
0xaf6: {  	s7 =	sshll.u32 s8, $0xF  }
0xaf7: {  	s9 =	simm.s32 $0x140;
	s11 =	simm.s32 $0x180;
	s7 =	sadd.s32 s2, s7  }
0xaf8: {  	[tilespmem:s25], [sflag:$0x2] =	stream.indirect.gather [hbm4b:s7+s11], $0x10, s9, s11, $0xb8;
	[tilespmem:$0x13D60] =	vst v63  }
.LBB2_487:
.Ltmp588:
0xaf9: {  	(pc) =	sbr.rel @p6 .LBB2_500-.Ltmp588, $1  }
0xafa: {  	_ =	sdelay $0x3  }
0xafb: {  	p3 =	sgt.s32 s4, $0x7  }
.Ltmp589:
0xafc: {  	_ = 	snop;
	(pc) =	sbr.rel @!p3 .LBB2_489-.Ltmp589, $1  }
0xafd: {  	_ =	sdelay $0x3  }
0xafe: {  	p3 =	sgt.s32 s4, $0xA  }
.Ltmp590:
0xaff: {  	_ = 	snop;
	(pc) =	sbr.rel @!p3 .LBB2_495-.Ltmp590, $1  }
0xb00: {  	_ =	sdelay $0x3  }
0xb01: {  	s7 =	sld [smem:$0x7E4];
	_ =	sdelay $0x2  }
0xb02: {  	p3 =	seq.s32 s7, $0x1  }
.Ltmp591:
0xb03: {  	_ = 	snop;
	(pc) =	sbr.rel @p3 .LBB2_519-.Ltmp591, $1  }
0xb04: {  	_ =	sdelay $0x3  }
0xb05: {  	s7 =	sld [smem:$0x7E5];
	_ =	sdelay $0x2  }
0xb06: {  	p3 =	seq.s32 s7, $0x1  }
.Ltmp592:
0xb07: {  	_ = 	snop;
	(pc) =	sbr.rel @p3 .LBB2_514-.Ltmp592, $4  }
.Ltmp593:
0xb08: {  	_ = 	snop;
	(pc) =	sbr.rel @!p3 .LBB2_520-.Ltmp593, $4  }
0xb09: {  	_ = 	snop  }
0xb0a: {  	_ = 	snop  }
0xb0b: {  	_ = 	snop  }
0xb0c: {  	_ = 	snop  }
.LBB2_500:
.Ltmp594:
0xb0d: {  	(pc) =	sbr.rel @p5 .LBB2_506-.Ltmp594, $1  }
0xb0e: {  	_ =	sdelay $0x3  }
0xb0f: {  	s7 =	sld [smem:$0x7FD];
	_ =	sdelay $0x2  }
0xb10: {  	p3 =	seq.s32 s7, $0x1  }
.Ltmp595:
0xb11: {  	_ = 	snop;
	(pc) =	sbr.rel @p3 .LBB2_504-.Ltmp595, $1  }
0xb12: {  	_ =	sdelay $0x3  }
0xb13: {  	s7 =	sadd.s32 $0xFFFFFFEF, s4  }
0xb14: {  	p3 =	slt.u32 s7, $0x2  }
.Ltmp596:
0xb15: {  	_ = 	snop;
	(pc) =	sbr.rel @p3 .LBB2_514-.Ltmp596, $1  }
0xb16: {  	_ =	sdelay $0x3  }
0xb17: {  	s7 =	sadd.s32 $0xFFFFFFED, s4  }
0xb18: {  	p3 =	slt.u32 s7, $0x2  }
.Ltmp597:
0xb19: {  	_ = 	snop;
	(pc) =	sbr.rel @p3 .LBB2_519-.Ltmp597, $4  }
.Ltmp598:
0xb1a: {  	_ = 	snop;
	(pc) =	sbr.rel @!p3 .LBB2_520-.Ltmp598, $4  }
0xb1b: {  	_ = 	snop  }
0xb1c: {  	_ = 	snop  }
0xb1d: {  	_ = 	snop  }
0xb1e: {  	_ = 	snop  }
.LBB2_506:
0xb1f: {  	p3 =	sgt.s32 s4, $0x1C  }
.Ltmp599:
0xb20: {  	_ = 	snop;
	(pc) =	sbr.rel @p3 .LBB2_510-.Ltmp599, $1  }
0xb21: {  	_ =	sdelay $0x3  }
0xb22: {  	s7 =	sadd.s32 $0xFFFFFFE5, s4  }
0xb23: {  	p3 =	slt.u32 s7, $0x2  }
.Ltmp600:
0xb24: {  	_ = 	snop;
	(pc) =	sbr.rel @p3 .LBB2_519-.Ltmp600, $1  }
0xb25: {  	_ =	sdelay $0x3  }
0xb26: {  	s7 =	sld [smem:$0x7FA];
	_ =	sdelay $0x2  }
0xb27: {  	p3 =	seq.s32 s7, $0x1  }
.Ltmp601:
0xb28: {  	_ = 	snop;
	(pc) =	sbr.rel @p3 .LBB2_481-.Ltmp601, $1  }
0xb29: {  	_ =	sdelay $0x3  }
0xb2a: {  	s7 =	sld [smem:$0x7FB];
	_ =	sdelay $0x2  }
0xb2b: {  	p3 =	seq.s32 s7, $0x1  }
.Ltmp602:
0xb2c: {  	_ = 	snop;
	(pc) =	sbr.rel @p3 .LBB2_518-.Ltmp602, $4  }
.Ltmp603:
0xb2d: {  	_ = 	snop;
	(pc) =	sbr.rel @!p3 .LBB2_520-.Ltmp603, $4  }
0xb2e: {  	_ = 	snop  }
0xb2f: {  	_ = 	snop  }
0xb30: {  	_ = 	snop  }
0xb31: {  	_ = 	snop  }
.LBB2_489:
0xb32: {  	s7 =	sld [smem:$0x7E9];
	_ =	sdelay $0x2  }
0xb33: {  	p3 =	seq.s32 s7, $0x1  }
.Ltmp604:
0xb34: {  	_ = 	snop;
	(pc) =	sbr.rel @p3 .LBB2_492-.Ltmp604, $1  }
0xb35: {  	_ =	sdelay $0x3  }
0xb36: {  	s7 =	sld [smem:$0x7E2];
	_ =	sdelay $0x2  }
0xb37: {  	p3 =	seq.s32 s7, $0x1  }
.Ltmp605:
0xb38: {  	_ = 	snop;
	(pc) =	sbr.rel @p3 .LBB2_514-.Ltmp605, $1  }
0xb39: {  	_ =	sdelay $0x3  }
0xb3a: {  	s7 =	sld [smem:$0x7E3];
	_ =	sdelay $0x2  }
0xb3b: {  	p3 =	seq.s32 s7, $0x1  }
.Ltmp606:
0xb3c: {  	_ = 	snop;
	(pc) =	sbr.rel @p3 .LBB2_519-.Ltmp606, $4  }
.Ltmp607:
0xb3d: {  	_ = 	snop;
	(pc) =	sbr.rel @!p3 .LBB2_520-.Ltmp607, $4  }
0xb3e: {  	_ = 	snop  }
0xb3f: {  	_ = 	snop  }
0xb40: {  	_ = 	snop  }
0xb41: {  	_ = 	snop  }
.LBB2_495:
0xb42: {  	p3 =	seq.s32 s4, $0x8  }
.Ltmp608:
0xb43: {  	_ = 	snop;
	(pc) =	sbr.rel @p3 .LBB2_512-.Ltmp608, $1  }
0xb44: {  	_ =	sdelay $0x3  }
0xb45: {  	s7 =	sld [smem:$0x7EE];
	_ =	sdelay $0x2  }
0xb46: {  	p3 =	seq.s32 s7, $0x1  }
.Ltmp609:
0xb47: {  	_ = 	snop;
	(pc) =	sbr.rel @p3 .LBB2_481-.Ltmp609, $1  }
0xb48: {  	_ =	sdelay $0x3  }
0xb49: {  	s7 =	sld [smem:$0x7F5];
	_ =	sdelay $0x2  }
0xb4a: {  	p3 =	seq.s32 s7, $0x1  }
.Ltmp610:
0xb4b: {  	_ = 	snop;
	(pc) =	sbr.rel @p3 .LBB2_518-.Ltmp610, $4  }
.Ltmp611:
0xb4c: {  	_ = 	snop;
	(pc) =	sbr.rel @!p3 .LBB2_520-.Ltmp611, $4  }
0xb4d: {  	_ = 	snop  }
0xb4e: {  	_ = 	snop  }
0xb4f: {  	_ = 	snop  }
0xb50: {  	_ = 	snop  }
.LBB2_512:
.Ltmp612:
0xb51: {  	s7 =	sshll.u32 s8, $0xF;
	(pc) =	sbr.rel .LBB2_569-.Ltmp612, $4  }
0xb52: {  	s23 =	simm.s32 $0x1A0;
	s9 =	simm.s32 $0x2C0;
	s7 =	sadd.s32 s2, s7  }
0xb53: {  	[tilespmem:s25], [sflag:$0x2] =	stream.indirect.gather [hbm4b:s7+s23], $0x10, s9, s23, $0xb8;
	[tilespmem:$0x13D60] =	vst v63  }
0xb54: {  	s26 =	sadd.s32 s0, s14;
	s28 =	simm.s32 $0xDD60  }
0xb55: {  	[hbm4b:s26+s3] =	stream.linear.scatter [tilespmem:s28], [sflag:$0x6], $0x2000, $0x38;
	[tilespmem:$0x13D60] =	vst v63  }
.LBB2_504:
0xb56: {  	s7 =	sld [smem:$0x7F7];
	_ =	sdelay $0x2  }
0xb57: {  	p3 =	seq.s32 s7, $0x1  }
.Ltmp613:
0xb58: {  	_ = 	snop;
	(pc) =	sbr.rel @p3 .LBB2_518-.Ltmp613, $1  }
0xb59: {  	_ =	sdelay $0x3  }
0xb5a: {  	s7 =	sld [smem:$0x7F8];
	_ =	sdelay $0x2  }
0xb5b: {  	p3 =	seq.s32 s7, $0x1  }
.Ltmp614:
0xb5c: {  	_ = 	snop;
	(pc) =	sbr.rel @p3 .LBB2_481-.Ltmp614, $4  }
.Ltmp615:
0xb5d: {  	_ = 	snop;
	(pc) =	sbr.rel @!p3 .LBB2_520-.Ltmp615, $4  }
0xb5e: {  	_ = 	snop  }
0xb5f: {  	_ = 	snop  }
0xb60: {  	_ = 	snop  }
0xb61: {  	_ = 	snop  }
.LBB2_510:
0xb62: {  	s7 =	sadd.s32 $0xFFFFFFE3, s4  }
0xb63: {  	p3 =	slt.u32 s7, $0x2  }
.Ltmp616:
0xb64: {  	_ = 	snop;
	(pc) =	sbr.rel @!p3 .LBB2_520-.Ltmp616, $1  }
0xb65: {  	_ =	sdelay $0x3  }
.LBB2_514:
0xb66: {  	s28 =	sld [smem:$0x7EF];
	_ =	sdelay $0x2  }
0xb67: {  	p3 =	seq.s32 s28, $0x1  }
.Ltmp617:
0xb68: {  	_ = 	snop;
	(pc) =	sbr.rel @p3 .LBB2_520-.Ltmp617, $4  }
0xb69: {  	_ = 	snop  }
0xb6a: {  	s7 =	sshll.u32 s8, $0xF  }
0xb6b: {  	s9 =	simm.s32 $0x460;
	s11 =	simm.s32 $0x1C0;
	s7 =	sadd.s32 s2, s7  }
0xb6c: {  	[tilespmem:s25], [sflag:$0x2] =	stream.indirect.gather [hbm4b:s7+s11], $0x10, s9, s11, $0xb8;
	[tilespmem:$0x13D60] =	vst v63  }
0xb6d: {  	s7 =	sld [smem:$0x7E6];
	_ =	sdelay $0x2  }
0xb6e: {  	p3 =	seq.s32 s7, $0x1  }
.Ltmp618:
0xb6f: {  	_ = 	snop;
	(pc) =	sbr.rel @p3 .LBB2_519-.Ltmp618, $1  }
0xb70: {  	_ =	sdelay $0x3  }
0xb71: {  	s7 =	sld [smem:$0x7E7];
	_ =	sdelay $0x2  }
0xb72: {  	p3 =	seq.s32 s7, $0x1  }
.Ltmp619:
0xb73: {  	_ = 	snop;
	(pc) =	sbr.rel @p3 .LBB2_481-.Ltmp619, $1  }
0xb74: {  	_ =	sdelay $0x3  }
0xb75: {  	s7 =	sld [smem:$0x7E8];
	_ =	sdelay $0x2  }
0xb76: {  	p3 =	seq.s32 s7, $0x1  }
.Ltmp620:
0xb77: {  	_ = 	snop;
	(pc) =	sbr.rel @p3 .LBB2_518-.Ltmp620, $4  }
.Ltmp621:
0xb78: {  	_ = 	snop;
	(pc) =	sbr.rel @!p3 .LBB2_520-.Ltmp621, $4  }
0xb79: {  	_ = 	snop  }
0xb7a: {  	_ = 	snop  }
0xb7b: {  	_ = 	snop  }
0xb7c: {  	_ = 	snop  }
.LBB2_492:
0xb7d: {  	s7 =	sld [smem:$0x7EB];
	_ =	sdelay $0x2  }
0xb7e: {  	p3 =	seq.s32 s7, $0x1  }
.Ltmp622:
0xb7f: {  	_ = 	snop;
	(pc) =	sbr.rel @p3 .LBB2_518-.Ltmp622, $1  }
0xb80: {  	_ =	sdelay $0x3  }
0xb81: {  	s7 =	sld [smem:$0x7F4];
	_ =	sdelay $0x2  }
0xb82: {  	p3 =	seq.s32 s7, $0x1  }
.Ltmp623:
0xb83: {  	_ = 	snop;
	(pc) =	sbr.rel @!p3 .LBB2_520-.Ltmp623, $1  }
0xb84: {  	_ =	sdelay $0x3  }
.LBB2_481:
0xb85: {  	s28 =	sld [smem:$0x7FC];
	_ =	sdelay $0x2  }
0xb86: {  	p3 =	seq.s32 s28, $0x1  }
.Ltmp624:
0xb87: {  	_ = 	snop;
	(pc) =	sbr.rel @p3 .LBB2_520-.Ltmp624, $4  }
0xb88: {  	_ = 	snop  }
0xb89: {  	s7 =	sshll.u32 s8, $0xF  }
0xb8a: {  	s9 =	simm.s32 $0x220;
	s11 =	simm.s32 $0x620;
	s7 =	sadd.s32 s2, s7  }
0xb8b: {  	[tilespmem:s25], [sflag:$0x2] =	stream.indirect.gather [hbm4b:s7+s9], $0x10, s11, s9, $0xb8;
	[tilespmem:$0x13D60] =	vst v63  }
0xb8c: {  	s7 =	sand.u32 $0x181800, s21  }
0xb8d: {  	p3 =	sne.s32 s7, $0x0  }
.Ltmp625:
0xb8e: {  	_ = 	snop;
	(pc) =	sbr.rel @p3 .LBB2_519-.Ltmp625, $1  }
0xb8f: {  	_ =	sdelay $0x3  }
0xb90: {  	s7 =	sand.u32 $0x200400, s21  }
0xb91: {  	p3 =	sne.s32 s7, $0x0  }
.Ltmp626:
0xb92: {  	_ = 	snop;
	(pc) =	sbr.rel @!p3 .LBB2_520-.Ltmp626, $1  }
0xb93: {  	_ =	sdelay $0x3  }
.LBB2_518:
0xb94: {  	s7 =	sshll.u32 s8, $0xF  }
0xb95: {  	s9 =	simm.s32 $0x260;
	s11 =	simm.s32 $0x840;
	s7 =	sadd.s32 s2, s7  }
0xb96: {  	[tilespmem:s25], [sflag:$0x2] =	stream.indirect.gather [hbm4b:s7+s9], $0x10, s11, s9, $0xb8;
	[tilespmem:$0x13D60] =	vst v63  }
0xb97: {  	s7 =	simm.s32 @!p0 $0x1  }
0xb98: {  	s7 =	sshll.u32 @!p0 s7, s4  }
0xb99: {  	s7 =	sand.u32 @!p0 $0x181800, s7  }
0xb9a: {  	p3 =	sne.s32 @!p0 s7, $0x0  }
0xb9b: {  	p3 =	por p0, !p3  }
.Ltmp627:
0xb9c: {  	_ = 	snop;
	(pc) =	sbr.rel @p3 .LBB2_520-.Ltmp627, $1  }
0xb9d: {  	_ =	sdelay $0x3  }
.LBB2_519:
0xb9e: {  	s7 =	sshll.u32 s8, $0xF  }
0xb9f: {  	s28 =	simm.s32 $0x280;
	s9 =	simm.s32 $0xAA0;
	s7 =	sadd.s32 s2, s7  }
0xba0: {  	[tilespmem:s25], [sflag:$0x2] =	stream.indirect.gather [hbm4b:s7+s28], $0x10, s9, s28, $0xb8;
	[tilespmem:$0x13D60] =	vst v63  }
.LBB2_520:
.Ltmp628:
0xba1: {  	(pc) =	sbr.rel @p6 .LBB2_530-.Ltmp628, $3  }
0xba2: {  	_ =	sdelay $0x1  }
0xba3: {  	s7 =	sadd.s32 s0, s14;
	s8 =	simm.s32 $0xDD60  }
0xba4: {  	[hbm4b:s7+s3] =	stream.linear.scatter [tilespmem:s8], [sflag:$0x6], $0x2000, $0x38;
	[tilespmem:$0x13D60] =	vst v63  }
.Ltmp629:
0xba5: {  	(pc) =	sbr.rel @p1 .LBB2_527-.Ltmp629, $1  }
0xba6: {  	_ =	sdelay $0x3  }
0xba7: {  	s7 =	sld [smem:$0x7E9];
	_ =	sdelay $0x2  }
0xba8: {  	p3 =	seq.s32 s7, $0x1  }
.Ltmp630:
0xba9: {  	_ = 	snop;
	(pc) =	sbr.rel @p3 .LBB2_525-.Ltmp630, $1  }
0xbaa: {  	_ =	sdelay $0x3  }
0xbab: {  	s7 =	sld [smem:$0x7E2];
	_ =	sdelay $0x2  }
0xbac: {  	p3 =	seq.s32 s7, $0x1  }
.Ltmp631:
0xbad: {  	_ = 	snop;
	(pc) =	sbr.rel @p3 .LBB2_571-.Ltmp631, $1  }
0xbae: {  	_ =	sdelay $0x3  }
0xbaf: {  	s7 =	sld [smem:$0x7E3];
	_ =	sdelay $0x2  }
0xbb0: {  	p3 =	seq.s32 s7, $0x1  }
.Ltmp632:
0xbb1: {  	_ = 	snop;
	(pc) =	sbr.rel @p3 .LBB2_576-.Ltmp632, $4  }
.Ltmp633:
0xbb2: {  	_ = 	snop;
	(pc) =	sbr.rel @!p3 .LBB2_543-.Ltmp633, $4  }
0xbb3: {  	_ = 	snop  }
0xbb4: {  	_ = 	snop  }
0xbb5: {  	_ = 	snop  }
0xbb6: {  	_ = 	snop  }
.LBB2_530:
.Ltmp634:
0xbb7: {  	(pc) =	sbr.rel @p5 .LBB2_535-.Ltmp634, $1  }
0xbb8: {  	_ =	sdelay $0x3  }
0xbb9: {  	s7 =	sld [smem:$0x7FD];
	_ =	sdelay $0x2  }
0xbba: {  	p3 =	seq.s32 s7, $0x1  }
.Ltmp635:
0xbbb: {  	_ = 	snop;
	(pc) =	sbr.rel @p3 .LBB2_533-.Ltmp635, $1  }
0xbbc: {  	_ =	sdelay $0x3  }
0xbbd: {  	s7 =	sadd.s32 $0xFFFFFFEF, s4  }
0xbbe: {  	p3 =	slt.u32 s7, $0x2  }
.Ltmp636:
0xbbf: {  	_ = 	snop;
	(pc) =	sbr.rel @p3 .LBB2_571-.Ltmp636, $4  }
.Ltmp637:
0xbc0: {  	_ = 	snop;
	(pc) =	sbr.rel @!p3 .LBB2_576-.Ltmp637, $4  }
0xbc1: {  	_ = 	snop  }
0xbc2: {  	_ = 	snop  }
0xbc3: {  	_ = 	snop  }
0xbc4: {  	_ = 	snop  }
.LBB2_527:
0xbc5: {  	s7 =	sld [smem:$0x7ED];
	_ =	sdelay $0x2  }
0xbc6: {  	p3 =	seq.s32 s7, $0x1  }
.Ltmp638:
0xbc7: {  	_ = 	snop;
	(pc) =	sbr.rel @p3 .LBB2_570-.Ltmp638, $1  }
0xbc8: {  	_ =	sdelay $0x3  }
0xbc9: {  	s7 =	sld [smem:$0x7E4];
	_ =	sdelay $0x2  }
0xbca: {  	p3 =	seq.s32 s7, $0x1  }
.Ltmp639:
0xbcb: {  	_ = 	snop;
	(pc) =	sbr.rel @p3 .LBB2_576-.Ltmp639, $1  }
0xbcc: {  	_ =	sdelay $0x3  }
0xbcd: {  	s7 =	sld [smem:$0x7EE];
	_ =	sdelay $0x2  }
0xbce: {  	p3 =	seq.s32 s7, $0x1  }
.Ltmp640:
0xbcf: {  	_ = 	snop;
	(pc) =	sbr.rel @p3 .LBB2_538-.Ltmp640, $4  }
.Ltmp641:
0xbd0: {  	_ = 	snop;
	(pc) =	sbr.rel @!p3 .LBB2_575-.Ltmp641, $4  }
0xbd1: {  	_ = 	snop  }
0xbd2: {  	_ = 	snop  }
0xbd3: {  	_ = 	snop  }
0xbd4: {  	_ = 	snop  }
.LBB2_535:
0xbd5: {  	p3 =	sgt.s32 s4, $0x1C  }
.Ltmp642:
0xbd6: {  	_ = 	snop;
	(pc) =	sbr.rel @p3 .LBB2_541-.Ltmp642, $1  }
0xbd7: {  	_ =	sdelay $0x3  }
0xbd8: {  	s7 =	sadd.s32 $0xFFFFFFE5, s4  }
0xbd9: {  	p3 =	slt.u32 s7, $0x2  }
.Ltmp643:
0xbda: {  	_ = 	snop;
	(pc) =	sbr.rel @p3 .LBB2_576-.Ltmp643, $1  }
0xbdb: {  	_ =	sdelay $0x3  }
0xbdc: {  	s7 =	sld [smem:$0x7FA];
	_ =	sdelay $0x2  }
0xbdd: {  	p3 =	seq.s32 s7, $0x1  }
.Ltmp644:
0xbde: {  	_ = 	snop;
	(pc) =	sbr.rel @!p3 .LBB2_575-.Ltmp644, $4  }
.Ltmp645:
0xbdf: {  	_ = 	snop;
	(pc) =	sbr.rel @p3 .LBB2_538-.Ltmp645, $4  }
0xbe0: {  	_ = 	snop  }
0xbe1: {  	_ = 	snop  }
0xbe2: {  	_ = 	snop  }
0xbe3: {  	_ = 	snop  }
.LBB2_525:
0xbe4: {  	s7 =	sld [smem:$0x7EA];
	_ =	sdelay $0x2  }
0xbe5: {  	p3 =	seq.s32 s7, $0x1  }
.Ltmp646:
0xbe6: {  	_ = 	snop;
	(pc) =	sbr.rel @p3 .LBB2_568-.Ltmp646, $1  }
0xbe7: {  	_ =	sdelay $0x3  }
0xbe8: {  	s7 =	sld [smem:$0x7EB];
	_ =	sdelay $0x2  }
0xbe9: {  	p3 =	seq.s32 s7, $0x1  }
.Ltmp647:
0xbea: {  	_ = 	snop;
	(pc) =	sbr.rel @p3 .LBB2_575-.Ltmp647, $4  }
.Ltmp648:
0xbeb: {  	_ = 	snop;
	(pc) =	sbr.rel @!p3 .LBB2_538-.Ltmp648, $4  }
0xbec: {  	_ = 	snop  }
0xbed: {  	_ = 	snop  }
0xbee: {  	_ = 	snop  }
0xbef: {  	_ = 	snop  }
.LBB2_533:
0xbf0: {  	s7 =	sadd.s32 $0xFFFFFFE9, s4  }
0xbf1: {  	p3 =	slt.u32 s7, $0x2  }
.Ltmp649:
0xbf2: {  	_ = 	snop;
	(pc) =	sbr.rel @p3 .LBB2_542-.Ltmp649, $1  }
0xbf3: {  	_ =	sdelay $0x3  }
0xbf4: {  	s7 =	sld [smem:$0x7F7];
	_ =	sdelay $0x2  }
0xbf5: {  	p3 =	seq.s32 s7, $0x1  }
.Ltmp650:
0xbf6: {  	_ = 	snop;
	(pc) =	sbr.rel @p3 .LBB2_575-.Ltmp650, $4  }
.Ltmp651:
0xbf7: {  	_ = 	snop;
	(pc) =	sbr.rel @!p3 .LBB2_538-.Ltmp651, $4  }
0xbf8: {  	_ = 	snop  }
0xbf9: {  	_ = 	snop  }
0xbfa: {  	_ = 	snop  }
0xbfb: {  	_ = 	snop  }
.LBB2_570:
0xbfc: {  	s7 =	sld [smem:$0x7E5];
	_ =	sdelay $0x2  }
0xbfd: {  	p3 =	seq.s32 s7, $0x1  }
.Ltmp652:
0xbfe: {  	_ = 	snop;
	(pc) =	sbr.rel @!p3 .LBB2_543-.Ltmp652, $4  }
.Ltmp653:
0xbff: {  	_ = 	snop;
	(pc) =	sbr.rel @p3 .LBB2_571-.Ltmp653, $4  }
0xc00: {  	_ = 	snop  }
0xc01: {  	_ = 	snop  }
0xc02: {  	_ = 	snop  }
0xc03: {  	_ = 	snop  }
.LBB2_541:
0xc04: {  	s7 =	sadd.s32 $0xFFFFFFE3, s4  }
0xc05: {  	p3 =	slt.u32 s7, $0x2  }
.Ltmp654:
0xc06: {  	_ = 	snop;
	(pc) =	sbr.rel @p3 .LBB2_571-.Ltmp654, $4  }
.Ltmp655:
0xc07: {  	_ = 	snop;
	(pc) =	sbr.rel @!p3 .LBB2_543-.Ltmp655, $4  }
0xc08: {  	_ = 	snop  }
0xc09: {  	_ = 	snop  }
0xc0a: {  	_ = 	snop  }
0xc0b: {  	_ = 	snop  }
.LBB2_568:
0xc0c: {  	s7 =	sld [smem:$0x7EC];
	_ =	sdelay $0x2  }
0xc0d: {  	p3 =	seq.s32 s7, $0x1  }
.Ltmp656:
0xc0e: {  	_ = 	snop;
	(pc) =	sbr.rel @!p3 .LBB2_569-.Ltmp656, $1  }
0xc0f: {  	_ =	sdelay $0x3  }
.LBB2_542:
0xc10: {  	_ =	swait.ge [sflag:s10], $0x1400  }
0xc11: {  	s7 =	rddreg [dreg:$0x4]  }
0xc12: {  	p3 =	sgt.u32 s7, $0x1  }
.Ltmp657:
0xc13: {  	_ = 	snop;
	(pc) =	sbr.rel @p3 .LBB2_544-.Ltmp657, $3  }
0xc14: {  	_ =	sdelay $0x1  }
0xc15: {  	[sflag:s10] =	ssyncset.done $0x0  }
0xc16: {  	[sflag:s10] =	ssyncadd.s32 $0xFFFFEC00  }
.LBB2_543:
0xc17: {  	_ =	swait.ge [sflag:s10], $0x1800  }
0xc18: {  	[sflag:s10] =	ssyncset.done $0x0  }
0xc19: {  	[sflag:s10] =	ssyncadd.s32 $0xFFFFE800  }
.LBB2_544:
.Ltmp658:
0xc1a: {  	(pc) =	sbr.rel @p6 .LBB2_557-.Ltmp658, $1  }
0xc1b: {  	_ =	sdelay $0x3  }
0xc1c: {  	p3 =	sgt.s32 s4, $0x7  }
.Ltmp659:
0xc1d: {  	_ = 	snop;
	(pc) =	sbr.rel @!p3 .LBB2_546-.Ltmp659, $1  }
0xc1e: {  	_ =	sdelay $0x3  }
0xc1f: {  	p3 =	sgt.s32 s4, $0xA  }
.Ltmp660:
0xc20: {  	_ = 	snop;
	(pc) =	sbr.rel @!p3 .LBB2_552-.Ltmp660, $1  }
0xc21: {  	_ =	sdelay $0x3  }
0xc22: {  	s7 =	sld [smem:$0x7E4];
	_ =	sdelay $0x2  }
0xc23: {  	p3 =	seq.s32 s7, $0x1  }
.Ltmp661:
0xc24: {  	_ = 	snop;
	(pc) =	sbr.rel @p3 .LBB2_576-.Ltmp661, $1  }
0xc25: {  	_ =	sdelay $0x3  }
0xc26: {  	s7 =	sld [smem:$0x7E5];
	_ =	sdelay $0x2  }
0xc27: {  	p3 =	seq.s32 s7, $0x1  }
.Ltmp662:
0xc28: {  	_ = 	snop;
	(pc) =	sbr.rel @p3 .LBB2_571-.Ltmp662, $4  }
.Ltmp663:
0xc29: {  	_ = 	snop;
	(pc) =	sbr.rel @!p3 .LBB2_577-.Ltmp663, $4  }
0xc2a: {  	_ = 	snop  }
0xc2b: {  	_ = 	snop  }
0xc2c: {  	_ = 	snop  }
0xc2d: {  	_ = 	snop  }
.LBB2_557:
.Ltmp664:
0xc2e: {  	(pc) =	sbr.rel @p5 .LBB2_563-.Ltmp664, $1  }
0xc2f: {  	_ =	sdelay $0x3  }
0xc30: {  	s7 =	sld [smem:$0x7FD];
	_ =	sdelay $0x2  }
0xc31: {  	p3 =	seq.s32 s7, $0x1  }
.Ltmp665:
0xc32: {  	_ = 	snop;
	(pc) =	sbr.rel @p3 .LBB2_561-.Ltmp665, $1  }
0xc33: {  	_ =	sdelay $0x3  }
0xc34: {  	s7 =	sadd.s32 $0xFFFFFFEF, s4  }
0xc35: {  	p3 =	slt.u32 s7, $0x2  }
.Ltmp666:
0xc36: {  	_ = 	snop;
	(pc) =	sbr.rel @p3 .LBB2_571-.Ltmp666, $1  }
0xc37: {  	_ =	sdelay $0x3  }
0xc38: {  	s7 =	sadd.s32 $0xFFFFFFED, s4  }
0xc39: {  	p3 =	slt.u32 s7, $0x2  }
.Ltmp667:
0xc3a: {  	_ = 	snop;
	(pc) =	sbr.rel @p3 .LBB2_576-.Ltmp667, $4  }
.Ltmp668:
0xc3b: {  	_ = 	snop;
	(pc) =	sbr.rel @!p3 .LBB2_577-.Ltmp668, $4  }
0xc3c: {  	_ = 	snop  }
0xc3d: {  	_ = 	snop  }
0xc3e: {  	_ = 	snop  }
0xc3f: {  	_ = 	snop  }
.LBB2_563:
0xc40: {  	p3 =	sgt.s32 s4, $0x1C  }
.Ltmp669:
0xc41: {  	_ = 	snop;
	(pc) =	sbr.rel @p3 .LBB2_567-.Ltmp669, $1  }
0xc42: {  	_ =	sdelay $0x3  }
0xc43: {  	s7 =	sadd.s32 $0xFFFFFFE5, s4  }
0xc44: {  	p3 =	slt.u32 s7, $0x2  }
.Ltmp670:
0xc45: {  	_ = 	snop;
	(pc) =	sbr.rel @p3 .LBB2_576-.Ltmp670, $1  }
0xc46: {  	_ =	sdelay $0x3  }
0xc47: {  	s7 =	sld [smem:$0x7FA];
	_ =	sdelay $0x2  }
0xc48: {  	p3 =	seq.s32 s7, $0x1  }
.Ltmp671:
0xc49: {  	_ = 	snop;
	(pc) =	sbr.rel @p3 .LBB2_538-.Ltmp671, $1  }
0xc4a: {  	_ =	sdelay $0x3  }
0xc4b: {  	s7 =	sld [smem:$0x7FB];
	_ =	sdelay $0x2  }
0xc4c: {  	p3 =	seq.s32 s7, $0x1  }
.Ltmp672:
0xc4d: {  	_ = 	snop;
	(pc) =	sbr.rel @p3 .LBB2_575-.Ltmp672, $4  }
.Ltmp673:
0xc4e: {  	_ = 	snop;
	(pc) =	sbr.rel @!p3 .LBB2_577-.Ltmp673, $4  }
0xc4f: {  	_ = 	snop  }
0xc50: {  	_ = 	snop  }
0xc51: {  	_ = 	snop  }
0xc52: {  	_ = 	snop  }
.LBB2_546:
0xc53: {  	s7 =	sld [smem:$0x7E9];
	_ =	sdelay $0x2  }
0xc54: {  	p3 =	seq.s32 s7, $0x1  }
.Ltmp674:
0xc55: {  	_ = 	snop;
	(pc) =	sbr.rel @p3 .LBB2_549-.Ltmp674, $1  }
0xc56: {  	_ =	sdelay $0x3  }
0xc57: {  	s7 =	sld [smem:$0x7E2];
	_ =	sdelay $0x2  }
0xc58: {  	p3 =	seq.s32 s7, $0x1  }
.Ltmp675:
0xc59: {  	_ = 	snop;
	(pc) =	sbr.rel @p3 .LBB2_571-.Ltmp675, $1  }
0xc5a: {  	_ =	sdelay $0x3  }
0xc5b: {  	s7 =	sld [smem:$0x7E3];
	_ =	sdelay $0x2  }
0xc5c: {  	p3 =	seq.s32 s7, $0x1  }
.Ltmp676:
0xc5d: {  	_ = 	snop;
	(pc) =	sbr.rel @p3 .LBB2_576-.Ltmp676, $4  }
.Ltmp677:
0xc5e: {  	_ = 	snop;
	(pc) =	sbr.rel @!p3 .LBB2_577-.Ltmp677, $4  }
0xc5f: {  	_ = 	snop  }
0xc60: {  	_ = 	snop  }
0xc61: {  	_ = 	snop  }
0xc62: {  	_ = 	snop  }
.LBB2_552:
0xc63: {  	p3 =	seq.s32 s4, $0x8  }
.Ltmp678:
0xc64: {  	_ = 	snop;
	(pc) =	sbr.rel @p3 .LBB2_569-.Ltmp678, $1  }
0xc65: {  	_ =	sdelay $0x3  }
0xc66: {  	s7 =	sld [smem:$0x7EE];
	_ =	sdelay $0x2  }
0xc67: {  	p3 =	seq.s32 s7, $0x1  }
.Ltmp679:
0xc68: {  	_ = 	snop;
	(pc) =	sbr.rel @p3 .LBB2_538-.Ltmp679, $1  }
0xc69: {  	_ =	sdelay $0x3  }
0xc6a: {  	s7 =	sld [smem:$0x7F5];
	_ =	sdelay $0x2  }
0xc6b: {  	p3 =	seq.s32 s7, $0x1  }
.Ltmp680:
0xc6c: {  	_ = 	snop;
	(pc) =	sbr.rel @p3 .LBB2_575-.Ltmp680, $4  }
.Ltmp681:
0xc6d: {  	_ = 	snop;
	(pc) =	sbr.rel @!p3 .LBB2_577-.Ltmp681, $4  }
0xc6e: {  	_ = 	snop  }
0xc6f: {  	_ = 	snop  }
0xc70: {  	_ = 	snop  }
0xc71: {  	_ = 	snop  }
.LBB2_569:
.Ltmp682:
0xc72: {  	(pc) =	sbr.rel .LBB2_577-.Ltmp682, $4  }
0xc73: {  	_ = 	snop  }
0xc74: {  	_ =	swait.ge [sflag:s10], $0x1A00  }
0xc75: {  	[sflag:s10] =	ssyncset.done $0x0  }
0xc76: {  	[sflag:s10] =	ssyncadd.s32 $0xFFFFE600  }
.LBB2_561:
0xc77: {  	s7 =	sld [smem:$0x7F7];
	_ =	sdelay $0x2  }
0xc78: {  	p3 =	seq.s32 s7, $0x1  }
.Ltmp683:
0xc79: {  	_ = 	snop;
	(pc) =	sbr.rel @p3 .LBB2_575-.Ltmp683, $1  }
0xc7a: {  	_ =	sdelay $0x3  }
0xc7b: {  	s7 =	sld [smem:$0x7F8];
	_ =	sdelay $0x2  }
0xc7c: {  	p3 =	seq.s32 s7, $0x1  }
.Ltmp684:
0xc7d: {  	_ = 	snop;
	(pc) =	sbr.rel @p3 .LBB2_538-.Ltmp684, $4  }
.Ltmp685:
0xc7e: {  	_ = 	snop;
	(pc) =	sbr.rel @!p3 .LBB2_577-.Ltmp685, $4  }
0xc7f: {  	_ = 	snop  }
0xc80: {  	_ = 	snop  }
0xc81: {  	_ = 	snop  }
0xc82: {  	_ = 	snop  }
.LBB2_567:
0xc83: {  	s7 =	sadd.s32 $0xFFFFFFE3, s4  }
0xc84: {  	p3 =	slt.u32 s7, $0x2  }
.Ltmp686:
0xc85: {  	_ = 	snop;
	(pc) =	sbr.rel @!p3 .LBB2_577-.Ltmp686, $1  }
0xc86: {  	_ =	sdelay $0x3  }
.LBB2_571:
0xc87: {  	_ =	swait.ge [sflag:s10], $0x1C00  }
0xc88: {  	s7 =	sld [smem:$0x7EF];
	_ =	sdelay $0x2  }
0xc89: {  	p3 =	seq.s32 s7, $0x1  }
.Ltmp687:
0xc8a: {  	_ = 	snop;
	(pc) =	sbr.rel @p3 .LBB2_577-.Ltmp687, $3  }
0xc8b: {  	_ =	sdelay $0x1  }
0xc8c: {  	[sflag:s10] =	ssyncset.done $0x0  }
0xc8d: {  	[sflag:s10] =	ssyncadd.s32 $0xFFFFE400  }
0xc8e: {  	s7 =	sld [smem:$0x7E6];
	_ =	sdelay $0x2  }
0xc8f: {  	p3 =	seq.s32 s7, $0x1  }
.Ltmp688:
0xc90: {  	_ = 	snop;
	(pc) =	sbr.rel @p3 .LBB2_576-.Ltmp688, $1  }
0xc91: {  	_ =	sdelay $0x3  }
0xc92: {  	s7 =	sld [smem:$0x7E7];
	_ =	sdelay $0x2  }
0xc93: {  	p3 =	seq.s32 s7, $0x1  }
.Ltmp689:
0xc94: {  	_ = 	snop;
	(pc) =	sbr.rel @p3 .LBB2_538-.Ltmp689, $1  }
0xc95: {  	_ =	sdelay $0x3  }
0xc96: {  	s7 =	sld [smem:$0x7E8];
	_ =	sdelay $0x2  }
0xc97: {  	p3 =	seq.s32 s7, $0x1  }
.Ltmp690:
0xc98: {  	_ = 	snop;
	(pc) =	sbr.rel @p3 .LBB2_575-.Ltmp690, $4  }
.Ltmp691:
0xc99: {  	_ = 	snop;
	(pc) =	sbr.rel @!p3 .LBB2_577-.Ltmp691, $4  }
0xc9a: {  	_ = 	snop  }
0xc9b: {  	_ = 	snop  }
0xc9c: {  	_ = 	snop  }
0xc9d: {  	_ = 	snop  }
.LBB2_549:
0xc9e: {  	s7 =	sld [smem:$0x7EB];
	_ =	sdelay $0x2  }
0xc9f: {  	p3 =	seq.s32 s7, $0x1  }
.Ltmp692:
0xca0: {  	_ = 	snop;
	(pc) =	sbr.rel @p3 .LBB2_575-.Ltmp692, $1  }
0xca1: {  	_ =	sdelay $0x3  }
0xca2: {  	s7 =	sld [smem:$0x7F4];
	_ =	sdelay $0x2  }
0xca3: {  	p3 =	seq.s32 s7, $0x1  }
.Ltmp693:
0xca4: {  	_ = 	snop;
	(pc) =	sbr.rel @!p3 .LBB2_577-.Ltmp693, $1  }
0xca5: {  	_ =	sdelay $0x3  }
.LBB2_538:
0xca6: {  	_ =	swait.ge [sflag:s10], $0x2200  }
0xca7: {  	s7 =	sld [smem:$0x7FC];
	_ =	sdelay $0x2  }
0xca8: {  	p3 =	seq.s32 s7, $0x1  }
.Ltmp694:
0xca9: {  	_ = 	snop;
	(pc) =	sbr.rel @p3 .LBB2_577-.Ltmp694, $3  }
0xcaa: {  	_ =	sdelay $0x1  }
0xcab: {  	[sflag:s10] =	ssyncset.done $0x0  }
0xcac: {  	[sflag:s10] =	ssyncadd.s32 $0xFFFFDE00  }
0xcad: {  	s7 =	sand.u32 $0x181800, s21  }
0xcae: {  	p3 =	sne.s32 s7, $0x0  }
.Ltmp695:
0xcaf: {  	_ = 	snop;
	(pc) =	sbr.rel @p3 .LBB2_576-.Ltmp695, $1  }
0xcb0: {  	_ =	sdelay $0x3  }
0xcb1: {  	s7 =	sand.u32 $0x200400, s21  }
0xcb2: {  	p3 =	sne.s32 s7, $0x0  }
.Ltmp696:
0xcb3: {  	_ = 	snop;
	(pc) =	sbr.rel @!p3 .LBB2_577-.Ltmp696, $1  }
0xcb4: {  	_ =	sdelay $0x3  }
.LBB2_575:
0xcb5: {  	s7 =	simm.s32 @!p0 $0x1  }
0xcb6: {  	s7 =	sshll.u32 @!p0 s7, s4  }
0xcb7: {  	s7 =	sand.u32 @!p0 $0x181800, s7  }
0xcb8: {  	p3 =	sne.s32 @!p0 s7, $0x0  }
0xcb9: {  	p3 =	por p0, !p3  }
.Ltmp697:
0xcba: {  	_ = 	snop;
	(pc) =	sbr.rel @p3 .LBB2_577-.Ltmp697, $4  }
0xcbb: {  	_ = 	snop  }
0xcbc: {  	_ =	swait.ge [sflag:s10], $0x2600  }
0xcbd: {  	[sflag:s10] =	ssyncset.done $0x0  }
0xcbe: {  	[sflag:s10] =	ssyncadd.s32 $0xFFFFDA00  }
.LBB2_576:
0xcbf: {  	_ =	swait.ge [sflag:s10], $0x2800  }
0xcc0: {  	[sflag:s10] =	ssyncset.done $0x0  }
0xcc1: {  	[sflag:s10] =	ssyncadd.s32 $0xFFFFD800  }
.LBB2_577:
0xcc2: {  	s7 =	simm.s32 @!p4 $0x7  }
0xcc3: {  	_ =	swait.ge @!p4 [sflag:s7], $0x2000  }
0xcc4: {  	[sflag:s7] =	ssyncset.done @!p4 $0x0  }
0xcc5: {  	s26 =	simm.s32 $0xD60;
	[sflag:s7] =	ssyncadd.s32 @!p4 $0xFFFFE000  }
0xcc6: {  	v1 =	vld [tilespmem:s26+$0xFFFFFFF0]  }
0xcc7: {  	v2 =	vld [tilespmem:s26+$0x30]  }
0xcc8: {  	v3 =	vld [tilespmem:s26+$0xFFFFFFC0]  }
0xcc9: {  	v4 =	vld [tilespmem:s26+$0x20]  }
0xcca: {  	v5 =	vld [tilespmem:s26+$0xFFFFFFE0]  }
0xccb: {  	v6 =	vld [tilespmem:s26+$0x10]  }
0xccc: {  	v7 =	vld [tilespmem:s26+$0x0]  }
0xccd: {  	s9 =	simm.s32 $0x0;
	s11 =	simm.s32 $0x30;
	v8 =	vld [tilespmem:s26+$0xFFFFFFD0]  }
0xcce: {  	s8 =	simm.s32 $0x0;
	s22 =	simm.s32 $0x100;
	s28 =	simm.s32 $0x10;
	v9 =	vld.idx.msk [tilespmem:v1+s29+$0x0], $0xffff  }
0xccf: {  	s13 =	simm.s32 $0x50;
	s19 =	simm.s32 $0x60;
	s12 =	simm.s32 $0x20;
	v10 =	vld.idx.msk [tilespmem:v2+s29+$0x0], $0xffff  }
0xcd0: {  	s9 =	sand.u32 $0x1E00, s9;
	s23 =	sand.u32 $0x90, s28;
	s28 =	simm.s32 $0x70;
	v11 =	vld.idx.msk [tilespmem:v3+s29+$0x0], $0xffff  }
0xcd1: {  	s17 =	sadd.s32 $0xFD60, s9;
	s7 =	sand.u32 $0xB0, s11;
	s26 =	sand.u32 $0xA0, s12;
	v2 =	vld.idx.msk [tilespmem:v4+s29+$0x0], $0xffff  }
0xcd2: {  	s7 =	sadd.s32 s7, s17;
	s12 =	sadd.s32 s26, s17;
	s26 =	sand.u32 $0xF0, s28;
	v1 =	vld.idx.msk [tilespmem:v5+s29+$0x0], $0xffff  }
0xcd3: {  	s13 =	sand.u32 $0xD0, s13;
	s28 =	sand.u32 $0x80, s8;
	s26 =	sadd.s32 s26, s17;
	v3 =	vld.idx.msk [tilespmem:v6+s29+$0x0], $0xffff;
	[tilespmem:s7+$0x0] =	vst v9  }
0xcd4: {  	s9 =	sadd.s32 s13, s17;
	s11 =	sor.u32 s28, s17;
	s28 =	sand.u32 $0xE0, s19;
	v4 =	vld.idx.msk [tilespmem:v7+s29+$0x0], $0xffff;
	[tilespmem:s26+$0x0] =	vst v10  }
0xcd5: {  	s19 =	simm.s32 $0xDE0;
	v5 =	vld.idx.msk [tilespmem:v8+s29+$0x0], $0xffff;
	[tilespmem:s11+$0x0] =	vst v11;
	s11 =	simm.s32 $0x40;
	s7 =	sadd.s32 s28, s17  }
.LBB2_578:
0xcd6: {  	s13 =	sadd.s32 $0xB0, s8;
	s26 =	sand.u32 $0xC0, s11  }
0xcd7: {  	v6 =	vld [tilespmem:s19+$0xFFFFFFF0];
	[tilespmem:s7+$0x0] =	vst v2;
	s11 =	smov.u32 s8;
	s8 =	sadd.s32 $0x80, s8;
	s7 =	smov.u32 s22  }
0xcd8: {  	s13 =	sand.u32 $0xB0, s13;
	v2 =	vld [tilespmem:s19+$0x30];
	p3 =	slt.u32 s8, $0xF80;
	[tilespmem:s12+$0x0] =	vst v1;
	s12 =	sadd.s32 s26, s17  }
0xcd9: {  	s17 =	sor.u32 s23, s17;
	v1 =	vld [tilespmem:s19+$0xFFFFFFC0];
	[tilespmem:s9+$0x0] =	vst v3  }
0xcda: {  	v3 =	vld [tilespmem:s19+$0x20];
	[tilespmem:s12+$0x0] =	vst v4  }
0xcdb: {  	v4 =	vld [tilespmem:s19+$0xFFFFFFE0];
	[tilespmem:s17+$0x0] =	vst v5  }
0xcdc: {  	v5 =	vld [tilespmem:s19+$0x10]  }
0xcdd: {  	v7 =	vld [tilespmem:s19+$0x0]  }
0xcde: {  	v8 =	vld [tilespmem:s19+$0xFFFFFFD0]  }
0xcdf: {  	v6 =	vld.idx.msk [tilespmem:v6+s29+$0x0], $0xffff  }
0xce0: {  	s22 =	sadd.s32 $0x100, s22;
	s26 =	sadd.s32 $0xD0, s11;
	v9 =	vld.idx.msk [tilespmem:v2+s29+$0x0], $0xffff  }
0xce1: {  	s28 =	sadd.s32 $0xE0, s11;
	s7 =	sand.u32 $0x1E00, s7;
	s9 =	sadd.s32 $0x90, s11;
	v10 =	vld.idx.msk [tilespmem:v1+s29+$0x0], $0xffff  }
0xce2: {  	s23 =	sand.u32 $0x90, s9;
	s9 =	sadd.s32 $0xA0, s11;
	s17 =	sadd.s32 $0xFD60, s7;
	v2 =	vld.idx.msk [tilespmem:v3+s29+$0x0], $0xffff  }
.Ltmp698:
0xce3: {  	s7 =	sand.u32 $0xA0, s9;
	s9 =	sadd.s32 $0xF0, s11;
	v1 =	vld.idx.msk [tilespmem:v4+s29+$0x0], $0xffff;
	(pc) =	sbr.rel @p3 .LBB2_578-.Ltmp698, $4  }
0xce4: {  	s12 =	sadd.s32 s7, s17;
	s7 =	sadd.s32 s13, s17;
	s9 =	sand.u32 $0xF0, s9;
	v3 =	vld.idx.msk [tilespmem:v5+s29+$0x0], $0xffff  }
0xce5: {  	s13 =	sand.u32 $0x80, s8;
	[tilespmem:s7+$0x0] =	vst v6;
	v4 =	vld.idx.msk [tilespmem:v7+s29+$0x0], $0xffff;
	s7 =	sand.u32 $0xD0, s26;
	s26 =	sadd.s32 s9, s17  }
0xce6: {  	s13 =	sor.u32 s13, s17;
	v5 =	vld.idx.msk [tilespmem:v8+s29+$0x0], $0xffff;
	s9 =	sadd.s32 s7, s17;
	s7 =	sand.u32 $0xE0, s28;
	[tilespmem:s26+$0x0] =	vst v9  }
0xce7: {  	s11 =	sadd.s32 $0xC0, s11;
	s19 =	sadd.s32 $0x80, s19;
	[tilespmem:s13+$0x0] =	vst v10;
	s7 =	sadd.s32 s7, s17  }
.Ltmp699:
0xce8: {  	[tilespmem:s7+$0x0] =	vst v2;
	(pc) =	sbr.rel @p2 .LBB2_637-.Ltmp699, $4  }
0xce9: {  	s28 =	sand.u32 $0xC0, s11;
	[tilespmem:s12+$0x0] =	vst v1  }
0xcea: {  	s7 =	sadd.s32 s28, s17;
	[tilespmem:s9+$0x0] =	vst v3  }
0xceb: {  	s8 =	sor.u32 s23, s17;
	[tilespmem:s7+$0x0] =	vst v4  }
0xcec: {  	[tilespmem:s8+$0x0] =	vst v5  }
.Ltmp700:
0xced: {  	(pc) =	sbr.rel @p6 .LBB2_590-.Ltmp700, $2  }
0xcee: {  	_ =	sdelay $0x2  }
0xcef: {  	s8 =	sadd.s32 $0x6, s1  }
.Ltmp701:
0xcf0: {  	(pc) =	sbr.rel @p1 .LBB2_587-.Ltmp701, $1  }
0xcf1: {  	_ =	sdelay $0x3  }
0xcf2: {  	s7 =	sld [smem:$0x7E9];
	_ =	sdelay $0x2  }
0xcf3: {  	p3 =	seq.s32 s7, $0x1  }
.Ltmp702:
0xcf4: {  	_ = 	snop;
	(pc) =	sbr.rel @p3 .LBB2_585-.Ltmp702, $1  }
0xcf5: {  	_ =	sdelay $0x3  }
0xcf6: {  	s7 =	sld [smem:$0x7E2];
	_ =	sdelay $0x2  }
0xcf7: {  	p3 =	seq.s32 s7, $0x1  }
.Ltmp703:
0xcf8: {  	_ = 	snop;
	(pc) =	sbr.rel @p3 .LBB2_631-.Ltmp703, $1  }
0xcf9: {  	_ =	sdelay $0x3  }
0xcfa: {  	s7 =	sld [smem:$0x7E3];
	_ =	sdelay $0x2  }
0xcfb: {  	p3 =	seq.s32 s7, $0x1  }
.Ltmp704:
0xcfc: {  	_ = 	snop;
	(pc) =	sbr.rel @p3 .LBB2_636-.Ltmp704, $4  }
.Ltmp705:
0xcfd: {  	_ = 	snop;
	(pc) =	sbr.rel @!p3 .LBB2_603-.Ltmp705, $4  }
0xcfe: {  	_ = 	snop  }
0xcff: {  	_ = 	snop  }
0xd00: {  	_ = 	snop  }
0xd01: {  	_ = 	snop  }
.LBB2_590:
.Ltmp706:
0xd02: {  	(pc) =	sbr.rel @p5 .LBB2_595-.Ltmp706, $1  }
0xd03: {  	_ =	sdelay $0x3  }
0xd04: {  	s7 =	sld [smem:$0x7FD];
	_ =	sdelay $0x2  }
0xd05: {  	p3 =	seq.s32 s7, $0x1  }
.Ltmp707:
0xd06: {  	_ = 	snop;
	(pc) =	sbr.rel @p3 .LBB2_593-.Ltmp707, $1  }
0xd07: {  	_ =	sdelay $0x3  }
0xd08: {  	s7 =	sadd.s32 $0xFFFFFFEF, s4  }
0xd09: {  	p3 =	slt.u32 s7, $0x2  }
.Ltmp708:
0xd0a: {  	_ = 	snop;
	(pc) =	sbr.rel @p3 .LBB2_631-.Ltmp708, $4  }
.Ltmp709:
0xd0b: {  	_ = 	snop;
	(pc) =	sbr.rel @!p3 .LBB2_636-.Ltmp709, $4  }
0xd0c: {  	_ = 	snop  }
0xd0d: {  	_ = 	snop  }
0xd0e: {  	_ = 	snop  }
0xd0f: {  	_ = 	snop  }
.LBB2_587:
0xd10: {  	s7 =	sld [smem:$0x7ED];
	_ =	sdelay $0x2  }
0xd11: {  	p3 =	seq.s32 s7, $0x1  }
.Ltmp710:
0xd12: {  	_ = 	snop;
	(pc) =	sbr.rel @p3 .LBB2_630-.Ltmp710, $1  }
0xd13: {  	_ =	sdelay $0x3  }
0xd14: {  	s7 =	sld [smem:$0x7E4];
	_ =	sdelay $0x2  }
0xd15: {  	p3 =	seq.s32 s7, $0x1  }
.Ltmp711:
0xd16: {  	_ = 	snop;
	(pc) =	sbr.rel @p3 .LBB2_636-.Ltmp711, $1  }
0xd17: {  	_ =	sdelay $0x3  }
0xd18: {  	s7 =	sld [smem:$0x7EE];
	_ =	sdelay $0x2  }
0xd19: {  	p3 =	seq.s32 s7, $0x1  }
.Ltmp712:
0xd1a: {  	_ = 	snop;
	(pc) =	sbr.rel @p3 .LBB2_598-.Ltmp712, $4  }
.Ltmp713:
0xd1b: {  	_ = 	snop;
	(pc) =	sbr.rel @!p3 .LBB2_635-.Ltmp713, $4  }
0xd1c: {  	_ = 	snop  }
0xd1d: {  	_ = 	snop  }
0xd1e: {  	_ = 	snop  }
0xd1f: {  	_ = 	snop  }
.LBB2_595:
0xd20: {  	p3 =	sgt.s32 s4, $0x1C  }
.Ltmp714:
0xd21: {  	_ = 	snop;
	(pc) =	sbr.rel @p3 .LBB2_601-.Ltmp714, $1  }
0xd22: {  	_ =	sdelay $0x3  }
0xd23: {  	s7 =	sadd.s32 $0xFFFFFFE5, s4  }
0xd24: {  	p3 =	slt.u32 s7, $0x2  }
.Ltmp715:
0xd25: {  	_ = 	snop;
	(pc) =	sbr.rel @p3 .LBB2_636-.Ltmp715, $1  }
0xd26: {  	_ =	sdelay $0x3  }
0xd27: {  	s7 =	sld [smem:$0x7FA];
	_ =	sdelay $0x2  }
0xd28: {  	p3 =	seq.s32 s7, $0x1  }
.Ltmp716:
0xd29: {  	_ = 	snop;
	(pc) =	sbr.rel @!p3 .LBB2_635-.Ltmp716, $4  }
.Ltmp717:
0xd2a: {  	_ = 	snop;
	(pc) =	sbr.rel @p3 .LBB2_598-.Ltmp717, $4  }
0xd2b: {  	_ = 	snop  }
0xd2c: {  	_ = 	snop  }
0xd2d: {  	_ = 	snop  }
0xd2e: {  	_ = 	snop  }
.LBB2_585:
0xd2f: {  	s7 =	sld [smem:$0x7EA];
	_ =	sdelay $0x2  }
0xd30: {  	p3 =	seq.s32 s7, $0x1  }
.Ltmp718:
0xd31: {  	_ = 	snop;
	(pc) =	sbr.rel @p3 .LBB2_628-.Ltmp718, $1  }
0xd32: {  	_ =	sdelay $0x3  }
0xd33: {  	s7 =	sld [smem:$0x7EB];
	_ =	sdelay $0x2  }
0xd34: {  	p3 =	seq.s32 s7, $0x1  }
.Ltmp719:
0xd35: {  	_ = 	snop;
	(pc) =	sbr.rel @p3 .LBB2_635-.Ltmp719, $4  }
.Ltmp720:
0xd36: {  	_ = 	snop;
	(pc) =	sbr.rel @!p3 .LBB2_598-.Ltmp720, $4  }
0xd37: {  	_ = 	snop  }
0xd38: {  	_ = 	snop  }
0xd39: {  	_ = 	snop  }
0xd3a: {  	_ = 	snop  }
.LBB2_593:
0xd3b: {  	s7 =	sadd.s32 $0xFFFFFFE9, s4  }
0xd3c: {  	p3 =	slt.u32 s7, $0x2  }
.Ltmp721:
0xd3d: {  	_ = 	snop;
	(pc) =	sbr.rel @p3 .LBB2_602-.Ltmp721, $1  }
0xd3e: {  	_ =	sdelay $0x3  }
0xd3f: {  	s7 =	sld [smem:$0x7F7];
	_ =	sdelay $0x2  }
0xd40: {  	p3 =	seq.s32 s7, $0x1  }
.Ltmp722:
0xd41: {  	_ = 	snop;
	(pc) =	sbr.rel @p3 .LBB2_635-.Ltmp722, $4  }
.Ltmp723:
0xd42: {  	_ = 	snop;
	(pc) =	sbr.rel @!p3 .LBB2_598-.Ltmp723, $4  }
0xd43: {  	_ = 	snop  }
0xd44: {  	_ = 	snop  }
0xd45: {  	_ = 	snop  }
0xd46: {  	_ = 	snop  }
.LBB2_630:
0xd47: {  	s7 =	sld [smem:$0x7E5];
	_ =	sdelay $0x2  }
0xd48: {  	p3 =	seq.s32 s7, $0x1  }
.Ltmp724:
0xd49: {  	_ = 	snop;
	(pc) =	sbr.rel @!p3 .LBB2_603-.Ltmp724, $4  }
.Ltmp725:
0xd4a: {  	_ = 	snop;
	(pc) =	sbr.rel @p3 .LBB2_631-.Ltmp725, $4  }
0xd4b: {  	_ = 	snop  }
0xd4c: {  	_ = 	snop  }
0xd4d: {  	_ = 	snop  }
0xd4e: {  	_ = 	snop  }
.LBB2_601:
0xd4f: {  	s7 =	sadd.s32 $0xFFFFFFE3, s4  }
0xd50: {  	p3 =	slt.u32 s7, $0x2  }
.Ltmp726:
0xd51: {  	_ = 	snop;
	(pc) =	sbr.rel @p3 .LBB2_631-.Ltmp726, $4  }
.Ltmp727:
0xd52: {  	_ = 	snop;
	(pc) =	sbr.rel @!p3 .LBB2_603-.Ltmp727, $4  }
0xd53: {  	_ = 	snop  }
0xd54: {  	_ = 	snop  }
0xd55: {  	_ = 	snop  }
0xd56: {  	_ = 	snop  }
.LBB2_628:
0xd57: {  	s7 =	sld [smem:$0x7EC];
	_ =	sdelay $0x2  }
0xd58: {  	p3 =	seq.s32 s7, $0x1  }
.Ltmp728:
0xd59: {  	_ = 	snop;
	(pc) =	sbr.rel @!p3 .LBB2_629-.Ltmp728, $1  }
0xd5a: {  	_ =	sdelay $0x3  }
.LBB2_602:
0xd5b: {  	s28 =	rddreg [dreg:$0x4]  }
0xd5c: {  	p3 =	sgt.u32 s28, $0x1  }
.Ltmp729:
0xd5d: {  	_ = 	snop;
	(pc) =	sbr.rel @p3 .LBB2_604-.Ltmp729, $4  }
0xd5e: {  	_ = 	snop  }
0xd5f: {  	s7 =	sshll.u32 s8, $0xF  }
0xd60: {  	s9 =	simm.s32 $0x140;
	s7 =	sadd.s32 s2, s7  }
0xd61: {  	[tilespmem:s29], [sflag:$0x3] =	stream.indirect.gather [hbm4b:s7+s9], $0x10, s3, s9, $0xb8;
	[tilespmem:$0x13D60] =	vst v63  }
.LBB2_603:
0xd62: {  	s7 =	sshll.u32 s8, $0xF  }
0xd63: {  	s9 =	simm.s32 $0x140;
	s11 =	simm.s32 $0x180;
	s7 =	sadd.s32 s2, s7  }
0xd64: {  	[tilespmem:s29], [sflag:$0x3] =	stream.indirect.gather [hbm4b:s7+s11], $0x10, s9, s11, $0xb8;
	[tilespmem:$0x13D60] =	vst v63  }
.LBB2_604:
.Ltmp730:
0xd65: {  	(pc) =	sbr.rel @p6 .LBB2_617-.Ltmp730, $1  }
0xd66: {  	_ =	sdelay $0x3  }
0xd67: {  	p3 =	sgt.s32 s4, $0x7  }
.Ltmp731:
0xd68: {  	_ = 	snop;
	(pc) =	sbr.rel @!p3 .LBB2_606-.Ltmp731, $1  }
0xd69: {  	_ =	sdelay $0x3  }
0xd6a: {  	p3 =	sgt.s32 s4, $0xA  }
.Ltmp732:
0xd6b: {  	_ = 	snop;
	(pc) =	sbr.rel @!p3 .LBB2_612-.Ltmp732, $1  }
0xd6c: {  	_ =	sdelay $0x3  }
0xd6d: {  	s7 =	sld [smem:$0x7E4];
	_ =	sdelay $0x2  }
0xd6e: {  	p3 =	seq.s32 s7, $0x1  }
.Ltmp733:
0xd6f: {  	_ = 	snop;
	(pc) =	sbr.rel @p3 .LBB2_636-.Ltmp733, $1  }
0xd70: {  	_ =	sdelay $0x3  }
0xd71: {  	s7 =	sld [smem:$0x7E5];
	_ =	sdelay $0x2  }
0xd72: {  	p3 =	seq.s32 s7, $0x1  }
.Ltmp734:
0xd73: {  	_ = 	snop;
	(pc) =	sbr.rel @p3 .LBB2_631-.Ltmp734, $4  }
.Ltmp735:
0xd74: {  	_ = 	snop;
	(pc) =	sbr.rel @!p3 .LBB2_637-.Ltmp735, $4  }
0xd75: {  	_ = 	snop  }
0xd76: {  	_ = 	snop  }
0xd77: {  	_ = 	snop  }
0xd78: {  	_ = 	snop  }
.LBB2_617:
.Ltmp736:
0xd79: {  	(pc) =	sbr.rel @p5 .LBB2_623-.Ltmp736, $1  }
0xd7a: {  	_ =	sdelay $0x3  }
0xd7b: {  	s7 =	sld [smem:$0x7FD];
	_ =	sdelay $0x2  }
0xd7c: {  	p3 =	seq.s32 s7, $0x1  }
.Ltmp737:
0xd7d: {  	_ = 	snop;
	(pc) =	sbr.rel @p3 .LBB2_621-.Ltmp737, $1  }
0xd7e: {  	_ =	sdelay $0x3  }
0xd7f: {  	s7 =	sadd.s32 $0xFFFFFFEF, s4  }
0xd80: {  	p3 =	slt.u32 s7, $0x2  }
.Ltmp738:
0xd81: {  	_ = 	snop;
	(pc) =	sbr.rel @p3 .LBB2_631-.Ltmp738, $1  }
0xd82: {  	_ =	sdelay $0x3  }
0xd83: {  	s7 =	sadd.s32 $0xFFFFFFED, s4  }
0xd84: {  	p3 =	slt.u32 s7, $0x2  }
.Ltmp739:
0xd85: {  	_ = 	snop;
	(pc) =	sbr.rel @p3 .LBB2_636-.Ltmp739, $4  }
.Ltmp740:
0xd86: {  	_ = 	snop;
	(pc) =	sbr.rel @!p3 .LBB2_637-.Ltmp740, $4  }
0xd87: {  	_ = 	snop  }
0xd88: {  	_ = 	snop  }
0xd89: {  	_ = 	snop  }
0xd8a: {  	_ = 	snop  }
.LBB2_623:
0xd8b: {  	p3 =	sgt.s32 s4, $0x1C  }
.Ltmp741:
0xd8c: {  	_ = 	snop;
	(pc) =	sbr.rel @p3 .LBB2_627-.Ltmp741, $1  }
0xd8d: {  	_ =	sdelay $0x3  }
0xd8e: {  	s7 =	sadd.s32 $0xFFFFFFE5, s4  }
0xd8f: {  	p3 =	slt.u32 s7, $0x2  }
.Ltmp742:
0xd90: {  	_ = 	snop;
	(pc) =	sbr.rel @p3 .LBB2_636-.Ltmp742, $1  }
0xd91: {  	_ =	sdelay $0x3  }
0xd92: {  	s7 =	sld [smem:$0x7FA];
	_ =	sdelay $0x2  }
0xd93: {  	p3 =	seq.s32 s7, $0x1  }
.Ltmp743:
0xd94: {  	_ = 	snop;
	(pc) =	sbr.rel @p3 .LBB2_598-.Ltmp743, $1  }
0xd95: {  	_ =	sdelay $0x3  }
0xd96: {  	s7 =	sld [smem:$0x7FB];
	_ =	sdelay $0x2  }
0xd97: {  	p3 =	seq.s32 s7, $0x1  }
.Ltmp744:
0xd98: {  	_ = 	snop;
	(pc) =	sbr.rel @p3 .LBB2_635-.Ltmp744, $4  }
.Ltmp745:
0xd99: {  	_ = 	snop;
	(pc) =	sbr.rel @!p3 .LBB2_637-.Ltmp745, $4  }
0xd9a: {  	_ = 	snop  }
0xd9b: {  	_ = 	snop  }
0xd9c: {  	_ = 	snop  }
0xd9d: {  	_ = 	snop  }
.LBB2_606:
0xd9e: {  	s7 =	sld [smem:$0x7E9];
	_ =	sdelay $0x2  }
0xd9f: {  	p3 =	seq.s32 s7, $0x1  }
.Ltmp746:
0xda0: {  	_ = 	snop;
	(pc) =	sbr.rel @p3 .LBB2_609-.Ltmp746, $1  }
0xda1: {  	_ =	sdelay $0x3  }
0xda2: {  	s7 =	sld [smem:$0x7E2];
	_ =	sdelay $0x2  }
0xda3: {  	p3 =	seq.s32 s7, $0x1  }
.Ltmp747:
0xda4: {  	_ = 	snop;
	(pc) =	sbr.rel @p3 .LBB2_631-.Ltmp747, $1  }
0xda5: {  	_ =	sdelay $0x3  }
0xda6: {  	s7 =	sld [smem:$0x7E3];
	_ =	sdelay $0x2  }
0xda7: {  	p3 =	seq.s32 s7, $0x1  }
.Ltmp748:
0xda8: {  	_ = 	snop;
	(pc) =	sbr.rel @p3 .LBB2_636-.Ltmp748, $4  }
.Ltmp749:
0xda9: {  	_ = 	snop;
	(pc) =	sbr.rel @!p3 .LBB2_637-.Ltmp749, $4  }
0xdaa: {  	_ = 	snop  }
0xdab: {  	_ = 	snop  }
0xdac: {  	_ = 	snop  }
0xdad: {  	_ = 	snop  }
.LBB2_612:
0xdae: {  	p3 =	seq.s32 s4, $0x8  }
.Ltmp750:
0xdaf: {  	_ = 	snop;
	(pc) =	sbr.rel @p3 .LBB2_629-.Ltmp750, $1  }
0xdb0: {  	_ =	sdelay $0x3  }
0xdb1: {  	s7 =	sld [smem:$0x7EE];
	_ =	sdelay $0x2  }
0xdb2: {  	p3 =	seq.s32 s7, $0x1  }
.Ltmp751:
0xdb3: {  	_ = 	snop;
	(pc) =	sbr.rel @p3 .LBB2_598-.Ltmp751, $1  }
0xdb4: {  	_ =	sdelay $0x3  }
0xdb5: {  	s7 =	sld [smem:$0x7F5];
	_ =	sdelay $0x2  }
0xdb6: {  	p3 =	seq.s32 s7, $0x1  }
.Ltmp752:
0xdb7: {  	_ = 	snop;
	(pc) =	sbr.rel @p3 .LBB2_635-.Ltmp752, $4  }
.Ltmp753:
0xdb8: {  	_ = 	snop;
	(pc) =	sbr.rel @!p3 .LBB2_637-.Ltmp753, $4  }
0xdb9: {  	_ = 	snop  }
0xdba: {  	_ = 	snop  }
0xdbb: {  	_ = 	snop  }
0xdbc: {  	_ = 	snop  }
.LBB2_629:
.Ltmp754:
0xdbd: {  	s7 =	sshll.u32 s8, $0xF;
	(pc) =	sbr.rel .LBB2_686-.Ltmp754, $4  }
0xdbe: {  	s23 =	simm.s32 $0x1A0;
	s9 =	simm.s32 $0x2C0;
	s7 =	sadd.s32 s2, s7  }
0xdbf: {  	[tilespmem:s29], [sflag:$0x3] =	stream.indirect.gather [hbm4b:s7+s23], $0x10, s9, s23, $0xb8;
	[tilespmem:$0x13D60] =	vst v63  }
0xdc0: {  	s26 =	sadd.s32 s0, s15;
	s28 =	simm.s32 $0xFD60  }
0xdc1: {  	[hbm4b:s26+s3] =	stream.linear.scatter [tilespmem:s28], [sflag:$0x7], $0x2000, $0x38;
	[tilespmem:$0x13D60] =	vst v63  }
.LBB2_621:
0xdc2: {  	s7 =	sld [smem:$0x7F7];
	_ =	sdelay $0x2  }
0xdc3: {  	p3 =	seq.s32 s7, $0x1  }
.Ltmp755:
0xdc4: {  	_ = 	snop;
	(pc) =	sbr.rel @p3 .LBB2_635-.Ltmp755, $1  }
0xdc5: {  	_ =	sdelay $0x3  }
0xdc6: {  	s7 =	sld [smem:$0x7F8];
	_ =	sdelay $0x2  }
0xdc7: {  	p3 =	seq.s32 s7, $0x1  }
.Ltmp756:
0xdc8: {  	_ = 	snop;
	(pc) =	sbr.rel @p3 .LBB2_598-.Ltmp756, $4  }
.Ltmp757:
0xdc9: {  	_ = 	snop;
	(pc) =	sbr.rel @!p3 .LBB2_637-.Ltmp757, $4  }
0xdca: {  	_ = 	snop  }
0xdcb: {  	_ = 	snop  }
0xdcc: {  	_ = 	snop  }
0xdcd: {  	_ = 	snop  }
.LBB2_627:
0xdce: {  	s7 =	sadd.s32 $0xFFFFFFE3, s4  }
0xdcf: {  	p3 =	slt.u32 s7, $0x2  }
.Ltmp758:
0xdd0: {  	_ = 	snop;
	(pc) =	sbr.rel @!p3 .LBB2_637-.Ltmp758, $1  }
0xdd1: {  	_ =	sdelay $0x3  }
.LBB2_631:
0xdd2: {  	s28 =	sld [smem:$0x7EF];
	_ =	sdelay $0x2  }
0xdd3: {  	p3 =	seq.s32 s28, $0x1  }
.Ltmp759:
0xdd4: {  	_ = 	snop;
	(pc) =	sbr.rel @p3 .LBB2_637-.Ltmp759, $4  }
0xdd5: {  	_ = 	snop  }
0xdd6: {  	s7 =	sshll.u32 s8, $0xF  }
0xdd7: {  	s9 =	simm.s32 $0x460;
	s11 =	simm.s32 $0x1C0;
	s7 =	sadd.s32 s2, s7  }
0xdd8: {  	[tilespmem:s29], [sflag:$0x3] =	stream.indirect.gather [hbm4b:s7+s11], $0x10, s9, s11, $0xb8;
	[tilespmem:$0x13D60] =	vst v63  }
0xdd9: {  	s7 =	sld [smem:$0x7E6];
	_ =	sdelay $0x2  }
0xdda: {  	p3 =	seq.s32 s7, $0x1  }
.Ltmp760:
0xddb: {  	_ = 	snop;
	(pc) =	sbr.rel @p3 .LBB2_636-.Ltmp760, $1  }
0xddc: {  	_ =	sdelay $0x3  }
0xddd: {  	s7 =	sld [smem:$0x7E7];
	_ =	sdelay $0x2  }
0xdde: {  	p3 =	seq.s32 s7, $0x1  }
.Ltmp761:
0xddf: {  	_ = 	snop;
	(pc) =	sbr.rel @p3 .LBB2_598-.Ltmp761, $1  }
0xde0: {  	_ =	sdelay $0x3  }
0xde1: {  	s7 =	sld [smem:$0x7E8];
	_ =	sdelay $0x2  }
0xde2: {  	p3 =	seq.s32 s7, $0x1  }
.Ltmp762:
0xde3: {  	_ = 	snop;
	(pc) =	sbr.rel @p3 .LBB2_635-.Ltmp762, $4  }
.Ltmp763:
0xde4: {  	_ = 	snop;
	(pc) =	sbr.rel @!p3 .LBB2_637-.Ltmp763, $4  }
0xde5: {  	_ = 	snop  }
0xde6: {  	_ = 	snop  }
0xde7: {  	_ = 	snop  }
0xde8: {  	_ = 	snop  }
.LBB2_609:
0xde9: {  	s7 =	sld [smem:$0x7EB];
	_ =	sdelay $0x2  }
0xdea: {  	p3 =	seq.s32 s7, $0x1  }
.Ltmp764:
0xdeb: {  	_ = 	snop;
	(pc) =	sbr.rel @p3 .LBB2_635-.Ltmp764, $1  }
0xdec: {  	_ =	sdelay $0x3  }
0xded: {  	s7 =	sld [smem:$0x7F4];
	_ =	sdelay $0x2  }
0xdee: {  	p3 =	seq.s32 s7, $0x1  }
.Ltmp765:
0xdef: {  	_ = 	snop;
	(pc) =	sbr.rel @!p3 .LBB2_637-.Ltmp765, $1  }
0xdf0: {  	_ =	sdelay $0x3  }
.LBB2_598:
0xdf1: {  	s28 =	sld [smem:$0x7FC];
	_ =	sdelay $0x2  }
0xdf2: {  	p3 =	seq.s32 s28, $0x1  }
.Ltmp766:
0xdf3: {  	_ = 	snop;
	(pc) =	sbr.rel @p3 .LBB2_637-.Ltmp766, $4  }
0xdf4: {  	_ = 	snop  }
0xdf5: {  	s7 =	sshll.u32 s8, $0xF  }
0xdf6: {  	s9 =	simm.s32 $0x220;
	s11 =	simm.s32 $0x620;
	s7 =	sadd.s32 s2, s7  }
0xdf7: {  	[tilespmem:s29], [sflag:$0x3] =	stream.indirect.gather [hbm4b:s7+s9], $0x10, s11, s9, $0xb8;
	[tilespmem:$0x13D60] =	vst v63  }
0xdf8: {  	s7 =	sand.u32 $0x181800, s21  }
0xdf9: {  	p3 =	sne.s32 s7, $0x0  }
.Ltmp767:
0xdfa: {  	_ = 	snop;
	(pc) =	sbr.rel @p3 .LBB2_636-.Ltmp767, $1  }
0xdfb: {  	_ =	sdelay $0x3  }
0xdfc: {  	s7 =	sand.u32 $0x200400, s21  }
0xdfd: {  	p3 =	sne.s32 s7, $0x0  }
.Ltmp768:
0xdfe: {  	_ = 	snop;
	(pc) =	sbr.rel @!p3 .LBB2_637-.Ltmp768, $1  }
0xdff: {  	_ =	sdelay $0x3  }
.LBB2_635:
0xe00: {  	s7 =	sshll.u32 s8, $0xF  }
0xe01: {  	s9 =	simm.s32 $0x260;
	s11 =	simm.s32 $0x840;
	s7 =	sadd.s32 s2, s7  }
0xe02: {  	[tilespmem:s29], [sflag:$0x3] =	stream.indirect.gather [hbm4b:s7+s9], $0x10, s11, s9, $0xb8;
	[tilespmem:$0x13D60] =	vst v63  }
0xe03: {  	s7 =	simm.s32 @!p0 $0x1  }
0xe04: {  	s7 =	sshll.u32 @!p0 s7, s4  }
0xe05: {  	s7 =	sand.u32 @!p0 $0x181800, s7  }
0xe06: {  	p3 =	sne.s32 @!p0 s7, $0x0  }
0xe07: {  	p3 =	por p0, !p3  }
.Ltmp769:
0xe08: {  	_ = 	snop;
	(pc) =	sbr.rel @p3 .LBB2_637-.Ltmp769, $1  }
0xe09: {  	_ =	sdelay $0x3  }
.LBB2_636:
0xe0a: {  	s7 =	sshll.u32 s8, $0xF  }
0xe0b: {  	s28 =	simm.s32 $0x280;
	s9 =	simm.s32 $0xAA0;
	s7 =	sadd.s32 s2, s7  }
0xe0c: {  	[tilespmem:s29], [sflag:$0x3] =	stream.indirect.gather [hbm4b:s7+s28], $0x10, s9, s28, $0xb8;
	[tilespmem:$0x13D60] =	vst v63  }
.LBB2_637:
.Ltmp770:
0xe0d: {  	(pc) =	sbr.rel @p6 .LBB2_647-.Ltmp770, $3  }
0xe0e: {  	_ =	sdelay $0x1  }
0xe0f: {  	s7 =	sadd.s32 s0, s15;
	s8 =	simm.s32 $0xFD60  }
0xe10: {  	[hbm4b:s7+s3] =	stream.linear.scatter [tilespmem:s8], [sflag:$0x7], $0x2000, $0x38;
	[tilespmem:$0x13D60] =	vst v63  }
.Ltmp771:
0xe11: {  	(pc) =	sbr.rel @p1 .LBB2_644-.Ltmp771, $1  }
0xe12: {  	_ =	sdelay $0x3  }
0xe13: {  	s7 =	sld [smem:$0x7E9];
	_ =	sdelay $0x2  }
0xe14: {  	p3 =	seq.s32 s7, $0x1  }
.Ltmp772:
0xe15: {  	_ = 	snop;
	(pc) =	sbr.rel @p3 .LBB2_642-.Ltmp772, $1  }
0xe16: {  	_ =	sdelay $0x3  }
0xe17: {  	s7 =	sld [smem:$0x7E2];
	_ =	sdelay $0x2  }
0xe18: {  	p3 =	seq.s32 s7, $0x1  }
.Ltmp773:
0xe19: {  	_ = 	snop;
	(pc) =	sbr.rel @p3 .LBB2_688-.Ltmp773, $1  }
0xe1a: {  	_ =	sdelay $0x3  }
0xe1b: {  	s7 =	sld [smem:$0x7E3];
	_ =	sdelay $0x2  }
0xe1c: {  	p3 =	seq.s32 s7, $0x1  }
.Ltmp774:
0xe1d: {  	_ = 	snop;
	(pc) =	sbr.rel @p3 .LBB2_693-.Ltmp774, $4  }
.Ltmp775:
0xe1e: {  	_ = 	snop;
	(pc) =	sbr.rel @!p3 .LBB2_660-.Ltmp775, $4  }
0xe1f: {  	_ = 	snop  }
0xe20: {  	_ = 	snop  }
0xe21: {  	_ = 	snop  }
0xe22: {  	_ = 	snop  }
.LBB2_647:
.Ltmp776:
0xe23: {  	(pc) =	sbr.rel @p5 .LBB2_652-.Ltmp776, $1  }
0xe24: {  	_ =	sdelay $0x3  }
0xe25: {  	s7 =	sld [smem:$0x7FD];
	_ =	sdelay $0x2  }
0xe26: {  	p3 =	seq.s32 s7, $0x1  }
.Ltmp777:
0xe27: {  	_ = 	snop;
	(pc) =	sbr.rel @p3 .LBB2_650-.Ltmp777, $1  }
0xe28: {  	_ =	sdelay $0x3  }
0xe29: {  	s7 =	sadd.s32 $0xFFFFFFEF, s4  }
0xe2a: {  	p3 =	slt.u32 s7, $0x2  }
.Ltmp778:
0xe2b: {  	_ = 	snop;
	(pc) =	sbr.rel @p3 .LBB2_688-.Ltmp778, $4  }
.Ltmp779:
0xe2c: {  	_ = 	snop;
	(pc) =	sbr.rel @!p3 .LBB2_693-.Ltmp779, $4  }
0xe2d: {  	_ = 	snop  }
0xe2e: {  	_ = 	snop  }
0xe2f: {  	_ = 	snop  }
0xe30: {  	_ = 	snop  }
.LBB2_644:
0xe31: {  	s7 =	sld [smem:$0x7ED];
	_ =	sdelay $0x2  }
0xe32: {  	p3 =	seq.s32 s7, $0x1  }
.Ltmp780:
0xe33: {  	_ = 	snop;
	(pc) =	sbr.rel @p3 .LBB2_687-.Ltmp780, $1  }
0xe34: {  	_ =	sdelay $0x3  }
0xe35: {  	s7 =	sld [smem:$0x7E4];
	_ =	sdelay $0x2  }
0xe36: {  	p3 =	seq.s32 s7, $0x1  }
.Ltmp781:
0xe37: {  	_ = 	snop;
	(pc) =	sbr.rel @p3 .LBB2_693-.Ltmp781, $1  }
0xe38: {  	_ =	sdelay $0x3  }
0xe39: {  	s7 =	sld [smem:$0x7EE];
	_ =	sdelay $0x2  }
0xe3a: {  	p3 =	seq.s32 s7, $0x1  }
.Ltmp782:
0xe3b: {  	_ = 	snop;
	(pc) =	sbr.rel @p3 .LBB2_655-.Ltmp782, $4  }
.Ltmp783:
0xe3c: {  	_ = 	snop;
	(pc) =	sbr.rel @!p3 .LBB2_692-.Ltmp783, $4  }
0xe3d: {  	_ = 	snop  }
0xe3e: {  	_ = 	snop  }
0xe3f: {  	_ = 	snop  }
0xe40: {  	_ = 	snop  }
.LBB2_652:
0xe41: {  	p3 =	sgt.s32 s4, $0x1C  }
.Ltmp784:
0xe42: {  	_ = 	snop;
	(pc) =	sbr.rel @p3 .LBB2_658-.Ltmp784, $1  }
0xe43: {  	_ =	sdelay $0x3  }
0xe44: {  	s7 =	sadd.s32 $0xFFFFFFE5, s4  }
0xe45: {  	p3 =	slt.u32 s7, $0x2  }
.Ltmp785:
0xe46: {  	_ = 	snop;
	(pc) =	sbr.rel @p3 .LBB2_693-.Ltmp785, $1  }
0xe47: {  	_ =	sdelay $0x3  }
0xe48: {  	s7 =	sld [smem:$0x7FA];
	_ =	sdelay $0x2  }
0xe49: {  	p3 =	seq.s32 s7, $0x1  }
.Ltmp786:
0xe4a: {  	_ = 	snop;
	(pc) =	sbr.rel @!p3 .LBB2_692-.Ltmp786, $4  }
.Ltmp787:
0xe4b: {  	_ = 	snop;
	(pc) =	sbr.rel @p3 .LBB2_655-.Ltmp787, $4  }
0xe4c: {  	_ = 	snop  }
0xe4d: {  	_ = 	snop  }
0xe4e: {  	_ = 	snop  }
0xe4f: {  	_ = 	snop  }
.LBB2_642:
0xe50: {  	s7 =	sld [smem:$0x7EA];
	_ =	sdelay $0x2  }
0xe51: {  	p3 =	seq.s32 s7, $0x1  }
.Ltmp788:
0xe52: {  	_ = 	snop;
	(pc) =	sbr.rel @p3 .LBB2_685-.Ltmp788, $1  }
0xe53: {  	_ =	sdelay $0x3  }
0xe54: {  	s7 =	sld [smem:$0x7EB];
	_ =	sdelay $0x2  }
0xe55: {  	p3 =	seq.s32 s7, $0x1  }
.Ltmp789:
0xe56: {  	_ = 	snop;
	(pc) =	sbr.rel @p3 .LBB2_692-.Ltmp789, $4  }
.Ltmp790:
0xe57: {  	_ = 	snop;
	(pc) =	sbr.rel @!p3 .LBB2_655-.Ltmp790, $4  }
0xe58: {  	_ = 	snop  }
0xe59: {  	_ = 	snop  }
0xe5a: {  	_ = 	snop  }
0xe5b: {  	_ = 	snop  }
.LBB2_650:
0xe5c: {  	s7 =	sadd.s32 $0xFFFFFFE9, s4  }
0xe5d: {  	p3 =	slt.u32 s7, $0x2  }
.Ltmp791:
0xe5e: {  	_ = 	snop;
	(pc) =	sbr.rel @p3 .LBB2_659-.Ltmp791, $1  }
0xe5f: {  	_ =	sdelay $0x3  }
0xe60: {  	s7 =	sld [smem:$0x7F7];
	_ =	sdelay $0x2  }
0xe61: {  	p3 =	seq.s32 s7, $0x1  }
.Ltmp792:
0xe62: {  	_ = 	snop;
	(pc) =	sbr.rel @p3 .LBB2_692-.Ltmp792, $4  }
.Ltmp793:
0xe63: {  	_ = 	snop;
	(pc) =	sbr.rel @!p3 .LBB2_655-.Ltmp793, $4  }
0xe64: {  	_ = 	snop  }
0xe65: {  	_ = 	snop  }
0xe66: {  	_ = 	snop  }
0xe67: {  	_ = 	snop  }
.LBB2_687:
0xe68: {  	s7 =	sld [smem:$0x7E5];
	_ =	sdelay $0x2  }
0xe69: {  	p3 =	seq.s32 s7, $0x1  }
.Ltmp794:
0xe6a: {  	_ = 	snop;
	(pc) =	sbr.rel @!p3 .LBB2_660-.Ltmp794, $4  }
.Ltmp795:
0xe6b: {  	_ = 	snop;
	(pc) =	sbr.rel @p3 .LBB2_688-.Ltmp795, $4  }
0xe6c: {  	_ = 	snop  }
0xe6d: {  	_ = 	snop  }
0xe6e: {  	_ = 	snop  }
0xe6f: {  	_ = 	snop  }
.LBB2_658:
0xe70: {  	s7 =	sadd.s32 $0xFFFFFFE3, s4  }
0xe71: {  	p3 =	slt.u32 s7, $0x2  }
.Ltmp796:
0xe72: {  	_ = 	snop;
	(pc) =	sbr.rel @p3 .LBB2_688-.Ltmp796, $4  }
.Ltmp797:
0xe73: {  	_ = 	snop;
	(pc) =	sbr.rel @!p3 .LBB2_660-.Ltmp797, $4  }
0xe74: {  	_ = 	snop  }
0xe75: {  	_ = 	snop  }
0xe76: {  	_ = 	snop  }
0xe77: {  	_ = 	snop  }
.LBB2_685:
0xe78: {  	s7 =	sld [smem:$0x7EC];
	_ =	sdelay $0x2  }
0xe79: {  	p3 =	seq.s32 s7, $0x1  }
.Ltmp798:
0xe7a: {  	_ = 	snop;
	(pc) =	sbr.rel @!p3 .LBB2_686-.Ltmp798, $1  }
0xe7b: {  	_ =	sdelay $0x3  }
.LBB2_659:
0xe7c: {  	_ =	swait.ge [sflag:s20], $0x1400  }
0xe7d: {  	s7 =	rddreg [dreg:$0x4]  }
0xe7e: {  	p3 =	sgt.u32 s7, $0x1  }
.Ltmp799:
0xe7f: {  	_ = 	snop;
	(pc) =	sbr.rel @p3 .LBB2_661-.Ltmp799, $3  }
0xe80: {  	_ =	sdelay $0x1  }
0xe81: {  	[sflag:s20] =	ssyncset.done $0x0  }
0xe82: {  	[sflag:s20] =	ssyncadd.s32 $0xFFFFEC00  }
.LBB2_660:
0xe83: {  	_ =	swait.ge [sflag:s20], $0x1800  }
0xe84: {  	[sflag:s20] =	ssyncset.done $0x0  }
0xe85: {  	[sflag:s20] =	ssyncadd.s32 $0xFFFFE800  }
.LBB2_661:
.Ltmp800:
0xe86: {  	(pc) =	sbr.rel @p6 .LBB2_674-.Ltmp800, $1  }
0xe87: {  	_ =	sdelay $0x3  }
0xe88: {  	p3 =	sgt.s32 s4, $0x7  }
.Ltmp801:
0xe89: {  	_ = 	snop;
	(pc) =	sbr.rel @!p3 .LBB2_663-.Ltmp801, $1  }
0xe8a: {  	_ =	sdelay $0x3  }
0xe8b: {  	p3 =	sgt.s32 s4, $0xA  }
.Ltmp802:
0xe8c: {  	_ = 	snop;
	(pc) =	sbr.rel @!p3 .LBB2_669-.Ltmp802, $1  }
0xe8d: {  	_ =	sdelay $0x3  }
0xe8e: {  	s7 =	sld [smem:$0x7E4];
	_ =	sdelay $0x2  }
0xe8f: {  	p3 =	seq.s32 s7, $0x1  }
.Ltmp803:
0xe90: {  	_ = 	snop;
	(pc) =	sbr.rel @p3 .LBB2_693-.Ltmp803, $1  }
0xe91: {  	_ =	sdelay $0x3  }
0xe92: {  	s7 =	sld [smem:$0x7E5];
	_ =	sdelay $0x2  }
0xe93: {  	p3 =	seq.s32 s7, $0x1  }
.Ltmp804:
0xe94: {  	_ = 	snop;
	(pc) =	sbr.rel @p3 .LBB2_688-.Ltmp804, $4  }
.Ltmp805:
0xe95: {  	_ = 	snop;
	(pc) =	sbr.rel @!p3 .LBB2_694-.Ltmp805, $4  }
0xe96: {  	_ = 	snop  }
0xe97: {  	_ = 	snop  }
0xe98: {  	_ = 	snop  }
0xe99: {  	_ = 	snop  }
.LBB2_674:
.Ltmp806:
0xe9a: {  	(pc) =	sbr.rel @p5 .LBB2_680-.Ltmp806, $1  }
0xe9b: {  	_ =	sdelay $0x3  }
0xe9c: {  	s7 =	sld [smem:$0x7FD];
	_ =	sdelay $0x2  }
0xe9d: {  	p3 =	seq.s32 s7, $0x1  }
.Ltmp807:
0xe9e: {  	_ = 	snop;
	(pc) =	sbr.rel @p3 .LBB2_678-.Ltmp807, $1  }
0xe9f: {  	_ =	sdelay $0x3  }
0xea0: {  	s7 =	sadd.s32 $0xFFFFFFEF, s4  }
0xea1: {  	p3 =	slt.u32 s7, $0x2  }
.Ltmp808:
0xea2: {  	_ = 	snop;
	(pc) =	sbr.rel @p3 .LBB2_688-.Ltmp808, $1  }
0xea3: {  	_ =	sdelay $0x3  }
0xea4: {  	s7 =	sadd.s32 $0xFFFFFFED, s4  }
0xea5: {  	p3 =	slt.u32 s7, $0x2  }
.Ltmp809:
0xea6: {  	_ = 	snop;
	(pc) =	sbr.rel @p3 .LBB2_693-.Ltmp809, $4  }
.Ltmp810:
0xea7: {  	_ = 	snop;
	(pc) =	sbr.rel @!p3 .LBB2_694-.Ltmp810, $4  }
0xea8: {  	_ = 	snop  }
0xea9: {  	_ = 	snop  }
0xeaa: {  	_ = 	snop  }
0xeab: {  	_ = 	snop  }
.LBB2_680:
0xeac: {  	p3 =	sgt.s32 s4, $0x1C  }
.Ltmp811:
0xead: {  	_ = 	snop;
	(pc) =	sbr.rel @p3 .LBB2_684-.Ltmp811, $1  }
0xeae: {  	_ =	sdelay $0x3  }
0xeaf: {  	s7 =	sadd.s32 $0xFFFFFFE5, s4  }
0xeb0: {  	p3 =	slt.u32 s7, $0x2  }
.Ltmp812:
0xeb1: {  	_ = 	snop;
	(pc) =	sbr.rel @p3 .LBB2_693-.Ltmp812, $1  }
0xeb2: {  	_ =	sdelay $0x3  }
0xeb3: {  	s7 =	sld [smem:$0x7FA];
	_ =	sdelay $0x2  }
0xeb4: {  	p3 =	seq.s32 s7, $0x1  }
.Ltmp813:
0xeb5: {  	_ = 	snop;
	(pc) =	sbr.rel @p3 .LBB2_655-.Ltmp813, $1  }
0xeb6: {  	_ =	sdelay $0x3  }
0xeb7: {  	s7 =	sld [smem:$0x7FB];
	_ =	sdelay $0x2  }
0xeb8: {  	p3 =	seq.s32 s7, $0x1  }
.Ltmp814:
0xeb9: {  	_ = 	snop;
	(pc) =	sbr.rel @p3 .LBB2_692-.Ltmp814, $4  }
.Ltmp815:
0xeba: {  	_ = 	snop;
	(pc) =	sbr.rel @!p3 .LBB2_694-.Ltmp815, $4  }
0xebb: {  	_ = 	snop  }
0xebc: {  	_ = 	snop  }
0xebd: {  	_ = 	snop  }
0xebe: {  	_ = 	snop  }
.LBB2_663:
0xebf: {  	s7 =	sld [smem:$0x7E9];
	_ =	sdelay $0x2  }
0xec0: {  	p3 =	seq.s32 s7, $0x1  }
.Ltmp816:
0xec1: {  	_ = 	snop;
	(pc) =	sbr.rel @p3 .LBB2_666-.Ltmp816, $1  }
0xec2: {  	_ =	sdelay $0x3  }
0xec3: {  	s7 =	sld [smem:$0x7E2];
	_ =	sdelay $0x2  }
0xec4: {  	p3 =	seq.s32 s7, $0x1  }
.Ltmp817:
0xec5: {  	_ = 	snop;
	(pc) =	sbr.rel @p3 .LBB2_688-.Ltmp817, $1  }
0xec6: {  	_ =	sdelay $0x3  }
0xec7: {  	s7 =	sld [smem:$0x7E3];
	_ =	sdelay $0x2  }
0xec8: {  	p3 =	seq.s32 s7, $0x1  }
.Ltmp818:
0xec9: {  	_ = 	snop;
	(pc) =	sbr.rel @p3 .LBB2_693-.Ltmp818, $4  }
.Ltmp819:
0xeca: {  	_ = 	snop;
	(pc) =	sbr.rel @!p3 .LBB2_694-.Ltmp819, $4  }
0xecb: {  	_ = 	snop  }
0xecc: {  	_ = 	snop  }
0xecd: {  	_ = 	snop  }
0xece: {  	_ = 	snop  }
.LBB2_669:
0xecf: {  	p3 =	seq.s32 s4, $0x8  }
.Ltmp820:
0xed0: {  	_ = 	snop;
	(pc) =	sbr.rel @p3 .LBB2_686-.Ltmp820, $1  }
0xed1: {  	_ =	sdelay $0x3  }
0xed2: {  	s7 =	sld [smem:$0x7EE];
	_ =	sdelay $0x2  }
0xed3: {  	p3 =	seq.s32 s7, $0x1  }
.Ltmp821:
0xed4: {  	_ = 	snop;
	(pc) =	sbr.rel @p3 .LBB2_655-.Ltmp821, $1  }
0xed5: {  	_ =	sdelay $0x3  }
0xed6: {  	s7 =	sld [smem:$0x7F5];
	_ =	sdelay $0x2  }
0xed7: {  	p3 =	seq.s32 s7, $0x1  }
.Ltmp822:
0xed8: {  	_ = 	snop;
	(pc) =	sbr.rel @p3 .LBB2_692-.Ltmp822, $4  }
.Ltmp823:
0xed9: {  	_ = 	snop;
	(pc) =	sbr.rel @!p3 .LBB2_694-.Ltmp823, $4  }
0xeda: {  	_ = 	snop  }
0xedb: {  	_ = 	snop  }
0xedc: {  	_ = 	snop  }
0xedd: {  	_ = 	snop  }
.LBB2_686:
.Ltmp824:
0xede: {  	(pc) =	sbr.rel .LBB2_694-.Ltmp824, $4  }
0xedf: {  	_ = 	snop  }
0xee0: {  	_ =	swait.ge [sflag:s20], $0x1A00  }
0xee1: {  	[sflag:s20] =	ssyncset.done $0x0  }
0xee2: {  	[sflag:s20] =	ssyncadd.s32 $0xFFFFE600  }
.LBB2_678:
0xee3: {  	s7 =	sld [smem:$0x7F7];
	_ =	sdelay $0x2  }
0xee4: {  	p3 =	seq.s32 s7, $0x1  }
.Ltmp825:
0xee5: {  	_ = 	snop;
	(pc) =	sbr.rel @p3 .LBB2_692-.Ltmp825, $1  }
0xee6: {  	_ =	sdelay $0x3  }
0xee7: {  	s7 =	sld [smem:$0x7F8];
	_ =	sdelay $0x2  }
0xee8: {  	p3 =	seq.s32 s7, $0x1  }
.Ltmp826:
0xee9: {  	_ = 	snop;
	(pc) =	sbr.rel @p3 .LBB2_655-.Ltmp826, $4  }
.Ltmp827:
0xeea: {  	_ = 	snop;
	(pc) =	sbr.rel @!p3 .LBB2_694-.Ltmp827, $4  }
0xeeb: {  	_ = 	snop  }
0xeec: {  	_ = 	snop  }
0xeed: {  	_ = 	snop  }
0xeee: {  	_ = 	snop  }
.LBB2_684:
0xeef: {  	s7 =	sadd.s32 $0xFFFFFFE3, s4  }
0xef0: {  	p3 =	slt.u32 s7, $0x2  }
.Ltmp828:
0xef1: {  	_ = 	snop;
	(pc) =	sbr.rel @!p3 .LBB2_694-.Ltmp828, $1  }
0xef2: {  	_ =	sdelay $0x3  }
.LBB2_688:
0xef3: {  	_ =	swait.ge [sflag:s20], $0x1C00  }
0xef4: {  	s7 =	sld [smem:$0x7EF];
	_ =	sdelay $0x2  }
0xef5: {  	p3 =	seq.s32 s7, $0x1  }
.Ltmp829:
0xef6: {  	_ = 	snop;
	(pc) =	sbr.rel @p3 .LBB2_694-.Ltmp829, $3  }
0xef7: {  	_ =	sdelay $0x1  }
0xef8: {  	[sflag:s20] =	ssyncset.done $0x0  }
0xef9: {  	[sflag:s20] =	ssyncadd.s32 $0xFFFFE400  }
0xefa: {  	s7 =	sld [smem:$0x7E6];
	_ =	sdelay $0x2  }
0xefb: {  	p3 =	seq.s32 s7, $0x1  }
.Ltmp830:
0xefc: {  	_ = 	snop;
	(pc) =	sbr.rel @p3 .LBB2_693-.Ltmp830, $1  }
0xefd: {  	_ =	sdelay $0x3  }
0xefe: {  	s7 =	sld [smem:$0x7E7];
	_ =	sdelay $0x2  }
0xeff: {  	p3 =	seq.s32 s7, $0x1  }
.Ltmp831:
0xf00: {  	_ = 	snop;
	(pc) =	sbr.rel @p3 .LBB2_655-.Ltmp831, $1  }
0xf01: {  	_ =	sdelay $0x3  }
0xf02: {  	s7 =	sld [smem:$0x7E8];
	_ =	sdelay $0x2  }
0xf03: {  	p3 =	seq.s32 s7, $0x1  }
.Ltmp832:
0xf04: {  	_ = 	snop;
	(pc) =	sbr.rel @p3 .LBB2_692-.Ltmp832, $4  }
.Ltmp833:
0xf05: {  	_ = 	snop;
	(pc) =	sbr.rel @!p3 .LBB2_694-.Ltmp833, $4  }
0xf06: {  	_ = 	snop  }
0xf07: {  	_ = 	snop  }
0xf08: {  	_ = 	snop  }
0xf09: {  	_ = 	snop  }
.LBB2_666:
0xf0a: {  	s7 =	sld [smem:$0x7EB];
	_ =	sdelay $0x2  }
0xf0b: {  	p3 =	seq.s32 s7, $0x1  }
.Ltmp834:
0xf0c: {  	_ = 	snop;
	(pc) =	sbr.rel @p3 .LBB2_692-.Ltmp834, $1  }
0xf0d: {  	_ =	sdelay $0x3  }
0xf0e: {  	s7 =	sld [smem:$0x7F4];
	_ =	sdelay $0x2  }
0xf0f: {  	p3 =	seq.s32 s7, $0x1  }
.Ltmp835:
0xf10: {  	_ = 	snop;
	(pc) =	sbr.rel @!p3 .LBB2_694-.Ltmp835, $1  }
0xf11: {  	_ =	sdelay $0x3  }
.LBB2_655:
0xf12: {  	_ =	swait.ge [sflag:s20], $0x2200  }
0xf13: {  	s7 =	sld [smem:$0x7FC];
	_ =	sdelay $0x2  }
0xf14: {  	p3 =	seq.s32 s7, $0x1  }
.Ltmp836:
0xf15: {  	_ = 	snop;
	(pc) =	sbr.rel @p3 .LBB2_694-.Ltmp836, $3  }
0xf16: {  	_ =	sdelay $0x1  }
0xf17: {  	[sflag:s20] =	ssyncset.done $0x0  }
0xf18: {  	[sflag:s20] =	ssyncadd.s32 $0xFFFFDE00  }
0xf19: {  	s7 =	sand.u32 $0x181800, s21  }
0xf1a: {  	p3 =	sne.s32 s7, $0x0  }
.Ltmp837:
0xf1b: {  	_ = 	snop;
	(pc) =	sbr.rel @p3 .LBB2_693-.Ltmp837, $1  }
0xf1c: {  	_ =	sdelay $0x3  }
0xf1d: {  	s7 =	sand.u32 $0x200400, s21  }
0xf1e: {  	p3 =	sne.s32 s7, $0x0  }
.Ltmp838:
0xf1f: {  	_ = 	snop;
	(pc) =	sbr.rel @!p3 .LBB2_694-.Ltmp838, $1  }
0xf20: {  	_ =	sdelay $0x3  }
.LBB2_692:
0xf21: {  	s7 =	simm.s32 @!p0 $0x1  }
0xf22: {  	s7 =	sshll.u32 @!p0 s7, s4  }
0xf23: {  	s7 =	sand.u32 @!p0 $0x181800, s7  }
0xf24: {  	p3 =	sne.s32 @!p0 s7, $0x0  }
0xf25: {  	p3 =	por p0, !p3  }
.Ltmp839:
0xf26: {  	_ = 	snop;
	(pc) =	sbr.rel @p3 .LBB2_694-.Ltmp839, $4  }
0xf27: {  	_ = 	snop  }
0xf28: {  	_ =	swait.ge [sflag:s20], $0x2600  }
0xf29: {  	[sflag:s20] =	ssyncset.done $0x0  }
0xf2a: {  	[sflag:s20] =	ssyncadd.s32 $0xFFFFDA00  }
.LBB2_693:
0xf2b: {  	_ =	swait.ge [sflag:s20], $0x2800  }
0xf2c: {  	[sflag:s20] =	ssyncset.done $0x0  }
0xf2d: {  	[sflag:s20] =	ssyncadd.s32 $0xFFFFD800  }
.LBB2_694:
0xf2e: {  	s7 =	simm.s32 @!p4 $0x8  }
0xf2f: {  	_ =	swait.ge @!p4 [sflag:s7], $0x2000  }
0xf30: {  	[sflag:s7] =	ssyncset.done @!p4 $0x0  }
0xf31: {  	s26 =	simm.s32 $0xD60;
	[sflag:s7] =	ssyncadd.s32 @!p4 $0xFFFFE000  }
0xf32: {  	v1 =	vld [tilespmem:s26+$0xFFFFFFF0]  }
0xf33: {  	v2 =	vld [tilespmem:s26+$0x30]  }
0xf34: {  	v3 =	vld [tilespmem:s26+$0xFFFFFFC0]  }
0xf35: {  	v4 =	vld [tilespmem:s26+$0x20]  }
0xf36: {  	v5 =	vld [tilespmem:s26+$0xFFFFFFE0]  }
0xf37: {  	v6 =	vld [tilespmem:s26+$0x10]  }
0xf38: {  	v7 =	vld [tilespmem:s26+$0x0]  }
0xf39: {  	s9 =	simm.s32 $0x0;
	s11 =	simm.s32 $0x30;
	v8 =	vld [tilespmem:s26+$0xFFFFFFD0]  }
0xf3a: {  	s8 =	simm.s32 $0x0;
	s22 =	simm.s32 $0x100;
	s28 =	simm.s32 $0x10;
	v9 =	vld.idx.msk [tilespmem:v1+s30+$0x0], $0xffff  }
0xf3b: {  	s13 =	simm.s32 $0x50;
	s19 =	simm.s32 $0x60;
	s12 =	simm.s32 $0x20;
	v10 =	vld.idx.msk [tilespmem:v2+s30+$0x0], $0xffff  }
0xf3c: {  	s9 =	sand.u32 $0x1E00, s9;
	s23 =	sand.u32 $0x90, s28;
	s28 =	simm.s32 $0x70;
	v11 =	vld.idx.msk [tilespmem:v3+s30+$0x0], $0xffff  }
0xf3d: {  	s17 =	sadd.s32 $0x11D60, s9;
	s7 =	sand.u32 $0xB0, s11;
	s26 =	sand.u32 $0xA0, s12;
	v2 =	vld.idx.msk [tilespmem:v4+s30+$0x0], $0xffff  }
0xf3e: {  	s7 =	sadd.s32 s7, s17;
	s12 =	sadd.s32 s26, s17;
	s26 =	sand.u32 $0xF0, s28;
	v1 =	vld.idx.msk [tilespmem:v5+s30+$0x0], $0xffff  }
0xf3f: {  	s13 =	sand.u32 $0xD0, s13;
	s28 =	sand.u32 $0x80, s8;
	s26 =	sadd.s32 s26, s17;
	v3 =	vld.idx.msk [tilespmem:v6+s30+$0x0], $0xffff;
	[tilespmem:s7+$0x0] =	vst v9  }
0xf40: {  	s9 =	sadd.s32 s13, s17;
	s11 =	sor.u32 s28, s17;
	s28 =	sand.u32 $0xE0, s19;
	v4 =	vld.idx.msk [tilespmem:v7+s30+$0x0], $0xffff;
	[tilespmem:s26+$0x0] =	vst v10  }
0xf41: {  	s19 =	simm.s32 $0xDE0;
	v5 =	vld.idx.msk [tilespmem:v8+s30+$0x0], $0xffff;
	[tilespmem:s11+$0x0] =	vst v11;
	s11 =	simm.s32 $0x40;
	s7 =	sadd.s32 s28, s17  }
.LBB2_695:
0xf42: {  	s13 =	sadd.s32 $0xB0, s8;
	s26 =	sand.u32 $0xC0, s11  }
0xf43: {  	v6 =	vld [tilespmem:s19+$0xFFFFFFF0];
	[tilespmem:s7+$0x0] =	vst v2;
	s11 =	smov.u32 s8;
	s8 =	sadd.s32 $0x80, s8;
	s7 =	smov.u32 s22  }
0xf44: {  	s13 =	sand.u32 $0xB0, s13;
	v2 =	vld [tilespmem:s19+$0x30];
	p3 =	slt.u32 s8, $0xF80;
	[tilespmem:s12+$0x0] =	vst v1;
	s12 =	sadd.s32 s26, s17  }
0xf45: {  	s17 =	sor.u32 s23, s17;
	v1 =	vld [tilespmem:s19+$0xFFFFFFC0];
	[tilespmem:s9+$0x0] =	vst v3  }
0xf46: {  	v3 =	vld [tilespmem:s19+$0x20];
	[tilespmem:s12+$0x0] =	vst v4  }
0xf47: {  	v4 =	vld [tilespmem:s19+$0xFFFFFFE0];
	[tilespmem:s17+$0x0] =	vst v5  }
0xf48: {  	v5 =	vld [tilespmem:s19+$0x10]  }
0xf49: {  	v7 =	vld [tilespmem:s19+$0x0]  }
0xf4a: {  	v8 =	vld [tilespmem:s19+$0xFFFFFFD0]  }
0xf4b: {  	v6 =	vld.idx.msk [tilespmem:v6+s30+$0x0], $0xffff  }
0xf4c: {  	s22 =	sadd.s32 $0x100, s22;
	s26 =	sadd.s32 $0xD0, s11;
	v9 =	vld.idx.msk [tilespmem:v2+s30+$0x0], $0xffff  }
0xf4d: {  	s28 =	sadd.s32 $0xE0, s11;
	s7 =	sand.u32 $0x1E00, s7;
	s9 =	sadd.s32 $0x90, s11;
	v10 =	vld.idx.msk [tilespmem:v1+s30+$0x0], $0xffff  }
0xf4e: {  	s23 =	sand.u32 $0x90, s9;
	s9 =	sadd.s32 $0xA0, s11;
	s17 =	sadd.s32 $0x11D60, s7;
	v2 =	vld.idx.msk [tilespmem:v3+s30+$0x0], $0xffff  }
.Ltmp840:
0xf4f: {  	s7 =	sand.u32 $0xA0, s9;
	s9 =	sadd.s32 $0xF0, s11;
	v1 =	vld.idx.msk [tilespmem:v4+s30+$0x0], $0xffff;
	(pc) =	sbr.rel @p3 .LBB2_695-.Ltmp840, $4  }
0xf50: {  	s12 =	sadd.s32 s7, s17;
	s7 =	sadd.s32 s13, s17;
	s9 =	sand.u32 $0xF0, s9;
	v3 =	vld.idx.msk [tilespmem:v5+s30+$0x0], $0xffff  }
0xf51: {  	s13 =	sand.u32 $0x80, s8;
	[tilespmem:s7+$0x0] =	vst v6;
	v4 =	vld.idx.msk [tilespmem:v7+s30+$0x0], $0xffff;
	s7 =	sand.u32 $0xD0, s26;
	s26 =	sadd.s32 s9, s17  }
0xf52: {  	s13 =	sor.u32 s13, s17;
	v5 =	vld.idx.msk [tilespmem:v8+s30+$0x0], $0xffff;
	s9 =	sadd.s32 s7, s17;
	s7 =	sand.u32 $0xE0, s28;
	[tilespmem:s26+$0x0] =	vst v9  }
0xf53: {  	s11 =	sadd.s32 $0xC0, s11;
	s19 =	sadd.s32 $0x80, s19;
	[tilespmem:s13+$0x0] =	vst v10;
	s7 =	sadd.s32 s7, s17  }
.Ltmp841:
0xf54: {  	[tilespmem:s7+$0x0] =	vst v2;
	(pc) =	sbr.rel @p2 .LBB2_754-.Ltmp841, $4  }
0xf55: {  	s28 =	sand.u32 $0xC0, s11;
	[tilespmem:s12+$0x0] =	vst v1  }
0xf56: {  	s7 =	sadd.s32 s28, s17;
	[tilespmem:s9+$0x0] =	vst v3  }
0xf57: {  	s8 =	sor.u32 s23, s17;
	[tilespmem:s7+$0x0] =	vst v4  }
0xf58: {  	[tilespmem:s8+$0x0] =	vst v5  }
.Ltmp842:
0xf59: {  	(pc) =	sbr.rel @p6 .LBB2_707-.Ltmp842, $2  }
0xf5a: {  	_ =	sdelay $0x2  }
0xf5b: {  	s1 =	sadd.s32 $0x7, s1  }
.Ltmp843:
0xf5c: {  	(pc) =	sbr.rel @p1 .LBB2_704-.Ltmp843, $1  }
0xf5d: {  	_ =	sdelay $0x3  }
0xf5e: {  	s7 =	sld [smem:$0x7E9];
	_ =	sdelay $0x2  }
0xf5f: {  	p2 =	seq.s32 s7, $0x1  }
.Ltmp844:
0xf60: {  	_ = 	snop;
	(pc) =	sbr.rel @p2 .LBB2_702-.Ltmp844, $1  }
0xf61: {  	_ =	sdelay $0x3  }
0xf62: {  	s7 =	sld [smem:$0x7E2];
	_ =	sdelay $0x2  }
0xf63: {  	p2 =	seq.s32 s7, $0x1  }
.Ltmp845:
0xf64: {  	_ = 	snop;
	(pc) =	sbr.rel @p2 .LBB2_748-.Ltmp845, $1  }
0xf65: {  	_ =	sdelay $0x3  }
0xf66: {  	s7 =	sld [smem:$0x7E3];
	_ =	sdelay $0x2  }
0xf67: {  	p2 =	seq.s32 s7, $0x1  }
.Ltmp846:
0xf68: {  	_ = 	snop;
	(pc) =	sbr.rel @p2 .LBB2_753-.Ltmp846, $4  }
.Ltmp847:
0xf69: {  	_ = 	snop;
	(pc) =	sbr.rel @!p2 .LBB2_720-.Ltmp847, $4  }
0xf6a: {  	_ = 	snop  }
0xf6b: {  	_ = 	snop  }
0xf6c: {  	_ = 	snop  }
0xf6d: {  	_ = 	snop  }
.LBB2_707:
.Ltmp848:
0xf6e: {  	(pc) =	sbr.rel @p5 .LBB2_712-.Ltmp848, $1  }
0xf6f: {  	_ =	sdelay $0x3  }
0xf70: {  	s7 =	sld [smem:$0x7FD];
	_ =	sdelay $0x2  }
0xf71: {  	p2 =	seq.s32 s7, $0x1  }
.Ltmp849:
0xf72: {  	_ = 	snop;
	(pc) =	sbr.rel @p2 .LBB2_710-.Ltmp849, $1  }
0xf73: {  	_ =	sdelay $0x3  }
0xf74: {  	s7 =	sadd.s32 $0xFFFFFFEF, s4  }
0xf75: {  	p2 =	slt.u32 s7, $0x2  }
.Ltmp850:
0xf76: {  	_ = 	snop;
	(pc) =	sbr.rel @p2 .LBB2_748-.Ltmp850, $4  }
.Ltmp851:
0xf77: {  	_ = 	snop;
	(pc) =	sbr.rel @!p2 .LBB2_753-.Ltmp851, $4  }
0xf78: {  	_ = 	snop  }
0xf79: {  	_ = 	snop  }
0xf7a: {  	_ = 	snop  }
0xf7b: {  	_ = 	snop  }
.LBB2_704:
0xf7c: {  	s7 =	sld [smem:$0x7ED];
	_ =	sdelay $0x2  }
0xf7d: {  	p2 =	seq.s32 s7, $0x1  }
.Ltmp852:
0xf7e: {  	_ = 	snop;
	(pc) =	sbr.rel @p2 .LBB2_747-.Ltmp852, $1  }
0xf7f: {  	_ =	sdelay $0x3  }
0xf80: {  	s7 =	sld [smem:$0x7E4];
	_ =	sdelay $0x2  }
0xf81: {  	p2 =	seq.s32 s7, $0x1  }
.Ltmp853:
0xf82: {  	_ = 	snop;
	(pc) =	sbr.rel @p2 .LBB2_753-.Ltmp853, $1  }
0xf83: {  	_ =	sdelay $0x3  }
0xf84: {  	s7 =	sld [smem:$0x7EE];
	_ =	sdelay $0x2  }
0xf85: {  	p2 =	seq.s32 s7, $0x1  }
.Ltmp854:
0xf86: {  	_ = 	snop;
	(pc) =	sbr.rel @p2 .LBB2_715-.Ltmp854, $4  }
.Ltmp855:
0xf87: {  	_ = 	snop;
	(pc) =	sbr.rel @!p2 .LBB2_752-.Ltmp855, $4  }
0xf88: {  	_ = 	snop  }
0xf89: {  	_ = 	snop  }
0xf8a: {  	_ = 	snop  }
0xf8b: {  	_ = 	snop  }
.LBB2_712:
0xf8c: {  	p2 =	sgt.s32 s4, $0x1C  }
.Ltmp856:
0xf8d: {  	_ = 	snop;
	(pc) =	sbr.rel @p2 .LBB2_718-.Ltmp856, $1  }
0xf8e: {  	_ =	sdelay $0x3  }
0xf8f: {  	s7 =	sadd.s32 $0xFFFFFFE5, s4  }
0xf90: {  	p2 =	slt.u32 s7, $0x2  }
.Ltmp857:
0xf91: {  	_ = 	snop;
	(pc) =	sbr.rel @p2 .LBB2_753-.Ltmp857, $1  }
0xf92: {  	_ =	sdelay $0x3  }
0xf93: {  	s7 =	sld [smem:$0x7FA];
	_ =	sdelay $0x2  }
0xf94: {  	p2 =	seq.s32 s7, $0x1  }
.Ltmp858:
0xf95: {  	_ = 	snop;
	(pc) =	sbr.rel @!p2 .LBB2_752-.Ltmp858, $4  }
.Ltmp859:
0xf96: {  	_ = 	snop;
	(pc) =	sbr.rel @p2 .LBB2_715-.Ltmp859, $4  }
0xf97: {  	_ = 	snop  }
0xf98: {  	_ = 	snop  }
0xf99: {  	_ = 	snop  }
0xf9a: {  	_ = 	snop  }
.LBB2_702:
0xf9b: {  	s7 =	sld [smem:$0x7EA];
	_ =	sdelay $0x2  }
0xf9c: {  	p2 =	seq.s32 s7, $0x1  }
.Ltmp860:
0xf9d: {  	_ = 	snop;
	(pc) =	sbr.rel @p2 .LBB2_745-.Ltmp860, $1  }
0xf9e: {  	_ =	sdelay $0x3  }
0xf9f: {  	s7 =	sld [smem:$0x7EB];
	_ =	sdelay $0x2  }
0xfa0: {  	p2 =	seq.s32 s7, $0x1  }
.Ltmp861:
0xfa1: {  	_ = 	snop;
	(pc) =	sbr.rel @p2 .LBB2_752-.Ltmp861, $4  }
.Ltmp862:
0xfa2: {  	_ = 	snop;
	(pc) =	sbr.rel @!p2 .LBB2_715-.Ltmp862, $4  }
0xfa3: {  	_ = 	snop  }
0xfa4: {  	_ = 	snop  }
0xfa5: {  	_ = 	snop  }
0xfa6: {  	_ = 	snop  }
.LBB2_710:
0xfa7: {  	s7 =	sadd.s32 $0xFFFFFFE9, s4  }
0xfa8: {  	p2 =	slt.u32 s7, $0x2  }
.Ltmp863:
0xfa9: {  	_ = 	snop;
	(pc) =	sbr.rel @p2 .LBB2_719-.Ltmp863, $1  }
0xfaa: {  	_ =	sdelay $0x3  }
0xfab: {  	s7 =	sld [smem:$0x7F7];
	_ =	sdelay $0x2  }
0xfac: {  	p2 =	seq.s32 s7, $0x1  }
.Ltmp864:
0xfad: {  	_ = 	snop;
	(pc) =	sbr.rel @p2 .LBB2_752-.Ltmp864, $4  }
.Ltmp865:
0xfae: {  	_ = 	snop;
	(pc) =	sbr.rel @!p2 .LBB2_715-.Ltmp865, $4  }
0xfaf: {  	_ = 	snop  }
0xfb0: {  	_ = 	snop  }
0xfb1: {  	_ = 	snop  }
0xfb2: {  	_ = 	snop  }
.LBB2_747:
0xfb3: {  	s7 =	sld [smem:$0x7E5];
	_ =	sdelay $0x2  }
0xfb4: {  	p2 =	seq.s32 s7, $0x1  }
.Ltmp866:
0xfb5: {  	_ = 	snop;
	(pc) =	sbr.rel @!p2 .LBB2_720-.Ltmp866, $4  }
.Ltmp867:
0xfb6: {  	_ = 	snop;
	(pc) =	sbr.rel @p2 .LBB2_748-.Ltmp867, $4  }
0xfb7: {  	_ = 	snop  }
0xfb8: {  	_ = 	snop  }
0xfb9: {  	_ = 	snop  }
0xfba: {  	_ = 	snop  }
.LBB2_718:
0xfbb: {  	s7 =	sadd.s32 $0xFFFFFFE3, s4  }
0xfbc: {  	p2 =	slt.u32 s7, $0x2  }
.Ltmp868:
0xfbd: {  	_ = 	snop;
	(pc) =	sbr.rel @p2 .LBB2_748-.Ltmp868, $4  }
.Ltmp869:
0xfbe: {  	_ = 	snop;
	(pc) =	sbr.rel @!p2 .LBB2_720-.Ltmp869, $4  }
0xfbf: {  	_ = 	snop  }
0xfc0: {  	_ = 	snop  }
0xfc1: {  	_ = 	snop  }
0xfc2: {  	_ = 	snop  }
.LBB2_745:
0xfc3: {  	s7 =	sld [smem:$0x7EC];
	_ =	sdelay $0x2  }
0xfc4: {  	p2 =	seq.s32 s7, $0x1  }
.Ltmp870:
0xfc5: {  	_ = 	snop;
	(pc) =	sbr.rel @!p2 .LBB2_746-.Ltmp870, $1  }
0xfc6: {  	_ =	sdelay $0x3  }
.LBB2_719:
0xfc7: {  	s28 =	rddreg [dreg:$0x4]  }
0xfc8: {  	p2 =	sgt.u32 s28, $0x1  }
.Ltmp871:
0xfc9: {  	_ = 	snop;
	(pc) =	sbr.rel @p2 .LBB2_721-.Ltmp871, $4  }
0xfca: {  	_ = 	snop  }
0xfcb: {  	s7 =	sshll.u32 s1, $0xF  }
0xfcc: {  	s8 =	simm.s32 $0x140;
	s7 =	sadd.s32 s2, s7  }
0xfcd: {  	[tilespmem:s30], [sflag:$0x4] =	stream.indirect.gather [hbm4b:s7+s8], $0x10, s3, s8, $0xb8;
	[tilespmem:$0x13D60] =	vst v63  }
.LBB2_720:
0xfce: {  	s7 =	sshll.u32 s1, $0xF  }
0xfcf: {  	s8 =	simm.s32 $0x140;
	s9 =	simm.s32 $0x180;
	s7 =	sadd.s32 s2, s7  }
0xfd0: {  	[tilespmem:s30], [sflag:$0x4] =	stream.indirect.gather [hbm4b:s7+s9], $0x10, s8, s9, $0xb8;
	[tilespmem:$0x13D60] =	vst v63  }
.LBB2_721:
.Ltmp872:
0xfd1: {  	(pc) =	sbr.rel @p6 .LBB2_734-.Ltmp872, $1  }
0xfd2: {  	_ =	sdelay $0x3  }
0xfd3: {  	p2 =	sgt.s32 s4, $0x7  }
.Ltmp873:
0xfd4: {  	_ = 	snop;
	(pc) =	sbr.rel @!p2 .LBB2_723-.Ltmp873, $1  }
0xfd5: {  	_ =	sdelay $0x3  }
0xfd6: {  	p2 =	sgt.s32 s4, $0xA  }
.Ltmp874:
0xfd7: {  	_ = 	snop;
	(pc) =	sbr.rel @!p2 .LBB2_729-.Ltmp874, $1  }
0xfd8: {  	_ =	sdelay $0x3  }
0xfd9: {  	s7 =	sld [smem:$0x7E4];
	_ =	sdelay $0x2  }
0xfda: {  	p2 =	seq.s32 s7, $0x1  }
.Ltmp875:
0xfdb: {  	_ = 	snop;
	(pc) =	sbr.rel @p2 .LBB2_753-.Ltmp875, $1  }
0xfdc: {  	_ =	sdelay $0x3  }
0xfdd: {  	s7 =	sld [smem:$0x7E5];
	_ =	sdelay $0x2  }
0xfde: {  	p2 =	seq.s32 s7, $0x1  }
.Ltmp876:
0xfdf: {  	_ = 	snop;
	(pc) =	sbr.rel @p2 .LBB2_748-.Ltmp876, $4  }
.Ltmp877:
0xfe0: {  	_ = 	snop;
	(pc) =	sbr.rel @!p2 .LBB2_754-.Ltmp877, $4  }
0xfe1: {  	_ = 	snop  }
0xfe2: {  	_ = 	snop  }
0xfe3: {  	_ = 	snop  }
0xfe4: {  	_ = 	snop  }
.LBB2_734:
.Ltmp878:
0xfe5: {  	(pc) =	sbr.rel @p5 .LBB2_740-.Ltmp878, $1  }
0xfe6: {  	_ =	sdelay $0x3  }
0xfe7: {  	s7 =	sld [smem:$0x7FD];
	_ =	sdelay $0x2  }
0xfe8: {  	p2 =	seq.s32 s7, $0x1  }
.Ltmp879:
0xfe9: {  	_ = 	snop;
	(pc) =	sbr.rel @p2 .LBB2_738-.Ltmp879, $1  }
0xfea: {  	_ =	sdelay $0x3  }
0xfeb: {  	s7 =	sadd.s32 $0xFFFFFFEF, s4  }
0xfec: {  	p2 =	slt.u32 s7, $0x2  }
.Ltmp880:
0xfed: {  	_ = 	snop;
	(pc) =	sbr.rel @p2 .LBB2_748-.Ltmp880, $1  }
0xfee: {  	_ =	sdelay $0x3  }
0xfef: {  	s7 =	sadd.s32 $0xFFFFFFED, s4  }
0xff0: {  	p2 =	slt.u32 s7, $0x2  }
.Ltmp881:
0xff1: {  	_ = 	snop;
	(pc) =	sbr.rel @p2 .LBB2_753-.Ltmp881, $4  }
.Ltmp882:
0xff2: {  	_ = 	snop;
	(pc) =	sbr.rel @!p2 .LBB2_754-.Ltmp882, $4  }
0xff3: {  	_ = 	snop  }
0xff4: {  	_ = 	snop  }
0xff5: {  	_ = 	snop  }
0xff6: {  	_ = 	snop  }
.LBB2_740:
0xff7: {  	p2 =	sgt.s32 s4, $0x1C  }
.Ltmp883:
0xff8: {  	_ = 	snop;
	(pc) =	sbr.rel @p2 .LBB2_744-.Ltmp883, $1  }
0xff9: {  	_ =	sdelay $0x3  }
0xffa: {  	s7 =	sadd.s32 $0xFFFFFFE5, s4  }
0xffb: {  	p2 =	slt.u32 s7, $0x2  }
.Ltmp884:
0xffc: {  	_ = 	snop;
	(pc) =	sbr.rel @p2 .LBB2_753-.Ltmp884, $1  }
0xffd: {  	_ =	sdelay $0x3  }
0xffe: {  	s7 =	sld [smem:$0x7FA];
	_ =	sdelay $0x2  }
0xfff: {  	p2 =	seq.s32 s7, $0x1  }
.Ltmp885:
0x1000: {  	_ = 	snop;
	(pc) =	sbr.rel @p2 .LBB2_715-.Ltmp885, $1  }
0x1001: {  	_ =	sdelay $0x3  }
0x1002: {  	s7 =	sld [smem:$0x7FB];
	_ =	sdelay $0x2  }
0x1003: {  	p2 =	seq.s32 s7, $0x1  }
.Ltmp886:
0x1004: {  	_ = 	snop;
	(pc) =	sbr.rel @p2 .LBB2_752-.Ltmp886, $4  }
.Ltmp887:
0x1005: {  	_ = 	snop;
	(pc) =	sbr.rel @!p2 .LBB2_754-.Ltmp887, $4  }
0x1006: {  	_ = 	snop  }
0x1007: {  	_ = 	snop  }
0x1008: {  	_ = 	snop  }
0x1009: {  	_ = 	snop  }
.LBB2_723:
0x100a: {  	s7 =	sld [smem:$0x7E9];
	_ =	sdelay $0x2  }
0x100b: {  	p2 =	seq.s32 s7, $0x1  }
.Ltmp888:
0x100c: {  	_ = 	snop;
	(pc) =	sbr.rel @p2 .LBB2_726-.Ltmp888, $1  }
0x100d: {  	_ =	sdelay $0x3  }
0x100e: {  	s7 =	sld [smem:$0x7E2];
	_ =	sdelay $0x2  }
0x100f: {  	p2 =	seq.s32 s7, $0x1  }
.Ltmp889:
0x1010: {  	_ = 	snop;
	(pc) =	sbr.rel @p2 .LBB2_748-.Ltmp889, $1  }
0x1011: {  	_ =	sdelay $0x3  }
0x1012: {  	s7 =	sld [smem:$0x7E3];
	_ =	sdelay $0x2  }
0x1013: {  	p2 =	seq.s32 s7, $0x1  }
.Ltmp890:
0x1014: {  	_ = 	snop;
	(pc) =	sbr.rel @p2 .LBB2_753-.Ltmp890, $4  }
.Ltmp891:
0x1015: {  	_ = 	snop;
	(pc) =	sbr.rel @!p2 .LBB2_754-.Ltmp891, $4  }
0x1016: {  	_ = 	snop  }
0x1017: {  	_ = 	snop  }
0x1018: {  	_ = 	snop  }
0x1019: {  	_ = 	snop  }
.LBB2_729:
0x101a: {  	p2 =	seq.s32 s4, $0x8  }
.Ltmp892:
0x101b: {  	_ = 	snop;
	(pc) =	sbr.rel @p2 .LBB2_746-.Ltmp892, $1  }
0x101c: {  	_ =	sdelay $0x3  }
0x101d: {  	s7 =	sld [smem:$0x7EE];
	_ =	sdelay $0x2  }
0x101e: {  	p2 =	seq.s32 s7, $0x1  }
.Ltmp893:
0x101f: {  	_ = 	snop;
	(pc) =	sbr.rel @p2 .LBB2_715-.Ltmp893, $1  }
0x1020: {  	_ =	sdelay $0x3  }
0x1021: {  	s7 =	sld [smem:$0x7F5];
	_ =	sdelay $0x2  }
0x1022: {  	p2 =	seq.s32 s7, $0x1  }
.Ltmp894:
0x1023: {  	_ = 	snop;
	(pc) =	sbr.rel @p2 .LBB2_752-.Ltmp894, $4  }
.Ltmp895:
0x1024: {  	_ = 	snop;
	(pc) =	sbr.rel @!p2 .LBB2_754-.Ltmp895, $4  }
0x1025: {  	_ = 	snop  }
0x1026: {  	_ = 	snop  }
0x1027: {  	_ = 	snop  }
0x1028: {  	_ = 	snop  }
.LBB2_746:
.Ltmp896:
0x1029: {  	(pc) =	sbr.rel .LBB2_754-.Ltmp896, $4  }
0x102a: {  	_ = 	snop  }
0x102b: {  	s1 =	sshll.u32 s1, $0xF  }
0x102c: {  	s7 =	simm.s32 $0x1A0;
	s8 =	simm.s32 $0x2C0;
	s1 =	sadd.s32 s2, s1  }
0x102d: {  	[tilespmem:s30], [sflag:$0x4] =	stream.indirect.gather [hbm4b:s1+s7], $0x10, s8, s7, $0xb8;
	[tilespmem:$0x13D60] =	vst v63  }
.LBB2_738:
0x102e: {  	s7 =	sld [smem:$0x7F7];
	_ =	sdelay $0x2  }
0x102f: {  	p2 =	seq.s32 s7, $0x1  }
.Ltmp897:
0x1030: {  	_ = 	snop;
	(pc) =	sbr.rel @p2 .LBB2_752-.Ltmp897, $1  }
0x1031: {  	_ =	sdelay $0x3  }
0x1032: {  	s7 =	sld [smem:$0x7F8];
	_ =	sdelay $0x2  }
0x1033: {  	p2 =	seq.s32 s7, $0x1  }
.Ltmp898:
0x1034: {  	_ = 	snop;
	(pc) =	sbr.rel @p2 .LBB2_715-.Ltmp898, $4  }
.Ltmp899:
0x1035: {  	_ = 	snop;
	(pc) =	sbr.rel @!p2 .LBB2_754-.Ltmp899, $4  }
0x1036: {  	_ = 	snop  }
0x1037: {  	_ = 	snop  }
0x1038: {  	_ = 	snop  }
0x1039: {  	_ = 	snop  }
.LBB2_744:
0x103a: {  	s7 =	sadd.s32 $0xFFFFFFE3, s4  }
0x103b: {  	p2 =	slt.u32 s7, $0x2  }
.Ltmp900:
0x103c: {  	_ = 	snop;
	(pc) =	sbr.rel @!p2 .LBB2_754-.Ltmp900, $1  }
0x103d: {  	_ =	sdelay $0x3  }
.LBB2_748:
0x103e: {  	s28 =	sld [smem:$0x7EF];
	_ =	sdelay $0x2  }
0x103f: {  	p2 =	seq.s32 s28, $0x1  }
.Ltmp901:
0x1040: {  	_ = 	snop;
	(pc) =	sbr.rel @p2 .LBB2_754-.Ltmp901, $4  }
0x1041: {  	_ = 	snop  }
0x1042: {  	s7 =	sshll.u32 s1, $0xF  }
0x1043: {  	s8 =	simm.s32 $0x460;
	s9 =	simm.s32 $0x1C0;
	s7 =	sadd.s32 s2, s7  }
0x1044: {  	[tilespmem:s30], [sflag:$0x4] =	stream.indirect.gather [hbm4b:s7+s9], $0x10, s8, s9, $0xb8;
	[tilespmem:$0x13D60] =	vst v63  }
0x1045: {  	s7 =	sld [smem:$0x7E6];
	_ =	sdelay $0x2  }
0x1046: {  	p2 =	seq.s32 s7, $0x1  }
.Ltmp902:
0x1047: {  	_ = 	snop;
	(pc) =	sbr.rel @p2 .LBB2_753-.Ltmp902, $1  }
0x1048: {  	_ =	sdelay $0x3  }
0x1049: {  	s7 =	sld [smem:$0x7E7];
	_ =	sdelay $0x2  }
0x104a: {  	p2 =	seq.s32 s7, $0x1  }
.Ltmp903:
0x104b: {  	_ = 	snop;
	(pc) =	sbr.rel @!p2 .LBB2_751-.Ltmp903, $1  }
0x104c: {  	_ =	sdelay $0x3  }
.LBB2_715:
0x104d: {  	s28 =	sld [smem:$0x7FC];
	_ =	sdelay $0x2  }
0x104e: {  	p2 =	seq.s32 s28, $0x1  }
.Ltmp904:
0x104f: {  	_ = 	snop;
	(pc) =	sbr.rel @p2 .LBB2_754-.Ltmp904, $4  }
0x1050: {  	_ = 	snop  }
0x1051: {  	s7 =	sshll.u32 s1, $0xF  }
0x1052: {  	s8 =	simm.s32 $0x220;
	s9 =	simm.s32 $0x620;
	s7 =	sadd.s32 s2, s7  }
0x1053: {  	[tilespmem:s30], [sflag:$0x4] =	stream.indirect.gather [hbm4b:s7+s8], $0x10, s9, s8, $0xb8;
	[tilespmem:$0x13D60] =	vst v63  }
0x1054: {  	s7 =	sand.u32 $0x181800, s21  }
0x1055: {  	p2 =	sne.s32 s7, $0x0  }
.Ltmp905:
0x1056: {  	_ = 	snop;
	(pc) =	sbr.rel @p2 .LBB2_753-.Ltmp905, $1  }
0x1057: {  	_ =	sdelay $0x3  }
0x1058: {  	s7 =	sand.u32 $0x200400, s21  }
0x1059: {  	p2 =	sne.s32 s7, $0x0  }
.Ltmp906:
0x105a: {  	_ = 	snop;
	(pc) =	sbr.rel @p2 .LBB2_752-.Ltmp906, $4  }
.Ltmp907:
0x105b: {  	_ = 	snop;
	(pc) =	sbr.rel @!p2 .LBB2_754-.Ltmp907, $4  }
0x105c: {  	_ = 	snop  }
0x105d: {  	_ = 	snop  }
0x105e: {  	_ = 	snop  }
0x105f: {  	_ = 	snop  }
.LBB2_726:
0x1060: {  	s7 =	sld [smem:$0x7EB];
	_ =	sdelay $0x2  }
0x1061: {  	p2 =	seq.s32 s7, $0x1  }
.Ltmp908:
0x1062: {  	_ = 	snop;
	(pc) =	sbr.rel @p2 .LBB2_752-.Ltmp908, $1  }
0x1063: {  	_ =	sdelay $0x3  }
0x1064: {  	s7 =	sld [smem:$0x7F4];
	_ =	sdelay $0x2  }
0x1065: {  	p2 =	seq.s32 s7, $0x1  }
.Ltmp909:
0x1066: {  	_ = 	snop;
	(pc) =	sbr.rel @p2 .LBB2_715-.Ltmp909, $4  }
.Ltmp910:
0x1067: {  	_ = 	snop;
	(pc) =	sbr.rel @!p2 .LBB2_754-.Ltmp910, $4  }
0x1068: {  	_ = 	snop  }
0x1069: {  	_ = 	snop  }
0x106a: {  	_ = 	snop  }
0x106b: {  	_ = 	snop  }
.LBB2_180:
0x106c: {  	s0 =	rddreg [dreg:$0x4]  }
0x106d: {  	p2 =	slt.u32 s0, $0x2  }
.Ltmp911:
0x106e: {  	_ = 	snop;
	(pc) =	sbr.rel @p2 .LBB2_190-.Ltmp911, $4  }
.Ltmp912:
0x106f: {  	_ = 	snop;
	(pc) =	sbr.rel @!p2 .LBB2_191-.Ltmp912, $4  }
0x1070: {  	_ = 	snop  }
0x1071: {  	_ = 	snop  }
0x1072: {  	_ = 	snop  }
0x1073: {  	_ = 	snop  }
.LBB2_251:
0x1074: {  	s0 =	rddreg [dreg:$0x4]  }
0x1075: {  	p2 =	slt.u32 s0, $0x2  }
.Ltmp913:
0x1076: {  	_ = 	snop;
	(pc) =	sbr.rel @p2 .LBB2_248-.Ltmp913, $4  }
.Ltmp914:
0x1077: {  	_ = 	snop;
	(pc) =	sbr.rel @!p2 .LBB2_252-.Ltmp914, $4  }
0x1078: {  	_ = 	snop  }
0x1079: {  	_ = 	snop  }
0x107a: {  	_ = 	snop  }
0x107b: {  	_ = 	snop  }
.LBB2_104:
0x107c: {  	s0 =	sld [smem:$0x7E5];
	_ =	sdelay $0x2  }
0x107d: {  	p2 =	seq.s32 s0, $0x1  }
.Ltmp915:
0x107e: {  	_ = 	snop;
	(pc) =	sbr.rel @p2 .LBB2_114-.Ltmp915, $4  }
.Ltmp916:
0x107f: {  	_ = 	snop;
	(pc) =	sbr.rel @!p2 .LBB2_131-.Ltmp916, $4  }
0x1080: {  	_ = 	snop  }
0x1081: {  	_ = 	snop  }
0x1082: {  	_ = 	snop  }
0x1083: {  	_ = 	snop  }
.LBB2_113:
0x1084: {  	s0 =	sadd.s32 $0xFFFFFFE3, s4  }
0x1085: {  	p2 =	slt.u32 s0, $0x2  }
.Ltmp917:
0x1086: {  	_ = 	snop;
	(pc) =	sbr.rel @p2 .LBB2_114-.Ltmp917, $4  }
.Ltmp918:
0x1087: {  	_ = 	snop;
	(pc) =	sbr.rel @!p2 .LBB2_131-.Ltmp918, $4  }
0x1088: {  	_ = 	snop  }
0x1089: {  	_ = 	snop  }
0x108a: {  	_ = 	snop  }
0x108b: {  	_ = 	snop  }
.LBB2_129:
0x108c: {  	s0 =	sld [smem:$0x7EC];
	_ =	sdelay $0x2  }
0x108d: {  	p2 =	seq.s32 s0, $0x1  }
.Ltmp919:
0x108e: {  	_ = 	snop;
	(pc) =	sbr.rel @p2 .LBB2_130-.Ltmp919, $1  }
0x108f: {  	_ =	sdelay $0x3  }
.LBB2_250:
0x1090: {  	s0 =	simm.s32 $0x1A0;
	s1 =	simm.s32 $0x2C0  }
0x1091: {  	[tilespmem:s24], [sflag:$0x1] =	stream.indirect.gather [hbm4b:s2+s0], $0x10, s1, s0, $0xb8;
	[tilespmem:$0x13D60] =	vst v63  }
0x1092: {  	_ = 	snop  }
0x1093: {  	[tilespmem:s25], [sflag:$0x2] =	stream.indirect.gather [hbm4b:s7+s0], $0x10, s1, s0, $0xb8;
	[tilespmem:$0x13D60] =	vst v63  }
.Ltmp920:
0x1094: {  	_ = 	snop;
	(pc) =	sbr.rel .LBB2_284-.Ltmp920, $4  }
0x1095: {  	_ = 	snop  }
0x1096: {  	[tilespmem:s29], [sflag:$0x3] =	stream.indirect.gather [hbm4b:s9+s0], $0x10, s1, s0, $0xb8;
	[tilespmem:$0x13D60] =	vst v63  }
0x1097: {  	_ = 	snop  }
0x1098: {  	[tilespmem:s30], [sflag:$0x4] =	stream.indirect.gather [hbm4b:s11+s0], $0x10, s1, s0, $0xb8;
	[tilespmem:$0x13D60] =	vst v63  }
.LBB2_756:
0x1099: {  	_ =	sfence.sel $0x180000  }
0x109a: {  	[bflag:$0x0] =	sbarrier.arrive $0xFFFF  }
0x109b: {  	_ =	strace $0x9000004A  }
0x109c: {  	s0 =	stileid.u32;
	[bflag:$0x2] =	sbarrier.arrive $0xFFFF  }
0x109d: {  	p0 =	sne.s32 s0, $0x0;
	s0 =	rddreg [dreg:$0x2]  }
0x109e: {  	s0 =	sadd.s32 @!p0 $0x100000, s0  }
0x109f: {  	[sflag:s0] =	ssyncadd.tile.s32 @!p0 $0x1;
	_ =	shalt  }
.Lfunc_end2:
_tile_overlayer_lowered:
.L_overlay_start_2:
0x10a0: {  	(tag) =	ssettag $0x2  }
0x10a1: {  	s0 =	rddreg [dreg:$0x0];
	s2 =	stileid.u32  }
0x10a2: {  	s1 =	rddreg [dreg:$0x1];
	p0 =	sne.s32 s2, $0x0  }
0x10a3: {  	s3 =	rddreg [dreg:$0x2];
	[bflag:$0x3] =	sbarrier.arrive $0xFFFF;
	s2 =	simm.s32 @!p0 $0x1C09  }
0x10a4: {  	[timem:s3], [sflag:s2] =	dma.local @!p0 [hbm:s0], s1  }
0x10a5: {  	s0 =	simm.s32 @!p0 $0x9  }
0x10a6: {  	_ =	swait.ge @!p0 [sflag:s0], s1  }
0x10a7: {  	s1 =	ssub.s32 @!p0 $0x0, s1;
	[sflag:s0] =	ssyncset.done @!p0 $0x0  }
0x10a8: {  	[sflag:s0] =	ssyncadd.s32 @!p0 s1  }
0x10a9: {  	[bflag:$0x3] =	sbarrier.arrive $0xFFFF  }
0x10aa: {  	_ =	shalt  }

// kernel: sparse-core-data-format-call.cloned.1.call-start
scs
called_computation_lowered:
.L_overlay_start_0:
0x0: {  	s2 =	sld [smem:$0x3FD9]  }
0x1: {  	s3 =	sld [smem:$0x3FFE];
	_ =	sdelay $0x1  }
0x2: {  	s1 =	srdreg.scid  }
0x3: {  	s0 =	sand.u32 $0x1, s1  }
0x4: {  	s19 =	sshll.u32 s0, $0xA;
	s2 =	sadd.s32 s3, s2  }
0x5: {  	s2 =	sadd.s32 s2, s19  }
0x6: {  	[smem:$0x3FC7] =	sst s2  }
0x7: {  	_ = 	snop  }
0x8: {  	s2 =	sld [smem:$0x3FC9]  }
0x9: {  	s20 =	sld [smem:$0x3FD0];
	(tm) =	ssettm $0x1  }
0xa: {  	s4 =	sld [smem:$0x3FFB];
	_ =	sdelay $0x3  }
0xb: {  	_ =	strace s4  }
0xc: {  	s4 =	sld [smem:$0x3FFC];
	_ =	sdelay $0x3  }
0xd: {  	_ =	strace s4  }
0xe: {  	s4 =	sld [smem:$0x3FFD];
	_ =	sdelay $0x3  }
0xf: {  	_ =	strace s4  }
0x10: {  	_ =	strace $0x8FFFFFFF  }
0x11: {  	s21 =	sld [smem:$0x3FDB];
	_ =	sdelay $0x1  }
0x12: {  	s5 =	simm.s32 $_scs_section_size  }
0x13: {  	s6 =	simm.s32 $_size__tile_overlayer_lowered;
	s7 =	simm.s32 $_tile_overlayer_lowered  }
0x14: {  	s24 =	simm.s32 $0x1BFF;
	s23 =	sshll.u32 s7, $0x1;
	s4 =	sadd.s32 s5, s21  }
0x15: {  	s8 =	simm.s32 $0x0;
	s22 =	sshll.u32 s6, $0x1;
	s6 =	sadd.s32 s23, s4  }
0x16: {  	[timem:s8], [sflag:s24] =	dma.local [hbm:s6], s22  }
0x17: {  	_ =	swait.ge [sflag:s24], s22  }
0x18: {  	s5 =	ssub.s32 $0x0, s22;
	[sflag:s24] =	ssyncset.done $0x0  }
0x19: {  	[sflag:s24] =	ssyncadd.s32 s5;
	_ =	sdelay $0x1  }
0x1a: {  	s25 =	simm.s32 $0x1B8B  }
0x1b: {  	_ =	swait.ge [sflag:s25], $0x1  }
0x1c: {  	[sflag:s25] =	ssyncset.done $0x0  }
0x1d: {  	s26 =	simm.s32 $0x1B8E;
	[sflag:s25] =	ssyncadd.s32 $0xFFFFFFFF  }
0x1e: {  	s27 =	simm.s32 $execute0_lowered;
	[smem:$0x3FD2] =	sst s26  }
0x1f: {  	s5 =	sshll.u32 s27, $0x1;
	_ =	strace $0x80000046;
	[dreg:$0x1] =	wrdreg $0xFFFFFFFF  }
0x20: {  	s28 =	simm.s32 $_size_execute0_lowered;
	s4 =	sadd.s32 s4, s5;
	[dreg:$0x0] =	wrdreg $0x0  }
0x21: {  	s5 =	sshll.u32 s28, $0x1;
	[dreg:$0x2] =	wrdreg s4  }
0x22: {  	[dreg:$0x3] =	wrdreg s5  }
0x23: {  	[dreg:$0x4] =	wrdreg $0xC0  }
0x24: {  	_ =	task [dreg:s8], $0x5FFFF  }
0x25: {  	[dreg:$0x1] =	wrdreg $0xFFFFFFFF  }
0x26: {  	[dreg:$0x0] =	wrdreg $0x60  }
0x27: {  	[dreg:$0x2] =	wrdreg s2  }
0x28: {  	[dreg:$0x3] =	wrdreg s20  }
0x29: {  	[dreg:$0x4] =	wrdreg $0x9  }
0x2a: {  	_ =	task.clear_ibuf [dreg:s8], $0x5FFFF;
	_ =	strace $0x90000046  }
0x2b: {  	s29 =	simm.s32 $0x9;
	_ =	strace $0x80000048  }
0x2c: {  	_ =	swait.ge [sflag:s29], $0x1  }
0x2d: {  	[sflag:s29] =	ssyncadd.s32 $0xFFFFFFFF  }
0x2e: {  	_ =	strace $0x90000048  }
0x2f: {  	_ =	sfence  }
0x30: {  	s30 =	sld [smem:$0x0];
	_ =	sdelay $0x2  }
0x31: {  	s31 =	sshll.u32 s1, $0xD;
	s1 =	sshrl.u32 s1, $0x2  }
0x32: {  	s3 =	sand.u32 $0x4000, s31;
	s1 =	sadd.s32 s1, s30  }
0x33: {  	s0 =	sor.u32 s3, s0;
	s1 =	sshll.u32 s1, $0x11  }
0x34: {  	s0 =	sor.u32 s1, s0  }
0x35: {  	s0 =	sadd.s32 $0x8F2B, s0  }
0x36: {  	[sflag:s0] =	ssyncadd.remote.s32 $0x1  }
0x37: {  	_ =	sfence.sel $0xFFFF  }
0x38: {  	[dreg:$0x0] =	wrdreg $0xFFFFFFFF;
	(pc) =	sbr.abs _section_cstart, $3  }
0x39: {  	[dreg:$0x1] =	wrdreg $0xFFFFFFFF  }
0x3a: {  	_ =	task.clear_ibuf [dreg:s8], $0x2FFFF;
	_ =	strace $0x9FFFFFFF  }
0x3b: {  	(tm) =	ssettm $0x7FFFFFFF  }
tec
execute0_lowered:
.L_overlay_start_1:
0x0: {  	(tag) =	ssettag $0x1  }
0x1: {  	s0 =	srdreg.scid  }
0x2: {  	s1 =	sshll.u32 s0, $0x4  }
0x3: {  	s2 =	rddreg [dreg:$0x0];
	s0 =	stileid.u32;
	s1 =	sand.u32 $0x10, s1  }
0x4: {  	s4 =	rddreg [dreg:$0x1];
	s1 =	sor.u32 s0, s1  }
0x5: {  	s7 =	simm.s32 $0x1;
	s8 =	simm.s32 $0x2;
	s3 =	sshll.u32 s1, $0x2  }
0x6: {  	s9 =	simm.s32 $0x0;
	s12 =	simm.s32 $0x0;
	s6 =	ssub.s32 $0x1800, s3  }
.Ltmp0:
0x7: {  	s11 =	simm.s32 $0x0;
	s5 =	sand.u32 $0x7C, s6;
	(pc) =	sbr.rel .LBB1_1-.Ltmp0, $4  }
0x8: {  	s1 =	rddreg [dreg:$0x2];
	_ =	strace $0x80000047;
	p0 =	sne.s32 s5, $0x0  }
0x9: {  	s6 =	sshrl.u32 s6, $0x7;
	s5 =	simm.s32 $0x1;
	s7 =	simm.s32 @!p0 $0x0  }
0xa: {  	s10 =	smov.u32 s3;
	[sflag:s5] =	ssyncpa.u1 $0x0;
	s6 =	sadd.s32 s7, s6  }
0xb: {  	[sflag:s8] =	ssyncpa.u1 $0x0;
	s8 =	simm.s32 $0x0;
	s7 =	sadd.s32 $0x1, s6  }
.LBB1_9:
0xc: {  	s14 =	sadd.s32 $0x80, s10  }
0xd: {  	p1 =	sgt.s32 s14, $0x17FF  }
0xe: {  	s14 =	smov.u32 @p1 s3;
	p1 =	sne.s32 s11, s7  }
.Ltmp1:
0xf: {  	p0 =	slt.u32 s11, $0x2;
	(pc) =	sbr.rel @!p1 .LBB1_10-.Ltmp1, $4  }
0x10: {  	s13 =	simm.s32 @!p0 $0x2  }
0x11: {  	s15 =	sadd.s32 $0x1, s11;
	_ =	swait.ge @!p0 [sflag:s13], $0x4000  }
0x12: {  	s12 =	smov.u32 s10;
	s9 =	sadd.s32 $0x4000, s9;
	[sflag:s13] =	ssyncset.done @!p0 $0x0  }
0x13: {  	s11 =	smov.u32 s15;
	s10 =	smov.u32 s14;
	[sflag:s13] =	ssyncadd.s32 @!p0 $0xFFFFC000  }
.LBB1_1:
0x14: {  	p0 =	sge.u32 s11, s6  }
0x15: {  	s13 =	sxor.u32 @!p0 $0xFFFFFFFF, s11  }
0x16: {  	s31 =	sadd.s32 $0xFFFFFFFF, s11;
	s14 =	sshll.u32 @!p0 s10, $0x9;
	s13 =	sshll.u32 @!p0 s13, $0xE  }
0x17: {  	s15 =	simm.s32 @!p0 $0x0;
	s14 =	sadd.s32 @!p0 s2, s14;
	s13 =	sand.u32 @!p0 $0x4000, s13  }
0x18: {  	[tilespmem:s13], [sflag:$0x1] =	stream.linear.gather @!p0 [hbm4b:s14+s15], $0x4000, $0x38;
	[tilespmem:$0x10000] =	vst v63  }
0x19: {  	p0 =	sge.u32 s31, s6  }
.Ltmp2:
0x1a: {  	_ = 	snop;
	(pc) =	sbr.rel @p0 .LBB1_9-.Ltmp2, $1  }
0x1b: {  	_ =	sdelay $0x3  }
0x1c: {  	s14 =	sand.u32 $0x4000, s9  }
0x1d: {  	_ =	swait.ge [sflag:s5], $0x4000;
	s15 =	sshll.u32 s11, $0xE;
	s16 =	simm.s32 $0x0  }
0x1e: {  	s13 =	sor.u32 $0x40, s14;
	[sflag:s5] =	ssyncset.done $0x0;
	s15 =	sand.u32 $0x4000, s15  }
0x1f: {  	s14 =	sor.u32 $0x8040, s14;
	[sflag:s5] =	ssyncadd.s32 $0xFFFFC000;
	s15 =	sor.u32 $0x8000, s15  }
.LBB1_3:
0x20: {  	s17 =	smov.u32 s14;
	s18 =	smov.u32 s13;
	s19 =	simm.s32 $0x0  }
.LBB1_4:
0x21: {  	v0 =	vmov s17;
	v2 =	vld [tilespmem:s18+$0x30]  }
0x22: {  	v4 =	vld [tilespmem:s18+$0xFFFFFFD0]  }
0x23: {  	v6 =	vld [tilespmem:s18+$0xFFFFFFE0]  }
0x24: {  	v7 =	vld [tilespmem:s18+$0xFFFFFFF0]  }
0x25: {  	s20 =	simm.s32 $0x0;
	v1 =	vld [tilespmem:s18+$0x0]  }
0x26: {  	v3 =	vld [tilespmem:s18+$0x10];
	[tilespmem:v0+s20+$0x30 ss:$0x1] =	vst.idx.msk $0xffff, v2  }
0x27: {  	v5 =	vld [tilespmem:s18+$0x20];
	[tilespmem:v0+s20+$0xFFFFFFD0 ss:$0x1] =	vst.idx.msk $0xffff, v4  }
0x28: {  	s21 =	sadd.s32 $0x80, s18;
	v2 =	vld [tilespmem:s18+$0xFFFFFFC0];
	[tilespmem:v0+s20+$0xFFFFFFE0 ss:$0x1] =	vst.idx.msk $0xffff, v6  }
0x29: {  	s22 =	simm.s32 $0x800;
	s23 =	simm.s32 $0x1000;
	v4 =	vld [tilespmem:s21+$0x30];
	[tilespmem:v0+s20+$0xFFFFFFF0 ss:$0x1] =	vst.idx.msk $0xffff, v7  }
.LBB1_5:
0x2a: {  	p0 =	sne.s32 s23, $0x3800;
	v6 =	vld [tilespmem:s21+$0xFFFFFFD0];
	[tilespmem:v0+s20+$0x0 ss:$0x1] =	vst.idx.msk $0xffff, v1  }
0x2b: {  	v7 =	vld [tilespmem:s21+$0xFFFFFFE0];
	[tilespmem:v0+s20+$0x10 ss:$0x1] =	vst.idx.msk $0xffff, v3  }
0x2c: {  	v8 =	vld [tilespmem:s21+$0xFFFFFFF0];
	[tilespmem:v0+s20+$0x20 ss:$0x1] =	vst.idx.msk $0xffff, v5  }
.Ltmp3:
0x2d: {  	v1 =	vld [tilespmem:s21+$0x0];
	[tilespmem:v0+s20+$0xFFFFFFC0 ss:$0x1] =	vst.idx.msk $0xffff, v2;
	s20 =	sshra.s32 s22, $0x2;
	s22 =	smov.u32 s23;
	(pc) =	sbr.rel @p0 .LBB1_5-.Ltmp3, $4  }
0x2e: {  	v3 =	vld [tilespmem:s21+$0x10];
	[tilespmem:v0+s20+$0x30 ss:$0x1] =	vst.idx.msk $0xffff, v4  }
0x2f: {  	[tilespmem:v0+s20+$0xFFFFFFD0 ss:$0x1] =	vst.idx.msk $0xffff, v6;
	v5 =	vld [tilespmem:s21+$0x20]  }
0x30: {  	v2 =	vld [tilespmem:s21+$0xFFFFFFC0];
	[tilespmem:v0+s20+$0xFFFFFFE0 ss:$0x1] =	vst.idx.msk $0xffff, v7;
	s21 =	sadd.s32 $0x80, s21  }
0x31: {  	s23 =	sadd.s32 $0x800, s23;
	v4 =	vld [tilespmem:s21+$0x30];
	[tilespmem:v0+s20+$0xFFFFFFF0 ss:$0x1] =	vst.idx.msk $0xffff, v8  }
0x32: {  	_ =	sdelay $0x3  }
0x33: {  	v6 =	vld [tilespmem:s21+$0xFFFFFFD0];
	[tilespmem:v0+s20+$0x0 ss:$0x1] =	vst.idx.msk $0xffff, v1  }
0x34: {  	v58 =	vld [tilespmem:s21+$0xFFFFFFE0];
	[tilespmem:v0+s20+$0x10 ss:$0x1] =	vst.idx.msk $0xffff, v3  }
0x35: {  	v59 =	vld [tilespmem:s21+$0xFFFFFFF0];
	[tilespmem:v0+s20+$0x20 ss:$0x1] =	vst.idx.msk $0xffff, v5  }
0x36: {  	s22 =	sshra.s32 s22, $0x2;
	v60 =	vld [tilespmem:s21+$0x0];
	[tilespmem:v0+s20+$0xFFFFFFC0 ss:$0x1] =	vst.idx.msk $0xffff, v2  }
0x37: {  	v61 =	vld [tilespmem:s21+$0x10];
	[tilespmem:v0+s22+$0x30 ss:$0x1] =	vst.idx.msk $0xffff, v4  }
0x38: {  	v62 =	vld [tilespmem:s21+$0x20];
	s19 =	sadd.s32 $0x1, s19;
	[tilespmem:v0+s22+$0xFFFFFFD0 ss:$0x1] =	vst.idx.msk $0xffff, v6  }
0x39: {  	v63 =	vld [tilespmem:s21+$0xFFFFFFC0];
	p0 =	sne.s32 s19, $0x4;
	[tilespmem:v0+s22+$0xFFFFFFE0 ss:$0x1] =	vst.idx.msk $0xffff, v58  }
.Ltmp4:
0x3a: {  	[tilespmem:v0+s22+$0xFFFFFFF0 ss:$0x1] =	vst.idx.msk $0xffff, v59;
	(pc) =	sbr.rel @p0 .LBB1_4-.Ltmp4, $4  }
0x3b: {  	[tilespmem:v0+s22+$0x0 ss:$0x1] =	vst.idx.msk $0xffff, v60  }
0x3c: {  	[tilespmem:v0+s22+$0x10 ss:$0x1] =	vst.idx.msk $0xffff, v61  }
0x3d: {  	[tilespmem:v0+s22+$0x20 ss:$0x1] =	vst.idx.msk $0xffff, v62  }
0x3e: {  	s18 =	sadd.s32 $0x400, s18;
	s17 =	sadd.s32 $0x80, s17;
	[tilespmem:v0+s22+$0xFFFFFFC0 ss:$0x1] =	vst.idx.msk $0xffff, v63  }
0x3f: {  	s16 =	sadd.s32 $0x1, s16  }
0x40: {  	p0 =	sne.s32 s16, $0x4  }
.Ltmp5:
0x41: {  	_ = 	snop;
	(pc) =	sbr.rel @p0 .LBB1_3-.Ltmp5, $2  }
0x42: {  	_ =	sdelay $0x2  }
0x43: {  	s13 =	sadd.s32 $0x1000, s13;
	s14 =	sadd.s32 $0x1000, s14  }
.Ltmp6:
0x44: {  	(pc) =	sbr.rel .LBB1_9-.Ltmp6, $4  }
0x45: {  	_ = 	snop  }
0x46: {  	s12 =	sshll.u32 s12, $0x9  }
0x47: {  	s12 =	sadd.s32 s4, s12  }
0x48: {  	[hbm4b:s12+s8] =	stream.linear.scatter [tilespmem:s15], [sflag:$0x2], $0x4000, $0x38;
	[tilespmem:$0x10000] =	vst v63  }
.LBB1_10:
0x49: {  	_ =	sfence.sel $0x180000  }
0x4a: {  	s2 =	simm.s32 $0x1;
	[bflag:$0x0] =	sbarrier.arrive $0xFFFF  }
0x4b: {  	s31 =	simm.s32 $0x2;
	[sflag:s2] =	ssyncpa.u1 $0x1  }
0x4c: {  	[sflag:s31] =	ssyncpa.u1 $0x1  }
0x4d: {  	p0 =	sne.s32 s0, $0x0;
	_ =	strace $0x90000047  }
0x4e: {  	s0 =	sadd.s32 @!p0 $0x100000, s1;
	[bflag:$0x2] =	sbarrier.arrive $0xFFFF  }
0x4f: {  	[sflag:s0] =	ssyncadd.tile.s32 @!p0 $0x1;
	_ =	shalt  }
.Lfunc_end1:
_tile_overlayer_lowered:
.L_overlay_start_2:
0x50: {  	(tag) =	ssettag $0x2  }
0x51: {  	s0 =	rddreg [dreg:$0x0];
	s2 =	stileid.u32  }
0x52: {  	s1 =	rddreg [dreg:$0x1];
	p0 =	sne.s32 s2, $0x0  }
0x53: {  	s3 =	rddreg [dreg:$0x2];
	[bflag:$0x3] =	sbarrier.arrive $0xFFFF;
	s2 =	simm.s32 @!p0 $0x1C01  }
0x54: {  	[timem:s3], [sflag:s2] =	dma.local @!p0 [hbm:s0], s1  }
0x55: {  	s0 =	simm.s32 @!p0 $0x1  }
0x56: {  	_ =	swait.ge @!p0 [sflag:s0], s1  }
0x57: {  	s1 =	ssub.s32 @!p0 $0x0, s1;
	[sflag:s0] =	ssyncset.done @!p0 $0x0  }
0x58: {  	[sflag:s0] =	ssyncadd.s32 @!p0 s1  }
0x59: {  	[bflag:$0x3] =	sbarrier.arrive $0xFFFF  }
0x5a: {  	_ =	shalt  }

</sc_bundles>
